<compile_context>
chip_gen: v7x
topology: tpu7x:2x2x1
jax: 0.10.2.dev20260603
libtpu: 0.0.44.dev20260713+nightly
codegen_flags: <defaults>
</compile_context>

<pallas_src>
import functools

import numpy as np
import jax
import jax.numpy as jnp
from jax import lax
from jax.experimental import pallas as pl
from jax.experimental.pallas import tpu as pltpu
from jax.experimental.pallas import tpu_sc as plsc

N_NODES = 10000
E_EDGES = 320000
IN_DIM = 128
HEADS = 8
OUT_DIM = 16
FEAT_DIM = HEADS * OUT_DIM
ROW = FEAT_DIM + OUT_DIM
NEG_SLOPE = 0.2

NUM_CORES = 2
NUM_SUBCORES = 16
NUM_TILES = NUM_CORES * NUM_SUBCORES
CHUNK = 80
LANES = 16
ACC_ROWS = 10112

ROW_BLOCK = 1000



def _prep_body(x_ref, wt_ref, aa_ref, ab_ref, fsa_ref, sb_ref):
    feat = jnp.dot(x_ref[...], wt_ref[...], preferred_element_type=jnp.float32)
    sa = jnp.dot(feat, aa_ref[...], preferred_element_type=jnp.float32)
    fsa_ref[...] = jnp.concatenate([feat, sa], axis=1)
    sb_ref[...] = jnp.dot(feat, ab_ref[...], preferred_element_type=jnp.float32)


def _prep(x, w_t, acat_a, acat_b):
    n = x.shape[0]
    grid = n // ROW_BLOCK
    return pl.pallas_call(
        _prep_body,
        grid=(grid,),
        in_specs=[
            pl.BlockSpec((ROW_BLOCK, IN_DIM), lambda i: (i, 0)),
            pl.BlockSpec((IN_DIM, FEAT_DIM), lambda i: (0, 0)),
            pl.BlockSpec((FEAT_DIM, 2 * HEADS), lambda i: (0, 0)),
            pl.BlockSpec((FEAT_DIM, 2 * HEADS), lambda i: (0, 0)),
        ],
        out_specs=[
            pl.BlockSpec((ROW_BLOCK, ROW), lambda i: (i, 0)),
            pl.BlockSpec((ROW_BLOCK, 2 * HEADS), lambda i: (i, 0)),
        ],
        out_shape=[
            jax.ShapeDtypeStruct((n, ROW), jnp.float32),
            jax.ShapeDtypeStruct((n, 2 * HEADS), jnp.float32),
        ],
    )(x, w_t, acat_a, acat_b)



_GDN = lax.GatherDimensionNumbers(offset_dims=(), collapsed_slice_dims=(0,),
                                  start_index_map=(0,))


def _shuf(vec, idx):
    return lax.gather(vec, idx[:, None], _GDN, (1,),
                      mode=lax.GatherScatterMode.PROMISE_IN_BOUNDS)


def _edge_body(fsa_hbm, sb_hbm, ei_hbm, out_hbm,
               ij0, fsv0, dsv0, ij1, fsv1, dsv1,
               dsc0, dsc1, wv, acc, sem0, sem1, semsc):
    cid = lax.axis_index("c")
    sid = lax.axis_index("s")
    wid = cid * NUM_SUBCORES + sid

    rows_per_tile = ACC_ROWS // NUM_SUBCORES

    def zrow(i, c):
        for j in range(ROW // LANES):
            wv[i, pl.ds(j * LANES, LANES)] = jnp.zeros((LANES,), jnp.float32)
        return c
    lax.fori_loop(0, CHUNK, zrow, 0)
    for r in range(rows_per_tile // CHUNK):
        pltpu.sync_copy(wv, acc.at[pl.ds(sid * rows_per_tile + r * CHUNK, CHUNK)])
    tail0 = rows_per_tile % CHUNK
    if tail0:
        pltpu.sync_copy(
            wv.at[pl.ds(0, tail0)],
            acc.at[pl.ds(sid * rows_per_tile + rows_per_tile - tail0, tail0)])
    plsc.subcore_barrier()

    per_tile = E_EDGES // NUM_TILES
    n_chunks = per_tile // CHUNK
    base_t = wid * per_tile

    lanes = lax.iota(jnp.int32, LANES)
    x4, x2, x1 = lanes ^ 4, lanes ^ 2, lanes ^ 1
    bidx = [jnp.full((LANES,), h, jnp.int32) for h in range(HEADS)]

    def fire_idx(i, ij, semidx):
        base = base_t + i * CHUNK
        pltpu.async_copy(ei_hbm.at[:, pl.ds(base, CHUNK)], ij, semidx)

    def wait_idx(i, ij, semidx):
        base = base_t + i * CHUNK
        pltpu.make_async_copy(ei_hbm.at[:, pl.ds(base, CHUNK)], ij, semidx).wait()

    def fire_gathers(ij, fsv, dsv, sem):
        pltpu.async_copy(fsa_hbm.at[ij.at[0]], fsv, sem)
        pltpu.async_copy(sb_hbm.at[ij.at[1]], dsv, sem)

    def wait_gathers(ij, fsv, dsv, sem):
        pltpu.make_async_copy(fsa_hbm.at[ij.at[0]], fsv, sem).wait()
        pltpu.make_async_copy(sb_hbm.at[ij.at[1]], dsv, sem).wait()

    def compute(ij, fsv, dsv):
        @plsc.parallel_loop(0, CHUNK, 1, unroll=2)
        def _(e):
            u = fsv[e, pl.ds(FEAT_DIM, LANES)] + dsv[e, pl.ds(0, LANES)]
            lr = jnp.maximum(u, NEG_SLOPE * u)
            ex = jnp.exp(lr)
            s = ex + _shuf(ex, x4)
            s = s + _shuf(s, x2)
            s = s + _shuf(s, x1)
            pvec = ex / s
            wv[e, pl.ds(FEAT_DIM, LANES)] = pvec
            for h in range(HEADS):
                w = _shuf(pvec, bidx[h])
                wv[e, pl.ds(h * LANES, LANES)] = fsv[e, pl.ds(h * LANES, LANES)] * w

    def copy_idx(ij, dsc):
        for j in range(CHUNK // LANES):
            dsc[pl.ds(j * LANES, LANES)] = ij[1, pl.ds(j * LANES, LANES)]

    def fire_scatter(dsc):
        pltpu.async_copy(wv, acc.at[dsc], semsc, add=True)

    def wait_scatter(dsc):
        pltpu.make_async_copy(wv, acc.at[dsc], semsc).wait()

    b0 = (ij0, fsv0, dsv0)
    b1 = (ij1, fsv1, dsv1)

    fire_idx(0, ij0, sem0)
    wait_idx(0, ij0, sem0)
    fire_gathers(*b0, sem0)
    fire_idx(1, ij1, sem1)
    wait_gathers(*b0, sem0)
    copy_idx(ij0, dsc0)
    fire_idx(2, ij0, sem0)
    wait_idx(1, ij1, sem1)
    fire_gathers(*b1, sem1)
    compute(*b0)
    fire_scatter(dsc0)

    def half(i, cur, nxt, dsc_cur, dsc_prev, sem_cur, sem_nxt):
        wait_idx(i + 1, nxt[0], sem_nxt)
        fire_gathers(*nxt, sem_nxt)
        wait_gathers(*cur, sem_cur)
        copy_idx(cur[0], dsc_cur)
        fire_idx(i + 2, cur[0], sem_cur)
        wait_scatter(dsc_prev)
        compute(*cur)
        fire_scatter(dsc_cur)

    def pair_body(k, c):
        i = 2 * k + 1
        half(i, b1, b0, dsc1, dsc0, sem1, sem0)
        half(i + 1, b0, b1, dsc0, dsc1, sem0, sem1)
        return c

    lax.fori_loop(0, (n_chunks - 3) // 2, pair_body, 0)
    wait_idx(n_chunks - 1, ij0, sem0)
    fire_gathers(*b0, sem0)
    wait_gathers(*b1, sem1)
    copy_idx(ij1, dsc1)
    wait_scatter(dsc0)
    compute(*b1)
    fire_scatter(dsc1)
    wait_gathers(*b0, sem0)
    copy_idx(ij0, dsc0)
    wait_scatter(dsc1)
    compute(*b0)
    pltpu.sync_copy(wv, acc.at[dsc0], add=True)
    plsc.subcore_barrier()

    pltpu.sync_copy(acc.at[pl.ds(sid * rows_per_tile, rows_per_tile)],
                    out_hbm.at[cid].at[pl.ds(sid * rows_per_tile, rows_per_tile)])


def _edge(fsa, sb, ei):
    mesh = plsc.VectorSubcoreMesh(core_axis_name="c", subcore_axis_name="s",
                                  num_cores=NUM_CORES, num_subcores=NUM_SUBCORES)
    call = pl.kernel(
        _edge_body,
        out_type=jax.ShapeDtypeStruct((NUM_CORES, ACC_ROWS, ROW), jnp.float32),
        mesh=mesh,
        scratch_types=[
            pltpu.VMEM((2, CHUNK), jnp.int32),
            pltpu.VMEM((CHUNK, ROW), jnp.float32),
            pltpu.VMEM((CHUNK, 2 * HEADS), jnp.float32),
            pltpu.VMEM((2, CHUNK), jnp.int32),
            pltpu.VMEM((CHUNK, ROW), jnp.float32),
            pltpu.VMEM((CHUNK, 2 * HEADS), jnp.float32),
            pltpu.VMEM((CHUNK,), jnp.int32),
            pltpu.VMEM((CHUNK,), jnp.int32),
            pltpu.VMEM((CHUNK, ROW), jnp.float32),
            pltpu.VMEM_SHARED((ACC_ROWS, ROW), jnp.float32),
            pltpu.SemaphoreType.DMA,
            pltpu.SemaphoreType.DMA,
            pltpu.SemaphoreType.DMA,
        ],
        compiler_params=pltpu.CompilerParams(use_tc_tiling_on_sc=False),
    )
    return call(fsa, sb, ei)



def _finish_body(p0_ref, p1_ref, k_ref, b_ref, o_ref):
    s = p0_ref[...] + p1_ref[...]
    num = s[:, :FEAT_DIM]
    den = s[:, FEAT_DIM:]
    den_exp = jnp.dot(den, k_ref[...], preferred_element_type=jnp.float32)
    o_ref[...] = num / (den_exp + 1e-16) + b_ref[...]


def _finish(p0, p1, kmat, bias_row):
    n = N_NODES
    grid = n // ROW_BLOCK
    return pl.pallas_call(
        _finish_body,
        grid=(grid,),
        in_specs=[
            pl.BlockSpec((ROW_BLOCK, ROW), lambda i: (i, 0)),
            pl.BlockSpec((ROW_BLOCK, ROW), lambda i: (i, 0)),
            pl.BlockSpec((OUT_DIM, FEAT_DIM), lambda i: (0, 0)),
            pl.BlockSpec((1, FEAT_DIM), lambda i: (0, 0)),
        ],
        out_specs=pl.BlockSpec((ROW_BLOCK, FEAT_DIM), lambda i: (i, 0)),
        out_shape=jax.ShapeDtypeStruct((n, FEAT_DIM), jnp.float32),
    )(p0, p1, kmat, bias_row)



def kernel(x, edge_index, W, att_source, att_target, bias):
    eye = jnp.eye(HEADS, dtype=jnp.float32)
    a1 = (eye[:, None, :] * att_source[0][:, :, None]).reshape(FEAT_DIM, HEADS)
    a2 = (eye[:, None, :] * att_target[0][:, :, None]).reshape(FEAT_DIM, HEADS)
    acat_a = jnp.concatenate([a1, a2], axis=1)
    acat_b = jnp.concatenate([a2, a1], axis=1)

    fsa, sb = _prep(x, W.T, acat_a, acat_b)

    partials = _edge(fsa, sb, edge_index)

    kmat = np.zeros((OUT_DIM, FEAT_DIM), dtype=np.float32)
    for h in range(HEADS):
        kmat[h, h * OUT_DIM:(h + 1) * OUT_DIM] = 1.0
    kmat = jnp.asarray(kmat)

    return _finish(partials[0], partials[1], kmat, bias.reshape(1, FEAT_DIM))

# --- scband reference (transcript-rebuilt; emitter-appended) ---
"""Pipeline reference for scband-gatconv-18184891531288 (READ-ONLY COPY).

The authoritative reference and input builder live on the scoring server;
editing this copy changes nothing except your own understanding.
"""

import jax, jax.numpy as jnp
import numpy as np

N = 10000
E = 320000
IN_DIM = 128
HEADS = 8
OUT_DIM = 16
NEG_SLOPE = 0.2


def setup_inputs(seed: int = 0) -> dict:
    key = jax.random.key(seed)
    k1, k2, k3, k4, k5 = jax.random.split(key, 5)
    x = jax.random.normal(k1, (N, IN_DIM), dtype=jnp.float32)
    edge_index = jax.random.randint(k2, (2, E), 0, N, dtype=jnp.int32)
    # lin_src == lin_tgt (shared Linear since in_dim is an int)
    W = jax.random.normal(k3, (HEADS * OUT_DIM, IN_DIM), dtype=jnp.float32) * (1.0 / np.sqrt(IN_DIM))
    att_source = jax.random.normal(k4, (1, HEADS, OUT_DIM), dtype=jnp.float32) * 0.1
    att_target = jax.random.normal(k5, (1, HEADS, OUT_DIM), dtype=jnp.float32) * 0.1
    bias = jnp.zeros((HEADS * OUT_DIM,), dtype=jnp.float32)
    return {"x": x, "edge_index": edge_index, "W": W, "att_source": att_source, "att_target": att_target, "bias": bias}


def reference(x, edge_index, W, att_source, att_target, bias):
    num_nodes = x.shape[0]
    # shared projection for src and tgt
    feat = (x @ W.T).reshape(-1, HEADS, OUT_DIM)  # [N, H, D]
    scores_source = (feat * att_source).sum(axis=-1)  # [N, H]
    scores_target = (feat * att_target).sum(axis=-1)  # [N, H]
    idx_source = edge_index[0]
    idx_target = edge_index[1]
    scores_source_sel = jnp.take(scores_source, idx_source, axis=0)  # [E, H]
    scores_target_sel = jnp.take(scores_target, idx_target, axis=0)  # [E, H]
    feat_sel = jnp.take(feat, idx_source, axis=0)  # [E, H, D]
    scores_edge = jax.nn.leaky_relu(scores_source_sel + scores_target_sel, negative_slope=NEG_SLOPE)
    # faithful to original: softmax over the last (heads) dim
    scores_edge_exp = jax.nn.softmax(scores_edge, axis=-1)  # [E, H]
    # neighborhood normalization via scatter-add over target nodes
    neigh_sums = jnp.zeros((num_nodes, HEADS), dtype=scores_edge_exp.dtype).at[idx_target].add(scores_edge_exp)
    denom = jnp.take(neigh_sums, idx_target, axis=0)
    attentions = scores_edge_exp / (denom + 1e-16)  # [E, H]
    # dropout is identity in eval mode
    weighted = feat_sel * attentions[..., None]  # [E, H, D]
    aggregated = jnp.zeros((num_nodes, HEADS, OUT_DIM), dtype=weighted.dtype).at[idx_target].add(weighted)
    # concat=True path, no skip connection
    out = aggregated.reshape(num_nodes, HEADS * OUT_DIM) + bias
    return out

if __name__ == "__main__":
    import jax
    _d = setup_inputs()
    print(jax.jit(kernel)(*tuple(_d.values())))

</pallas_src>

<mosaic_0001>
#map = affine_map<(d0, d1) -> (0, 0)>
#map1 = affine_map<(d0, d1) -> (0, 0, 0)>
module attributes {stable_mosaic.version = 14 : i64} {
  func.func @_edge_body(%arg0: i32, %arg1: i32, %arg2: memref<10000x144xf32, #tpu.memory_space<hbm>>, %arg3: memref<10000x16xf32, #tpu.memory_space<hbm>>, %arg4: memref<2x320000xi32, #tpu.memory_space<hbm>>, %arg5: memref<2x10112x144xf32, #tpu.memory_space<hbm>>, %arg6: memref<2x80xi32, #tpu.memory_space<vmem>>, %arg7: memref<80x144xf32, #tpu.memory_space<vmem>>, %arg8: memref<80x16xf32, #tpu.memory_space<vmem>>, %arg9: memref<2x80xi32, #tpu.memory_space<vmem>>, %arg10: memref<80x144xf32, #tpu.memory_space<vmem>>, %arg11: memref<80x16xf32, #tpu.memory_space<vmem>>, %arg12: memref<80xi32, #tpu.memory_space<vmem>>, %arg13: memref<80xi32, #tpu.memory_space<vmem>>, %arg14: memref<80x144xf32, #tpu.memory_space<vmem>>, %arg15: memref<10112x144xf32, #tpu.memory_space<vmem_shared>>, %arg16: memref<!tpu.dma_semaphore, #tpu.memory_space<semaphore_mem>>, %arg17: memref<!tpu.dma_semaphore, #tpu.memory_space<semaphore_mem>>, %arg18: memref<!tpu.dma_semaphore, #tpu.memory_space<semaphore_mem>>) attributes {dimension_semantics = [#tpu.dimension_semantics<core_parallel>, #tpu.dimension_semantics<subcore_parallel>], iteration_bounds = array<i64: 2, 16>, scalar_prefetch = 0 : i64, scratch_operands = 13 : i64, tpu.core_type = #tpu.core_type<sc_vector_subcore>, window_params = [{transform_indices = #map}, {transform_indices = #map}, {transform_indices = #map}, {transform_indices = #map1}]} {
    %mul3A = arith.constant 16 : i32
    %mul3A_0 = arith.muli %arg0, %mul3A : i32
    %add3A = arith.addi %mul3A_0, %arg1 : i32
    %scan3A = arith.constant 0 : i32
    %scan3A_1 = arith.constant 0 : i32
    %scan3A_2 = arith.constant 80 : i32
    %scan3A_3 = arith.addi %scan3A_1, %scan3A_2 : i32
    %scan3A_4 = arith.constant 1 : i32
    scf.for %scan3A_346 = %scan3A_1 to %scan3A_3 step %scan3A_4  : i32 {
      %broadcast_in_dim3A_347 = arith.constant 0.000000e+00 : f32
      %broadcast_in_dim3A_348 = vector.broadcast %broadcast_in_dim3A_347 : f32 to vector<16xf32>
      %swap3A_349 = arith.index_cast %scan3A_346 : i32 to index
      %swap3A_350 = arith.constant 0 : index
      %swap3A_351 = tpu.vector_load %arg14[%swap3A_349, %swap3A_350] {strides = array<i32>} : memref<80x144xf32, #tpu.memory_space<vmem>>, vector<1x16xf32>,
      %swap3A_352 = vector.shape_cast %swap3A_351 : vector<1x16xf32> to vector<16xf32>
      %swap3A_353 = vector.shape_cast %broadcast_in_dim3A_348 : vector<16xf32> to vector<1x16xf32>
      tpu.vector_store %arg14[%swap3A_349, %swap3A_350], %swap3A_353 {strides = array<i32>} : memref<80x144xf32, #tpu.memory_space<vmem>>, vector<1x16xf32>,
      %broadcast_in_dim3A_354 = arith.constant 0.000000e+00 : f32
      %broadcast_in_dim3A_355 = vector.broadcast %broadcast_in_dim3A_354 : f32 to vector<16xf32>
      %swap3A_356 = arith.index_cast %scan3A_346 : i32 to index
      %swap3A_357 = arith.constant 16 : index
      %swap3A_358 = tpu.vector_load %arg14[%swap3A_356, %swap3A_357] {strides = array<i32>} : memref<80x144xf32, #tpu.memory_space<vmem>>, vector<1x16xf32>,
      %swap3A_359 = vector.shape_cast %swap3A_358 : vector<1x16xf32> to vector<16xf32>
      %swap3A_360 = vector.shape_cast %broadcast_in_dim3A_355 : vector<16xf32> to vector<1x16xf32>
      tpu.vector_store %arg14[%swap3A_356, %swap3A_357], %swap3A_360 {strides = array<i32>} : memref<80x144xf32, #tpu.memory_space<vmem>>, vector<1x16xf32>,
      %broadcast_in_dim3A_361 = arith.constant 0.000000e+00 : f32
      %broadcast_in_dim3A_362 = vector.broadcast %broadcast_in_dim3A_361 : f32 to vector<16xf32>
      %swap3A_363 = arith.index_cast %scan3A_346 : i32 to index
      %swap3A_364 = arith.constant 32 : index
      %swap3A_365 = tpu.vector_load %arg14[%swap3A_363, %swap3A_364] {strides = array<i32>} : memref<80x144xf32, #tpu.memory_space<vmem>>, vector<1x16xf32>,
      %swap3A_366 = vector.shape_cast %swap3A_365 : vector<1x16xf32> to vector<16xf32>
      %swap3A_367 = vector.shape_cast %broadcast_in_dim3A_362 : vector<16xf32> to vector<1x16xf32>
      tpu.vector_store %arg14[%swap3A_363, %swap3A_364], %swap3A_367 {strides = array<i32>} : memref<80x144xf32, #tpu.memory_space<vmem>>, vector<1x16xf32>,
      %broadcast_in_dim3A_368 = arith.constant 0.000000e+00 : f32
      %broadcast_in_dim3A_369 = vector.broadcast %broadcast_in_dim3A_368 : f32 to vector<16xf32>
      %swap3A_370 = arith.index_cast %scan3A_346 : i32 to index
      %swap3A_371 = arith.constant 48 : index
      %swap3A_372 = tpu.vector_load %arg14[%swap3A_370, %swap3A_371] {strides = array<i32>} : memref<80x144xf32, #tpu.memory_space<vmem>>, vector<1x16xf32>,
      %swap3A_373 = vector.shape_cast %swap3A_372 : vector<1x16xf32> to vector<16xf32>
      %swap3A_374 = vector.shape_cast %broadcast_in_dim3A_369 : vector<16xf32> to vector<1x16xf32>
      tpu.vector_store %arg14[%swap3A_370, %swap3A_371], %swap3A_374 {strides = array<i32>} : memref<80x144xf32, #tpu.memory_space<vmem>>, vector<1x16xf32>,
      %broadcast_in_dim3A_375 = arith.constant 0.000000e+00 : f32
      %broadcast_in_dim3A_376 = vector.broadcast %broadcast_in_dim3A_375 : f32 to vector<16xf32>
      %swap3A_377 = arith.index_cast %scan3A_346 : i32 to index
      %swap3A_378 = arith.constant 64 : index
      %swap3A_379 = tpu.vector_load %arg14[%swap3A_377, %swap3A_378] {strides = array<i32>} : memref<80x144xf32, #tpu.memory_space<vmem>>, vector<1x16xf32>,
      %swap3A_380 = vector.shape_cast %swap3A_379 : vector<1x16xf32> to vector<16xf32>
      %swap3A_381 = vector.shape_cast %broadcast_in_dim3A_376 : vector<16xf32> to vector<1x16xf32>
      tpu.vector_store %arg14[%swap3A_377, %swap3A_378], %swap3A_381 {strides = array<i32>} : memref<80x144xf32, #tpu.memory_space<vmem>>, vector<1x16xf32>,
      %broadcast_in_dim3A_382 = arith.constant 0.000000e+00 : f32
      %broadcast_in_dim3A_383 = vector.broadcast %broadcast_in_dim3A_382 : f32 to vector<16xf32>
      %swap3A_384 = arith.index_cast %scan3A_346 : i32 to index
      %swap3A_385 = arith.constant 80 : index
      %swap3A_386 = tpu.vector_load %arg14[%swap3A_384, %swap3A_385] {strides = array<i32>} : memref<80x144xf32, #tpu.memory_space<vmem>>, vector<1x16xf32>,
      %swap3A_387 = vector.shape_cast %swap3A_386 : vector<1x16xf32> to vector<16xf32>
      %swap3A_388 = vector.shape_cast %broadcast_in_dim3A_383 : vector<16xf32> to vector<1x16xf32>
      tpu.vector_store %arg14[%swap3A_384, %swap3A_385], %swap3A_388 {strides = array<i32>} : memref<80x144xf32, #tpu.memory_space<vmem>>, vector<1x16xf32>,
      %broadcast_in_dim3A_389 = arith.constant 0.000000e+00 : f32
      %broadcast_in_dim3A_390 = vector.broadcast %broadcast_in_dim3A_389 : f32 to vector<16xf32>
      %swap3A_391 = arith.index_cast %scan3A_346 : i32 to index
      %swap3A_392 = arith.constant 96 : index
      %swap3A_393 = tpu.vector_load %arg14[%swap3A_391, %swap3A_392] {strides = array<i32>} : memref<80x144xf32, #tpu.memory_space<vmem>>, vector<1x16xf32>,
      %swap3A_394 = vector.shape_cast %swap3A_393 : vector<1x16xf32> to vector<16xf32>
      %swap3A_395 = vector.shape_cast %broadcast_in_dim3A_390 : vector<16xf32> to vector<1x16xf32>
      tpu.vector_store %arg14[%swap3A_391, %swap3A_392], %swap3A_395 {strides = array<i32>} : memref<80x144xf32, #tpu.memory_space<vmem>>, vector<1x16xf32>,
      %broadcast_in_dim3A_396 = arith.constant 0.000000e+00 : f32
      %broadcast_in_dim3A_397 = vector.broadcast %broadcast_in_dim3A_396 : f32 to vector<16xf32>
      %swap3A_398 = arith.index_cast %scan3A_346 : i32 to index
      %swap3A_399 = arith.constant 112 : index
      %swap3A_400 = tpu.vector_load %arg14[%swap3A_398, %swap3A_399] {strides = array<i32>} : memref<80x144xf32, #tpu.memory_space<vmem>>, vector<1x16xf32>,
      %swap3A_401 = vector.shape_cast %swap3A_400 : vector<1x16xf32> to vector<16xf32>
      %swap3A_402 = vector.shape_cast %broadcast_in_dim3A_397 : vector<16xf32> to vector<1x16xf32>
      tpu.vector_store %arg14[%swap3A_398, %swap3A_399], %swap3A_402 {strides = array<i32>} : memref<80x144xf32, #tpu.memory_space<vmem>>, vector<1x16xf32>,
      %broadcast_in_dim3A_403 = arith.constant 0.000000e+00 : f32
      %broadcast_in_dim3A_404 = vector.broadcast %broadcast_in_dim3A_403 : f32 to vector<16xf32>
      %swap3A_405 = arith.index_cast %scan3A_346 : i32 to index
      %swap3A_406 = arith.constant 128 : index
      %swap3A_407 = tpu.vector_load %arg14[%swap3A_405, %swap3A_406] {strides = array<i32>} : memref<80x144xf32, #tpu.memory_space<vmem>>, vector<1x16xf32>,
      %swap3A_408 = vector.shape_cast %swap3A_407 : vector<1x16xf32> to vector<16xf32>
      %swap3A_409 = vector.shape_cast %broadcast_in_dim3A_404 : vector<16xf32> to vector<1x16xf32>
      tpu.vector_store %arg14[%swap3A_405, %swap3A_406], %swap3A_409 {strides = array<i32>} : memref<80x144xf32, #tpu.memory_space<vmem>>, vector<1x16xf32>,
    }
    %scan3A_5 = arith.constant 80 : i32
    %mul3A_6 = arith.constant 632 : i32
    %mul3A_7 = arith.muli %arg1, %mul3A_6 : i32
    %add3A_8 = arith.constant 0 : i32
    %add3A_9 = arith.addi %mul3A_7, %add3A_8 : i32
    "tpu.region"() ({
      %run_scoped3A = tpu.sem_alloc : memref<!tpu.dma_semaphore, #tpu.memory_space<semaphore_mem>>
      %dma_start3A_346 = arith.constant 0 : i32
      %dma_start3A_347 = tpu.memref_slice %arg15[%add3A_9, %dma_start3A_346] : memref<10112x144xf32, #tpu.memory_space<vmem_shared>> -> memref<80x144xf32, #tpu.memory_space<vmem_shared>>
      %dma_start3A_348 = arith.constant 0 : i32
      %dma_start3A_349 = tpu.memref_slice %arg15[%add3A_9, %dma_start3A_348] : memref<10112x144xf32, #tpu.memory_space<vmem_shared>> -> memref<80x144xf32, #tpu.memory_space<vmem_shared>>
      tpu.enqueue_dma source(%arg14 : memref<80x144xf32, #tpu.memory_space<vmem>>) target(%dma_start3A_349 : memref<80x144xf32, #tpu.memory_space<vmem_shared>>) target_semaphore(%run_scoped3A : memref<!tpu.dma_semaphore, #tpu.memory_space<semaphore_mem>>)
      %dma_wait3A_350 = arith.constant 0 : i32
      %dma_wait3A_351 = tpu.memref_slice %arg15[%add3A_9, %dma_wait3A_350] : memref<10112x144xf32, #tpu.memory_space<vmem_shared>> -> memref<80x144xf32, #tpu.memory_space<vmem_shared>>
      %dma_wait3A_352 = arith.constant 0 : i32
      %dma_wait3A_353 = tpu.memref_slice %arg15[%add3A_9, %dma_wait3A_352] : memref<10112x144xf32, #tpu.memory_space<vmem_shared>> -> memref<80x144xf32, #tpu.memory_space<vmem_shared>>
      tpu.wait_dma2 semaphore(%run_scoped3A : memref<!tpu.dma_semaphore, #tpu.memory_space<semaphore_mem>>) src(%arg14 : memref<80x144xf32, #tpu.memory_space<vmem>>) dst(%dma_wait3A_353 : memref<80x144xf32, #tpu.memory_space<vmem_shared>>)
      tpu.yield
    }) : () -> ()
    %mul3A_10 = arith.constant 632 : i32
    %mul3A_11 = arith.muli %arg1, %mul3A_10 : i32
    %add3A_12 = arith.constant 80 : i32
    %add3A_13 = arith.addi %mul3A_11, %add3A_12 : i32
    "tpu.region"() ({
      %run_scoped3A = tpu.sem_alloc : memref<!tpu.dma_semaphore, #tpu.memory_space<semaphore_mem>>
      %dma_start3A_346 = arith.constant 0 : i32
      %dma_start3A_347 = tpu.memref_slice %arg15[%add3A_13, %dma_start3A_346] : memref<10112x144xf32, #tpu.memory_space<vmem_shared>> -> memref<80x144xf32, #tpu.memory_space<vmem_shared>>
      %dma_start3A_348 = arith.constant 0 : i32
      %dma_start3A_349 = tpu.memref_slice %arg15[%add3A_13, %dma_start3A_348] : memref<10112x144xf32, #tpu.memory_space<vmem_shared>> -> memref<80x144xf32, #tpu.memory_space<vmem_shared>>
      tpu.enqueue_dma source(%arg14 : memref<80x144xf32, #tpu.memory_space<vmem>>) target(%dma_start3A_349 : memref<80x144xf32, #tpu.memory_space<vmem_shared>>) target_semaphore(%run_scoped3A : memref<!tpu.dma_semaphore, #tpu.memory_space<semaphore_mem>>)
      %dma_wait3A_350 = arith.constant 0 : i32
      %dma_wait3A_351 = tpu.memref_slice %arg15[%add3A_13, %dma_wait3A_350] : memref<10112x144xf32, #tpu.memory_space<vmem_shared>> -> memref<80x144xf32, #tpu.memory_space<vmem_shared>>
      %dma_wait3A_352 = arith.constant 0 : i32
      %dma_wait3A_353 = tpu.memref_slice %arg15[%add3A_13, %dma_wait3A_352] : memref<10112x144xf32, #tpu.memory_space<vmem_shared>> -> memref<80x144xf32, #tpu.memory_space<vmem_shared>>
      tpu.wait_dma2 semaphore(%run_scoped3A : memref<!tpu.dma_semaphore, #tpu.memory_space<semaphore_mem>>) src(%arg14 : memref<80x144xf32, #tpu.memory_space<vmem>>) dst(%dma_wait3A_353 : memref<80x144xf32, #tpu.memory_space<vmem_shared>>)
      tpu.yield
    }) : () -> ()
    %mul3A_14 = arith.constant 632 : i32
    %mul3A_15 = arith.muli %arg1, %mul3A_14 : i32
    %add3A_16 = arith.constant 160 : i32
    %add3A_17 = arith.addi %mul3A_15, %add3A_16 : i32
    "tpu.region"() ({
      %run_scoped3A = tpu.sem_alloc : memref<!tpu.dma_semaphore, #tpu.memory_space<semaphore_mem>>
      %dma_start3A_346 = arith.constant 0 : i32
      %dma_start3A_347 = tpu.memref_slice %arg15[%add3A_17, %dma_start3A_346] : memref<10112x144xf32, #tpu.memory_space<vmem_shared>> -> memref<80x144xf32, #tpu.memory_space<vmem_shared>>
      %dma_start3A_348 = arith.constant 0 : i32
      %dma_start3A_349 = tpu.memref_slice %arg15[%add3A_17, %dma_start3A_348] : memref<10112x144xf32, #tpu.memory_space<vmem_shared>> -> memref<80x144xf32, #tpu.memory_space<vmem_shared>>
      tpu.enqueue_dma source(%arg14 : memref<80x144xf32, #tpu.memory_space<vmem>>) target(%dma_start3A_349 : memref<80x144xf32, #tpu.memory_space<vmem_shared>>) target_semaphore(%run_scoped3A : memref<!tpu.dma_semaphore, #tpu.memory_space<semaphore_mem>>)
      %dma_wait3A_350 = arith.constant 0 : i32
      %dma_wait3A_351 = tpu.memref_slice %arg15[%add3A_17, %dma_wait3A_350] : memref<10112x144xf32, #tpu.memory_space<vmem_shared>> -> memref<80x144xf32, #tpu.memory_space<vmem_shared>>
      %dma_wait3A_352 = arith.constant 0 : i32
      %dma_wait3A_353 = tpu.memref_slice %arg15[%add3A_17, %dma_wait3A_352] : memref<10112x144xf32, #tpu.memory_space<vmem_shared>> -> memref<80x144xf32, #tpu.memory_space<vmem_shared>>
      tpu.wait_dma2 semaphore(%run_scoped3A : memref<!tpu.dma_semaphore, #tpu.memory_space<semaphore_mem>>) src(%arg14 : memref<80x144xf32, #tpu.memory_space<vmem>>) dst(%dma_wait3A_353 : memref<80x144xf32, #tpu.memory_space<vmem_shared>>)
      tpu.yield
    }) : () -> ()
    %mul3A_18 = arith.constant 632 : i32
    %mul3A_19 = arith.muli %arg1, %mul3A_18 : i32
    %add3A_20 = arith.constant 240 : i32
    %add3A_21 = arith.addi %mul3A_19, %add3A_20 : i32
    "tpu.region"() ({
      %run_scoped3A = tpu.sem_alloc : memref<!tpu.dma_semaphore, #tpu.memory_space<semaphore_mem>>
      %dma_start3A_346 = arith.constant 0 : i32
      %dma_start3A_347 = tpu.memref_slice %arg15[%add3A_21, %dma_start3A_346] : memref<10112x144xf32, #tpu.memory_space<vmem_shared>> -> memref<80x144xf32, #tpu.memory_space<vmem_shared>>
      %dma_start3A_348 = arith.constant 0 : i32
      %dma_start3A_349 = tpu.memref_slice %arg15[%add3A_21, %dma_start3A_348] : memref<10112x144xf32, #tpu.memory_space<vmem_shared>> -> memref<80x144xf32, #tpu.memory_space<vmem_shared>>
      tpu.enqueue_dma source(%arg14 : memref<80x144xf32, #tpu.memory_space<vmem>>) target(%dma_start3A_349 : memref<80x144xf32, #tpu.memory_space<vmem_shared>>) target_semaphore(%run_scoped3A : memref<!tpu.dma_semaphore, #tpu.memory_space<semaphore_mem>>)
      %dma_wait3A_350 = arith.constant 0 : i32
      %dma_wait3A_351 = tpu.memref_slice %arg15[%add3A_21, %dma_wait3A_350] : memref<10112x144xf32, #tpu.memory_space<vmem_shared>> -> memref<80x144xf32, #tpu.memory_space<vmem_shared>>
      %dma_wait3A_352 = arith.constant 0 : i32
      %dma_wait3A_353 = tpu.memref_slice %arg15[%add3A_21, %dma_wait3A_352] : memref<10112x144xf32, #tpu.memory_space<vmem_shared>> -> memref<80x144xf32, #tpu.memory_space<vmem_shared>>
      tpu.wait_dma2 semaphore(%run_scoped3A : memref<!tpu.dma_semaphore, #tpu.memory_space<semaphore_mem>>) src(%arg14 : memref<80x144xf32, #tpu.memory_space<vmem>>) dst(%dma_wait3A_353 : memref<80x144xf32, #tpu.memory_space<vmem_shared>>)
      tpu.yield
    }) : () -> ()
    %mul3A_22 = arith.constant 632 : i32
    %mul3A_23 = arith.muli %arg1, %mul3A_22 : i32
    %add3A_24 = arith.constant 320 : i32
    %add3A_25 = arith.addi %mul3A_23, %add3A_24 : i32
    "tpu.region"() ({
      %run_scoped3A = tpu.sem_alloc : memref<!tpu.dma_semaphore, #tpu.memory_space<semaphore_mem>>
      %dma_start3A_346 = arith.constant 0 : i32
      %dma_start3A_347 = tpu.memref_slice %arg15[%add3A_25, %dma_start3A_346] : memref<10112x144xf32, #tpu.memory_space<vmem_shared>> -> memref<80x144xf32, #tpu.memory_space<vmem_shared>>
      %dma_start3A_348 = arith.constant 0 : i32
      %dma_start3A_349 = tpu.memref_slice %arg15[%add3A_25, %dma_start3A_348] : memref<10112x144xf32, #tpu.memory_space<vmem_shared>> -> memref<80x144xf32, #tpu.memory_space<vmem_shared>>
      tpu.enqueue_dma source(%arg14 : memref<80x144xf32, #tpu.memory_space<vmem>>) target(%dma_start3A_349 : memref<80x144xf32, #tpu.memory_space<vmem_shared>>) target_semaphore(%run_scoped3A : memref<!tpu.dma_semaphore, #tpu.memory_space<semaphore_mem>>)
      %dma_wait3A_350 = arith.constant 0 : i32
      %dma_wait3A_351 = tpu.memref_slice %arg15[%add3A_25, %dma_wait3A_350] : memref<10112x144xf32, #tpu.memory_space<vmem_shared>> -> memref<80x144xf32, #tpu.memory_space<vmem_shared>>
      %dma_wait3A_352 = arith.constant 0 : i32
      %dma_wait3A_353 = tpu.memref_slice %arg15[%add3A_25, %dma_wait3A_352] : memref<10112x144xf32, #tpu.memory_space<vmem_shared>> -> memref<80x144xf32, #tpu.memory_space<vmem_shared>>
      tpu.wait_dma2 semaphore(%run_scoped3A : memref<!tpu.dma_semaphore, #tpu.memory_space<semaphore_mem>>) src(%arg14 : memref<80x144xf32, #tpu.memory_space<vmem>>) dst(%dma_wait3A_353 : memref<80x144xf32, #tpu.memory_space<vmem_shared>>)
      tpu.yield
    }) : () -> ()
    %mul3A_26 = arith.constant 632 : i32
    %mul3A_27 = arith.muli %arg1, %mul3A_26 : i32
    %add3A_28 = arith.constant 400 : i32
    %add3A_29 = arith.addi %mul3A_27, %add3A_28 : i32
    "tpu.region"() ({
      %run_scoped3A = tpu.sem_alloc : memref<!tpu.dma_semaphore, #tpu.memory_space<semaphore_mem>>
      %dma_start3A_346 = arith.constant 0 : i32
      %dma_start3A_347 = tpu.memref_slice %arg15[%add3A_29, %dma_start3A_346] : memref<10112x144xf32, #tpu.memory_space<vmem_shared>> -> memref<80x144xf32, #tpu.memory_space<vmem_shared>>
      %dma_start3A_348 = arith.constant 0 : i32
      %dma_start3A_349 = tpu.memref_slice %arg15[%add3A_29, %dma_start3A_348] : memref<10112x144xf32, #tpu.memory_space<vmem_shared>> -> memref<80x144xf32, #tpu.memory_space<vmem_shared>>
      tpu.enqueue_dma source(%arg14 : memref<80x144xf32, #tpu.memory_space<vmem>>) target(%dma_start3A_349 : memref<80x144xf32, #tpu.memory_space<vmem_shared>>) target_semaphore(%run_scoped3A : memref<!tpu.dma_semaphore, #tpu.memory_space<semaphore_mem>>)
      %dma_wait3A_350 = arith.constant 0 : i32
      %dma_wait3A_351 = tpu.memref_slice %arg15[%add3A_29, %dma_wait3A_350] : memref<10112x144xf32, #tpu.memory_space<vmem_shared>> -> memref<80x144xf32, #tpu.memory_space<vmem_shared>>
      %dma_wait3A_352 = arith.constant 0 : i32
      %dma_wait3A_353 = tpu.memref_slice %arg15[%add3A_29, %dma_wait3A_352] : memref<10112x144xf32, #tpu.memory_space<vmem_shared>> -> memref<80x144xf32, #tpu.memory_space<vmem_shared>>
      tpu.wait_dma2 semaphore(%run_scoped3A : memref<!tpu.dma_semaphore, #tpu.memory_space<semaphore_mem>>) src(%arg14 : memref<80x144xf32, #tpu.memory_space<vmem>>) dst(%dma_wait3A_353 : memref<80x144xf32, #tpu.memory_space<vmem_shared>>)
      tpu.yield
    }) : () -> ()
    %mul3A_30 = arith.constant 632 : i32
    %mul3A_31 = arith.muli %arg1, %mul3A_30 : i32
    %add3A_32 = arith.constant 480 : i32
    %add3A_33 = arith.addi %mul3A_31, %add3A_32 : i32
    "tpu.region"() ({
      %run_scoped3A = tpu.sem_alloc : memref<!tpu.dma_semaphore, #tpu.memory_space<semaphore_mem>>
      %dma_start3A_346 = arith.constant 0 : i32
      %dma_start3A_347 = tpu.memref_slice %arg15[%add3A_33, %dma_start3A_346] : memref<10112x144xf32, #tpu.memory_space<vmem_shared>> -> memref<80x144xf32, #tpu.memory_space<vmem_shared>>
      %dma_start3A_348 = arith.constant 0 : i32
      %dma_start3A_349 = tpu.memref_slice %arg15[%add3A_33, %dma_start3A_348] : memref<10112x144xf32, #tpu.memory_space<vmem_shared>> -> memref<80x144xf32, #tpu.memory_space<vmem_shared>>
      tpu.enqueue_dma source(%arg14 : memref<80x144xf32, #tpu.memory_space<vmem>>) target(%dma_start3A_349 : memref<80x144xf32, #tpu.memory_space<vmem_shared>>) target_semaphore(%run_scoped3A : memref<!tpu.dma_semaphore, #tpu.memory_space<semaphore_mem>>)
      %dma_wait3A_350 = arith.constant 0 : i32
      %dma_wait3A_351 = tpu.memref_slice %arg15[%add3A_33, %dma_wait3A_350] : memref<10112x144xf32, #tpu.memory_space<vmem_shared>> -> memref<80x144xf32, #tpu.memory_space<vmem_shared>>
      %dma_wait3A_352 = arith.constant 0 : i32
      %dma_wait3A_353 = tpu.memref_slice %arg15[%add3A_33, %dma_wait3A_352] : memref<10112x144xf32, #tpu.memory_space<vmem_shared>> -> memref<80x144xf32, #tpu.memory_space<vmem_shared>>
      tpu.wait_dma2 semaphore(%run_scoped3A : memref<!tpu.dma_semaphore, #tpu.memory_space<semaphore_mem>>) src(%arg14 : memref<80x144xf32, #tpu.memory_space<vmem>>) dst(%dma_wait3A_353 : memref<80x144xf32, #tpu.memory_space<vmem_shared>>)
      tpu.yield
    }) : () -> ()
    %mul3A_34 = arith.constant 632 : i32
    %mul3A_35 = arith.muli %arg1, %mul3A_34 : i32
    %add3A_36 = arith.constant 632 : i32
    %add3A_37 = arith.addi %mul3A_35, %add3A_36 : i32
    %sub3A = arith.constant 72 : i32
    %sub3A_38 = arith.subi %add3A_37, %sub3A : i32
    "tpu.region"() ({
      %run_scoped3A = tpu.sem_alloc : memref<!tpu.dma_semaphore, #tpu.memory_space<semaphore_mem>>
      %dma_start3A_346 = arith.constant 0 : i32
      %dma_start3A_347 = arith.constant 0 : i32
      %dma_start3A_348 = tpu.memref_slice %arg14[%dma_start3A_346, %dma_start3A_347] : memref<80x144xf32, #tpu.memory_space<vmem>> -> memref<72x144xf32, #tpu.memory_space<vmem>>
      %dma_start3A_349 = arith.constant 0 : i32
      %dma_start3A_350 = tpu.memref_slice %arg15[%sub3A_38, %dma_start3A_349] : memref<10112x144xf32, #tpu.memory_space<vmem_shared>> -> memref<72x144xf32, #tpu.memory_space<vmem_shared>>
      %dma_start3A_351 = arith.constant 0 : i32
      %dma_start3A_352 = tpu.memref_slice %arg15[%sub3A_38, %dma_start3A_351] : memref<10112x144xf32, #tpu.memory_space<vmem_shared>> -> memref<72x144xf32, #tpu.memory_space<vmem_shared>>
      %dma_start3A_353 = arith.constant 0 : i32
      %dma_start3A_354 = arith.constant 0 : i32
      %dma_start3A_355 = tpu.memref_slice %arg14[%dma_start3A_353, %dma_start3A_354] : memref<80x144xf32, #tpu.memory_space<vmem>> -> memref<72x144xf32, #tpu.memory_space<vmem>>
      tpu.enqueue_dma source(%dma_start3A_355 : memref<72x144xf32, #tpu.memory_space<vmem>>) target(%dma_start3A_352 : memref<72x144xf32, #tpu.memory_space<vmem_shared>>) target_semaphore(%run_scoped3A : memref<!tpu.dma_semaphore, #tpu.memory_space<semaphore_mem>>)
      %dma_wait3A_356 = arith.constant 0 : i32
      %dma_wait3A_357 = arith.constant 0 : i32
      %dma_wait3A_358 = tpu.memref_slice %arg14[%dma_wait3A_356, %dma_wait3A_357] : memref<80x144xf32, #tpu.memory_space<vmem>> -> memref<72x144xf32, #tpu.memory_space<vmem>>
      %dma_wait3A_359 = arith.constant 0 : i32
      %dma_wait3A_360 = tpu.memref_slice %arg15[%sub3A_38, %dma_wait3A_359] : memref<10112x144xf32, #tpu.memory_space<vmem_shared>> -> memref<72x144xf32, #tpu.memory_space<vmem_shared>>
      %dma_wait3A_361 = arith.constant 0 : i32
      %dma_wait3A_362 = tpu.memref_slice %arg15[%sub3A_38, %dma_wait3A_361] : memref<10112x144xf32, #tpu.memory_space<vmem_shared>> -> memref<72x144xf32, #tpu.memory_space<vmem_shared>>
      %dma_wait3A_363 = arith.constant 0 : i32
      %dma_wait3A_364 = arith.constant 0 : i32
      %dma_wait3A_365 = tpu.memref_slice %arg14[%dma_wait3A_363, %dma_wait3A_364] : memref<80x144xf32, #tpu.memory_space<vmem>> -> memref<72x144xf32, #tpu.memory_space<vmem>>
      tpu.wait_dma2 semaphore(%run_scoped3A : memref<!tpu.dma_semaphore, #tpu.memory_space<semaphore_mem>>) src(%dma_wait3A_365 : memref<72x144xf32, #tpu.memory_space<vmem>>) dst(%dma_wait3A_362 : memref<72x144xf32, #tpu.memory_space<vmem_shared>>)
      tpu.yield
    }) : () -> ()
    %barrier3A = arith.constant 0 : index
    tpu.barrier barrier_id(%barrier3A)
    %mul3A_39 = arith.constant 10000 : i32
    %mul3A_40 = arith.muli %add3A, %mul3A_39 : i32
    %iota3A = tpu.iota {dimensions = array<i32: 0>} : vector<16xi32>
    %xor3A = arith.constant 4 : i32
    %xor3A_41 = vector.broadcast %xor3A : i32 to vector<16xi32>
    %xor3A_42 = arith.xori %iota3A, %xor3A_41 : vector<16xi32>
    %xor3A_43 = arith.constant 2 : i32
    %xor3A_44 = vector.broadcast %xor3A_43 : i32 to vector<16xi32>
    %xor3A_45 = arith.xori %iota3A, %xor3A_44 : vector<16xi32>
    %xor3A_46 = arith.constant 1 : i32
    %xor3A_47 = vector.broadcast %xor3A_46 : i32 to vector<16xi32>
    %xor3A_48 = arith.xori %iota3A, %xor3A_47 : vector<16xi32>
    %broadcast_in_dim3A = arith.constant 0 : i32
    %broadcast_in_dim3A_49 = vector.broadcast %broadcast_in_dim3A : i32 to vector<16xi32>
    %broadcast_in_dim3A_50 = arith.constant 1 : i32
    %broadcast_in_dim3A_51 = vector.broadcast %broadcast_in_dim3A_50 : i32 to vector<16xi32>
    %broadcast_in_dim3A_52 = arith.constant 2 : i32
    %broadcast_in_dim3A_53 = vector.broadcast %broadcast_in_dim3A_52 : i32 to vector<16xi32>
    %broadcast_in_dim3A_54 = arith.constant 3 : i32
    %broadcast_in_dim3A_55 = vector.broadcast %broadcast_in_dim3A_54 : i32 to vector<16xi32>
    %broadcast_in_dim3A_56 = arith.constant 4 : i32
    %broadcast_in_dim3A_57 = vector.broadcast %broadcast_in_dim3A_56 : i32 to vector<16xi32>
    %broadcast_in_dim3A_58 = arith.constant 5 : i32
    %broadcast_in_dim3A_59 = vector.broadcast %broadcast_in_dim3A_58 : i32 to vector<16xi32>
    %broadcast_in_dim3A_60 = arith.constant 6 : i32
    %broadcast_in_dim3A_61 = vector.broadcast %broadcast_in_dim3A_60 : i32 to vector<16xi32>
    %broadcast_in_dim3A_62 = arith.constant 7 : i32
    %broadcast_in_dim3A_63 = vector.broadcast %broadcast_in_dim3A_62 : i32 to vector<16xi32>
    %add3A_64 = arith.constant 0 : i32
    %add3A_65 = arith.addi %mul3A_40, %add3A_64 : i32
    %dma_start3A = arith.constant 0 : i32
    %dma_start3A_66 = tpu.memref_slice %arg4[%dma_start3A, %add3A_65] : memref<2x320000xi32, #tpu.memory_space<hbm>> -> memref<2x80xi32, #tpu.memory_space<hbm>>
    %dma_start3A_67 = arith.constant 0 : i32
    %dma_start3A_68 = tpu.memref_slice %arg4[%dma_start3A_67, %add3A_65] : memref<2x320000xi32, #tpu.memory_space<hbm>> -> memref<2x80xi32, #tpu.memory_space<hbm>>
    tpu.enqueue_dma source(%dma_start3A_68 : memref<2x80xi32, #tpu.memory_space<hbm>>) target(%arg6 : memref<2x80xi32, #tpu.memory_space<vmem>>) target_semaphore(%arg16 : memref<!tpu.dma_semaphore, #tpu.memory_space<semaphore_mem>>)
    %add3A_69 = arith.constant 0 : i32
    %add3A_70 = arith.addi %mul3A_40, %add3A_69 : i32
    %dma_wait3A = arith.constant 0 : i32
    %dma_wait3A_71 = tpu.memref_slice %arg4[%dma_wait3A, %add3A_70] : memref<2x320000xi32, #tpu.memory_space<hbm>> -> memref<2x80xi32, #tpu.memory_space<hbm>>
    %dma_wait3A_72 = arith.constant 0 : i32
    %dma_wait3A_73 = tpu.memref_slice %arg4[%dma_wait3A_72, %add3A_70] : memref<2x320000xi32, #tpu.memory_space<hbm>> -> memref<2x80xi32, #tpu.memory_space<hbm>>
    tpu.wait_dma2 semaphore(%arg16 : memref<!tpu.dma_semaphore, #tpu.memory_space<semaphore_mem>>) src(%dma_wait3A_73 : memref<2x80xi32, #tpu.memory_space<hbm>>) dst(%arg6 : memref<2x80xi32, #tpu.memory_space<vmem>>)
    %dma_start3A_74 = arith.constant 0 : i32
    %dma_start3A_75 = arith.constant 0 : i32
    %dma_start3A_76 = tpu.memref_slice %arg6[%dma_start3A_74, %dma_start3A_75] : memref<2x80xi32, #tpu.memory_space<vmem>> -> memref<1x80xi32, #tpu.memory_space<vmem>>
    %dma_start3A_77 = tpu.memref_squeeze %dma_start3A_76 : memref<1x80xi32, #tpu.memory_space<vmem>> -> memref<80xi32, #tpu.memory_space<vmem>>
    %dma_start3A_78 = arith.constant 0 : i32
    %dma_start3A_79 = arith.constant 0 : i32
    %dma_start3A_80 = tpu.memref_slice %arg2[%dma_start3A_78, %dma_start3A_79] : memref<10000x144xf32, #tpu.memory_space<hbm>> -> memref<10000x144xf32, #tpu.memory_space<hbm>>
    tpu.enqueue_indirect_dma source(%dma_start3A_80 : memref<10000x144xf32, #tpu.memory_space<hbm>>) target(%arg7 : memref<80x144xf32, #tpu.memory_space<vmem>>) offsets(%dma_start3A_77 : memref<80xi32, #tpu.memory_space<vmem>>) semaphore(%arg16 : memref<!tpu.dma_semaphore, #tpu.memory_space<semaphore_mem>>)
    %dma_start3A_81 = arith.constant 1 : i32
    %dma_start3A_82 = arith.constant 0 : i32
    %dma_start3A_83 = tpu.memref_slice %arg6[%dma_start3A_81, %dma_start3A_82] : memref<2x80xi32, #tpu.memory_space<vmem>> -> memref<1x80xi32, #tpu.memory_space<vmem>>
    %dma_start3A_84 = tpu.memref_squeeze %dma_start3A_83 : memref<1x80xi32, #tpu.memory_space<vmem>> -> memref<80xi32, #tpu.memory_space<vmem>>
    %dma_start3A_85 = arith.constant 0 : i32
    %dma_start3A_86 = arith.constant 0 : i32
    %dma_start3A_87 = tpu.memref_slice %arg3[%dma_start3A_85, %dma_start3A_86] : memref<10000x16xf32, #tpu.memory_space<hbm>> -> memref<10000x16xf32, #tpu.memory_space<hbm>>
    tpu.enqueue_indirect_dma source(%dma_start3A_87 : memref<10000x16xf32, #tpu.memory_space<hbm>>) target(%arg8 : memref<80x16xf32, #tpu.memory_space<vmem>>) offsets(%dma_start3A_84 : memref<80xi32, #tpu.memory_space<vmem>>) semaphore(%arg16 : memref<!tpu.dma_semaphore, #tpu.memory_space<semaphore_mem>>)
    %add3A_88 = arith.constant 80 : i32
    %add3A_89 = arith.addi %mul3A_40, %add3A_88 : i32
    %dma_start3A_90 = arith.constant 0 : i32
    %dma_start3A_91 = tpu.memref_slice %arg4[%dma_start3A_90, %add3A_89] : memref<2x320000xi32, #tpu.memory_space<hbm>> -> memref<2x80xi32, #tpu.memory_space<hbm>>
    %dma_start3A_92 = arith.constant 0 : i32
    %dma_start3A_93 = tpu.memref_slice %arg4[%dma_start3A_92, %add3A_89] : memref<2x320000xi32, #tpu.memory_space<hbm>> -> memref<2x80xi32, #tpu.memory_space<hbm>>
    tpu.enqueue_dma source(%dma_start3A_93 : memref<2x80xi32, #tpu.memory_space<hbm>>) target(%arg9 : memref<2x80xi32, #tpu.memory_space<vmem>>) target_semaphore(%arg17 : memref<!tpu.dma_semaphore, #tpu.memory_space<semaphore_mem>>)
    %dma_wait3A_94 = arith.constant 0 : i32
    %dma_wait3A_95 = arith.constant 0 : i32
    %dma_wait3A_96 = tpu.memref_slice %arg6[%dma_wait3A_94, %dma_wait3A_95] : memref<2x80xi32, #tpu.memory_space<vmem>> -> memref<1x80xi32, #tpu.memory_space<vmem>>
    %dma_wait3A_97 = tpu.memref_squeeze %dma_wait3A_96 : memref<1x80xi32, #tpu.memory_space<vmem>> -> memref<80xi32, #tpu.memory_space<vmem>>
    %dma_wait3A_98 = arith.constant 0 : i32
    %dma_wait3A_99 = arith.constant 0 : i32
    %dma_wait3A_100 = tpu.memref_slice %arg2[%dma_wait3A_98, %dma_wait3A_99] : memref<10000x144xf32, #tpu.memory_space<hbm>> -> memref<10000x144xf32, #tpu.memory_space<hbm>>
    tpu.wait_indirect_dma semaphore(%arg16 : memref<!tpu.dma_semaphore, #tpu.memory_space<semaphore_mem>>) src(%dma_wait3A_100 : memref<10000x144xf32, #tpu.memory_space<hbm>>) dst(%arg7 : memref<80x144xf32, #tpu.memory_space<vmem>>)
    %dma_wait3A_101 = arith.constant 1 : i32
    %dma_wait3A_102 = arith.constant 0 : i32
    %dma_wait3A_103 = tpu.memref_slice %arg6[%dma_wait3A_101, %dma_wait3A_102] : memref<2x80xi32, #tpu.memory_space<vmem>> -> memref<1x80xi32, #tpu.memory_space<vmem>>
    %dma_wait3A_104 = tpu.memref_squeeze %dma_wait3A_103 : memref<1x80xi32, #tpu.memory_space<vmem>> -> memref<80xi32, #tpu.memory_space<vmem>>
    %dma_wait3A_105 = arith.constant 0 : i32
    %dma_wait3A_106 = arith.constant 0 : i32
    %dma_wait3A_107 = tpu.memref_slice %arg3[%dma_wait3A_105, %dma_wait3A_106] : memref<10000x16xf32, #tpu.memory_space<hbm>> -> memref<10000x16xf32, #tpu.memory_space<hbm>>
    tpu.wait_indirect_dma semaphore(%arg16 : memref<!tpu.dma_semaphore, #tpu.memory_space<semaphore_mem>>) src(%dma_wait3A_107 : memref<10000x16xf32, #tpu.memory_space<hbm>>) dst(%arg8 : memref<80x16xf32, #tpu.memory_space<vmem>>)
    %get3A = arith.constant 1 : i32
    %get3A_108 = arith.index_cast %get3A : i32 to index
    %get3A_109 = arith.constant 0 : index
    %get3A_110 = tpu.vector_load %arg6[%get3A_108, %get3A_109] {strides = array<i32>} : memref<2x80xi32, #tpu.memory_space<vmem>>, vector<1x16xi32>,
    %get3A_111 = vector.shape_cast %get3A_110 : vector<1x16xi32> to vector<16xi32>
    %swap3A = arith.constant 0 : index
    %swap3A_112 = tpu.vector_load %arg12[%swap3A] {strides = array<i32>} : memref<80xi32, #tpu.memory_space<vmem>>, vector<16xi32>,
    %swap3A_113 = vector.shape_cast %swap3A_112 : vector<16xi32> to vector<16xi32>
    %swap3A_114 = vector.shape_cast %get3A_111 : vector<16xi32> to vector<16xi32>
    tpu.vector_store %arg12[%swap3A], %swap3A_114 {strides = array<i32>} : memref<80xi32, #tpu.memory_space<vmem>>, vector<16xi32>,
    %get3A_115 = arith.constant 1 : i32
    %get3A_116 = arith.index_cast %get3A_115 : i32 to index
    %get3A_117 = arith.constant 16 : index
    %get3A_118 = tpu.vector_load %arg6[%get3A_116, %get3A_117] {strides = array<i32>} : memref<2x80xi32, #tpu.memory_space<vmem>>, vector<1x16xi32>,
    %get3A_119 = vector.shape_cast %get3A_118 : vector<1x16xi32> to vector<16xi32>
    %swap3A_120 = arith.constant 16 : index
    %swap3A_121 = tpu.vector_load %arg12[%swap3A_120] {strides = array<i32>} : memref<80xi32, #tpu.memory_space<vmem>>, vector<16xi32>,
    %swap3A_122 = vector.shape_cast %swap3A_121 : vector<16xi32> to vector<16xi32>
    %swap3A_123 = vector.shape_cast %get3A_119 : vector<16xi32> to vector<16xi32>
    tpu.vector_store %arg12[%swap3A_120], %swap3A_123 {strides = array<i32>} : memref<80xi32, #tpu.memory_space<vmem>>, vector<16xi32>,
    %get3A_124 = arith.constant 1 : i32
    %get3A_125 = arith.index_cast %get3A_124 : i32 to index
    %get3A_126 = arith.constant 32 : index
    %get3A_127 = tpu.vector_load %arg6[%get3A_125, %get3A_126] {strides = array<i32>} : memref<2x80xi32, #tpu.memory_space<vmem>>, vector<1x16xi32>,
    %get3A_128 = vector.shape_cast %get3A_127 : vector<1x16xi32> to vector<16xi32>
    %swap3A_129 = arith.constant 32 : index
    %swap3A_130 = tpu.vector_load %arg12[%swap3A_129] {strides = array<i32>} : memref<80xi32, #tpu.memory_space<vmem>>, vector<16xi32>,
    %swap3A_131 = vector.shape_cast %swap3A_130 : vector<16xi32> to vector<16xi32>
    %swap3A_132 = vector.shape_cast %get3A_128 : vector<16xi32> to vector<16xi32>
    tpu.vector_store %arg12[%swap3A_129], %swap3A_132 {strides = array<i32>} : memref<80xi32, #tpu.memory_space<vmem>>, vector<16xi32>,
    %get3A_133 = arith.constant 1 : i32
    %get3A_134 = arith.index_cast %get3A_133 : i32 to index
    %get3A_135 = arith.constant 48 : index
    %get3A_136 = tpu.vector_load %arg6[%get3A_134, %get3A_135] {strides = array<i32>} : memref<2x80xi32, #tpu.memory_space<vmem>>, vector<1x16xi32>,
    %get3A_137 = vector.shape_cast %get3A_136 : vector<1x16xi32> to vector<16xi32>
    %swap3A_138 = arith.constant 48 : index
    %swap3A_139 = tpu.vector_load %arg12[%swap3A_138] {strides = array<i32>} : memref<80xi32, #tpu.memory_space<vmem>>, vector<16xi32>,
    %swap3A_140 = vector.shape_cast %swap3A_139 : vector<16xi32> to vector<16xi32>
    %swap3A_141 = vector.shape_cast %get3A_137 : vector<16xi32> to vector<16xi32>
    tpu.vector_store %arg12[%swap3A_138], %swap3A_141 {strides = array<i32>} : memref<80xi32, #tpu.memory_space<vmem>>, vector<16xi32>,
    %get3A_142 = arith.constant 1 : i32
    %get3A_143 = arith.index_cast %get3A_142 : i32 to index
    %get3A_144 = arith.constant 64 : index
    %get3A_145 = tpu.vector_load %arg6[%get3A_143, %get3A_144] {strides = array<i32>} : memref<2x80xi32, #tpu.memory_space<vmem>>, vector<1x16xi32>,
    %get3A_146 = vector.shape_cast %get3A_145 : vector<1x16xi32> to vector<16xi32>
    %swap3A_147 = arith.constant 64 : index
    %swap3A_148 = tpu.vector_load %arg12[%swap3A_147] {strides = array<i32>} : memref<80xi32, #tpu.memory_space<vmem>>, vector<16xi32>,
    %swap3A_149 = vector.shape_cast %swap3A_148 : vector<16xi32> to vector<16xi32>
    %swap3A_150 = vector.shape_cast %get3A_146 : vector<16xi32> to vector<16xi32>
    tpu.vector_store %arg12[%swap3A_147], %swap3A_150 {strides = array<i32>} : memref<80xi32, #tpu.memory_space<vmem>>, vector<16xi32>,
    %add3A_151 = arith.constant 160 : i32
    %add3A_152 = arith.addi %mul3A_40, %add3A_151 : i32
    %dma_start3A_153 = arith.constant 0 : i32
    %dma_start3A_154 = tpu.memref_slice %arg4[%dma_start3A_153, %add3A_152] : memref<2x320000xi32, #tpu.memory_space<hbm>> -> memref<2x80xi32, #tpu.memory_space<hbm>>
    %dma_start3A_155 = arith.constant 0 : i32
    %dma_start3A_156 = tpu.memref_slice %arg4[%dma_start3A_155, %add3A_152] : memref<2x320000xi32, #tpu.memory_space<hbm>> -> memref<2x80xi32, #tpu.memory_space<hbm>>
    tpu.enqueue_dma source(%dma_start3A_156 : memref<2x80xi32, #tpu.memory_space<hbm>>) target(%arg6 : memref<2x80xi32, #tpu.memory_space<vmem>>) target_semaphore(%arg16 : memref<!tpu.dma_semaphore, #tpu.memory_space<semaphore_mem>>)
    %add3A_157 = arith.constant 80 : i32
    %add3A_158 = arith.addi %mul3A_40, %add3A_157 : i32
    %dma_wait3A_159 = arith.constant 0 : i32
    %dma_wait3A_160 = tpu.memref_slice %arg4[%dma_wait3A_159, %add3A_158] : memref<2x320000xi32, #tpu.memory_space<hbm>> -> memref<2x80xi32, #tpu.memory_space<hbm>>
    %dma_wait3A_161 = arith.constant 0 : i32
    %dma_wait3A_162 = tpu.memref_slice %arg4[%dma_wait3A_161, %add3A_158] : memref<2x320000xi32, #tpu.memory_space<hbm>> -> memref<2x80xi32, #tpu.memory_space<hbm>>
    tpu.wait_dma2 semaphore(%arg17 : memref<!tpu.dma_semaphore, #tpu.memory_space<semaphore_mem>>) src(%dma_wait3A_162 : memref<2x80xi32, #tpu.memory_space<hbm>>) dst(%arg9 : memref<2x80xi32, #tpu.memory_space<vmem>>)
    %dma_start3A_163 = arith.constant 0 : i32
    %dma_start3A_164 = arith.constant 0 : i32
    %dma_start3A_165 = tpu.memref_slice %arg9[%dma_start3A_163, %dma_start3A_164] : memref<2x80xi32, #tpu.memory_space<vmem>> -> memref<1x80xi32, #tpu.memory_space<vmem>>
    %dma_start3A_166 = tpu.memref_squeeze %dma_start3A_165 : memref<1x80xi32, #tpu.memory_space<vmem>> -> memref<80xi32, #tpu.memory_space<vmem>>
    %dma_start3A_167 = arith.constant 0 : i32
    %dma_start3A_168 = arith.constant 0 : i32
    %dma_start3A_169 = tpu.memref_slice %arg2[%dma_start3A_167, %dma_start3A_168] : memref<10000x144xf32, #tpu.memory_space<hbm>> -> memref<10000x144xf32, #tpu.memory_space<hbm>>
    tpu.enqueue_indirect_dma source(%dma_start3A_169 : memref<10000x144xf32, #tpu.memory_space<hbm>>) target(%arg10 : memref<80x144xf32, #tpu.memory_space<vmem>>) offsets(%dma_start3A_166 : memref<80xi32, #tpu.memory_space<vmem>>) semaphore(%arg17 : memref<!tpu.dma_semaphore, #tpu.memory_space<semaphore_mem>>)
    %dma_start3A_170 = arith.constant 1 : i32
    %dma_start3A_171 = arith.constant 0 : i32
    %dma_start3A_172 = tpu.memref_slice %arg9[%dma_start3A_170, %dma_start3A_171] : memref<2x80xi32, #tpu.memory_space<vmem>> -> memref<1x80xi32, #tpu.memory_space<vmem>>
    %dma_start3A_173 = tpu.memref_squeeze %dma_start3A_172 : memref<1x80xi32, #tpu.memory_space<vmem>> -> memref<80xi32, #tpu.memory_space<vmem>>
    %dma_start3A_174 = arith.constant 0 : i32
    %dma_start3A_175 = arith.constant 0 : i32
    %dma_start3A_176 = tpu.memref_slice %arg3[%dma_start3A_174, %dma_start3A_175] : memref<10000x16xf32, #tpu.memory_space<hbm>> -> memref<10000x16xf32, #tpu.memory_space<hbm>>
    tpu.enqueue_indirect_dma source(%dma_start3A_176 : memref<10000x16xf32, #tpu.memory_space<hbm>>) target(%arg11 : memref<80x16xf32, #tpu.memory_space<vmem>>) offsets(%dma_start3A_173 : memref<80xi32, #tpu.memory_space<vmem>>) semaphore(%arg17 : memref<!tpu.dma_semaphore, #tpu.memory_space<semaphore_mem>>)
    %parallel_loop3A = arith.constant 0 : i32
    %parallel_loop3A_177 = arith.constant 80 : i32
    %parallel_loop3A_178 = arith.constant 1 : i32
    scf.for %parallel_loop3A_346 = %parallel_loop3A to %parallel_loop3A_177 step %parallel_loop3A_178  : i32 {
      %parallel_loop3A_347 = arith.index_cast %parallel_loop3A_346 : i32 to index
      %parallel_loop3A_348 = arith.constant 128 : index
      %parallel_loop3A_349 = tpu.vector_load %arg7[%parallel_loop3A_347, %parallel_loop3A_348] {strides = array<i32>} : memref<80x144xf32, #tpu.memory_space<vmem>>, vector<1x16xf32>,
      %parallel_loop3A_350 = vector.shape_cast %parallel_loop3A_349 : vector<1x16xf32> to vector<16xf32>
      %parallel_loop3A_351 = arith.index_cast %parallel_loop3A_346 : i32 to index
      %parallel_loop3A_352 = arith.constant 0 : index
      %parallel_loop3A_353 = tpu.vector_load %arg8[%parallel_loop3A_351, %parallel_loop3A_352] {strides = array<i32>} : memref<80x16xf32, #tpu.memory_space<vmem>>, vector<1x16xf32>,
      %parallel_loop3A_354 = vector.shape_cast %parallel_loop3A_353 : vector<1x16xf32> to vector<16xf32>
      %parallel_loop3A_355 = arith.addf %parallel_loop3A_350, %parallel_loop3A_354 : vector<16xf32>
      %parallel_loop3A_356 = arith.constant 2.000000e-01 : f32
      %parallel_loop3A_357 = vector.broadcast %parallel_loop3A_356 : f32 to vector<16xf32>
      %parallel_loop3A_358 = arith.mulf %parallel_loop3A_357, %parallel_loop3A_355 : vector<16xf32>
      %parallel_loop3A_359 = arith.maximumf %parallel_loop3A_355, %parallel_loop3A_358 : vector<16xf32>
      %parallel_loop3A_360 = math.exp %parallel_loop3A_359 : vector<16xf32>
      %parallel_loop3A_361 = vector.shape_cast %xor3A_42 : vector<16xi32> to vector<16x1xi32>
      %parallel_loop3A_362 = vector.shape_cast %parallel_loop3A_361 : vector<16x1xi32> to vector<16xi32>
      %parallel_loop3A_363 = tpu.dynamic_gather %parallel_loop3A_360[%parallel_loop3A_362] in [0] : vector<16xf32>, vector<16xi32> -> vector<16xf32>
      %parallel_loop3A_364 = arith.addf %parallel_loop3A_360, %parallel_loop3A_363 : vector<16xf32>
      %parallel_loop3A_365 = vector.shape_cast %xor3A_45 : vector<16xi32> to vector<16x1xi32>
      %parallel_loop3A_366 = vector.shape_cast %parallel_loop3A_365 : vector<16x1xi32> to vector<16xi32>
      %parallel_loop3A_367 = tpu.dynamic_gather %parallel_loop3A_364[%parallel_loop3A_366] in [0] : vector<16xf32>, vector<16xi32> -> vector<16xf32>
      %parallel_loop3A_368 = arith.addf %parallel_loop3A_364, %parallel_loop3A_367 : vector<16xf32>
      %parallel_loop3A_369 = vector.shape_cast %xor3A_48 : vector<16xi32> to vector<16x1xi32>
      %parallel_loop3A_370 = vector.shape_cast %parallel_loop3A_369 : vector<16x1xi32> to vector<16xi32>
      %parallel_loop3A_371 = tpu.dynamic_gather %parallel_loop3A_368[%parallel_loop3A_370] in [0] : vector<16xf32>, vector<16xi32> -> vector<16xf32>
      %parallel_loop3A_372 = arith.addf %parallel_loop3A_368, %parallel_loop3A_371 : vector<16xf32>
      %parallel_loop3A_373 = arith.divf %parallel_loop3A_360, %parallel_loop3A_372 : vector<16xf32>
      %parallel_loop3A_374 = arith.index_cast %parallel_loop3A_346 : i32 to index
      %parallel_loop3A_375 = arith.constant 128 : index
      %parallel_loop3A_376 = tpu.vector_load %arg14[%parallel_loop3A_374, %parallel_loop3A_375] {strides = array<i32>} : memref<80x144xf32, #tpu.memory_space<vmem>>, vector<1x16xf32>,
      %parallel_loop3A_377 = vector.shape_cast %parallel_loop3A_376 : vector<1x16xf32> to vector<16xf32>
      %parallel_loop3A_378 = vector.shape_cast %parallel_loop3A_373 : vector<16xf32> to vector<1x16xf32>
      tpu.vector_store %arg14[%parallel_loop3A_374, %parallel_loop3A_375], %parallel_loop3A_378 {strides = array<i32>} : memref<80x144xf32, #tpu.memory_space<vmem>>, vector<1x16xf32>,
      %parallel_loop3A_379 = vector.shape_cast %broadcast_in_dim3A_49 : vector<16xi32> to vector<16x1xi32>
      %parallel_loop3A_380 = vector.shape_cast %parallel_loop3A_379 : vector<16x1xi32> to vector<16xi32>
      %parallel_loop3A_381 = tpu.dynamic_gather %parallel_loop3A_373[%parallel_loop3A_380] in [0] : vector<16xf32>, vector<16xi32> -> vector<16xf32>
      %parallel_loop3A_382 = arith.index_cast %parallel_loop3A_346 : i32 to index
      %parallel_loop3A_383 = arith.constant 0 : index
      %parallel_loop3A_384 = tpu.vector_load %arg7[%parallel_loop3A_382, %parallel_loop3A_383] {strides = array<i32>} : memref<80x144xf32, #tpu.memory_space<vmem>>, vector<1x16xf32>,
      %parallel_loop3A_385 = vector.shape_cast %parallel_loop3A_384 : vector<1x16xf32> to vector<16xf32>
      %parallel_loop3A_386 = arith.mulf %parallel_loop3A_385, %parallel_loop3A_381 : vector<16xf32>
      %parallel_loop3A_387 = arith.index_cast %parallel_loop3A_346 : i32 to index
      %parallel_loop3A_388 = arith.constant 0 : index
      %parallel_loop3A_389 = tpu.vector_load %arg14[%parallel_loop3A_387, %parallel_loop3A_388] {strides = array<i32>} : memref<80x144xf32, #tpu.memory_space<vmem>>, vector<1x16xf32>,
      %parallel_loop3A_390 = vector.shape_cast %parallel_loop3A_389 : vector<1x16xf32> to vector<16xf32>
      %parallel_loop3A_391 = vector.shape_cast %parallel_loop3A_386 : vector<16xf32> to vector<1x16xf32>
      tpu.vector_store %arg14[%parallel_loop3A_387, %parallel_loop3A_388], %parallel_loop3A_391 {strides = array<i32>} : memref<80x144xf32, #tpu.memory_space<vmem>>, vector<1x16xf32>,
      %parallel_loop3A_392 = vector.shape_cast %broadcast_in_dim3A_51 : vector<16xi32> to vector<16x1xi32>
      %parallel_loop3A_393 = vector.shape_cast %parallel_loop3A_392 : vector<16x1xi32> to vector<16xi32>
      %parallel_loop3A_394 = tpu.dynamic_gather %parallel_loop3A_373[%parallel_loop3A_393] in [0] : vector<16xf32>, vector<16xi32> -> vector<16xf32>
      %parallel_loop3A_395 = arith.index_cast %parallel_loop3A_346 : i32 to index
      %parallel_loop3A_396 = arith.constant 16 : index
      %parallel_loop3A_397 = tpu.vector_load %arg7[%parallel_loop3A_395, %parallel_loop3A_396] {strides = array<i32>} : memref<80x144xf32, #tpu.memory_space<vmem>>, vector<1x16xf32>,
      %parallel_loop3A_398 = vector.shape_cast %parallel_loop3A_397 : vector<1x16xf32> to vector<16xf32>
      %parallel_loop3A_399 = arith.mulf %parallel_loop3A_398, %parallel_loop3A_394 : vector<16xf32>
      %parallel_loop3A_400 = arith.index_cast %parallel_loop3A_346 : i32 to index
      %parallel_loop3A_401 = arith.constant 16 : index
      %parallel_loop3A_402 = tpu.vector_load %arg14[%parallel_loop3A_400, %parallel_loop3A_401] {strides = array<i32>} : memref<80x144xf32, #tpu.memory_space<vmem>>, vector<1x16xf32>,
      %parallel_loop3A_403 = vector.shape_cast %parallel_loop3A_402 : vector<1x16xf32> to vector<16xf32>
      %parallel_loop3A_404 = vector.shape_cast %parallel_loop3A_399 : vector<16xf32> to vector<1x16xf32>
      tpu.vector_store %arg14[%parallel_loop3A_400, %parallel_loop3A_401], %parallel_loop3A_404 {strides = array<i32>} : memref<80x144xf32, #tpu.memory_space<vmem>>, vector<1x16xf32>,
      %parallel_loop3A_405 = vector.shape_cast %broadcast_in_dim3A_53 : vector<16xi32> to vector<16x1xi32>
      %parallel_loop3A_406 = vector.shape_cast %parallel_loop3A_405 : vector<16x1xi32> to vector<16xi32>
      %parallel_loop3A_407 = tpu.dynamic_gather %parallel_loop3A_373[%parallel_loop3A_406] in [0] : vector<16xf32>, vector<16xi32> -> vector<16xf32>
      %parallel_loop3A_408 = arith.index_cast %parallel_loop3A_346 : i32 to index
      %parallel_loop3A_409 = arith.constant 32 : index
      %parallel_loop3A_410 = tpu.vector_load %arg7[%parallel_loop3A_408, %parallel_loop3A_409] {strides = array<i32>} : memref<80x144xf32, #tpu.memory_space<vmem>>, vector<1x16xf32>,
      %parallel_loop3A_411 = vector.shape_cast %parallel_loop3A_410 : vector<1x16xf32> to vector<16xf32>
      %parallel_loop3A_412 = arith.mulf %parallel_loop3A_411, %parallel_loop3A_407 : vector<16xf32>
      %parallel_loop3A_413 = arith.index_cast %parallel_loop3A_346 : i32 to index
      %parallel_loop3A_414 = arith.constant 32 : index
      %parallel_loop3A_415 = tpu.vector_load %arg14[%parallel_loop3A_413, %parallel_loop3A_414] {strides = array<i32>} : memref<80x144xf32, #tpu.memory_space<vmem>>, vector<1x16xf32>,
      %parallel_loop3A_416 = vector.shape_cast %parallel_loop3A_415 : vector<1x16xf32> to vector<16xf32>
      %parallel_loop3A_417 = vector.shape_cast %parallel_loop3A_412 : vector<16xf32> to vector<1x16xf32>
      tpu.vector_store %arg14[%parallel_loop3A_413, %parallel_loop3A_414], %parallel_loop3A_417 {strides = array<i32>} : memref<80x144xf32, #tpu.memory_space<vmem>>, vector<1x16xf32>,
      %parallel_loop3A_418 = vector.shape_cast %broadcast_in_dim3A_55 : vector<16xi32> to vector<16x1xi32>
      %parallel_loop3A_419 = vector.shape_cast %parallel_loop3A_418 : vector<16x1xi32> to vector<16xi32>
      %parallel_loop3A_420 = tpu.dynamic_gather %parallel_loop3A_373[%parallel_loop3A_419] in [0] : vector<16xf32>, vector<16xi32> -> vector<16xf32>
      %parallel_loop3A_421 = arith.index_cast %parallel_loop3A_346 : i32 to index
      %parallel_loop3A_422 = arith.constant 48 : index
      %parallel_loop3A_423 = tpu.vector_load %arg7[%parallel_loop3A_421, %parallel_loop3A_422] {strides = array<i32>} : memref<80x144xf32, #tpu.memory_space<vmem>>, vector<1x16xf32>,
      %parallel_loop3A_424 = vector.shape_cast %parallel_loop3A_423 : vector<1x16xf32> to vector<16xf32>
      %parallel_loop3A_425 = arith.mulf %parallel_loop3A_424, %parallel_loop3A_420 : vector<16xf32>
      %parallel_loop3A_426 = arith.index_cast %parallel_loop3A_346 : i32 to index
      %parallel_loop3A_427 = arith.constant 48 : index
      %parallel_loop3A_428 = tpu.vector_load %arg14[%parallel_loop3A_426, %parallel_loop3A_427] {strides = array<i32>} : memref<80x144xf32, #tpu.memory_space<vmem>>, vector<1x16xf32>,
      %parallel_loop3A_429 = vector.shape_cast %parallel_loop3A_428 : vector<1x16xf32> to vector<16xf32>
      %parallel_loop3A_430 = vector.shape_cast %parallel_loop3A_425 : vector<16xf32> to vector<1x16xf32>
      tpu.vector_store %arg14[%parallel_loop3A_426, %parallel_loop3A_427], %parallel_loop3A_430 {strides = array<i32>} : memref<80x144xf32, #tpu.memory_space<vmem>>, vector<1x16xf32>,
      %parallel_loop3A_431 = vector.shape_cast %broadcast_in_dim3A_57 : vector<16xi32> to vector<16x1xi32>
      %parallel_loop3A_432 = vector.shape_cast %parallel_loop3A_431 : vector<16x1xi32> to vector<16xi32>
      %parallel_loop3A_433 = tpu.dynamic_gather %parallel_loop3A_373[%parallel_loop3A_432] in [0] : vector<16xf32>, vector<16xi32> -> vector<16xf32>
      %parallel_loop3A_434 = arith.index_cast %parallel_loop3A_346 : i32 to index
      %parallel_loop3A_435 = arith.constant 64 : index
      %parallel_loop3A_436 = tpu.vector_load %arg7[%parallel_loop3A_434, %parallel_loop3A_435] {strides = array<i32>} : memref<80x144xf32, #tpu.memory_space<vmem>>, vector<1x16xf32>,
      %parallel_loop3A_437 = vector.shape_cast %parallel_loop3A_436 : vector<1x16xf32> to vector<16xf32>
      %parallel_loop3A_438 = arith.mulf %parallel_loop3A_437, %parallel_loop3A_433 : vector<16xf32>
      %parallel_loop3A_439 = arith.index_cast %parallel_loop3A_346 : i32 to index
      %parallel_loop3A_440 = arith.constant 64 : index
      %parallel_loop3A_441 = tpu.vector_load %arg14[%parallel_loop3A_439, %parallel_loop3A_440] {strides = array<i32>} : memref<80x144xf32, #tpu.memory_space<vmem>>, vector<1x16xf32>,
      %parallel_loop3A_442 = vector.shape_cast %parallel_loop3A_441 : vector<1x16xf32> to vector<16xf32>
      %parallel_loop3A_443 = vector.shape_cast %parallel_loop3A_438 : vector<16xf32> to vector<1x16xf32>
      tpu.vector_store %arg14[%parallel_loop3A_439, %parallel_loop3A_440], %parallel_loop3A_443 {strides = array<i32>} : memref<80x144xf32, #tpu.memory_space<vmem>>, vector<1x16xf32>,
      %parallel_loop3A_444 = vector.shape_cast %broadcast_in_dim3A_59 : vector<16xi32> to vector<16x1xi32>
      %parallel_loop3A_445 = vector.shape_cast %parallel_loop3A_444 : vector<16x1xi32> to vector<16xi32>
      %parallel_loop3A_446 = tpu.dynamic_gather %parallel_loop3A_373[%parallel_loop3A_445] in [0] : vector<16xf32>, vector<16xi32> -> vector<16xf32>
      %parallel_loop3A_447 = arith.index_cast %parallel_loop3A_346 : i32 to index
      %parallel_loop3A_448 = arith.constant 80 : index
      %parallel_loop3A_449 = tpu.vector_load %arg7[%parallel_loop3A_447, %parallel_loop3A_448] {strides = array<i32>} : memref<80x144xf32, #tpu.memory_space<vmem>>, vector<1x16xf32>,
      %parallel_loop3A_450 = vector.shape_cast %parallel_loop3A_449 : vector<1x16xf32> to vector<16xf32>
      %parallel_loop3A_451 = arith.mulf %parallel_loop3A_450, %parallel_loop3A_446 : vector<16xf32>
      %parallel_loop3A_452 = arith.index_cast %parallel_loop3A_346 : i32 to index
      %parallel_loop3A_453 = arith.constant 80 : index
      %parallel_loop3A_454 = tpu.vector_load %arg14[%parallel_loop3A_452, %parallel_loop3A_453] {strides = array<i32>} : memref<80x144xf32, #tpu.memory_space<vmem>>, vector<1x16xf32>,
      %parallel_loop3A_455 = vector.shape_cast %parallel_loop3A_454 : vector<1x16xf32> to vector<16xf32>
      %parallel_loop3A_456 = vector.shape_cast %parallel_loop3A_451 : vector<16xf32> to vector<1x16xf32>
      tpu.vector_store %arg14[%parallel_loop3A_452, %parallel_loop3A_453], %parallel_loop3A_456 {strides = array<i32>} : memref<80x144xf32, #tpu.memory_space<vmem>>, vector<1x16xf32>,
      %parallel_loop3A_457 = vector.shape_cast %broadcast_in_dim3A_61 : vector<16xi32> to vector<16x1xi32>
      %parallel_loop3A_458 = vector.shape_cast %parallel_loop3A_457 : vector<16x1xi32> to vector<16xi32>
      %parallel_loop3A_459 = tpu.dynamic_gather %parallel_loop3A_373[%parallel_loop3A_458] in [0] : vector<16xf32>, vector<16xi32> -> vector<16xf32>
      %parallel_loop3A_460 = arith.index_cast %parallel_loop3A_346 : i32 to index
      %parallel_loop3A_461 = arith.constant 96 : index
      %parallel_loop3A_462 = tpu.vector_load %arg7[%parallel_loop3A_460, %parallel_loop3A_461] {strides = array<i32>} : memref<80x144xf32, #tpu.memory_space<vmem>>, vector<1x16xf32>,
      %parallel_loop3A_463 = vector.shape_cast %parallel_loop3A_462 : vector<1x16xf32> to vector<16xf32>
      %parallel_loop3A_464 = arith.mulf %parallel_loop3A_463, %parallel_loop3A_459 : vector<16xf32>
      %parallel_loop3A_465 = arith.index_cast %parallel_loop3A_346 : i32 to index
      %parallel_loop3A_466 = arith.constant 96 : index
      %parallel_loop3A_467 = tpu.vector_load %arg14[%parallel_loop3A_465, %parallel_loop3A_466] {strides = array<i32>} : memref<80x144xf32, #tpu.memory_space<vmem>>, vector<1x16xf32>,
      %parallel_loop3A_468 = vector.shape_cast %parallel_loop3A_467 : vector<1x16xf32> to vector<16xf32>
      %parallel_loop3A_469 = vector.shape_cast %parallel_loop3A_464 : vector<16xf32> to vector<1x16xf32>
      tpu.vector_store %arg14[%parallel_loop3A_465, %parallel_loop3A_466], %parallel_loop3A_469 {strides = array<i32>} : memref<80x144xf32, #tpu.memory_space<vmem>>, vector<1x16xf32>,
      %parallel_loop3A_470 = vector.shape_cast %broadcast_in_dim3A_63 : vector<16xi32> to vector<16x1xi32>
      %parallel_loop3A_471 = vector.shape_cast %parallel_loop3A_470 : vector<16x1xi32> to vector<16xi32>
      %parallel_loop3A_472 = tpu.dynamic_gather %parallel_loop3A_373[%parallel_loop3A_471] in [0] : vector<16xf32>, vector<16xi32> -> vector<16xf32>
      %parallel_loop3A_473 = arith.index_cast %parallel_loop3A_346 : i32 to index
      %parallel_loop3A_474 = arith.constant 112 : index
      %parallel_loop3A_475 = tpu.vector_load %arg7[%parallel_loop3A_473, %parallel_loop3A_474] {strides = array<i32>} : memref<80x144xf32, #tpu.memory_space<vmem>>, vector<1x16xf32>,
      %parallel_loop3A_476 = vector.shape_cast %parallel_loop3A_475 : vector<1x16xf32> to vector<16xf32>
      %parallel_loop3A_477 = arith.mulf %parallel_loop3A_476, %parallel_loop3A_472 : vector<16xf32>
      %parallel_loop3A_478 = arith.index_cast %parallel_loop3A_346 : i32 to index
      %parallel_loop3A_479 = arith.constant 112 : index
      %parallel_loop3A_480 = tpu.vector_load %arg14[%parallel_loop3A_478, %parallel_loop3A_479] {strides = array<i32>} : memref<80x144xf32, #tpu.memory_space<vmem>>, vector<1x16xf32>,
      %parallel_loop3A_481 = vector.shape_cast %parallel_loop3A_480 : vector<1x16xf32> to vector<16xf32>
      %parallel_loop3A_482 = vector.shape_cast %parallel_loop3A_477 : vector<16xf32> to vector<1x16xf32>
      tpu.vector_store %arg14[%parallel_loop3A_478, %parallel_loop3A_479], %parallel_loop3A_482 {strides = array<i32>} : memref<80x144xf32, #tpu.memory_space<vmem>>, vector<1x16xf32>,
    } {sc.loop_unroll_factor = 2 : i64, sc.parallel_access}
    %dma_start3A_179 = arith.constant 0 : i32
    %dma_start3A_180 = arith.constant 0 : i32
    %dma_start3A_181 = tpu.memref_slice %arg15[%dma_start3A_179, %dma_start3A_180] : memref<10112x144xf32, #tpu.memory_space<vmem_shared>> -> memref<10112x144xf32, #tpu.memory_space<vmem_shared>>
    tpu.enqueue_indirect_dma source(%arg14 : memref<80x144xf32, #tpu.memory_space<vmem>>) target(%dma_start3A_181 : memref<10112x144xf32, #tpu.memory_space<vmem_shared>>) offsets(%arg12 : memref<80xi32, #tpu.memory_space<vmem>>) semaphore(%arg18 : memref<!tpu.dma_semaphore, #tpu.memory_space<semaphore_mem>>) {add = true}
    %scan3A_182 = arith.constant 0 : i32
    %scan3A_183 = arith.constant 0 : i32
    %scan3A_184 = arith.constant 61 : i32
    %scan3A_185 = arith.addi %scan3A_183, %scan3A_184 : i32
    %scan3A_186 = arith.constant 1 : i32
    scf.for %scan3A_346 = %scan3A_183 to %scan3A_185 step %scan3A_186  : i32 {
      %mul3A_347 = arith.constant 2 : i32
      %mul3A_348 = arith.muli %mul3A_347, %scan3A_346 : i32
      %add3A_349 = arith.constant 1 : i32
      %add3A_350 = arith.addi %mul3A_348, %add3A_349 : i32
      %add3A_351 = arith.constant 1 : i32
      %add3A_352 = arith.addi %add3A_350, %add3A_351 : i32
      %mul3A_353 = arith.constant 80 : i32
      %mul3A_354 = arith.muli %add3A_352, %mul3A_353 : i32
      %add3A_355 = arith.addi %mul3A_40, %mul3A_354 : i32
      %dma_wait3A_356 = arith.constant 0 : i32
      %dma_wait3A_357 = tpu.memref_slice %arg4[%dma_wait3A_356, %add3A_355] : memref<2x320000xi32, #tpu.memory_space<hbm>> -> memref<2x80xi32, #tpu.memory_space<hbm>>
      %dma_wait3A_358 = arith.constant 0 : i32
      %dma_wait3A_359 = tpu.memref_slice %arg4[%dma_wait3A_358, %add3A_355] : memref<2x320000xi32, #tpu.memory_space<hbm>> -> memref<2x80xi32, #tpu.memory_space<hbm>>
      tpu.wait_dma2 semaphore(%arg16 : memref<!tpu.dma_semaphore, #tpu.memory_space<semaphore_mem>>) src(%dma_wait3A_359 : memref<2x80xi32, #tpu.memory_space<hbm>>) dst(%arg6 : memref<2x80xi32, #tpu.memory_space<vmem>>)
      %dma_start3A_360 = arith.constant 0 : i32
      %dma_start3A_361 = arith.constant 0 : i32
      %dma_start3A_362 = tpu.memref_slice %arg6[%dma_start3A_360, %dma_start3A_361] : memref<2x80xi32, #tpu.memory_space<vmem>> -> memref<1x80xi32, #tpu.memory_space<vmem>>
      %dma_start3A_363 = tpu.memref_squeeze %dma_start3A_362 : memref<1x80xi32, #tpu.memory_space<vmem>> -> memref<80xi32, #tpu.memory_space<vmem>>
      %dma_start3A_364 = arith.constant 0 : i32
      %dma_start3A_365 = arith.constant 0 : i32
      %dma_start3A_366 = tpu.memref_slice %arg2[%dma_start3A_364, %dma_start3A_365] : memref<10000x144xf32, #tpu.memory_space<hbm>> -> memref<10000x144xf32, #tpu.memory_space<hbm>>
      tpu.enqueue_indirect_dma source(%dma_start3A_366 : memref<10000x144xf32, #tpu.memory_space<hbm>>) target(%arg7 : memref<80x144xf32, #tpu.memory_space<vmem>>) offsets(%dma_start3A_363 : memref<80xi32, #tpu.memory_space<vmem>>) semaphore(%arg16 : memref<!tpu.dma_semaphore, #tpu.memory_space<semaphore_mem>>)
      %dma_start3A_367 = arith.constant 1 : i32
      %dma_start3A_368 = arith.constant 0 : i32
      %dma_start3A_369 = tpu.memref_slice %arg6[%dma_start3A_367, %dma_start3A_368] : memref<2x80xi32, #tpu.memory_space<vmem>> -> memref<1x80xi32, #tpu.memory_space<vmem>>
      %dma_start3A_370 = tpu.memref_squeeze %dma_start3A_369 : memref<1x80xi32, #tpu.memory_space<vmem>> -> memref<80xi32, #tpu.memory_space<vmem>>
      %dma_start3A_371 = arith.constant 0 : i32
      %dma_start3A_372 = arith.constant 0 : i32
      %dma_start3A_373 = tpu.memref_slice %arg3[%dma_start3A_371, %dma_start3A_372] : memref<10000x16xf32, #tpu.memory_space<hbm>> -> memref<10000x16xf32, #tpu.memory_space<hbm>>
      tpu.enqueue_indirect_dma source(%dma_start3A_373 : memref<10000x16xf32, #tpu.memory_space<hbm>>) target(%arg8 : memref<80x16xf32, #tpu.memory_space<vmem>>) offsets(%dma_start3A_370 : memref<80xi32, #tpu.memory_space<vmem>>) semaphore(%arg16 : memref<!tpu.dma_semaphore, #tpu.memory_space<semaphore_mem>>)
      %dma_wait3A_374 = arith.constant 0 : i32
      %dma_wait3A_375 = arith.constant 0 : i32
      %dma_wait3A_376 = tpu.memref_slice %arg9[%dma_wait3A_374, %dma_wait3A_375] : memref<2x80xi32, #tpu.memory_space<vmem>> -> memref<1x80xi32, #tpu.memory_space<vmem>>
      %dma_wait3A_377 = tpu.memref_squeeze %dma_wait3A_376 : memref<1x80xi32, #tpu.memory_space<vmem>> -> memref<80xi32, #tpu.memory_space<vmem>>
      %dma_wait3A_378 = arith.constant 0 : i32
      %dma_wait3A_379 = arith.constant 0 : i32
      %dma_wait3A_380 = tpu.memref_slice %arg2[%dma_wait3A_378, %dma_wait3A_379] : memref<10000x144xf32, #tpu.memory_space<hbm>> -> memref<10000x144xf32, #tpu.memory_space<hbm>>
      tpu.wait_indirect_dma semaphore(%arg17 : memref<!tpu.dma_semaphore, #tpu.memory_space<semaphore_mem>>) src(%dma_wait3A_380 : memref<10000x144xf32, #tpu.memory_space<hbm>>) dst(%arg10 : memref<80x144xf32, #tpu.memory_space<vmem>>)
      %dma_wait3A_381 = arith.constant 1 : i32
      %dma_wait3A_382 = arith.constant 0 : i32
      %dma_wait3A_383 = tpu.memref_slice %arg9[%dma_wait3A_381, %dma_wait3A_382] : memref<2x80xi32, #tpu.memory_space<vmem>> -> memref<1x80xi32, #tpu.memory_space<vmem>>
      %dma_wait3A_384 = tpu.memref_squeeze %dma_wait3A_383 : memref<1x80xi32, #tpu.memory_space<vmem>> -> memref<80xi32, #tpu.memory_space<vmem>>
      %dma_wait3A_385 = arith.constant 0 : i32
      %dma_wait3A_386 = arith.constant 0 : i32
      %dma_wait3A_387 = tpu.memref_slice %arg3[%dma_wait3A_385, %dma_wait3A_386] : memref<10000x16xf32, #tpu.memory_space<hbm>> -> memref<10000x16xf32, #tpu.memory_space<hbm>>
      tpu.wait_indirect_dma semaphore(%arg17 : memref<!tpu.dma_semaphore, #tpu.memory_space<semaphore_mem>>) src(%dma_wait3A_387 : memref<10000x16xf32, #tpu.memory_space<hbm>>) dst(%arg11 : memref<80x16xf32, #tpu.memory_space<vmem>>)
      %get3A_388 = arith.constant 1 : i32
      %get3A_389 = arith.index_cast %get3A_388 : i32 to index
      %get3A_390 = arith.constant 0 : index
      %get3A_391 = tpu.vector_load %arg9[%get3A_389, %get3A_390] {strides = array<i32>} : memref<2x80xi32, #tpu.memory_space<vmem>>, vector<1x16xi32>,
      %get3A_392 = vector.shape_cast %get3A_391 : vector<1x16xi32> to vector<16xi32>
      %swap3A_393 = arith.constant 0 : index
      %swap3A_394 = tpu.vector_load %arg13[%swap3A_393] {strides = array<i32>} : memref<80xi32, #tpu.memory_space<vmem>>, vector<16xi32>,
      %swap3A_395 = vector.shape_cast %swap3A_394 : vector<16xi32> to vector<16xi32>
      %swap3A_396 = vector.shape_cast %get3A_392 : vector<16xi32> to vector<16xi32>
      tpu.vector_store %arg13[%swap3A_393], %swap3A_396 {strides = array<i32>} : memref<80xi32, #tpu.memory_space<vmem>>, vector<16xi32>,
      %get3A_397 = arith.constant 1 : i32
      %get3A_398 = arith.index_cast %get3A_397 : i32 to index
      %get3A_399 = arith.constant 16 : index
      %get3A_400 = tpu.vector_load %arg9[%get3A_398, %get3A_399] {strides = array<i32>} : memref<2x80xi32, #tpu.memory_space<vmem>>, vector<1x16xi32>,
      %get3A_401 = vector.shape_cast %get3A_400 : vector<1x16xi32> to vector<16xi32>
      %swap3A_402 = arith.constant 16 : index
      %swap3A_403 = tpu.vector_load %arg13[%swap3A_402] {strides = array<i32>} : memref<80xi32, #tpu.memory_space<vmem>>, vector<16xi32>,
      %swap3A_404 = vector.shape_cast %swap3A_403 : vector<16xi32> to vector<16xi32>
      %swap3A_405 = vector.shape_cast %get3A_401 : vector<16xi32> to vector<16xi32>
      tpu.vector_store %arg13[%swap3A_402], %swap3A_405 {strides = array<i32>} : memref<80xi32, #tpu.memory_space<vmem>>, vector<16xi32>,
      %get3A_406 = arith.constant 1 : i32
      %get3A_407 = arith.index_cast %get3A_406 : i32 to index
      %get3A_408 = arith.constant 32 : index
      %get3A_409 = tpu.vector_load %arg9[%get3A_407, %get3A_408] {strides = array<i32>} : memref<2x80xi32, #tpu.memory_space<vmem>>, vector<1x16xi32>,
      %get3A_410 = vector.shape_cast %get3A_409 : vector<1x16xi32> to vector<16xi32>
      %swap3A_411 = arith.constant 32 : index
      %swap3A_412 = tpu.vector_load %arg13[%swap3A_411] {strides = array<i32>} : memref<80xi32, #tpu.memory_space<vmem>>, vector<16xi32>,
      %swap3A_413 = vector.shape_cast %swap3A_412 : vector<16xi32> to vector<16xi32>
      %swap3A_414 = vector.shape_cast %get3A_410 : vector<16xi32> to vector<16xi32>
      tpu.vector_store %arg13[%swap3A_411], %swap3A_414 {strides = array<i32>} : memref<80xi32, #tpu.memory_space<vmem>>, vector<16xi32>,
      %get3A_415 = arith.constant 1 : i32
      %get3A_416 = arith.index_cast %get3A_415 : i32 to index
      %get3A_417 = arith.constant 48 : index
      %get3A_418 = tpu.vector_load %arg9[%get3A_416, %get3A_417] {strides = array<i32>} : memref<2x80xi32, #tpu.memory_space<vmem>>, vector<1x16xi32>,
      %get3A_419 = vector.shape_cast %get3A_418 : vector<1x16xi32> to vector<16xi32>
      %swap3A_420 = arith.constant 48 : index
      %swap3A_421 = tpu.vector_load %arg13[%swap3A_420] {strides = array<i32>} : memref<80xi32, #tpu.memory_space<vmem>>, vector<16xi32>,
      %swap3A_422 = vector.shape_cast %swap3A_421 : vector<16xi32> to vector<16xi32>
      %swap3A_423 = vector.shape_cast %get3A_419 : vector<16xi32> to vector<16xi32>
      tpu.vector_store %arg13[%swap3A_420], %swap3A_423 {strides = array<i32>} : memref<80xi32, #tpu.memory_space<vmem>>, vector<16xi32>,
      %get3A_424 = arith.constant 1 : i32
      %get3A_425 = arith.index_cast %get3A_424 : i32 to index
      %get3A_426 = arith.constant 64 : index
      %get3A_427 = tpu.vector_load %arg9[%get3A_425, %get3A_426] {strides = array<i32>} : memref<2x80xi32, #tpu.memory_space<vmem>>, vector<1x16xi32>,
      %get3A_428 = vector.shape_cast %get3A_427 : vector<1x16xi32> to vector<16xi32>
      %swap3A_429 = arith.constant 64 : index
      %swap3A_430 = tpu.vector_load %arg13[%swap3A_429] {strides = array<i32>} : memref<80xi32, #tpu.memory_space<vmem>>, vector<16xi32>,
      %swap3A_431 = vector.shape_cast %swap3A_430 : vector<16xi32> to vector<16xi32>
      %swap3A_432 = vector.shape_cast %get3A_428 : vector<16xi32> to vector<16xi32>
      tpu.vector_store %arg13[%swap3A_429], %swap3A_432 {strides = array<i32>} : memref<80xi32, #tpu.memory_space<vmem>>, vector<16xi32>,
      %add3A_433 = arith.constant 2 : i32
      %add3A_434 = arith.addi %add3A_350, %add3A_433 : i32
      %mul3A_435 = arith.constant 80 : i32
      %mul3A_436 = arith.muli %add3A_434, %mul3A_435 : i32
      %add3A_437 = arith.addi %mul3A_40, %mul3A_436 : i32
      %dma_start3A_438 = arith.constant 0 : i32
      %dma_start3A_439 = tpu.memref_slice %arg4[%dma_start3A_438, %add3A_437] : memref<2x320000xi32, #tpu.memory_space<hbm>> -> memref<2x80xi32, #tpu.memory_space<hbm>>
      %dma_start3A_440 = arith.constant 0 : i32
      %dma_start3A_441 = tpu.memref_slice %arg4[%dma_start3A_440, %add3A_437] : memref<2x320000xi32, #tpu.memory_space<hbm>> -> memref<2x80xi32, #tpu.memory_space<hbm>>
      tpu.enqueue_dma source(%dma_start3A_441 : memref<2x80xi32, #tpu.memory_space<hbm>>) target(%arg9 : memref<2x80xi32, #tpu.memory_space<vmem>>) target_semaphore(%arg17 : memref<!tpu.dma_semaphore, #tpu.memory_space<semaphore_mem>>)
      %dma_wait3A_442 = arith.constant 0 : i32
      %dma_wait3A_443 = arith.constant 0 : i32
      %dma_wait3A_444 = tpu.memref_slice %arg15[%dma_wait3A_442, %dma_wait3A_443] : memref<10112x144xf32, #tpu.memory_space<vmem_shared>> -> memref<10112x144xf32, #tpu.memory_space<vmem_shared>>
      tpu.wait_indirect_dma semaphore(%arg18 : memref<!tpu.dma_semaphore, #tpu.memory_space<semaphore_mem>>) src(%arg14 : memref<80x144xf32, #tpu.memory_space<vmem>>) dst(%dma_wait3A_444 : memref<10112x144xf32, #tpu.memory_space<vmem_shared>>)
      %parallel_loop3A_445 = arith.constant 0 : i32
      %parallel_loop3A_446 = arith.constant 80 : i32
      %parallel_loop3A_447 = arith.constant 1 : i32
      scf.for %parallel_loop3A_553 = %parallel_loop3A_445 to %parallel_loop3A_446 step %parallel_loop3A_447  : i32 {
        %parallel_loop3A_554 = arith.index_cast %parallel_loop3A_553 : i32 to index
        %parallel_loop3A_555 = arith.constant 128 : index
        %parallel_loop3A_556 = tpu.vector_load %arg10[%parallel_loop3A_554, %parallel_loop3A_555] {strides = array<i32>} : memref<80x144xf32, #tpu.memory_space<vmem>>, vector<1x16xf32>,
        %parallel_loop3A_557 = vector.shape_cast %parallel_loop3A_556 : vector<1x16xf32> to vector<16xf32>
        %parallel_loop3A_558 = arith.index_cast %parallel_loop3A_553 : i32 to index
        %parallel_loop3A_559 = arith.constant 0 : index
        %parallel_loop3A_560 = tpu.vector_load %arg11[%parallel_loop3A_558, %parallel_loop3A_559] {strides = array<i32>} : memref<80x16xf32, #tpu.memory_space<vmem>>, vector<1x16xf32>,
        %parallel_loop3A_561 = vector.shape_cast %parallel_loop3A_560 : vector<1x16xf32> to vector<16xf32>
        %parallel_loop3A_562 = arith.addf %parallel_loop3A_557, %parallel_loop3A_561 : vector<16xf32>
        %parallel_loop3A_563 = arith.constant 2.000000e-01 : f32
        %parallel_loop3A_564 = vector.broadcast %parallel_loop3A_563 : f32 to vector<16xf32>
        %parallel_loop3A_565 = arith.mulf %parallel_loop3A_564, %parallel_loop3A_562 : vector<16xf32>
        %parallel_loop3A_566 = arith.maximumf %parallel_loop3A_562, %parallel_loop3A_565 : vector<16xf32>
        %parallel_loop3A_567 = math.exp %parallel_loop3A_566 : vector<16xf32>
        %parallel_loop3A_568 = vector.shape_cast %xor3A_42 : vector<16xi32> to vector<16x1xi32>
        %parallel_loop3A_569 = vector.shape_cast %parallel_loop3A_568 : vector<16x1xi32> to vector<16xi32>
        %parallel_loop3A_570 = tpu.dynamic_gather %parallel_loop3A_567[%parallel_loop3A_569] in [0] : vector<16xf32>, vector<16xi32> -> vector<16xf32>
        %parallel_loop3A_571 = arith.addf %parallel_loop3A_567, %parallel_loop3A_570 : vector<16xf32>
        %parallel_loop3A_572 = vector.shape_cast %xor3A_45 : vector<16xi32> to vector<16x1xi32>
        %parallel_loop3A_573 = vector.shape_cast %parallel_loop3A_572 : vector<16x1xi32> to vector<16xi32>
        %parallel_loop3A_574 = tpu.dynamic_gather %parallel_loop3A_571[%parallel_loop3A_573] in [0] : vector<16xf32>, vector<16xi32> -> vector<16xf32>
        %parallel_loop3A_575 = arith.addf %parallel_loop3A_571, %parallel_loop3A_574 : vector<16xf32>
        %parallel_loop3A_576 = vector.shape_cast %xor3A_48 : vector<16xi32> to vector<16x1xi32>
        %parallel_loop3A_577 = vector.shape_cast %parallel_loop3A_576 : vector<16x1xi32> to vector<16xi32>
        %parallel_loop3A_578 = tpu.dynamic_gather %parallel_loop3A_575[%parallel_loop3A_577] in [0] : vector<16xf32>, vector<16xi32> -> vector<16xf32>
        %parallel_loop3A_579 = arith.addf %parallel_loop3A_575, %parallel_loop3A_578 : vector<16xf32>
        %parallel_loop3A_580 = arith.divf %parallel_loop3A_567, %parallel_loop3A_579 : vector<16xf32>
        %parallel_loop3A_581 = arith.index_cast %parallel_loop3A_553 : i32 to index
        %parallel_loop3A_582 = arith.constant 128 : index
        %parallel_loop3A_583 = tpu.vector_load %arg14[%parallel_loop3A_581, %parallel_loop3A_582] {strides = array<i32>} : memref<80x144xf32, #tpu.memory_space<vmem>>, vector<1x16xf32>,
        %parallel_loop3A_584 = vector.shape_cast %parallel_loop3A_583 : vector<1x16xf32> to vector<16xf32>
        %parallel_loop3A_585 = vector.shape_cast %parallel_loop3A_580 : vector<16xf32> to vector<1x16xf32>
        tpu.vector_store %arg14[%parallel_loop3A_581, %parallel_loop3A_582], %parallel_loop3A_585 {strides = array<i32>} : memref<80x144xf32, #tpu.memory_space<vmem>>, vector<1x16xf32>,
        %parallel_loop3A_586 = vector.shape_cast %broadcast_in_dim3A_49 : vector<16xi32> to vector<16x1xi32>
        %parallel_loop3A_587 = vector.shape_cast %parallel_loop3A_586 : vector<16x1xi32> to vector<16xi32>
        %parallel_loop3A_588 = tpu.dynamic_gather %parallel_loop3A_580[%parallel_loop3A_587] in [0] : vector<16xf32>, vector<16xi32> -> vector<16xf32>
        %parallel_loop3A_589 = arith.index_cast %parallel_loop3A_553 : i32 to index
        %parallel_loop3A_590 = arith.constant 0 : index
        %parallel_loop3A_591 = tpu.vector_load %arg10[%parallel_loop3A_589, %parallel_loop3A_590] {strides = array<i32>} : memref<80x144xf32, #tpu.memory_space<vmem>>, vector<1x16xf32>,
        %parallel_loop3A_592 = vector.shape_cast %parallel_loop3A_591 : vector<1x16xf32> to vector<16xf32>
        %parallel_loop3A_593 = arith.mulf %parallel_loop3A_592, %parallel_loop3A_588 : vector<16xf32>
        %parallel_loop3A_594 = arith.index_cast %parallel_loop3A_553 : i32 to index
        %parallel_loop3A_595 = arith.constant 0 : index
        %parallel_loop3A_596 = tpu.vector_load %arg14[%parallel_loop3A_594, %parallel_loop3A_595] {strides = array<i32>} : memref<80x144xf32, #tpu.memory_space<vmem>>, vector<1x16xf32>,
        %parallel_loop3A_597 = vector.shape_cast %parallel_loop3A_596 : vector<1x16xf32> to vector<16xf32>
        %parallel_loop3A_598 = vector.shape_cast %parallel_loop3A_593 : vector<16xf32> to vector<1x16xf32>
        tpu.vector_store %arg14[%parallel_loop3A_594, %parallel_loop3A_595], %parallel_loop3A_598 {strides = array<i32>} : memref<80x144xf32, #tpu.memory_space<vmem>>, vector<1x16xf32>,
        %parallel_loop3A_599 = vector.shape_cast %broadcast_in_dim3A_51 : vector<16xi32> to vector<16x1xi32>
        %parallel_loop3A_600 = vector.shape_cast %parallel_loop3A_599 : vector<16x1xi32> to vector<16xi32>
        %parallel_loop3A_601 = tpu.dynamic_gather %parallel_loop3A_580[%parallel_loop3A_600] in [0] : vector<16xf32>, vector<16xi32> -> vector<16xf32>
        %parallel_loop3A_602 = arith.index_cast %parallel_loop3A_553 : i32 to index
        %parallel_loop3A_603 = arith.constant 16 : index
        %parallel_loop3A_604 = tpu.vector_load %arg10[%parallel_loop3A_602, %parallel_loop3A_603] {strides = array<i32>} : memref<80x144xf32, #tpu.memory_space<vmem>>, vector<1x16xf32>,
        %parallel_loop3A_605 = vector.shape_cast %parallel_loop3A_604 : vector<1x16xf32> to vector<16xf32>
        %parallel_loop3A_606 = arith.mulf %parallel_loop3A_605, %parallel_loop3A_601 : vector<16xf32>
        %parallel_loop3A_607 = arith.index_cast %parallel_loop3A_553 : i32 to index
        %parallel_loop3A_608 = arith.constant 16 : index
        %parallel_loop3A_609 = tpu.vector_load %arg14[%parallel_loop3A_607, %parallel_loop3A_608] {strides = array<i32>} : memref<80x144xf32, #tpu.memory_space<vmem>>, vector<1x16xf32>,
        %parallel_loop3A_610 = vector.shape_cast %parallel_loop3A_609 : vector<1x16xf32> to vector<16xf32>
        %parallel_loop3A_611 = vector.shape_cast %parallel_loop3A_606 : vector<16xf32> to vector<1x16xf32>
        tpu.vector_store %arg14[%parallel_loop3A_607, %parallel_loop3A_608], %parallel_loop3A_611 {strides = array<i32>} : memref<80x144xf32, #tpu.memory_space<vmem>>, vector<1x16xf32>,
        %parallel_loop3A_612 = vector.shape_cast %broadcast_in_dim3A_53 : vector<16xi32> to vector<16x1xi32>
        %parallel_loop3A_613 = vector.shape_cast %parallel_loop3A_612 : vector<16x1xi32> to vector<16xi32>
        %parallel_loop3A_614 = tpu.dynamic_gather %parallel_loop3A_580[%parallel_loop3A_613] in [0] : vector<16xf32>, vector<16xi32> -> vector<16xf32>
        %parallel_loop3A_615 = arith.index_cast %parallel_loop3A_553 : i32 to index
        %parallel_loop3A_616 = arith.constant 32 : index
        %parallel_loop3A_617 = tpu.vector_load %arg10[%parallel_loop3A_615, %parallel_loop3A_616] {strides = array<i32>} : memref<80x144xf32, #tpu.memory_space<vmem>>, vector<1x16xf32>,
        %parallel_loop3A_618 = vector.shape_cast %parallel_loop3A_617 : vector<1x16xf32> to vector<16xf32>
        %parallel_loop3A_619 = arith.mulf %parallel_loop3A_618, %parallel_loop3A_614 : vector<16xf32>
        %parallel_loop3A_620 = arith.index_cast %parallel_loop3A_553 : i32 to index
        %parallel_loop3A_621 = arith.constant 32 : index
        %parallel_loop3A_622 = tpu.vector_load %arg14[%parallel_loop3A_620, %parallel_loop3A_621] {strides = array<i32>} : memref<80x144xf32, #tpu.memory_space<vmem>>, vector<1x16xf32>,
        %parallel_loop3A_623 = vector.shape_cast %parallel_loop3A_622 : vector<1x16xf32> to vector<16xf32>
        %parallel_loop3A_624 = vector.shape_cast %parallel_loop3A_619 : vector<16xf32> to vector<1x16xf32>
        tpu.vector_store %arg14[%parallel_loop3A_620, %parallel_loop3A_621], %parallel_loop3A_624 {strides = array<i32>} : memref<80x144xf32, #tpu.memory_space<vmem>>, vector<1x16xf32>,
        %parallel_loop3A_625 = vector.shape_cast %broadcast_in_dim3A_55 : vector<16xi32> to vector<16x1xi32>
        %parallel_loop3A_626 = vector.shape_cast %parallel_loop3A_625 : vector<16x1xi32> to vector<16xi32>
        %parallel_loop3A_627 = tpu.dynamic_gather %parallel_loop3A_580[%parallel_loop3A_626] in [0] : vector<16xf32>, vector<16xi32> -> vector<16xf32>
        %parallel_loop3A_628 = arith.index_cast %parallel_loop3A_553 : i32 to index
        %parallel_loop3A_629 = arith.constant 48 : index
        %parallel_loop3A_630 = tpu.vector_load %arg10[%parallel_loop3A_628, %parallel_loop3A_629] {strides = array<i32>} : memref<80x144xf32, #tpu.memory_space<vmem>>, vector<1x16xf32>,
        %parallel_loop3A_631 = vector.shape_cast %parallel_loop3A_630 : vector<1x16xf32> to vector<16xf32>
        %parallel_loop3A_632 = arith.mulf %parallel_loop3A_631, %parallel_loop3A_627 : vector<16xf32>
        %parallel_loop3A_633 = arith.index_cast %parallel_loop3A_553 : i32 to index
        %parallel_loop3A_634 = arith.constant 48 : index
        %parallel_loop3A_635 = tpu.vector_load %arg14[%parallel_loop3A_633, %parallel_loop3A_634] {strides = array<i32>} : memref<80x144xf32, #tpu.memory_space<vmem>>, vector<1x16xf32>,
        %parallel_loop3A_636 = vector.shape_cast %parallel_loop3A_635 : vector<1x16xf32> to vector<16xf32>
        %parallel_loop3A_637 = vector.shape_cast %parallel_loop3A_632 : vector<16xf32> to vector<1x16xf32>
        tpu.vector_store %arg14[%parallel_loop3A_633, %parallel_loop3A_634], %parallel_loop3A_637 {strides = array<i32>} : memref<80x144xf32, #tpu.memory_space<vmem>>, vector<1x16xf32>,
        %parallel_loop3A_638 = vector.shape_cast %broadcast_in_dim3A_57 : vector<16xi32> to vector<16x1xi32>
        %parallel_loop3A_639 = vector.shape_cast %parallel_loop3A_638 : vector<16x1xi32> to vector<16xi32>
        %parallel_loop3A_640 = tpu.dynamic_gather %parallel_loop3A_580[%parallel_loop3A_639] in [0] : vector<16xf32>, vector<16xi32> -> vector<16xf32>
        %parallel_loop3A_641 = arith.index_cast %parallel_loop3A_553 : i32 to index
        %parallel_loop3A_642 = arith.constant 64 : index
        %parallel_loop3A_643 = tpu.vector_load %arg10[%parallel_loop3A_641, %parallel_loop3A_642] {strides = array<i32>} : memref<80x144xf32, #tpu.memory_space<vmem>>, vector<1x16xf32>,
        %parallel_loop3A_644 = vector.shape_cast %parallel_loop3A_643 : vector<1x16xf32> to vector<16xf32>
        %parallel_loop3A_645 = arith.mulf %parallel_loop3A_644, %parallel_loop3A_640 : vector<16xf32>
        %parallel_loop3A_646 = arith.index_cast %parallel_loop3A_553 : i32 to index
        %parallel_loop3A_647 = arith.constant 64 : index
        %parallel_loop3A_648 = tpu.vector_load %arg14[%parallel_loop3A_646, %parallel_loop3A_647] {strides = array<i32>} : memref<80x144xf32, #tpu.memory_space<vmem>>, vector<1x16xf32>,
        %parallel_loop3A_649 = vector.shape_cast %parallel_loop3A_648 : vector<1x16xf32> to vector<16xf32>
        %parallel_loop3A_650 = vector.shape_cast %parallel_loop3A_645 : vector<16xf32> to vector<1x16xf32>
        tpu.vector_store %arg14[%parallel_loop3A_646, %parallel_loop3A_647], %parallel_loop3A_650 {strides = array<i32>} : memref<80x144xf32, #tpu.memory_space<vmem>>, vector<1x16xf32>,
        %parallel_loop3A_651 = vector.shape_cast %broadcast_in_dim3A_59 : vector<16xi32> to vector<16x1xi32>
        %parallel_loop3A_652 = vector.shape_cast %parallel_loop3A_651 : vector<16x1xi32> to vector<16xi32>
        %parallel_loop3A_653 = tpu.dynamic_gather %parallel_loop3A_580[%parallel_loop3A_652] in [0] : vector<16xf32>, vector<16xi32> -> vector<16xf32>
        %parallel_loop3A_654 = arith.index_cast %parallel_loop3A_553 : i32 to index
        %parallel_loop3A_655 = arith.constant 80 : index
        %parallel_loop3A_656 = tpu.vector_load %arg10[%parallel_loop3A_654, %parallel_loop3A_655] {strides = array<i32>} : memref<80x144xf32, #tpu.memory_space<vmem>>, vector<1x16xf32>,
        %parallel_loop3A_657 = vector.shape_cast %parallel_loop3A_656 : vector<1x16xf32> to vector<16xf32>
        %parallel_loop3A_658 = arith.mulf %parallel_loop3A_657, %parallel_loop3A_653 : vector<16xf32>
        %parallel_loop3A_659 = arith.index_cast %parallel_loop3A_553 : i32 to index
        %parallel_loop3A_660 = arith.constant 80 : index
        %parallel_loop3A_661 = tpu.vector_load %arg14[%parallel_loop3A_659, %parallel_loop3A_660] {strides = array<i32>} : memref<80x144xf32, #tpu.memory_space<vmem>>, vector<1x16xf32>,
        %parallel_loop3A_662 = vector.shape_cast %parallel_loop3A_661 : vector<1x16xf32> to vector<16xf32>
        %parallel_loop3A_663 = vector.shape_cast %parallel_loop3A_658 : vector<16xf32> to vector<1x16xf32>
        tpu.vector_store %arg14[%parallel_loop3A_659, %parallel_loop3A_660], %parallel_loop3A_663 {strides = array<i32>} : memref<80x144xf32, #tpu.memory_space<vmem>>, vector<1x16xf32>,
        %parallel_loop3A_664 = vector.shape_cast %broadcast_in_dim3A_61 : vector<16xi32> to vector<16x1xi32>
        %parallel_loop3A_665 = vector.shape_cast %parallel_loop3A_664 : vector<16x1xi32> to vector<16xi32>
        %parallel_loop3A_666 = tpu.dynamic_gather %parallel_loop3A_580[%parallel_loop3A_665] in [0] : vector<16xf32>, vector<16xi32> -> vector<16xf32>
        %parallel_loop3A_667 = arith.index_cast %parallel_loop3A_553 : i32 to index
        %parallel_loop3A_668 = arith.constant 96 : index
        %parallel_loop3A_669 = tpu.vector_load %arg10[%parallel_loop3A_667, %parallel_loop3A_668] {strides = array<i32>} : memref<80x144xf32, #tpu.memory_space<vmem>>, vector<1x16xf32>,
        %parallel_loop3A_670 = vector.shape_cast %parallel_loop3A_669 : vector<1x16xf32> to vector<16xf32>
        %parallel_loop3A_671 = arith.mulf %parallel_loop3A_670, %parallel_loop3A_666 : vector<16xf32>
        %parallel_loop3A_672 = arith.index_cast %parallel_loop3A_553 : i32 to index
        %parallel_loop3A_673 = arith.constant 96 : index
        %parallel_loop3A_674 = tpu.vector_load %arg14[%parallel_loop3A_672, %parallel_loop3A_673] {strides = array<i32>} : memref<80x144xf32, #tpu.memory_space<vmem>>, vector<1x16xf32>,
        %parallel_loop3A_675 = vector.shape_cast %parallel_loop3A_674 : vector<1x16xf32> to vector<16xf32>
        %parallel_loop3A_676 = vector.shape_cast %parallel_loop3A_671 : vector<16xf32> to vector<1x16xf32>
        tpu.vector_store %arg14[%parallel_loop3A_672, %parallel_loop3A_673], %parallel_loop3A_676 {strides = array<i32>} : memref<80x144xf32, #tpu.memory_space<vmem>>, vector<1x16xf32>,
        %parallel_loop3A_677 = vector.shape_cast %broadcast_in_dim3A_63 : vector<16xi32> to vector<16x1xi32>
        %parallel_loop3A_678 = vector.shape_cast %parallel_loop3A_677 : vector<16x1xi32> to vector<16xi32>
        %parallel_loop3A_679 = tpu.dynamic_gather %parallel_loop3A_580[%parallel_loop3A_678] in [0] : vector<16xf32>, vector<16xi32> -> vector<16xf32>
        %parallel_loop3A_680 = arith.index_cast %parallel_loop3A_553 : i32 to index
        %parallel_loop3A_681 = arith.constant 112 : index
        %parallel_loop3A_682 = tpu.vector_load %arg10[%parallel_loop3A_680, %parallel_loop3A_681] {strides = array<i32>} : memref<80x144xf32, #tpu.memory_space<vmem>>, vector<1x16xf32>,
        %parallel_loop3A_683 = vector.shape_cast %parallel_loop3A_682 : vector<1x16xf32> to vector<16xf32>
        %parallel_loop3A_684 = arith.mulf %parallel_loop3A_683, %parallel_loop3A_679 : vector<16xf32>
        %parallel_loop3A_685 = arith.index_cast %parallel_loop3A_553 : i32 to index
        %parallel_loop3A_686 = arith.constant 112 : index
        %parallel_loop3A_687 = tpu.vector_load %arg14[%parallel_loop3A_685, %parallel_loop3A_686] {strides = array<i32>} : memref<80x144xf32, #tpu.memory_space<vmem>>, vector<1x16xf32>,
        %parallel_loop3A_688 = vector.shape_cast %parallel_loop3A_687 : vector<1x16xf32> to vector<16xf32>
        %parallel_loop3A_689 = vector.shape_cast %parallel_loop3A_684 : vector<16xf32> to vector<1x16xf32>
        tpu.vector_store %arg14[%parallel_loop3A_685, %parallel_loop3A_686], %parallel_loop3A_689 {strides = array<i32>} : memref<80x144xf32, #tpu.memory_space<vmem>>, vector<1x16xf32>,
      } {sc.loop_unroll_factor = 2 : i64, sc.parallel_access}
      %dma_start3A_448 = arith.constant 0 : i32
      %dma_start3A_449 = arith.constant 0 : i32
      %dma_start3A_450 = tpu.memref_slice %arg15[%dma_start3A_448, %dma_start3A_449] : memref<10112x144xf32, #tpu.memory_space<vmem_shared>> -> memref<10112x144xf32, #tpu.memory_space<vmem_shared>>
      tpu.enqueue_indirect_dma source(%arg14 : memref<80x144xf32, #tpu.memory_space<vmem>>) target(%dma_start3A_450 : memref<10112x144xf32, #tpu.memory_space<vmem_shared>>) offsets(%arg13 : memref<80xi32, #tpu.memory_space<vmem>>) semaphore(%arg18 : memref<!tpu.dma_semaphore, #tpu.memory_space<semaphore_mem>>) {add = true}
      %add3A_451 = arith.constant 1 : i32
      %add3A_452 = arith.addi %add3A_350, %add3A_451 : i32
      %add3A_453 = arith.constant 1 : i32
      %add3A_454 = arith.addi %add3A_452, %add3A_453 : i32
      %mul3A_455 = arith.constant 80 : i32
      %mul3A_456 = arith.muli %add3A_454, %mul3A_455 : i32
      %add3A_457 = arith.addi %mul3A_40, %mul3A_456 : i32
      %dma_wait3A_458 = arith.constant 0 : i32
      %dma_wait3A_459 = tpu.memref_slice %arg4[%dma_wait3A_458, %add3A_457] : memref<2x320000xi32, #tpu.memory_space<hbm>> -> memref<2x80xi32, #tpu.memory_space<hbm>>
      %dma_wait3A_460 = arith.constant 0 : i32
      %dma_wait3A_461 = tpu.memref_slice %arg4[%dma_wait3A_460, %add3A_457] : memref<2x320000xi32, #tpu.memory_space<hbm>> -> memref<2x80xi32, #tpu.memory_space<hbm>>
      tpu.wait_dma2 semaphore(%arg17 : memref<!tpu.dma_semaphore, #tpu.memory_space<semaphore_mem>>) src(%dma_wait3A_461 : memref<2x80xi32, #tpu.memory_space<hbm>>) dst(%arg9 : memref<2x80xi32, #tpu.memory_space<vmem>>)
      %dma_start3A_462 = arith.constant 0 : i32
      %dma_start3A_463 = arith.constant 0 : i32
      %dma_start3A_464 = tpu.memref_slice %arg9[%dma_start3A_462, %dma_start3A_463] : memref<2x80xi32, #tpu.memory_space<vmem>> -> memref<1x80xi32, #tpu.memory_space<vmem>>
      %dma_start3A_465 = tpu.memref_squeeze %dma_start3A_464 : memref<1x80xi32, #tpu.memory_space<vmem>> -> memref<80xi32, #tpu.memory_space<vmem>>
      %dma_start3A_466 = arith.constant 0 : i32
      %dma_start3A_467 = arith.constant 0 : i32
      %dma_start3A_468 = tpu.memref_slice %arg2[%dma_start3A_466, %dma_start3A_467] : memref<10000x144xf32, #tpu.memory_space<hbm>> -> memref<10000x144xf32, #tpu.memory_space<hbm>>
      tpu.enqueue_indirect_dma source(%dma_start3A_468 : memref<10000x144xf32, #tpu.memory_space<hbm>>) target(%arg10 : memref<80x144xf32, #tpu.memory_space<vmem>>) offsets(%dma_start3A_465 : memref<80xi32, #tpu.memory_space<vmem>>) semaphore(%arg17 : memref<!tpu.dma_semaphore, #tpu.memory_space<semaphore_mem>>)
      %dma_start3A_469 = arith.constant 1 : i32
      %dma_start3A_470 = arith.constant 0 : i32
      %dma_start3A_471 = tpu.memref_slice %arg9[%dma_start3A_469, %dma_start3A_470] : memref<2x80xi32, #tpu.memory_space<vmem>> -> memref<1x80xi32, #tpu.memory_space<vmem>>
      %dma_start3A_472 = tpu.memref_squeeze %dma_start3A_471 : memref<1x80xi32, #tpu.memory_space<vmem>> -> memref<80xi32, #tpu.memory_space<vmem>>
      %dma_start3A_473 = arith.constant 0 : i32
      %dma_start3A_474 = arith.constant 0 : i32
      %dma_start3A_475 = tpu.memref_slice %arg3[%dma_start3A_473, %dma_start3A_474] : memref<10000x16xf32, #tpu.memory_space<hbm>> -> memref<10000x16xf32, #tpu.memory_space<hbm>>
      tpu.enqueue_indirect_dma source(%dma_start3A_475 : memref<10000x16xf32, #tpu.memory_space<hbm>>) target(%arg11 : memref<80x16xf32, #tpu.memory_space<vmem>>) offsets(%dma_start3A_472 : memref<80xi32, #tpu.memory_space<vmem>>) semaphore(%arg17 : memref<!tpu.dma_semaphore, #tpu.memory_space<semaphore_mem>>)
      %dma_wait3A_476 = arith.constant 0 : i32
      %dma_wait3A_477 = arith.constant 0 : i32
      %dma_wait3A_478 = tpu.memref_slice %arg6[%dma_wait3A_476, %dma_wait3A_477] : memref<2x80xi32, #tpu.memory_space<vmem>> -> memref<1x80xi32, #tpu.memory_space<vmem>>
      %dma_wait3A_479 = tpu.memref_squeeze %dma_wait3A_478 : memref<1x80xi32, #tpu.memory_space<vmem>> -> memref<80xi32, #tpu.memory_space<vmem>>
      %dma_wait3A_480 = arith.constant 0 : i32
      %dma_wait3A_481 = arith.constant 0 : i32
      %dma_wait3A_482 = tpu.memref_slice %arg2[%dma_wait3A_480, %dma_wait3A_481] : memref<10000x144xf32, #tpu.memory_space<hbm>> -> memref<10000x144xf32, #tpu.memory_space<hbm>>
      tpu.wait_indirect_dma semaphore(%arg16 : memref<!tpu.dma_semaphore, #tpu.memory_space<semaphore_mem>>) src(%dma_wait3A_482 : memref<10000x144xf32, #tpu.memory_space<hbm>>) dst(%arg7 : memref<80x144xf32, #tpu.memory_space<vmem>>)
      %dma_wait3A_483 = arith.constant 1 : i32
      %dma_wait3A_484 = arith.constant 0 : i32
      %dma_wait3A_485 = tpu.memref_slice %arg6[%dma_wait3A_483, %dma_wait3A_484] : memref<2x80xi32, #tpu.memory_space<vmem>> -> memref<1x80xi32, #tpu.memory_space<vmem>>
      %dma_wait3A_486 = tpu.memref_squeeze %dma_wait3A_485 : memref<1x80xi32, #tpu.memory_space<vmem>> -> memref<80xi32, #tpu.memory_space<vmem>>
      %dma_wait3A_487 = arith.constant 0 : i32
      %dma_wait3A_488 = arith.constant 0 : i32
      %dma_wait3A_489 = tpu.memref_slice %arg3[%dma_wait3A_487, %dma_wait3A_488] : memref<10000x16xf32, #tpu.memory_space<hbm>> -> memref<10000x16xf32, #tpu.memory_space<hbm>>
      tpu.wait_indirect_dma semaphore(%arg16 : memref<!tpu.dma_semaphore, #tpu.memory_space<semaphore_mem>>) src(%dma_wait3A_489 : memref<10000x16xf32, #tpu.memory_space<hbm>>) dst(%arg8 : memref<80x16xf32, #tpu.memory_space<vmem>>)
      %get3A_490 = arith.constant 1 : i32
      %get3A_491 = arith.index_cast %get3A_490 : i32 to index
      %get3A_492 = arith.constant 0 : index
      %get3A_493 = tpu.vector_load %arg6[%get3A_491, %get3A_492] {strides = array<i32>} : memref<2x80xi32, #tpu.memory_space<vmem>>, vector<1x16xi32>,
      %get3A_494 = vector.shape_cast %get3A_493 : vector<1x16xi32> to vector<16xi32>
      %swap3A_495 = arith.constant 0 : index
      %swap3A_496 = tpu.vector_load %arg12[%swap3A_495] {strides = array<i32>} : memref<80xi32, #tpu.memory_space<vmem>>, vector<16xi32>,
      %swap3A_497 = vector.shape_cast %swap3A_496 : vector<16xi32> to vector<16xi32>
      %swap3A_498 = vector.shape_cast %get3A_494 : vector<16xi32> to vector<16xi32>
      tpu.vector_store %arg12[%swap3A_495], %swap3A_498 {strides = array<i32>} : memref<80xi32, #tpu.memory_space<vmem>>, vector<16xi32>,
      %get3A_499 = arith.constant 1 : i32
      %get3A_500 = arith.index_cast %get3A_499 : i32 to index
      %get3A_501 = arith.constant 16 : index
      %get3A_502 = tpu.vector_load %arg6[%get3A_500, %get3A_501] {strides = array<i32>} : memref<2x80xi32, #tpu.memory_space<vmem>>, vector<1x16xi32>,
      %get3A_503 = vector.shape_cast %get3A_502 : vector<1x16xi32> to vector<16xi32>
      %swap3A_504 = arith.constant 16 : index
      %swap3A_505 = tpu.vector_load %arg12[%swap3A_504] {strides = array<i32>} : memref<80xi32, #tpu.memory_space<vmem>>, vector<16xi32>,
      %swap3A_506 = vector.shape_cast %swap3A_505 : vector<16xi32> to vector<16xi32>
      %swap3A_507 = vector.shape_cast %get3A_503 : vector<16xi32> to vector<16xi32>
      tpu.vector_store %arg12[%swap3A_504], %swap3A_507 {strides = array<i32>} : memref<80xi32, #tpu.memory_space<vmem>>, vector<16xi32>,
      %get3A_508 = arith.constant 1 : i32
      %get3A_509 = arith.index_cast %get3A_508 : i32 to index
      %get3A_510 = arith.constant 32 : index
      %get3A_511 = tpu.vector_load %arg6[%get3A_509, %get3A_510] {strides = array<i32>} : memref<2x80xi32, #tpu.memory_space<vmem>>, vector<1x16xi32>,
      %get3A_512 = vector.shape_cast %get3A_511 : vector<1x16xi32> to vector<16xi32>
      %swap3A_513 = arith.constant 32 : index
      %swap3A_514 = tpu.vector_load %arg12[%swap3A_513] {strides = array<i32>} : memref<80xi32, #tpu.memory_space<vmem>>, vector<16xi32>,
      %swap3A_515 = vector.shape_cast %swap3A_514 : vector<16xi32> to vector<16xi32>
      %swap3A_516 = vector.shape_cast %get3A_512 : vector<16xi32> to vector<16xi32>
      tpu.vector_store %arg12[%swap3A_513], %swap3A_516 {strides = array<i32>} : memref<80xi32, #tpu.memory_space<vmem>>, vector<16xi32>,
      %get3A_517 = arith.constant 1 : i32
      %get3A_518 = arith.index_cast %get3A_517 : i32 to index
      %get3A_519 = arith.constant 48 : index
      %get3A_520 = tpu.vector_load %arg6[%get3A_518, %get3A_519] {strides = array<i32>} : memref<2x80xi32, #tpu.memory_space<vmem>>, vector<1x16xi32>,
      %get3A_521 = vector.shape_cast %get3A_520 : vector<1x16xi32> to vector<16xi32>
      %swap3A_522 = arith.constant 48 : index
      %swap3A_523 = tpu.vector_load %arg12[%swap3A_522] {strides = array<i32>} : memref<80xi32, #tpu.memory_space<vmem>>, vector<16xi32>,
      %swap3A_524 = vector.shape_cast %swap3A_523 : vector<16xi32> to vector<16xi32>
      %swap3A_525 = vector.shape_cast %get3A_521 : vector<16xi32> to vector<16xi32>
      tpu.vector_store %arg12[%swap3A_522], %swap3A_525 {strides = array<i32>} : memref<80xi32, #tpu.memory_space<vmem>>, vector<16xi32>,
      %get3A_526 = arith.constant 1 : i32
      %get3A_527 = arith.index_cast %get3A_526 : i32 to index
      %get3A_528 = arith.constant 64 : index
      %get3A_529 = tpu.vector_load %arg6[%get3A_527, %get3A_528] {strides = array<i32>} : memref<2x80xi32, #tpu.memory_space<vmem>>, vector<1x16xi32>,
      %get3A_530 = vector.shape_cast %get3A_529 : vector<1x16xi32> to vector<16xi32>
      %swap3A_531 = arith.constant 64 : index
      %swap3A_532 = tpu.vector_load %arg12[%swap3A_531] {strides = array<i32>} : memref<80xi32, #tpu.memory_space<vmem>>, vector<16xi32>,
      %swap3A_533 = vector.shape_cast %swap3A_532 : vector<16xi32> to vector<16xi32>
      %swap3A_534 = vector.shape_cast %get3A_530 : vector<16xi32> to vector<16xi32>
      tpu.vector_store %arg12[%swap3A_531], %swap3A_534 {strides = array<i32>} : memref<80xi32, #tpu.memory_space<vmem>>, vector<16xi32>,
      %add3A_535 = arith.constant 2 : i32
      %add3A_536 = arith.addi %add3A_452, %add3A_535 : i32
      %mul3A_537 = arith.constant 80 : i32
      %mul3A_538 = arith.muli %add3A_536, %mul3A_537 : i32
      %add3A_539 = arith.addi %mul3A_40, %mul3A_538 : i32
      %dma_start3A_540 = arith.constant 0 : i32
      %dma_start3A_541 = tpu.memref_slice %arg4[%dma_start3A_540, %add3A_539] : memref<2x320000xi32, #tpu.memory_space<hbm>> -> memref<2x80xi32, #tpu.memory_space<hbm>>
      %dma_start3A_542 = arith.constant 0 : i32
      %dma_start3A_543 = tpu.memref_slice %arg4[%dma_start3A_542, %add3A_539] : memref<2x320000xi32, #tpu.memory_space<hbm>> -> memref<2x80xi32, #tpu.memory_space<hbm>>
      tpu.enqueue_dma source(%dma_start3A_543 : memref<2x80xi32, #tpu.memory_space<hbm>>) target(%arg6 : memref<2x80xi32, #tpu.memory_space<vmem>>) target_semaphore(%arg16 : memref<!tpu.dma_semaphore, #tpu.memory_space<semaphore_mem>>)
      %dma_wait3A_544 = arith.constant 0 : i32
      %dma_wait3A_545 = arith.constant 0 : i32
      %dma_wait3A_546 = tpu.memref_slice %arg15[%dma_wait3A_544, %dma_wait3A_545] : memref<10112x144xf32, #tpu.memory_space<vmem_shared>> -> memref<10112x144xf32, #tpu.memory_space<vmem_shared>>
      tpu.wait_indirect_dma semaphore(%arg18 : memref<!tpu.dma_semaphore, #tpu.memory_space<semaphore_mem>>) src(%arg14 : memref<80x144xf32, #tpu.memory_space<vmem>>) dst(%dma_wait3A_546 : memref<10112x144xf32, #tpu.memory_space<vmem_shared>>)
      %parallel_loop3A_547 = arith.constant 0 : i32
      %parallel_loop3A_548 = arith.constant 80 : i32
      %parallel_loop3A_549 = arith.constant 1 : i32
      scf.for %parallel_loop3A_553 = %parallel_loop3A_547 to %parallel_loop3A_548 step %parallel_loop3A_549  : i32 {
        %parallel_loop3A_554 = arith.index_cast %parallel_loop3A_553 : i32 to index
        %parallel_loop3A_555 = arith.constant 128 : index
        %parallel_loop3A_556 = tpu.vector_load %arg7[%parallel_loop3A_554, %parallel_loop3A_555] {strides = array<i32>} : memref<80x144xf32, #tpu.memory_space<vmem>>, vector<1x16xf32>,
        %parallel_loop3A_557 = vector.shape_cast %parallel_loop3A_556 : vector<1x16xf32> to vector<16xf32>
        %parallel_loop3A_558 = arith.index_cast %parallel_loop3A_553 : i32 to index
        %parallel_loop3A_559 = arith.constant 0 : index
        %parallel_loop3A_560 = tpu.vector_load %arg8[%parallel_loop3A_558, %parallel_loop3A_559] {strides = array<i32>} : memref<80x16xf32, #tpu.memory_space<vmem>>, vector<1x16xf32>,
        %parallel_loop3A_561 = vector.shape_cast %parallel_loop3A_560 : vector<1x16xf32> to vector<16xf32>
        %parallel_loop3A_562 = arith.addf %parallel_loop3A_557, %parallel_loop3A_561 : vector<16xf32>
        %parallel_loop3A_563 = arith.constant 2.000000e-01 : f32
        %parallel_loop3A_564 = vector.broadcast %parallel_loop3A_563 : f32 to vector<16xf32>
        %parallel_loop3A_565 = arith.mulf %parallel_loop3A_564, %parallel_loop3A_562 : vector<16xf32>
        %parallel_loop3A_566 = arith.maximumf %parallel_loop3A_562, %parallel_loop3A_565 : vector<16xf32>
        %parallel_loop3A_567 = math.exp %parallel_loop3A_566 : vector<16xf32>
        %parallel_loop3A_568 = vector.shape_cast %xor3A_42 : vector<16xi32> to vector<16x1xi32>
        %parallel_loop3A_569 = vector.shape_cast %parallel_loop3A_568 : vector<16x1xi32> to vector<16xi32>
        %parallel_loop3A_570 = tpu.dynamic_gather %parallel_loop3A_567[%parallel_loop3A_569] in [0] : vector<16xf32>, vector<16xi32> -> vector<16xf32>
        %parallel_loop3A_571 = arith.addf %parallel_loop3A_567, %parallel_loop3A_570 : vector<16xf32>
        %parallel_loop3A_572 = vector.shape_cast %xor3A_45 : vector<16xi32> to vector<16x1xi32>
        %parallel_loop3A_573 = vector.shape_cast %parallel_loop3A_572 : vector<16x1xi32> to vector<16xi32>
        %parallel_loop3A_574 = tpu.dynamic_gather %parallel_loop3A_571[%parallel_loop3A_573] in [0] : vector<16xf32>, vector<16xi32> -> vector<16xf32>
        %parallel_loop3A_575 = arith.addf %parallel_loop3A_571, %parallel_loop3A_574 : vector<16xf32>
        %parallel_loop3A_576 = vector.shape_cast %xor3A_48 : vector<16xi32> to vector<16x1xi32>
        %parallel_loop3A_577 = vector.shape_cast %parallel_loop3A_576 : vector<16x1xi32> to vector<16xi32>
        %parallel_loop3A_578 = tpu.dynamic_gather %parallel_loop3A_575[%parallel_loop3A_577] in [0] : vector<16xf32>, vector<16xi32> -> vector<16xf32>
        %parallel_loop3A_579 = arith.addf %parallel_loop3A_575, %parallel_loop3A_578 : vector<16xf32>
        %parallel_loop3A_580 = arith.divf %parallel_loop3A_567, %parallel_loop3A_579 : vector<16xf32>
        %parallel_loop3A_581 = arith.index_cast %parallel_loop3A_553 : i32 to index
        %parallel_loop3A_582 = arith.constant 128 : index
        %parallel_loop3A_583 = tpu.vector_load %arg14[%parallel_loop3A_581, %parallel_loop3A_582] {strides = array<i32>} : memref<80x144xf32, #tpu.memory_space<vmem>>, vector<1x16xf32>,
        %parallel_loop3A_584 = vector.shape_cast %parallel_loop3A_583 : vector<1x16xf32> to vector<16xf32>
        %parallel_loop3A_585 = vector.shape_cast %parallel_loop3A_580 : vector<16xf32> to vector<1x16xf32>
        tpu.vector_store %arg14[%parallel_loop3A_581, %parallel_loop3A_582], %parallel_loop3A_585 {strides = array<i32>} : memref<80x144xf32, #tpu.memory_space<vmem>>, vector<1x16xf32>,
        %parallel_loop3A_586 = vector.shape_cast %broadcast_in_dim3A_49 : vector<16xi32> to vector<16x1xi32>
        %parallel_loop3A_587 = vector.shape_cast %parallel_loop3A_586 : vector<16x1xi32> to vector<16xi32>
        %parallel_loop3A_588 = tpu.dynamic_gather %parallel_loop3A_580[%parallel_loop3A_587] in [0] : vector<16xf32>, vector<16xi32> -> vector<16xf32>
        %parallel_loop3A_589 = arith.index_cast %parallel_loop3A_553 : i32 to index
        %parallel_loop3A_590 = arith.constant 0 : index
        %parallel_loop3A_591 = tpu.vector_load %arg7[%parallel_loop3A_589, %parallel_loop3A_590] {strides = array<i32>} : memref<80x144xf32, #tpu.memory_space<vmem>>, vector<1x16xf32>,
        %parallel_loop3A_592 = vector.shape_cast %parallel_loop3A_591 : vector<1x16xf32> to vector<16xf32>
        %parallel_loop3A_593 = arith.mulf %parallel_loop3A_592, %parallel_loop3A_588 : vector<16xf32>
        %parallel_loop3A_594 = arith.index_cast %parallel_loop3A_553 : i32 to index
        %parallel_loop3A_595 = arith.constant 0 : index
        %parallel_loop3A_596 = tpu.vector_load %arg14[%parallel_loop3A_594, %parallel_loop3A_595] {strides = array<i32>} : memref<80x144xf32, #tpu.memory_space<vmem>>, vector<1x16xf32>,
        %parallel_loop3A_597 = vector.shape_cast %parallel_loop3A_596 : vector<1x16xf32> to vector<16xf32>
        %parallel_loop3A_598 = vector.shape_cast %parallel_loop3A_593 : vector<16xf32> to vector<1x16xf32>
        tpu.vector_store %arg14[%parallel_loop3A_594, %parallel_loop3A_595], %parallel_loop3A_598 {strides = array<i32>} : memref<80x144xf32, #tpu.memory_space<vmem>>, vector<1x16xf32>,
        %parallel_loop3A_599 = vector.shape_cast %broadcast_in_dim3A_51 : vector<16xi32> to vector<16x1xi32>
        %parallel_loop3A_600 = vector.shape_cast %parallel_loop3A_599 : vector<16x1xi32> to vector<16xi32>
        %parallel_loop3A_601 = tpu.dynamic_gather %parallel_loop3A_580[%parallel_loop3A_600] in [0] : vector<16xf32>, vector<16xi32> -> vector<16xf32>
        %parallel_loop3A_602 = arith.index_cast %parallel_loop3A_553 : i32 to index
        %parallel_loop3A_603 = arith.constant 16 : index
        %parallel_loop3A_604 = tpu.vector_load %arg7[%parallel_loop3A_602, %parallel_loop3A_603] {strides = array<i32>} : memref<80x144xf32, #tpu.memory_space<vmem>>, vector<1x16xf32>,
        %parallel_loop3A_605 = vector.shape_cast %parallel_loop3A_604 : vector<1x16xf32> to vector<16xf32>
        %parallel_loop3A_606 = arith.mulf %parallel_loop3A_605, %parallel_loop3A_601 : vector<16xf32>
        %parallel_loop3A_607 = arith.index_cast %parallel_loop3A_553 : i32 to index
        %parallel_loop3A_608 = arith.constant 16 : index
        %parallel_loop3A_609 = tpu.vector_load %arg14[%parallel_loop3A_607, %parallel_loop3A_608] {strides = array<i32>} : memref<80x144xf32, #tpu.memory_space<vmem>>, vector<1x16xf32>,
        %parallel_loop3A_610 = vector.shape_cast %parallel_loop3A_609 : vector<1x16xf32> to vector<16xf32>
        %parallel_loop3A_611 = vector.shape_cast %parallel_loop3A_606 : vector<16xf32> to vector<1x16xf32>
        tpu.vector_store %arg14[%parallel_loop3A_607, %parallel_loop3A_608], %parallel_loop3A_611 {strides = array<i32>} : memref<80x144xf32, #tpu.memory_space<vmem>>, vector<1x16xf32>,
        %parallel_loop3A_612 = vector.shape_cast %broadcast_in_dim3A_53 : vector<16xi32> to vector<16x1xi32>
        %parallel_loop3A_613 = vector.shape_cast %parallel_loop3A_612 : vector<16x1xi32> to vector<16xi32>
        %parallel_loop3A_614 = tpu.dynamic_gather %parallel_loop3A_580[%parallel_loop3A_613] in [0] : vector<16xf32>, vector<16xi32> -> vector<16xf32>
        %parallel_loop3A_615 = arith.index_cast %parallel_loop3A_553 : i32 to index
        %parallel_loop3A_616 = arith.constant 32 : index
        %parallel_loop3A_617 = tpu.vector_load %arg7[%parallel_loop3A_615, %parallel_loop3A_616] {strides = array<i32>} : memref<80x144xf32, #tpu.memory_space<vmem>>, vector<1x16xf32>,
        %parallel_loop3A_618 = vector.shape_cast %parallel_loop3A_617 : vector<1x16xf32> to vector<16xf32>
        %parallel_loop3A_619 = arith.mulf %parallel_loop3A_618, %parallel_loop3A_614 : vector<16xf32>
        %parallel_loop3A_620 = arith.index_cast %parallel_loop3A_553 : i32 to index
        %parallel_loop3A_621 = arith.constant 32 : index
        %parallel_loop3A_622 = tpu.vector_load %arg14[%parallel_loop3A_620, %parallel_loop3A_621] {strides = array<i32>} : memref<80x144xf32, #tpu.memory_space<vmem>>, vector<1x16xf32>,
        %parallel_loop3A_623 = vector.shape_cast %parallel_loop3A_622 : vector<1x16xf32> to vector<16xf32>
        %parallel_loop3A_624 = vector.shape_cast %parallel_loop3A_619 : vector<16xf32> to vector<1x16xf32>
        tpu.vector_store %arg14[%parallel_loop3A_620, %parallel_loop3A_621], %parallel_loop3A_624 {strides = array<i32>} : memref<80x144xf32, #tpu.memory_space<vmem>>, vector<1x16xf32>,
        %parallel_loop3A_625 = vector.shape_cast %broadcast_in_dim3A_55 : vector<16xi32> to vector<16x1xi32>
        %parallel_loop3A_626 = vector.shape_cast %parallel_loop3A_625 : vector<16x1xi32> to vector<16xi32>
        %parallel_loop3A_627 = tpu.dynamic_gather %parallel_loop3A_580[%parallel_loop3A_626] in [0] : vector<16xf32>, vector<16xi32> -> vector<16xf32>
        %parallel_loop3A_628 = arith.index_cast %parallel_loop3A_553 : i32 to index
        %parallel_loop3A_629 = arith.constant 48 : index
        %parallel_loop3A_630 = tpu.vector_load %arg7[%parallel_loop3A_628, %parallel_loop3A_629] {strides = array<i32>} : memref<80x144xf32, #tpu.memory_space<vmem>>, vector<1x16xf32>,
        %parallel_loop3A_631 = vector.shape_cast %parallel_loop3A_630 : vector<1x16xf32> to vector<16xf32>
        %parallel_loop3A_632 = arith.mulf %parallel_loop3A_631, %parallel_loop3A_627 : vector<16xf32>
        %parallel_loop3A_633 = arith.index_cast %parallel_loop3A_553 : i32 to index
        %parallel_loop3A_634 = arith.constant 48 : index
        %parallel_loop3A_635 = tpu.vector_load %arg14[%parallel_loop3A_633, %parallel_loop3A_634] {strides = array<i32>} : memref<80x144xf32, #tpu.memory_space<vmem>>, vector<1x16xf32>,
        %parallel_loop3A_636 = vector.shape_cast %parallel_loop3A_635 : vector<1x16xf32> to vector<16xf32>
        %parallel_loop3A_637 = vector.shape_cast %parallel_loop3A_632 : vector<16xf32> to vector<1x16xf32>
        tpu.vector_store %arg14[%parallel_loop3A_633, %parallel_loop3A_634], %parallel_loop3A_637 {strides = array<i32>} : memref<80x144xf32, #tpu.memory_space<vmem>>, vector<1x16xf32>,
        %parallel_loop3A_638 = vector.shape_cast %broadcast_in_dim3A_57 : vector<16xi32> to vector<16x1xi32>
        %parallel_loop3A_639 = vector.shape_cast %parallel_loop3A_638 : vector<16x1xi32> to vector<16xi32>
        %parallel_loop3A_640 = tpu.dynamic_gather %parallel_loop3A_580[%parallel_loop3A_639] in [0] : vector<16xf32>, vector<16xi32> -> vector<16xf32>
        %parallel_loop3A_641 = arith.index_cast %parallel_loop3A_553 : i32 to index
        %parallel_loop3A_642 = arith.constant 64 : index
        %parallel_loop3A_643 = tpu.vector_load %arg7[%parallel_loop3A_641, %parallel_loop3A_642] {strides = array<i32>} : memref<80x144xf32, #tpu.memory_space<vmem>>, vector<1x16xf32>,
        %parallel_loop3A_644 = vector.shape_cast %parallel_loop3A_643 : vector<1x16xf32> to vector<16xf32>
        %parallel_loop3A_645 = arith.mulf %parallel_loop3A_644, %parallel_loop3A_640 : vector<16xf32>
        %parallel_loop3A_646 = arith.index_cast %parallel_loop3A_553 : i32 to index
        %parallel_loop3A_647 = arith.constant 64 : index
        %parallel_loop3A_648 = tpu.vector_load %arg14[%parallel_loop3A_646, %parallel_loop3A_647] {strides = array<i32>} : memref<80x144xf32, #tpu.memory_space<vmem>>, vector<1x16xf32>,
        %parallel_loop3A_649 = vector.shape_cast %parallel_loop3A_648 : vector<1x16xf32> to vector<16xf32>
        %parallel_loop3A_650 = vector.shape_cast %parallel_loop3A_645 : vector<16xf32> to vector<1x16xf32>
        tpu.vector_store %arg14[%parallel_loop3A_646, %parallel_loop3A_647], %parallel_loop3A_650 {strides = array<i32>} : memref<80x144xf32, #tpu.memory_space<vmem>>, vector<1x16xf32>,
        %parallel_loop3A_651 = vector.shape_cast %broadcast_in_dim3A_59 : vector<16xi32> to vector<16x1xi32>
        %parallel_loop3A_652 = vector.shape_cast %parallel_loop3A_651 : vector<16x1xi32> to vector<16xi32>
        %parallel_loop3A_653 = tpu.dynamic_gather %parallel_loop3A_580[%parallel_loop3A_652] in [0] : vector<16xf32>, vector<16xi32> -> vector<16xf32>
        %parallel_loop3A_654 = arith.index_cast %parallel_loop3A_553 : i32 to index
        %parallel_loop3A_655 = arith.constant 80 : index
        %parallel_loop3A_656 = tpu.vector_load %arg7[%parallel_loop3A_654, %parallel_loop3A_655] {strides = array<i32>} : memref<80x144xf32, #tpu.memory_space<vmem>>, vector<1x16xf32>,
        %parallel_loop3A_657 = vector.shape_cast %parallel_loop3A_656 : vector<1x16xf32> to vector<16xf32>
        %parallel_loop3A_658 = arith.mulf %parallel_loop3A_657, %parallel_loop3A_653 : vector<16xf32>
        %parallel_loop3A_659 = arith.index_cast %parallel_loop3A_553 : i32 to index
        %parallel_loop3A_660 = arith.constant 80 : index
        %parallel_loop3A_661 = tpu.vector_load %arg14[%parallel_loop3A_659, %parallel_loop3A_660] {strides = array<i32>} : memref<80x144xf32, #tpu.memory_space<vmem>>, vector<1x16xf32>,
        %parallel_loop3A_662 = vector.shape_cast %parallel_loop3A_661 : vector<1x16xf32> to vector<16xf32>
        %parallel_loop3A_663 = vector.shape_cast %parallel_loop3A_658 : vector<16xf32> to vector<1x16xf32>
        tpu.vector_store %arg14[%parallel_loop3A_659, %parallel_loop3A_660], %parallel_loop3A_663 {strides = array<i32>} : memref<80x144xf32, #tpu.memory_space<vmem>>, vector<1x16xf32>,
        %parallel_loop3A_664 = vector.shape_cast %broadcast_in_dim3A_61 : vector<16xi32> to vector<16x1xi32>
        %parallel_loop3A_665 = vector.shape_cast %parallel_loop3A_664 : vector<16x1xi32> to vector<16xi32>
        %parallel_loop3A_666 = tpu.dynamic_gather %parallel_loop3A_580[%parallel_loop3A_665] in [0] : vector<16xf32>, vector<16xi32> -> vector<16xf32>
        %parallel_loop3A_667 = arith.index_cast %parallel_loop3A_553 : i32 to index
        %parallel_loop3A_668 = arith.constant 96 : index
        %parallel_loop3A_669 = tpu.vector_load %arg7[%parallel_loop3A_667, %parallel_loop3A_668] {strides = array<i32>} : memref<80x144xf32, #tpu.memory_space<vmem>>, vector<1x16xf32>,
        %parallel_loop3A_670 = vector.shape_cast %parallel_loop3A_669 : vector<1x16xf32> to vector<16xf32>
        %parallel_loop3A_671 = arith.mulf %parallel_loop3A_670, %parallel_loop3A_666 : vector<16xf32>
        %parallel_loop3A_672 = arith.index_cast %parallel_loop3A_553 : i32 to index
        %parallel_loop3A_673 = arith.constant 96 : index
        %parallel_loop3A_674 = tpu.vector_load %arg14[%parallel_loop3A_672, %parallel_loop3A_673] {strides = array<i32>} : memref<80x144xf32, #tpu.memory_space<vmem>>, vector<1x16xf32>,
        %parallel_loop3A_675 = vector.shape_cast %parallel_loop3A_674 : vector<1x16xf32> to vector<16xf32>
        %parallel_loop3A_676 = vector.shape_cast %parallel_loop3A_671 : vector<16xf32> to vector<1x16xf32>
        tpu.vector_store %arg14[%parallel_loop3A_672, %parallel_loop3A_673], %parallel_loop3A_676 {strides = array<i32>} : memref<80x144xf32, #tpu.memory_space<vmem>>, vector<1x16xf32>,
        %parallel_loop3A_677 = vector.shape_cast %broadcast_in_dim3A_63 : vector<16xi32> to vector<16x1xi32>
        %parallel_loop3A_678 = vector.shape_cast %parallel_loop3A_677 : vector<16x1xi32> to vector<16xi32>
        %parallel_loop3A_679 = tpu.dynamic_gather %parallel_loop3A_580[%parallel_loop3A_678] in [0] : vector<16xf32>, vector<16xi32> -> vector<16xf32>
        %parallel_loop3A_680 = arith.index_cast %parallel_loop3A_553 : i32 to index
        %parallel_loop3A_681 = arith.constant 112 : index
        %parallel_loop3A_682 = tpu.vector_load %arg7[%parallel_loop3A_680, %parallel_loop3A_681] {strides = array<i32>} : memref<80x144xf32, #tpu.memory_space<vmem>>, vector<1x16xf32>,
        %parallel_loop3A_683 = vector.shape_cast %parallel_loop3A_682 : vector<1x16xf32> to vector<16xf32>
        %parallel_loop3A_684 = arith.mulf %parallel_loop3A_683, %parallel_loop3A_679 : vector<16xf32>
        %parallel_loop3A_685 = arith.index_cast %parallel_loop3A_553 : i32 to index
        %parallel_loop3A_686 = arith.constant 112 : index
        %parallel_loop3A_687 = tpu.vector_load %arg14[%parallel_loop3A_685, %parallel_loop3A_686] {strides = array<i32>} : memref<80x144xf32, #tpu.memory_space<vmem>>, vector<1x16xf32>,
        %parallel_loop3A_688 = vector.shape_cast %parallel_loop3A_687 : vector<1x16xf32> to vector<16xf32>
        %parallel_loop3A_689 = vector.shape_cast %parallel_loop3A_684 : vector<16xf32> to vector<1x16xf32>
        tpu.vector_store %arg14[%parallel_loop3A_685, %parallel_loop3A_686], %parallel_loop3A_689 {strides = array<i32>} : memref<80x144xf32, #tpu.memory_space<vmem>>, vector<1x16xf32>,
      } {sc.loop_unroll_factor = 2 : i64, sc.parallel_access}
      %dma_start3A_550 = arith.constant 0 : i32
      %dma_start3A_551 = arith.constant 0 : i32
      %dma_start3A_552 = tpu.memref_slice %arg15[%dma_start3A_550, %dma_start3A_551] : memref<10112x144xf32, #tpu.memory_space<vmem_shared>> -> memref<10112x144xf32, #tpu.memory_space<vmem_shared>>
      tpu.enqueue_indirect_dma source(%arg14 : memref<80x144xf32, #tpu.memory_space<vmem>>) target(%dma_start3A_552 : memref<10112x144xf32, #tpu.memory_space<vmem_shared>>) offsets(%arg12 : memref<80xi32, #tpu.memory_space<vmem>>) semaphore(%arg18 : memref<!tpu.dma_semaphore, #tpu.memory_space<semaphore_mem>>) {add = true}
    }
    %scan3A_187 = arith.constant 61 : i32
    %add3A_188 = arith.constant 9920 : i32
    %add3A_189 = arith.addi %mul3A_40, %add3A_188 : i32
    %dma_wait3A_190 = arith.constant 0 : i32
    %dma_wait3A_191 = tpu.memref_slice %arg4[%dma_wait3A_190, %add3A_189] : memref<2x320000xi32, #tpu.memory_space<hbm>> -> memref<2x80xi32, #tpu.memory_space<hbm>>
    %dma_wait3A_192 = arith.constant 0 : i32
    %dma_wait3A_193 = tpu.memref_slice %arg4[%dma_wait3A_192, %add3A_189] : memref<2x320000xi32, #tpu.memory_space<hbm>> -> memref<2x80xi32, #tpu.memory_space<hbm>>
    tpu.wait_dma2 semaphore(%arg16 : memref<!tpu.dma_semaphore, #tpu.memory_space<semaphore_mem>>) src(%dma_wait3A_193 : memref<2x80xi32, #tpu.memory_space<hbm>>) dst(%arg6 : memref<2x80xi32, #tpu.memory_space<vmem>>)
    %dma_start3A_194 = arith.constant 0 : i32
    %dma_start3A_195 = arith.constant 0 : i32
    %dma_start3A_196 = tpu.memref_slice %arg6[%dma_start3A_194, %dma_start3A_195] : memref<2x80xi32, #tpu.memory_space<vmem>> -> memref<1x80xi32, #tpu.memory_space<vmem>>
    %dma_start3A_197 = tpu.memref_squeeze %dma_start3A_196 : memref<1x80xi32, #tpu.memory_space<vmem>> -> memref<80xi32, #tpu.memory_space<vmem>>
    %dma_start3A_198 = arith.constant 0 : i32
    %dma_start3A_199 = arith.constant 0 : i32
    %dma_start3A_200 = tpu.memref_slice %arg2[%dma_start3A_198, %dma_start3A_199] : memref<10000x144xf32, #tpu.memory_space<hbm>> -> memref<10000x144xf32, #tpu.memory_space<hbm>>
    tpu.enqueue_indirect_dma source(%dma_start3A_200 : memref<10000x144xf32, #tpu.memory_space<hbm>>) target(%arg7 : memref<80x144xf32, #tpu.memory_space<vmem>>) offsets(%dma_start3A_197 : memref<80xi32, #tpu.memory_space<vmem>>) semaphore(%arg16 : memref<!tpu.dma_semaphore, #tpu.memory_space<semaphore_mem>>)
    %dma_start3A_201 = arith.constant 1 : i32
    %dma_start3A_202 = arith.constant 0 : i32
    %dma_start3A_203 = tpu.memref_slice %arg6[%dma_start3A_201, %dma_start3A_202] : memref<2x80xi32, #tpu.memory_space<vmem>> -> memref<1x80xi32, #tpu.memory_space<vmem>>
    %dma_start3A_204 = tpu.memref_squeeze %dma_start3A_203 : memref<1x80xi32, #tpu.memory_space<vmem>> -> memref<80xi32, #tpu.memory_space<vmem>>
    %dma_start3A_205 = arith.constant 0 : i32
    %dma_start3A_206 = arith.constant 0 : i32
    %dma_start3A_207 = tpu.memref_slice %arg3[%dma_start3A_205, %dma_start3A_206] : memref<10000x16xf32, #tpu.memory_space<hbm>> -> memref<10000x16xf32, #tpu.memory_space<hbm>>
    tpu.enqueue_indirect_dma source(%dma_start3A_207 : memref<10000x16xf32, #tpu.memory_space<hbm>>) target(%arg8 : memref<80x16xf32, #tpu.memory_space<vmem>>) offsets(%dma_start3A_204 : memref<80xi32, #tpu.memory_space<vmem>>) semaphore(%arg16 : memref<!tpu.dma_semaphore, #tpu.memory_space<semaphore_mem>>)
    %dma_wait3A_208 = arith.constant 0 : i32
    %dma_wait3A_209 = arith.constant 0 : i32
    %dma_wait3A_210 = tpu.memref_slice %arg9[%dma_wait3A_208, %dma_wait3A_209] : memref<2x80xi32, #tpu.memory_space<vmem>> -> memref<1x80xi32, #tpu.memory_space<vmem>>
    %dma_wait3A_211 = tpu.memref_squeeze %dma_wait3A_210 : memref<1x80xi32, #tpu.memory_space<vmem>> -> memref<80xi32, #tpu.memory_space<vmem>>
    %dma_wait3A_212 = arith.constant 0 : i32
    %dma_wait3A_213 = arith.constant 0 : i32
    %dma_wait3A_214 = tpu.memref_slice %arg2[%dma_wait3A_212, %dma_wait3A_213] : memref<10000x144xf32, #tpu.memory_space<hbm>> -> memref<10000x144xf32, #tpu.memory_space<hbm>>
    tpu.wait_indirect_dma semaphore(%arg17 : memref<!tpu.dma_semaphore, #tpu.memory_space<semaphore_mem>>) src(%dma_wait3A_214 : memref<10000x144xf32, #tpu.memory_space<hbm>>) dst(%arg10 : memref<80x144xf32, #tpu.memory_space<vmem>>)
    %dma_wait3A_215 = arith.constant 1 : i32
    %dma_wait3A_216 = arith.constant 0 : i32
    %dma_wait3A_217 = tpu.memref_slice %arg9[%dma_wait3A_215, %dma_wait3A_216] : memref<2x80xi32, #tpu.memory_space<vmem>> -> memref<1x80xi32, #tpu.memory_space<vmem>>
    %dma_wait3A_218 = tpu.memref_squeeze %dma_wait3A_217 : memref<1x80xi32, #tpu.memory_space<vmem>> -> memref<80xi32, #tpu.memory_space<vmem>>
    %dma_wait3A_219 = arith.constant 0 : i32
    %dma_wait3A_220 = arith.constant 0 : i32
    %dma_wait3A_221 = tpu.memref_slice %arg3[%dma_wait3A_219, %dma_wait3A_220] : memref<10000x16xf32, #tpu.memory_space<hbm>> -> memref<10000x16xf32, #tpu.memory_space<hbm>>
    tpu.wait_indirect_dma semaphore(%arg17 : memref<!tpu.dma_semaphore, #tpu.memory_space<semaphore_mem>>) src(%dma_wait3A_221 : memref<10000x16xf32, #tpu.memory_space<hbm>>) dst(%arg11 : memref<80x16xf32, #tpu.memory_space<vmem>>)
    %get3A_222 = arith.constant 1 : i32
    %get3A_223 = arith.index_cast %get3A_222 : i32 to index
    %get3A_224 = arith.constant 0 : index
    %get3A_225 = tpu.vector_load %arg9[%get3A_223, %get3A_224] {strides = array<i32>} : memref<2x80xi32, #tpu.memory_space<vmem>>, vector<1x16xi32>,
    %get3A_226 = vector.shape_cast %get3A_225 : vector<1x16xi32> to vector<16xi32>
    %swap3A_227 = arith.constant 0 : index
    %swap3A_228 = tpu.vector_load %arg13[%swap3A_227] {strides = array<i32>} : memref<80xi32, #tpu.memory_space<vmem>>, vector<16xi32>,
    %swap3A_229 = vector.shape_cast %swap3A_228 : vector<16xi32> to vector<16xi32>
    %swap3A_230 = vector.shape_cast %get3A_226 : vector<16xi32> to vector<16xi32>
    tpu.vector_store %arg13[%swap3A_227], %swap3A_230 {strides = array<i32>} : memref<80xi32, #tpu.memory_space<vmem>>, vector<16xi32>,
    %get3A_231 = arith.constant 1 : i32
    %get3A_232 = arith.index_cast %get3A_231 : i32 to index
    %get3A_233 = arith.constant 16 : index
    %get3A_234 = tpu.vector_load %arg9[%get3A_232, %get3A_233] {strides = array<i32>} : memref<2x80xi32, #tpu.memory_space<vmem>>, vector<1x16xi32>,
    %get3A_235 = vector.shape_cast %get3A_234 : vector<1x16xi32> to vector<16xi32>
    %swap3A_236 = arith.constant 16 : index
    %swap3A_237 = tpu.vector_load %arg13[%swap3A_236] {strides = array<i32>} : memref<80xi32, #tpu.memory_space<vmem>>, vector<16xi32>,
    %swap3A_238 = vector.shape_cast %swap3A_237 : vector<16xi32> to vector<16xi32>
    %swap3A_239 = vector.shape_cast %get3A_235 : vector<16xi32> to vector<16xi32>
    tpu.vector_store %arg13[%swap3A_236], %swap3A_239 {strides = array<i32>} : memref<80xi32, #tpu.memory_space<vmem>>, vector<16xi32>,
    %get3A_240 = arith.constant 1 : i32
    %get3A_241 = arith.index_cast %get3A_240 : i32 to index
    %get3A_242 = arith.constant 32 : index
    %get3A_243 = tpu.vector_load %arg9[%get3A_241, %get3A_242] {strides = array<i32>} : memref<2x80xi32, #tpu.memory_space<vmem>>, vector<1x16xi32>,
    %get3A_244 = vector.shape_cast %get3A_243 : vector<1x16xi32> to vector<16xi32>
    %swap3A_245 = arith.constant 32 : index
    %swap3A_246 = tpu.vector_load %arg13[%swap3A_245] {strides = array<i32>} : memref<80xi32, #tpu.memory_space<vmem>>, vector<16xi32>,
    %swap3A_247 = vector.shape_cast %swap3A_246 : vector<16xi32> to vector<16xi32>
    %swap3A_248 = vector.shape_cast %get3A_244 : vector<16xi32> to vector<16xi32>
    tpu.vector_store %arg13[%swap3A_245], %swap3A_248 {strides = array<i32>} : memref<80xi32, #tpu.memory_space<vmem>>, vector<16xi32>,
    %get3A_249 = arith.constant 1 : i32
    %get3A_250 = arith.index_cast %get3A_249 : i32 to index
    %get3A_251 = arith.constant 48 : index
    %get3A_252 = tpu.vector_load %arg9[%get3A_250, %get3A_251] {strides = array<i32>} : memref<2x80xi32, #tpu.memory_space<vmem>>, vector<1x16xi32>,
    %get3A_253 = vector.shape_cast %get3A_252 : vector<1x16xi32> to vector<16xi32>
    %swap3A_254 = arith.constant 48 : index
    %swap3A_255 = tpu.vector_load %arg13[%swap3A_254] {strides = array<i32>} : memref<80xi32, #tpu.memory_space<vmem>>, vector<16xi32>,
    %swap3A_256 = vector.shape_cast %swap3A_255 : vector<16xi32> to vector<16xi32>
    %swap3A_257 = vector.shape_cast %get3A_253 : vector<16xi32> to vector<16xi32>
    tpu.vector_store %arg13[%swap3A_254], %swap3A_257 {strides = array<i32>} : memref<80xi32, #tpu.memory_space<vmem>>, vector<16xi32>,
    %get3A_258 = arith.constant 1 : i32
    %get3A_259 = arith.index_cast %get3A_258 : i32 to index
    %get3A_260 = arith.constant 64 : index
    %get3A_261 = tpu.vector_load %arg9[%get3A_259, %get3A_260] {strides = array<i32>} : memref<2x80xi32, #tpu.memory_space<vmem>>, vector<1x16xi32>,
    %get3A_262 = vector.shape_cast %get3A_261 : vector<1x16xi32> to vector<16xi32>
    %swap3A_263 = arith.constant 64 : index
    %swap3A_264 = tpu.vector_load %arg13[%swap3A_263] {strides = array<i32>} : memref<80xi32, #tpu.memory_space<vmem>>, vector<16xi32>,
    %swap3A_265 = vector.shape_cast %swap3A_264 : vector<16xi32> to vector<16xi32>
    %swap3A_266 = vector.shape_cast %get3A_262 : vector<16xi32> to vector<16xi32>
    tpu.vector_store %arg13[%swap3A_263], %swap3A_266 {strides = array<i32>} : memref<80xi32, #tpu.memory_space<vmem>>, vector<16xi32>,
    %dma_wait3A_267 = arith.constant 0 : i32
    %dma_wait3A_268 = arith.constant 0 : i32
    %dma_wait3A_269 = tpu.memref_slice %arg15[%dma_wait3A_267, %dma_wait3A_268] : memref<10112x144xf32, #tpu.memory_space<vmem_shared>> -> memref<10112x144xf32, #tpu.memory_space<vmem_shared>>
    tpu.wait_indirect_dma semaphore(%arg18 : memref<!tpu.dma_semaphore, #tpu.memory_space<semaphore_mem>>) src(%arg14 : memref<80x144xf32, #tpu.memory_space<vmem>>) dst(%dma_wait3A_269 : memref<10112x144xf32, #tpu.memory_space<vmem_shared>>)
    %parallel_loop3A_270 = arith.constant 0 : i32
    %parallel_loop3A_271 = arith.constant 80 : i32
    %parallel_loop3A_272 = arith.constant 1 : i32
    scf.for %parallel_loop3A_346 = %parallel_loop3A_270 to %parallel_loop3A_271 step %parallel_loop3A_272  : i32 {
      %parallel_loop3A_347 = arith.index_cast %parallel_loop3A_346 : i32 to index
      %parallel_loop3A_348 = arith.constant 128 : index
      %parallel_loop3A_349 = tpu.vector_load %arg10[%parallel_loop3A_347, %parallel_loop3A_348] {strides = array<i32>} : memref<80x144xf32, #tpu.memory_space<vmem>>, vector<1x16xf32>,
      %parallel_loop3A_350 = vector.shape_cast %parallel_loop3A_349 : vector<1x16xf32> to vector<16xf32>
      %parallel_loop3A_351 = arith.index_cast %parallel_loop3A_346 : i32 to index
      %parallel_loop3A_352 = arith.constant 0 : index
      %parallel_loop3A_353 = tpu.vector_load %arg11[%parallel_loop3A_351, %parallel_loop3A_352] {strides = array<i32>} : memref<80x16xf32, #tpu.memory_space<vmem>>, vector<1x16xf32>,
      %parallel_loop3A_354 = vector.shape_cast %parallel_loop3A_353 : vector<1x16xf32> to vector<16xf32>
      %parallel_loop3A_355 = arith.addf %parallel_loop3A_350, %parallel_loop3A_354 : vector<16xf32>
      %parallel_loop3A_356 = arith.constant 2.000000e-01 : f32
      %parallel_loop3A_357 = vector.broadcast %parallel_loop3A_356 : f32 to vector<16xf32>
      %parallel_loop3A_358 = arith.mulf %parallel_loop3A_357, %parallel_loop3A_355 : vector<16xf32>
      %parallel_loop3A_359 = arith.maximumf %parallel_loop3A_355, %parallel_loop3A_358 : vector<16xf32>
      %parallel_loop3A_360 = math.exp %parallel_loop3A_359 : vector<16xf32>
      %parallel_loop3A_361 = vector.shape_cast %xor3A_42 : vector<16xi32> to vector<16x1xi32>
      %parallel_loop3A_362 = vector.shape_cast %parallel_loop3A_361 : vector<16x1xi32> to vector<16xi32>
      %parallel_loop3A_363 = tpu.dynamic_gather %parallel_loop3A_360[%parallel_loop3A_362] in [0] : vector<16xf32>, vector<16xi32> -> vector<16xf32>
      %parallel_loop3A_364 = arith.addf %parallel_loop3A_360, %parallel_loop3A_363 : vector<16xf32>
      %parallel_loop3A_365 = vector.shape_cast %xor3A_45 : vector<16xi32> to vector<16x1xi32>
      %parallel_loop3A_366 = vector.shape_cast %parallel_loop3A_365 : vector<16x1xi32> to vector<16xi32>
      %parallel_loop3A_367 = tpu.dynamic_gather %parallel_loop3A_364[%parallel_loop3A_366] in [0] : vector<16xf32>, vector<16xi32> -> vector<16xf32>
      %parallel_loop3A_368 = arith.addf %parallel_loop3A_364, %parallel_loop3A_367 : vector<16xf32>
      %parallel_loop3A_369 = vector.shape_cast %xor3A_48 : vector<16xi32> to vector<16x1xi32>
      %parallel_loop3A_370 = vector.shape_cast %parallel_loop3A_369 : vector<16x1xi32> to vector<16xi32>
      %parallel_loop3A_371 = tpu.dynamic_gather %parallel_loop3A_368[%parallel_loop3A_370] in [0] : vector<16xf32>, vector<16xi32> -> vector<16xf32>
      %parallel_loop3A_372 = arith.addf %parallel_loop3A_368, %parallel_loop3A_371 : vector<16xf32>
      %parallel_loop3A_373 = arith.divf %parallel_loop3A_360, %parallel_loop3A_372 : vector<16xf32>
      %parallel_loop3A_374 = arith.index_cast %parallel_loop3A_346 : i32 to index
      %parallel_loop3A_375 = arith.constant 128 : index
      %parallel_loop3A_376 = tpu.vector_load %arg14[%parallel_loop3A_374, %parallel_loop3A_375] {strides = array<i32>} : memref<80x144xf32, #tpu.memory_space<vmem>>, vector<1x16xf32>,
      %parallel_loop3A_377 = vector.shape_cast %parallel_loop3A_376 : vector<1x16xf32> to vector<16xf32>
      %parallel_loop3A_378 = vector.shape_cast %parallel_loop3A_373 : vector<16xf32> to vector<1x16xf32>
      tpu.vector_store %arg14[%parallel_loop3A_374, %parallel_loop3A_375], %parallel_loop3A_378 {strides = array<i32>} : memref<80x144xf32, #tpu.memory_space<vmem>>, vector<1x16xf32>,
      %parallel_loop3A_379 = vector.shape_cast %broadcast_in_dim3A_49 : vector<16xi32> to vector<16x1xi32>
      %parallel_loop3A_380 = vector.shape_cast %parallel_loop3A_379 : vector<16x1xi32> to vector<16xi32>
      %parallel_loop3A_381 = tpu.dynamic_gather %parallel_loop3A_373[%parallel_loop3A_380] in [0] : vector<16xf32>, vector<16xi32> -> vector<16xf32>
      %parallel_loop3A_382 = arith.index_cast %parallel_loop3A_346 : i32 to index
      %parallel_loop3A_383 = arith.constant 0 : index
      %parallel_loop3A_384 = tpu.vector_load %arg10[%parallel_loop3A_382, %parallel_loop3A_383] {strides = array<i32>} : memref<80x144xf32, #tpu.memory_space<vmem>>, vector<1x16xf32>,
      %parallel_loop3A_385 = vector.shape_cast %parallel_loop3A_384 : vector<1x16xf32> to vector<16xf32>
      %parallel_loop3A_386 = arith.mulf %parallel_loop3A_385, %parallel_loop3A_381 : vector<16xf32>
      %parallel_loop3A_387 = arith.index_cast %parallel_loop3A_346 : i32 to index
      %parallel_loop3A_388 = arith.constant 0 : index
      %parallel_loop3A_389 = tpu.vector_load %arg14[%parallel_loop3A_387, %parallel_loop3A_388] {strides = array<i32>} : memref<80x144xf32, #tpu.memory_space<vmem>>, vector<1x16xf32>,
      %parallel_loop3A_390 = vector.shape_cast %parallel_loop3A_389 : vector<1x16xf32> to vector<16xf32>
      %parallel_loop3A_391 = vector.shape_cast %parallel_loop3A_386 : vector<16xf32> to vector<1x16xf32>
      tpu.vector_store %arg14[%parallel_loop3A_387, %parallel_loop3A_388], %parallel_loop3A_391 {strides = array<i32>} : memref<80x144xf32, #tpu.memory_space<vmem>>, vector<1x16xf32>,
      %parallel_loop3A_392 = vector.shape_cast %broadcast_in_dim3A_51 : vector<16xi32> to vector<16x1xi32>
      %parallel_loop3A_393 = vector.shape_cast %parallel_loop3A_392 : vector<16x1xi32> to vector<16xi32>
      %parallel_loop3A_394 = tpu.dynamic_gather %parallel_loop3A_373[%parallel_loop3A_393] in [0] : vector<16xf32>, vector<16xi32> -> vector<16xf32>
      %parallel_loop3A_395 = arith.index_cast %parallel_loop3A_346 : i32 to index
      %parallel_loop3A_396 = arith.constant 16 : index
      %parallel_loop3A_397 = tpu.vector_load %arg10[%parallel_loop3A_395, %parallel_loop3A_396] {strides = array<i32>} : memref<80x144xf32, #tpu.memory_space<vmem>>, vector<1x16xf32>,
      %parallel_loop3A_398 = vector.shape_cast %parallel_loop3A_397 : vector<1x16xf32> to vector<16xf32>
      %parallel_loop3A_399 = arith.mulf %parallel_loop3A_398, %parallel_loop3A_394 : vector<16xf32>
      %parallel_loop3A_400 = arith.index_cast %parallel_loop3A_346 : i32 to index
      %parallel_loop3A_401 = arith.constant 16 : index
      %parallel_loop3A_402 = tpu.vector_load %arg14[%parallel_loop3A_400, %parallel_loop3A_401] {strides = array<i32>} : memref<80x144xf32, #tpu.memory_space<vmem>>, vector<1x16xf32>,
      %parallel_loop3A_403 = vector.shape_cast %parallel_loop3A_402 : vector<1x16xf32> to vector<16xf32>
      %parallel_loop3A_404 = vector.shape_cast %parallel_loop3A_399 : vector<16xf32> to vector<1x16xf32>
      tpu.vector_store %arg14[%parallel_loop3A_400, %parallel_loop3A_401], %parallel_loop3A_404 {strides = array<i32>} : memref<80x144xf32, #tpu.memory_space<vmem>>, vector<1x16xf32>,
      %parallel_loop3A_405 = vector.shape_cast %broadcast_in_dim3A_53 : vector<16xi32> to vector<16x1xi32>
      %parallel_loop3A_406 = vector.shape_cast %parallel_loop3A_405 : vector<16x1xi32> to vector<16xi32>
      %parallel_loop3A_407 = tpu.dynamic_gather %parallel_loop3A_373[%parallel_loop3A_406] in [0] : vector<16xf32>, vector<16xi32> -> vector<16xf32>
      %parallel_loop3A_408 = arith.index_cast %parallel_loop3A_346 : i32 to index
      %parallel_loop3A_409 = arith.constant 32 : index
      %parallel_loop3A_410 = tpu.vector_load %arg10[%parallel_loop3A_408, %parallel_loop3A_409] {strides = array<i32>} : memref<80x144xf32, #tpu.memory_space<vmem>>, vector<1x16xf32>,
      %parallel_loop3A_411 = vector.shape_cast %parallel_loop3A_410 : vector<1x16xf32> to vector<16xf32>
      %parallel_loop3A_412 = arith.mulf %parallel_loop3A_411, %parallel_loop3A_407 : vector<16xf32>
      %parallel_loop3A_413 = arith.index_cast %parallel_loop3A_346 : i32 to index
      %parallel_loop3A_414 = arith.constant 32 : index
      %parallel_loop3A_415 = tpu.vector_load %arg14[%parallel_loop3A_413, %parallel_loop3A_414] {strides = array<i32>} : memref<80x144xf32, #tpu.memory_space<vmem>>, vector<1x16xf32>,
      %parallel_loop3A_416 = vector.shape_cast %parallel_loop3A_415 : vector<1x16xf32> to vector<16xf32>
      %parallel_loop3A_417 = vector.shape_cast %parallel_loop3A_412 : vector<16xf32> to vector<1x16xf32>
      tpu.vector_store %arg14[%parallel_loop3A_413, %parallel_loop3A_414], %parallel_loop3A_417 {strides = array<i32>} : memref<80x144xf32, #tpu.memory_space<vmem>>, vector<1x16xf32>,
      %parallel_loop3A_418 = vector.shape_cast %broadcast_in_dim3A_55 : vector<16xi32> to vector<16x1xi32>
      %parallel_loop3A_419 = vector.shape_cast %parallel_loop3A_418 : vector<16x1xi32> to vector<16xi32>
      %parallel_loop3A_420 = tpu.dynamic_gather %parallel_loop3A_373[%parallel_loop3A_419] in [0] : vector<16xf32>, vector<16xi32> -> vector<16xf32>
      %parallel_loop3A_421 = arith.index_cast %parallel_loop3A_346 : i32 to index
      %parallel_loop3A_422 = arith.constant 48 : index
      %parallel_loop3A_423 = tpu.vector_load %arg10[%parallel_loop3A_421, %parallel_loop3A_422] {strides = array<i32>} : memref<80x144xf32, #tpu.memory_space<vmem>>, vector<1x16xf32>,
      %parallel_loop3A_424 = vector.shape_cast %parallel_loop3A_423 : vector<1x16xf32> to vector<16xf32>
      %parallel_loop3A_425 = arith.mulf %parallel_loop3A_424, %parallel_loop3A_420 : vector<16xf32>
      %parallel_loop3A_426 = arith.index_cast %parallel_loop3A_346 : i32 to index
      %parallel_loop3A_427 = arith.constant 48 : index
      %parallel_loop3A_428 = tpu.vector_load %arg14[%parallel_loop3A_426, %parallel_loop3A_427] {strides = array<i32>} : memref<80x144xf32, #tpu.memory_space<vmem>>, vector<1x16xf32>,
      %parallel_loop3A_429 = vector.shape_cast %parallel_loop3A_428 : vector<1x16xf32> to vector<16xf32>
      %parallel_loop3A_430 = vector.shape_cast %parallel_loop3A_425 : vector<16xf32> to vector<1x16xf32>
      tpu.vector_store %arg14[%parallel_loop3A_426, %parallel_loop3A_427], %parallel_loop3A_430 {strides = array<i32>} : memref<80x144xf32, #tpu.memory_space<vmem>>, vector<1x16xf32>,
      %parallel_loop3A_431 = vector.shape_cast %broadcast_in_dim3A_57 : vector<16xi32> to vector<16x1xi32>
      %parallel_loop3A_432 = vector.shape_cast %parallel_loop3A_431 : vector<16x1xi32> to vector<16xi32>
      %parallel_loop3A_433 = tpu.dynamic_gather %parallel_loop3A_373[%parallel_loop3A_432] in [0] : vector<16xf32>, vector<16xi32> -> vector<16xf32>
      %parallel_loop3A_434 = arith.index_cast %parallel_loop3A_346 : i32 to index
      %parallel_loop3A_435 = arith.constant 64 : index
      %parallel_loop3A_436 = tpu.vector_load %arg10[%parallel_loop3A_434, %parallel_loop3A_435] {strides = array<i32>} : memref<80x144xf32, #tpu.memory_space<vmem>>, vector<1x16xf32>,
      %parallel_loop3A_437 = vector.shape_cast %parallel_loop3A_436 : vector<1x16xf32> to vector<16xf32>
      %parallel_loop3A_438 = arith.mulf %parallel_loop3A_437, %parallel_loop3A_433 : vector<16xf32>
      %parallel_loop3A_439 = arith.index_cast %parallel_loop3A_346 : i32 to index
      %parallel_loop3A_440 = arith.constant 64 : index
      %parallel_loop3A_441 = tpu.vector_load %arg14[%parallel_loop3A_439, %parallel_loop3A_440] {strides = array<i32>} : memref<80x144xf32, #tpu.memory_space<vmem>>, vector<1x16xf32>,
      %parallel_loop3A_442 = vector.shape_cast %parallel_loop3A_441 : vector<1x16xf32> to vector<16xf32>
      %parallel_loop3A_443 = vector.shape_cast %parallel_loop3A_438 : vector<16xf32> to vector<1x16xf32>
      tpu.vector_store %arg14[%parallel_loop3A_439, %parallel_loop3A_440], %parallel_loop3A_443 {strides = array<i32>} : memref<80x144xf32, #tpu.memory_space<vmem>>, vector<1x16xf32>,
      %parallel_loop3A_444 = vector.shape_cast %broadcast_in_dim3A_59 : vector<16xi32> to vector<16x1xi32>
      %parallel_loop3A_445 = vector.shape_cast %parallel_loop3A_444 : vector<16x1xi32> to vector<16xi32>
      %parallel_loop3A_446 = tpu.dynamic_gather %parallel_loop3A_373[%parallel_loop3A_445] in [0] : vector<16xf32>, vector<16xi32> -> vector<16xf32>
      %parallel_loop3A_447 = arith.index_cast %parallel_loop3A_346 : i32 to index
      %parallel_loop3A_448 = arith.constant 80 : index
      %parallel_loop3A_449 = tpu.vector_load %arg10[%parallel_loop3A_447, %parallel_loop3A_448] {strides = array<i32>} : memref<80x144xf32, #tpu.memory_space<vmem>>, vector<1x16xf32>,
      %parallel_loop3A_450 = vector.shape_cast %parallel_loop3A_449 : vector<1x16xf32> to vector<16xf32>
      %parallel_loop3A_451 = arith.mulf %parallel_loop3A_450, %parallel_loop3A_446 : vector<16xf32>
      %parallel_loop3A_452 = arith.index_cast %parallel_loop3A_346 : i32 to index
      %parallel_loop3A_453 = arith.constant 80 : index
      %parallel_loop3A_454 = tpu.vector_load %arg14[%parallel_loop3A_452, %parallel_loop3A_453] {strides = array<i32>} : memref<80x144xf32, #tpu.memory_space<vmem>>, vector<1x16xf32>,
      %parallel_loop3A_455 = vector.shape_cast %parallel_loop3A_454 : vector<1x16xf32> to vector<16xf32>
      %parallel_loop3A_456 = vector.shape_cast %parallel_loop3A_451 : vector<16xf32> to vector<1x16xf32>
      tpu.vector_store %arg14[%parallel_loop3A_452, %parallel_loop3A_453], %parallel_loop3A_456 {strides = array<i32>} : memref<80x144xf32, #tpu.memory_space<vmem>>, vector<1x16xf32>,
      %parallel_loop3A_457 = vector.shape_cast %broadcast_in_dim3A_61 : vector<16xi32> to vector<16x1xi32>
      %parallel_loop3A_458 = vector.shape_cast %parallel_loop3A_457 : vector<16x1xi32> to vector<16xi32>
      %parallel_loop3A_459 = tpu.dynamic_gather %parallel_loop3A_373[%parallel_loop3A_458] in [0] : vector<16xf32>, vector<16xi32> -> vector<16xf32>
      %parallel_loop3A_460 = arith.index_cast %parallel_loop3A_346 : i32 to index
      %parallel_loop3A_461 = arith.constant 96 : index
      %parallel_loop3A_462 = tpu.vector_load %arg10[%parallel_loop3A_460, %parallel_loop3A_461] {strides = array<i32>} : memref<80x144xf32, #tpu.memory_space<vmem>>, vector<1x16xf32>,
      %parallel_loop3A_463 = vector.shape_cast %parallel_loop3A_462 : vector<1x16xf32> to vector<16xf32>
      %parallel_loop3A_464 = arith.mulf %parallel_loop3A_463, %parallel_loop3A_459 : vector<16xf32>
      %parallel_loop3A_465 = arith.index_cast %parallel_loop3A_346 : i32 to index
      %parallel_loop3A_466 = arith.constant 96 : index
      %parallel_loop3A_467 = tpu.vector_load %arg14[%parallel_loop3A_465, %parallel_loop3A_466] {strides = array<i32>} : memref<80x144xf32, #tpu.memory_space<vmem>>, vector<1x16xf32>,
      %parallel_loop3A_468 = vector.shape_cast %parallel_loop3A_467 : vector<1x16xf32> to vector<16xf32>
      %parallel_loop3A_469 = vector.shape_cast %parallel_loop3A_464 : vector<16xf32> to vector<1x16xf32>
      tpu.vector_store %arg14[%parallel_loop3A_465, %parallel_loop3A_466], %parallel_loop3A_469 {strides = array<i32>} : memref<80x144xf32, #tpu.memory_space<vmem>>, vector<1x16xf32>,
      %parallel_loop3A_470 = vector.shape_cast %broadcast_in_dim3A_63 : vector<16xi32> to vector<16x1xi32>
      %parallel_loop3A_471 = vector.shape_cast %parallel_loop3A_470 : vector<16x1xi32> to vector<16xi32>
      %parallel_loop3A_472 = tpu.dynamic_gather %parallel_loop3A_373[%parallel_loop3A_471] in [0] : vector<16xf32>, vector<16xi32> -> vector<16xf32>
      %parallel_loop3A_473 = arith.index_cast %parallel_loop3A_346 : i32 to index
      %parallel_loop3A_474 = arith.constant 112 : index
      %parallel_loop3A_475 = tpu.vector_load %arg10[%parallel_loop3A_473, %parallel_loop3A_474] {strides = array<i32>} : memref<80x144xf32, #tpu.memory_space<vmem>>, vector<1x16xf32>,
      %parallel_loop3A_476 = vector.shape_cast %parallel_loop3A_475 : vector<1x16xf32> to vector<16xf32>
      %parallel_loop3A_477 = arith.mulf %parallel_loop3A_476, %parallel_loop3A_472 : vector<16xf32>
      %parallel_loop3A_478 = arith.index_cast %parallel_loop3A_346 : i32 to index
      %parallel_loop3A_479 = arith.constant 112 : index
      %parallel_loop3A_480 = tpu.vector_load %arg14[%parallel_loop3A_478, %parallel_loop3A_479] {strides = array<i32>} : memref<80x144xf32, #tpu.memory_space<vmem>>, vector<1x16xf32>,
      %parallel_loop3A_481 = vector.shape_cast %parallel_loop3A_480 : vector<1x16xf32> to vector<16xf32>
      %parallel_loop3A_482 = vector.shape_cast %parallel_loop3A_477 : vector<16xf32> to vector<1x16xf32>
      tpu.vector_store %arg14[%parallel_loop3A_478, %parallel_loop3A_479], %parallel_loop3A_482 {strides = array<i32>} : memref<80x144xf32, #tpu.memory_space<vmem>>, vector<1x16xf32>,
    } {sc.loop_unroll_factor = 2 : i64, sc.parallel_access}
    %dma_start3A_273 = arith.constant 0 : i32
    %dma_start3A_274 = arith.constant 0 : i32
    %dma_start3A_275 = tpu.memref_slice %arg15[%dma_start3A_273, %dma_start3A_274] : memref<10112x144xf32, #tpu.memory_space<vmem_shared>> -> memref<10112x144xf32, #tpu.memory_space<vmem_shared>>
    tpu.enqueue_indirect_dma source(%arg14 : memref<80x144xf32, #tpu.memory_space<vmem>>) target(%dma_start3A_275 : memref<10112x144xf32, #tpu.memory_space<vmem_shared>>) offsets(%arg13 : memref<80xi32, #tpu.memory_space<vmem>>) semaphore(%arg18 : memref<!tpu.dma_semaphore, #tpu.memory_space<semaphore_mem>>) {add = true}
    %dma_wait3A_276 = arith.constant 0 : i32
    %dma_wait3A_277 = arith.constant 0 : i32
    %dma_wait3A_278 = tpu.memref_slice %arg6[%dma_wait3A_276, %dma_wait3A_277] : memref<2x80xi32, #tpu.memory_space<vmem>> -> memref<1x80xi32, #tpu.memory_space<vmem>>
    %dma_wait3A_279 = tpu.memref_squeeze %dma_wait3A_278 : memref<1x80xi32, #tpu.memory_space<vmem>> -> memref<80xi32, #tpu.memory_space<vmem>>
    %dma_wait3A_280 = arith.constant 0 : i32
    %dma_wait3A_281 = arith.constant 0 : i32
    %dma_wait3A_282 = tpu.memref_slice %arg2[%dma_wait3A_280, %dma_wait3A_281] : memref<10000x144xf32, #tpu.memory_space<hbm>> -> memref<10000x144xf32, #tpu.memory_space<hbm>>
    tpu.wait_indirect_dma semaphore(%arg16 : memref<!tpu.dma_semaphore, #tpu.memory_space<semaphore_mem>>) src(%dma_wait3A_282 : memref<10000x144xf32, #tpu.memory_space<hbm>>) dst(%arg7 : memref<80x144xf32, #tpu.memory_space<vmem>>)
    %dma_wait3A_283 = arith.constant 1 : i32
    %dma_wait3A_284 = arith.constant 0 : i32
    %dma_wait3A_285 = tpu.memref_slice %arg6[%dma_wait3A_283, %dma_wait3A_284] : memref<2x80xi32, #tpu.memory_space<vmem>> -> memref<1x80xi32, #tpu.memory_space<vmem>>
    %dma_wait3A_286 = tpu.memref_squeeze %dma_wait3A_285 : memref<1x80xi32, #tpu.memory_space<vmem>> -> memref<80xi32, #tpu.memory_space<vmem>>
    %dma_wait3A_287 = arith.constant 0 : i32
    %dma_wait3A_288 = arith.constant 0 : i32
    %dma_wait3A_289 = tpu.memref_slice %arg3[%dma_wait3A_287, %dma_wait3A_288] : memref<10000x16xf32, #tpu.memory_space<hbm>> -> memref<10000x16xf32, #tpu.memory_space<hbm>>
    tpu.wait_indirect_dma semaphore(%arg16 : memref<!tpu.dma_semaphore, #tpu.memory_space<semaphore_mem>>) src(%dma_wait3A_289 : memref<10000x16xf32, #tpu.memory_space<hbm>>) dst(%arg8 : memref<80x16xf32, #tpu.memory_space<vmem>>)
    %get3A_290 = arith.constant 1 : i32
    %get3A_291 = arith.index_cast %get3A_290 : i32 to index
    %get3A_292 = arith.constant 0 : index
    %get3A_293 = tpu.vector_load %arg6[%get3A_291, %get3A_292] {strides = array<i32>} : memref<2x80xi32, #tpu.memory_space<vmem>>, vector<1x16xi32>,
    %get3A_294 = vector.shape_cast %get3A_293 : vector<1x16xi32> to vector<16xi32>
    %swap3A_295 = arith.constant 0 : index
    %swap3A_296 = tpu.vector_load %arg12[%swap3A_295] {strides = array<i32>} : memref<80xi32, #tpu.memory_space<vmem>>, vector<16xi32>,
    %swap3A_297 = vector.shape_cast %swap3A_296 : vector<16xi32> to vector<16xi32>
    %swap3A_298 = vector.shape_cast %get3A_294 : vector<16xi32> to vector<16xi32>
    tpu.vector_store %arg12[%swap3A_295], %swap3A_298 {strides = array<i32>} : memref<80xi32, #tpu.memory_space<vmem>>, vector<16xi32>,
    %get3A_299 = arith.constant 1 : i32
    %get3A_300 = arith.index_cast %get3A_299 : i32 to index
    %get3A_301 = arith.constant 16 : index
    %get3A_302 = tpu.vector_load %arg6[%get3A_300, %get3A_301] {strides = array<i32>} : memref<2x80xi32, #tpu.memory_space<vmem>>, vector<1x16xi32>,
    %get3A_303 = vector.shape_cast %get3A_302 : vector<1x16xi32> to vector<16xi32>
    %swap3A_304 = arith.constant 16 : index
    %swap3A_305 = tpu.vector_load %arg12[%swap3A_304] {strides = array<i32>} : memref<80xi32, #tpu.memory_space<vmem>>, vector<16xi32>,
    %swap3A_306 = vector.shape_cast %swap3A_305 : vector<16xi32> to vector<16xi32>
    %swap3A_307 = vector.shape_cast %get3A_303 : vector<16xi32> to vector<16xi32>
    tpu.vector_store %arg12[%swap3A_304], %swap3A_307 {strides = array<i32>} : memref<80xi32, #tpu.memory_space<vmem>>, vector<16xi32>,
    %get3A_308 = arith.constant 1 : i32
    %get3A_309 = arith.index_cast %get3A_308 : i32 to index
    %get3A_310 = arith.constant 32 : index
    %get3A_311 = tpu.vector_load %arg6[%get3A_309, %get3A_310] {strides = array<i32>} : memref<2x80xi32, #tpu.memory_space<vmem>>, vector<1x16xi32>,
    %get3A_312 = vector.shape_cast %get3A_311 : vector<1x16xi32> to vector<16xi32>
    %swap3A_313 = arith.constant 32 : index
    %swap3A_314 = tpu.vector_load %arg12[%swap3A_313] {strides = array<i32>} : memref<80xi32, #tpu.memory_space<vmem>>, vector<16xi32>,
    %swap3A_315 = vector.shape_cast %swap3A_314 : vector<16xi32> to vector<16xi32>
    %swap3A_316 = vector.shape_cast %get3A_312 : vector<16xi32> to vector<16xi32>
    tpu.vector_store %arg12[%swap3A_313], %swap3A_316 {strides = array<i32>} : memref<80xi32, #tpu.memory_space<vmem>>, vector<16xi32>,
    %get3A_317 = arith.constant 1 : i32
    %get3A_318 = arith.index_cast %get3A_317 : i32 to index
    %get3A_319 = arith.constant 48 : index
    %get3A_320 = tpu.vector_load %arg6[%get3A_318, %get3A_319] {strides = array<i32>} : memref<2x80xi32, #tpu.memory_space<vmem>>, vector<1x16xi32>,
    %get3A_321 = vector.shape_cast %get3A_320 : vector<1x16xi32> to vector<16xi32>
    %swap3A_322 = arith.constant 48 : index
    %swap3A_323 = tpu.vector_load %arg12[%swap3A_322] {strides = array<i32>} : memref<80xi32, #tpu.memory_space<vmem>>, vector<16xi32>,
    %swap3A_324 = vector.shape_cast %swap3A_323 : vector<16xi32> to vector<16xi32>
    %swap3A_325 = vector.shape_cast %get3A_321 : vector<16xi32> to vector<16xi32>
    tpu.vector_store %arg12[%swap3A_322], %swap3A_325 {strides = array<i32>} : memref<80xi32, #tpu.memory_space<vmem>>, vector<16xi32>,
    %get3A_326 = arith.constant 1 : i32
    %get3A_327 = arith.index_cast %get3A_326 : i32 to index
    %get3A_328 = arith.constant 64 : index
    %get3A_329 = tpu.vector_load %arg6[%get3A_327, %get3A_328] {strides = array<i32>} : memref<2x80xi32, #tpu.memory_space<vmem>>, vector<1x16xi32>,
    %get3A_330 = vector.shape_cast %get3A_329 : vector<1x16xi32> to vector<16xi32>
    %swap3A_331 = arith.constant 64 : index
    %swap3A_332 = tpu.vector_load %arg12[%swap3A_331] {strides = array<i32>} : memref<80xi32, #tpu.memory_space<vmem>>, vector<16xi32>,
    %swap3A_333 = vector.shape_cast %swap3A_332 : vector<16xi32> to vector<16xi32>
    %swap3A_334 = vector.shape_cast %get3A_330 : vector<16xi32> to vector<16xi32>
    tpu.vector_store %arg12[%swap3A_331], %swap3A_334 {strides = array<i32>} : memref<80xi32, #tpu.memory_space<vmem>>, vector<16xi32>,
    %dma_wait3A_335 = arith.constant 0 : i32
    %dma_wait3A_336 = arith.constant 0 : i32
    %dma_wait3A_337 = tpu.memref_slice %arg15[%dma_wait3A_335, %dma_wait3A_336] : memref<10112x144xf32, #tpu.memory_space<vmem_shared>> -> memref<10112x144xf32, #tpu.memory_space<vmem_shared>>
    tpu.wait_indirect_dma semaphore(%arg18 : memref<!tpu.dma_semaphore, #tpu.memory_space<semaphore_mem>>) src(%arg14 : memref<80x144xf32, #tpu.memory_space<vmem>>) dst(%dma_wait3A_337 : memref<10112x144xf32, #tpu.memory_space<vmem_shared>>)
    %parallel_loop3A_338 = arith.constant 0 : i32
    %parallel_loop3A_339 = arith.constant 80 : i32
    %parallel_loop3A_340 = arith.constant 1 : i32
    scf.for %parallel_loop3A_346 = %parallel_loop3A_338 to %parallel_loop3A_339 step %parallel_loop3A_340  : i32 {
      %parallel_loop3A_347 = arith.index_cast %parallel_loop3A_346 : i32 to index
      %parallel_loop3A_348 = arith.constant 128 : index
      %parallel_loop3A_349 = tpu.vector_load %arg7[%parallel_loop3A_347, %parallel_loop3A_348] {strides = array<i32>} : memref<80x144xf32, #tpu.memory_space<vmem>>, vector<1x16xf32>,
      %parallel_loop3A_350 = vector.shape_cast %parallel_loop3A_349 : vector<1x16xf32> to vector<16xf32>
      %parallel_loop3A_351 = arith.index_cast %parallel_loop3A_346 : i32 to index
      %parallel_loop3A_352 = arith.constant 0 : index
      %parallel_loop3A_353 = tpu.vector_load %arg8[%parallel_loop3A_351, %parallel_loop3A_352] {strides = array<i32>} : memref<80x16xf32, #tpu.memory_space<vmem>>, vector<1x16xf32>,
      %parallel_loop3A_354 = vector.shape_cast %parallel_loop3A_353 : vector<1x16xf32> to vector<16xf32>
      %parallel_loop3A_355 = arith.addf %parallel_loop3A_350, %parallel_loop3A_354 : vector<16xf32>
      %parallel_loop3A_356 = arith.constant 2.000000e-01 : f32
      %parallel_loop3A_357 = vector.broadcast %parallel_loop3A_356 : f32 to vector<16xf32>
      %parallel_loop3A_358 = arith.mulf %parallel_loop3A_357, %parallel_loop3A_355 : vector<16xf32>
      %parallel_loop3A_359 = arith.maximumf %parallel_loop3A_355, %parallel_loop3A_358 : vector<16xf32>
      %parallel_loop3A_360 = math.exp %parallel_loop3A_359 : vector<16xf32>
      %parallel_loop3A_361 = vector.shape_cast %xor3A_42 : vector<16xi32> to vector<16x1xi32>
      %parallel_loop3A_362 = vector.shape_cast %parallel_loop3A_361 : vector<16x1xi32> to vector<16xi32>
      %parallel_loop3A_363 = tpu.dynamic_gather %parallel_loop3A_360[%parallel_loop3A_362] in [0] : vector<16xf32>, vector<16xi32> -> vector<16xf32>
      %parallel_loop3A_364 = arith.addf %parallel_loop3A_360, %parallel_loop3A_363 : vector<16xf32>
      %parallel_loop3A_365 = vector.shape_cast %xor3A_45 : vector<16xi32> to vector<16x1xi32>
      %parallel_loop3A_366 = vector.shape_cast %parallel_loop3A_365 : vector<16x1xi32> to vector<16xi32>
      %parallel_loop3A_367 = tpu.dynamic_gather %parallel_loop3A_364[%parallel_loop3A_366] in [0] : vector<16xf32>, vector<16xi32> -> vector<16xf32>
      %parallel_loop3A_368 = arith.addf %parallel_loop3A_364, %parallel_loop3A_367 : vector<16xf32>
      %parallel_loop3A_369 = vector.shape_cast %xor3A_48 : vector<16xi32> to vector<16x1xi32>
      %parallel_loop3A_370 = vector.shape_cast %parallel_loop3A_369 : vector<16x1xi32> to vector<16xi32>
      %parallel_loop3A_371 = tpu.dynamic_gather %parallel_loop3A_368[%parallel_loop3A_370] in [0] : vector<16xf32>, vector<16xi32> -> vector<16xf32>
      %parallel_loop3A_372 = arith.addf %parallel_loop3A_368, %parallel_loop3A_371 : vector<16xf32>
      %parallel_loop3A_373 = arith.divf %parallel_loop3A_360, %parallel_loop3A_372 : vector<16xf32>
      %parallel_loop3A_374 = arith.index_cast %parallel_loop3A_346 : i32 to index
      %parallel_loop3A_375 = arith.constant 128 : index
      %parallel_loop3A_376 = tpu.vector_load %arg14[%parallel_loop3A_374, %parallel_loop3A_375] {strides = array<i32>} : memref<80x144xf32, #tpu.memory_space<vmem>>, vector<1x16xf32>,
      %parallel_loop3A_377 = vector.shape_cast %parallel_loop3A_376 : vector<1x16xf32> to vector<16xf32>
      %parallel_loop3A_378 = vector.shape_cast %parallel_loop3A_373 : vector<16xf32> to vector<1x16xf32>
      tpu.vector_store %arg14[%parallel_loop3A_374, %parallel_loop3A_375], %parallel_loop3A_378 {strides = array<i32>} : memref<80x144xf32, #tpu.memory_space<vmem>>, vector<1x16xf32>,
      %parallel_loop3A_379 = vector.shape_cast %broadcast_in_dim3A_49 : vector<16xi32> to vector<16x1xi32>
      %parallel_loop3A_380 = vector.shape_cast %parallel_loop3A_379 : vector<16x1xi32> to vector<16xi32>
      %parallel_loop3A_381 = tpu.dynamic_gather %parallel_loop3A_373[%parallel_loop3A_380] in [0] : vector<16xf32>, vector<16xi32> -> vector<16xf32>
      %parallel_loop3A_382 = arith.index_cast %parallel_loop3A_346 : i32 to index
      %parallel_loop3A_383 = arith.constant 0 : index
      %parallel_loop3A_384 = tpu.vector_load %arg7[%parallel_loop3A_382, %parallel_loop3A_383] {strides = array<i32>} : memref<80x144xf32, #tpu.memory_space<vmem>>, vector<1x16xf32>,
      %parallel_loop3A_385 = vector.shape_cast %parallel_loop3A_384 : vector<1x16xf32> to vector<16xf32>
      %parallel_loop3A_386 = arith.mulf %parallel_loop3A_385, %parallel_loop3A_381 : vector<16xf32>
      %parallel_loop3A_387 = arith.index_cast %parallel_loop3A_346 : i32 to index
      %parallel_loop3A_388 = arith.constant 0 : index
      %parallel_loop3A_389 = tpu.vector_load %arg14[%parallel_loop3A_387, %parallel_loop3A_388] {strides = array<i32>} : memref<80x144xf32, #tpu.memory_space<vmem>>, vector<1x16xf32>,
      %parallel_loop3A_390 = vector.shape_cast %parallel_loop3A_389 : vector<1x16xf32> to vector<16xf32>
      %parallel_loop3A_391 = vector.shape_cast %parallel_loop3A_386 : vector<16xf32> to vector<1x16xf32>
      tpu.vector_store %arg14[%parallel_loop3A_387, %parallel_loop3A_388], %parallel_loop3A_391 {strides = array<i32>} : memref<80x144xf32, #tpu.memory_space<vmem>>, vector<1x16xf32>,
      %parallel_loop3A_392 = vector.shape_cast %broadcast_in_dim3A_51 : vector<16xi32> to vector<16x1xi32>
      %parallel_loop3A_393 = vector.shape_cast %parallel_loop3A_392 : vector<16x1xi32> to vector<16xi32>
      %parallel_loop3A_394 = tpu.dynamic_gather %parallel_loop3A_373[%parallel_loop3A_393] in [0] : vector<16xf32>, vector<16xi32> -> vector<16xf32>
      %parallel_loop3A_395 = arith.index_cast %parallel_loop3A_346 : i32 to index
      %parallel_loop3A_396 = arith.constant 16 : index
      %parallel_loop3A_397 = tpu.vector_load %arg7[%parallel_loop3A_395, %parallel_loop3A_396] {strides = array<i32>} : memref<80x144xf32, #tpu.memory_space<vmem>>, vector<1x16xf32>,
      %parallel_loop3A_398 = vector.shape_cast %parallel_loop3A_397 : vector<1x16xf32> to vector<16xf32>
      %parallel_loop3A_399 = arith.mulf %parallel_loop3A_398, %parallel_loop3A_394 : vector<16xf32>
      %parallel_loop3A_400 = arith.index_cast %parallel_loop3A_346 : i32 to index
      %parallel_loop3A_401 = arith.constant 16 : index
      %parallel_loop3A_402 = tpu.vector_load %arg14[%parallel_loop3A_400, %parallel_loop3A_401] {strides = array<i32>} : memref<80x144xf32, #tpu.memory_space<vmem>>, vector<1x16xf32>,
      %parallel_loop3A_403 = vector.shape_cast %parallel_loop3A_402 : vector<1x16xf32> to vector<16xf32>
      %parallel_loop3A_404 = vector.shape_cast %parallel_loop3A_399 : vector<16xf32> to vector<1x16xf32>
      tpu.vector_store %arg14[%parallel_loop3A_400, %parallel_loop3A_401], %parallel_loop3A_404 {strides = array<i32>} : memref<80x144xf32, #tpu.memory_space<vmem>>, vector<1x16xf32>,
      %parallel_loop3A_405 = vector.shape_cast %broadcast_in_dim3A_53 : vector<16xi32> to vector<16x1xi32>
      %parallel_loop3A_406 = vector.shape_cast %parallel_loop3A_405 : vector<16x1xi32> to vector<16xi32>
      %parallel_loop3A_407 = tpu.dynamic_gather %parallel_loop3A_373[%parallel_loop3A_406] in [0] : vector<16xf32>, vector<16xi32> -> vector<16xf32>
      %parallel_loop3A_408 = arith.index_cast %parallel_loop3A_346 : i32 to index
      %parallel_loop3A_409 = arith.constant 32 : index
      %parallel_loop3A_410 = tpu.vector_load %arg7[%parallel_loop3A_408, %parallel_loop3A_409] {strides = array<i32>} : memref<80x144xf32, #tpu.memory_space<vmem>>, vector<1x16xf32>,
      %parallel_loop3A_411 = vector.shape_cast %parallel_loop3A_410 : vector<1x16xf32> to vector<16xf32>
      %parallel_loop3A_412 = arith.mulf %parallel_loop3A_411, %parallel_loop3A_407 : vector<16xf32>
      %parallel_loop3A_413 = arith.index_cast %parallel_loop3A_346 : i32 to index
      %parallel_loop3A_414 = arith.constant 32 : index
      %parallel_loop3A_415 = tpu.vector_load %arg14[%parallel_loop3A_413, %parallel_loop3A_414] {strides = array<i32>} : memref<80x144xf32, #tpu.memory_space<vmem>>, vector<1x16xf32>,
      %parallel_loop3A_416 = vector.shape_cast %parallel_loop3A_415 : vector<1x16xf32> to vector<16xf32>
      %parallel_loop3A_417 = vector.shape_cast %parallel_loop3A_412 : vector<16xf32> to vector<1x16xf32>
      tpu.vector_store %arg14[%parallel_loop3A_413, %parallel_loop3A_414], %parallel_loop3A_417 {strides = array<i32>} : memref<80x144xf32, #tpu.memory_space<vmem>>, vector<1x16xf32>,
      %parallel_loop3A_418 = vector.shape_cast %broadcast_in_dim3A_55 : vector<16xi32> to vector<16x1xi32>
      %parallel_loop3A_419 = vector.shape_cast %parallel_loop3A_418 : vector<16x1xi32> to vector<16xi32>
      %parallel_loop3A_420 = tpu.dynamic_gather %parallel_loop3A_373[%parallel_loop3A_419] in [0] : vector<16xf32>, vector<16xi32> -> vector<16xf32>
      %parallel_loop3A_421 = arith.index_cast %parallel_loop3A_346 : i32 to index
      %parallel_loop3A_422 = arith.constant 48 : index
      %parallel_loop3A_423 = tpu.vector_load %arg7[%parallel_loop3A_421, %parallel_loop3A_422] {strides = array<i32>} : memref<80x144xf32, #tpu.memory_space<vmem>>, vector<1x16xf32>,
      %parallel_loop3A_424 = vector.shape_cast %parallel_loop3A_423 : vector<1x16xf32> to vector<16xf32>
      %parallel_loop3A_425 = arith.mulf %parallel_loop3A_424, %parallel_loop3A_420 : vector<16xf32>
      %parallel_loop3A_426 = arith.index_cast %parallel_loop3A_346 : i32 to index
      %parallel_loop3A_427 = arith.constant 48 : index
      %parallel_loop3A_428 = tpu.vector_load %arg14[%parallel_loop3A_426, %parallel_loop3A_427] {strides = array<i32>} : memref<80x144xf32, #tpu.memory_space<vmem>>, vector<1x16xf32>,
      %parallel_loop3A_429 = vector.shape_cast %parallel_loop3A_428 : vector<1x16xf32> to vector<16xf32>
      %parallel_loop3A_430 = vector.shape_cast %parallel_loop3A_425 : vector<16xf32> to vector<1x16xf32>
      tpu.vector_store %arg14[%parallel_loop3A_426, %parallel_loop3A_427], %parallel_loop3A_430 {strides = array<i32>} : memref<80x144xf32, #tpu.memory_space<vmem>>, vector<1x16xf32>,
      %parallel_loop3A_431 = vector.shape_cast %broadcast_in_dim3A_57 : vector<16xi32> to vector<16x1xi32>
      %parallel_loop3A_432 = vector.shape_cast %parallel_loop3A_431 : vector<16x1xi32> to vector<16xi32>
      %parallel_loop3A_433 = tpu.dynamic_gather %parallel_loop3A_373[%parallel_loop3A_432] in [0] : vector<16xf32>, vector<16xi32> -> vector<16xf32>
      %parallel_loop3A_434 = arith.index_cast %parallel_loop3A_346 : i32 to index
      %parallel_loop3A_435 = arith.constant 64 : index
      %parallel_loop3A_436 = tpu.vector_load %arg7[%parallel_loop3A_434, %parallel_loop3A_435] {strides = array<i32>} : memref<80x144xf32, #tpu.memory_space<vmem>>, vector<1x16xf32>,
      %parallel_loop3A_437 = vector.shape_cast %parallel_loop3A_436 : vector<1x16xf32> to vector<16xf32>
      %parallel_loop3A_438 = arith.mulf %parallel_loop3A_437, %parallel_loop3A_433 : vector<16xf32>
      %parallel_loop3A_439 = arith.index_cast %parallel_loop3A_346 : i32 to index
      %parallel_loop3A_440 = arith.constant 64 : index
      %parallel_loop3A_441 = tpu.vector_load %arg14[%parallel_loop3A_439, %parallel_loop3A_440] {strides = array<i32>} : memref<80x144xf32, #tpu.memory_space<vmem>>, vector<1x16xf32>,
      %parallel_loop3A_442 = vector.shape_cast %parallel_loop3A_441 : vector<1x16xf32> to vector<16xf32>
      %parallel_loop3A_443 = vector.shape_cast %parallel_loop3A_438 : vector<16xf32> to vector<1x16xf32>
      tpu.vector_store %arg14[%parallel_loop3A_439, %parallel_loop3A_440], %parallel_loop3A_443 {strides = array<i32>} : memref<80x144xf32, #tpu.memory_space<vmem>>, vector<1x16xf32>,
      %parallel_loop3A_444 = vector.shape_cast %broadcast_in_dim3A_59 : vector<16xi32> to vector<16x1xi32>
      %parallel_loop3A_445 = vector.shape_cast %parallel_loop3A_444 : vector<16x1xi32> to vector<16xi32>
      %parallel_loop3A_446 = tpu.dynamic_gather %parallel_loop3A_373[%parallel_loop3A_445] in [0] : vector<16xf32>, vector<16xi32> -> vector<16xf32>
      %parallel_loop3A_447 = arith.index_cast %parallel_loop3A_346 : i32 to index
      %parallel_loop3A_448 = arith.constant 80 : index
      %parallel_loop3A_449 = tpu.vector_load %arg7[%parallel_loop3A_447, %parallel_loop3A_448] {strides = array<i32>} : memref<80x144xf32, #tpu.memory_space<vmem>>, vector<1x16xf32>,
      %parallel_loop3A_450 = vector.shape_cast %parallel_loop3A_449 : vector<1x16xf32> to vector<16xf32>
      %parallel_loop3A_451 = arith.mulf %parallel_loop3A_450, %parallel_loop3A_446 : vector<16xf32>
      %parallel_loop3A_452 = arith.index_cast %parallel_loop3A_346 : i32 to index
      %parallel_loop3A_453 = arith.constant 80 : index
      %parallel_loop3A_454 = tpu.vector_load %arg14[%parallel_loop3A_452, %parallel_loop3A_453] {strides = array<i32>} : memref<80x144xf32, #tpu.memory_space<vmem>>, vector<1x16xf32>,
      %parallel_loop3A_455 = vector.shape_cast %parallel_loop3A_454 : vector<1x16xf32> to vector<16xf32>
      %parallel_loop3A_456 = vector.shape_cast %parallel_loop3A_451 : vector<16xf32> to vector<1x16xf32>
      tpu.vector_store %arg14[%parallel_loop3A_452, %parallel_loop3A_453], %parallel_loop3A_456 {strides = array<i32>} : memref<80x144xf32, #tpu.memory_space<vmem>>, vector<1x16xf32>,
      %parallel_loop3A_457 = vector.shape_cast %broadcast_in_dim3A_61 : vector<16xi32> to vector<16x1xi32>
      %parallel_loop3A_458 = vector.shape_cast %parallel_loop3A_457 : vector<16x1xi32> to vector<16xi32>
      %parallel_loop3A_459 = tpu.dynamic_gather %parallel_loop3A_373[%parallel_loop3A_458] in [0] : vector<16xf32>, vector<16xi32> -> vector<16xf32>
      %parallel_loop3A_460 = arith.index_cast %parallel_loop3A_346 : i32 to index
      %parallel_loop3A_461 = arith.constant 96 : index
      %parallel_loop3A_462 = tpu.vector_load %arg7[%parallel_loop3A_460, %parallel_loop3A_461] {strides = array<i32>} : memref<80x144xf32, #tpu.memory_space<vmem>>, vector<1x16xf32>,
      %parallel_loop3A_463 = vector.shape_cast %parallel_loop3A_462 : vector<1x16xf32> to vector<16xf32>
      %parallel_loop3A_464 = arith.mulf %parallel_loop3A_463, %parallel_loop3A_459 : vector<16xf32>
      %parallel_loop3A_465 = arith.index_cast %parallel_loop3A_346 : i32 to index
      %parallel_loop3A_466 = arith.constant 96 : index
      %parallel_loop3A_467 = tpu.vector_load %arg14[%parallel_loop3A_465, %parallel_loop3A_466] {strides = array<i32>} : memref<80x144xf32, #tpu.memory_space<vmem>>, vector<1x16xf32>,
      %parallel_loop3A_468 = vector.shape_cast %parallel_loop3A_467 : vector<1x16xf32> to vector<16xf32>
      %parallel_loop3A_469 = vector.shape_cast %parallel_loop3A_464 : vector<16xf32> to vector<1x16xf32>
      tpu.vector_store %arg14[%parallel_loop3A_465, %parallel_loop3A_466], %parallel_loop3A_469 {strides = array<i32>} : memref<80x144xf32, #tpu.memory_space<vmem>>, vector<1x16xf32>,
      %parallel_loop3A_470 = vector.shape_cast %broadcast_in_dim3A_63 : vector<16xi32> to vector<16x1xi32>
      %parallel_loop3A_471 = vector.shape_cast %parallel_loop3A_470 : vector<16x1xi32> to vector<16xi32>
      %parallel_loop3A_472 = tpu.dynamic_gather %parallel_loop3A_373[%parallel_loop3A_471] in [0] : vector<16xf32>, vector<16xi32> -> vector<16xf32>
      %parallel_loop3A_473 = arith.index_cast %parallel_loop3A_346 : i32 to index
      %parallel_loop3A_474 = arith.constant 112 : index
      %parallel_loop3A_475 = tpu.vector_load %arg7[%parallel_loop3A_473, %parallel_loop3A_474] {strides = array<i32>} : memref<80x144xf32, #tpu.memory_space<vmem>>, vector<1x16xf32>,
      %parallel_loop3A_476 = vector.shape_cast %parallel_loop3A_475 : vector<1x16xf32> to vector<16xf32>
      %parallel_loop3A_477 = arith.mulf %parallel_loop3A_476, %parallel_loop3A_472 : vector<16xf32>
      %parallel_loop3A_478 = arith.index_cast %parallel_loop3A_346 : i32 to index
      %parallel_loop3A_479 = arith.constant 112 : index
      %parallel_loop3A_480 = tpu.vector_load %arg14[%parallel_loop3A_478, %parallel_loop3A_479] {strides = array<i32>} : memref<80x144xf32, #tpu.memory_space<vmem>>, vector<1x16xf32>,
      %parallel_loop3A_481 = vector.shape_cast %parallel_loop3A_480 : vector<1x16xf32> to vector<16xf32>
      %parallel_loop3A_482 = vector.shape_cast %parallel_loop3A_477 : vector<16xf32> to vector<1x16xf32>
      tpu.vector_store %arg14[%parallel_loop3A_478, %parallel_loop3A_479], %parallel_loop3A_482 {strides = array<i32>} : memref<80x144xf32, #tpu.memory_space<vmem>>, vector<1x16xf32>,
    } {sc.loop_unroll_factor = 2 : i64, sc.parallel_access}
    "tpu.region"() ({
      %run_scoped3A = tpu.sem_alloc : memref<!tpu.dma_semaphore, #tpu.memory_space<semaphore_mem>>
      %dma_start3A_346 = arith.constant 0 : i32
      %dma_start3A_347 = arith.constant 0 : i32
      %dma_start3A_348 = tpu.memref_slice %arg15[%dma_start3A_346, %dma_start3A_347] : memref<10112x144xf32, #tpu.memory_space<vmem_shared>> -> memref<10112x144xf32, #tpu.memory_space<vmem_shared>>
      tpu.enqueue_indirect_dma source(%arg14 : memref<80x144xf32, #tpu.memory_space<vmem>>) target(%dma_start3A_348 : memref<10112x144xf32, #tpu.memory_space<vmem_shared>>) offsets(%arg12 : memref<80xi32, #tpu.memory_space<vmem>>) semaphore(%run_scoped3A : memref<!tpu.dma_semaphore, #tpu.memory_space<semaphore_mem>>) {add = true}
      %dma_wait3A_349 = arith.constant 0 : i32
      %dma_wait3A_350 = arith.constant 0 : i32
      %dma_wait3A_351 = tpu.memref_slice %arg15[%dma_wait3A_349, %dma_wait3A_350] : memref<10112x144xf32, #tpu.memory_space<vmem_shared>> -> memref<10112x144xf32, #tpu.memory_space<vmem_shared>>
      tpu.wait_indirect_dma semaphore(%run_scoped3A : memref<!tpu.dma_semaphore, #tpu.memory_space<semaphore_mem>>) src(%arg14 : memref<80x144xf32, #tpu.memory_space<vmem>>) dst(%dma_wait3A_351 : memref<10112x144xf32, #tpu.memory_space<vmem_shared>>)
      tpu.yield
    }) : () -> ()
    %barrier3A_341 = arith.constant 0 : index
    tpu.barrier barrier_id(%barrier3A_341)
    %mul3A_342 = arith.constant 632 : i32
    %mul3A_343 = arith.muli %arg1, %mul3A_342 : i32
    %mul3A_344 = arith.constant 632 : i32
    %mul3A_345 = arith.muli %arg1, %mul3A_344 : i32
    "tpu.region"() ({
      %run_scoped3A = tpu.sem_alloc : memref<!tpu.dma_semaphore, #tpu.memory_space<semaphore_mem>>
      %dma_start3A_346 = arith.constant 0 : i32
      %dma_start3A_347 = arith.constant 0 : i32
      %dma_start3A_348 = tpu.memref_slice %arg5[%arg0, %dma_start3A_346, %dma_start3A_347] : memref<2x10112x144xf32, #tpu.memory_space<hbm>> -> memref<1x10112x144xf32, #tpu.memory_space<hbm>>
      %dma_start3A_349 = tpu.memref_squeeze %dma_start3A_348 : memref<1x10112x144xf32, #tpu.memory_space<hbm>> -> memref<10112x144xf32, #tpu.memory_space<hbm>>
      %dma_start3A_350 = arith.constant 0 : i32
      %dma_start3A_351 = tpu.memref_slice %dma_start3A_349[%mul3A_345, %dma_start3A_350] : memref<10112x144xf32, #tpu.memory_space<hbm>> -> memref<632x144xf32, #tpu.memory_space<hbm>>
      %dma_start3A_352 = arith.constant 0 : i32
      %dma_start3A_353 = tpu.memref_slice %arg15[%mul3A_343, %dma_start3A_352] : memref<10112x144xf32, #tpu.memory_space<vmem_shared>> -> memref<632x144xf32, #tpu.memory_space<vmem_shared>>
      tpu.enqueue_dma source(%dma_start3A_353 : memref<632x144xf32, #tpu.memory_space<vmem_shared>>) target(%dma_start3A_351 : memref<632x144xf32, #tpu.memory_space<hbm>>) target_semaphore(%run_scoped3A : memref<!tpu.dma_semaphore, #tpu.memory_space<semaphore_mem>>)
      %dma_wait3A_354 = arith.constant 0 : i32
      %dma_wait3A_355 = arith.constant 0 : i32
      %dma_wait3A_356 = tpu.memref_slice %arg5[%arg0, %dma_wait3A_354, %dma_wait3A_355] : memref<2x10112x144xf32, #tpu.memory_space<hbm>> -> memref<1x10112x144xf32, #tpu.memory_space<hbm>>
      %dma_wait3A_357 = tpu.memref_squeeze %dma_wait3A_356 : memref<1x10112x144xf32, #tpu.memory_space<hbm>> -> memref<10112x144xf32, #tpu.memory_space<hbm>>
      %dma_wait3A_358 = arith.constant 0 : i32
      %dma_wait3A_359 = tpu.memref_slice %dma_wait3A_357[%mul3A_345, %dma_wait3A_358] : memref<10112x144xf32, #tpu.memory_space<hbm>> -> memref<632x144xf32, #tpu.memory_space<hbm>>
      %dma_wait3A_360 = arith.constant 0 : i32
      %dma_wait3A_361 = tpu.memref_slice %arg15[%mul3A_343, %dma_wait3A_360] : memref<10112x144xf32, #tpu.memory_space<vmem_shared>> -> memref<632x144xf32, #tpu.memory_space<vmem_shared>>
      tpu.wait_dma2 semaphore(%run_scoped3A : memref<!tpu.dma_semaphore, #tpu.memory_space<semaphore_mem>>) src(%dma_wait3A_361 : memref<632x144xf32, #tpu.memory_space<vmem_shared>>) dst(%dma_wait3A_359 : memref<632x144xf32, #tpu.memory_space<hbm>>)
      tpu.yield
    }) : () -> ()
    return
  }
}

module attributes {stable_mosaic.version = 14 : i64} {
  func.func @_prep_body(%arg0: i32, %arg1: memref<1000x128xf32, #tpu.memory_space<vmem>>, %arg2: memref<128x128xf32, #tpu.memory_space<vmem>>, %arg3: memref<128x16xf32, #tpu.memory_space<vmem>>, %arg4: memref<128x16xf32, #tpu.memory_space<vmem>>, %arg5: memref<1000x144xf32, #tpu.memory_space<vmem>>, %arg6: memref<1000x16xf32, #tpu.memory_space<vmem>>) attributes {dimension_semantics = [#tpu.dimension_semantics<arbitrary>], iteration_bounds = array<i64: 10>, scalar_prefetch = 0 : i64, scratch_operands = 0 : i64, tpu.core_type = #tpu.core_type<tc>, window_params = [{transform_indices = @transform_0, window_bounds = array<i64: 1000, 128>}, {pipeline_mode = #tpu.pipeline_mode<synchronous>, transform_indices = @transform_1, window_bounds = array<i64: 128, 128>}, {pipeline_mode = #tpu.pipeline_mode<synchronous>, transform_indices = @transform_2, window_bounds = array<i64: 128, 16>}, {pipeline_mode = #tpu.pipeline_mode<synchronous>, transform_indices = @transform_3, window_bounds = array<i64: 128, 16>}, {transform_indices = @transform_4, window_bounds = array<i64: 1000, 144>}, {transform_indices = @transform_5, window_bounds = array<i64: 1000, 16>}]} {
    %get3A = arith.constant 0 : index
    %get3A_0 = arith.constant 0 : index
    %get3A_1 = vector.load %arg1[%get3A, %get3A_0] : memref<1000x128xf32, #tpu.memory_space<vmem>>, vector<1000x128xf32>
    %get3A_2 = arith.constant 0 : index
    %get3A_3 = arith.constant 0 : index
    %get3A_4 = vector.load %arg2[%get3A_2, %get3A_3] : memref<128x128xf32, #tpu.memory_space<vmem>>, vector<128x128xf32>
    %dot_general3A = arith.constant dense<0.000000e+00> : vector<1000x128xf32>
    %dot_general3A_5 = tpu.matmul %get3A_1, %get3A_4, %dot_general3A {dimension_numbers = #tpu.dot_dimension_numbers<[1], [0], [0], [1], [0, 0, 1, 1], [], []>, transpose_lhs_hint = false} : vector<1000x128xf32>, vector<128x128xf32>, vector<1000x128xf32> -> vector<1000x128xf32>
    %get3A_6 = arith.constant 0 : index
    %get3A_7 = arith.constant 0 : index
    %get3A_8 = vector.load %arg3[%get3A_6, %get3A_7] : memref<128x16xf32, #tpu.memory_space<vmem>>, vector<128x16xf32>
    %dot_general3A_9 = arith.constant dense<0.000000e+00> : vector<1000x16xf32>
    %dot_general3A_10 = tpu.matmul %dot_general3A_5, %get3A_8, %dot_general3A_9 {dimension_numbers = #tpu.dot_dimension_numbers<[1], [0], [0], [1], [0, 0, 1, 1], [], []>, transpose_lhs_hint = false} : vector<1000x128xf32>, vector<128x16xf32>, vector<1000x16xf32> -> vector<1000x16xf32>
    %concatenate3A = tpu.concatenate %dot_general3A_5, %dot_general3A_10 in 1 : vector<1000x128xf32>, vector<1000x16xf32> -> vector<1000x144xf32>
    %swap3A = arith.constant 0 : index
    %swap3A_11 = arith.constant 0 : index
    %swap3A_12 = vector.load %arg5[%swap3A, %swap3A_11] : memref<1000x144xf32, #tpu.memory_space<vmem>>, vector<1000x144xf32>
    tpu.vector_store %arg5[%swap3A, %swap3A_11], %concatenate3A {strides = array<i32>} : memref<1000x144xf32, #tpu.memory_space<vmem>>, vector<1000x144xf32>,
    %get3A_13 = arith.constant 0 : index
    %get3A_14 = arith.constant 0 : index
    %get3A_15 = vector.load %arg4[%get3A_13, %get3A_14] : memref<128x16xf32, #tpu.memory_space<vmem>>, vector<128x16xf32>
    %dot_general3A_16 = arith.constant dense<0.000000e+00> : vector<1000x16xf32>
    %dot_general3A_17 = tpu.matmul %dot_general3A_5, %get3A_15, %dot_general3A_16 {dimension_numbers = #tpu.dot_dimension_numbers<[1], [0], [0], [1], [0, 0, 1, 1], [], []>, transpose_lhs_hint = false} : vector<1000x128xf32>, vector<128x16xf32>, vector<1000x16xf32> -> vector<1000x16xf32>
    %swap3A_18 = arith.constant 0 : index
    %swap3A_19 = arith.constant 0 : index
    %swap3A_20 = vector.load %arg6[%swap3A_18, %swap3A_19] : memref<1000x16xf32, #tpu.memory_space<vmem>>, vector<1000x16xf32>
    tpu.vector_store %arg6[%swap3A_18, %swap3A_19], %dot_general3A_17 {strides = array<i32>} : memref<1000x16xf32, #tpu.memory_space<vmem>>, vector<1000x16xf32>,
    return
  }
  func.func @transform_0(%arg0: i32) -> (i32, i32) {
    %c0_i32 = arith.constant 0 : i32
    %c0_i32_0 = arith.constant 0 : i32
    return %arg0, %c0_i32 : i32, i32
  }
  func.func @transform_1(%arg0: i32) -> (i32, i32) {
    %c0_i32 = arith.constant 0 : i32
    %c0_i32_0 = arith.constant 0 : i32
    %c0_i32_1 = arith.constant 0 : i32
    return %c0_i32, %c0_i32_0 : i32, i32
  }
  func.func @transform_2(%arg0: i32) -> (i32, i32) {
    %c0_i32 = arith.constant 0 : i32
    %c0_i32_0 = arith.constant 0 : i32
    %c0_i32_1 = arith.constant 0 : i32
    return %c0_i32, %c0_i32_0 : i32, i32
  }
  func.func @transform_3(%arg0: i32) -> (i32, i32) {
    %c0_i32 = arith.constant 0 : i32
    %c0_i32_0 = arith.constant 0 : i32
    %c0_i32_1 = arith.constant 0 : i32
    return %c0_i32, %c0_i32_0 : i32, i32
  }
  func.func @transform_4(%arg0: i32) -> (i32, i32) {
    %c0_i32 = arith.constant 0 : i32
    %c0_i32_0 = arith.constant 0 : i32
    return %arg0, %c0_i32 : i32, i32
  }
  func.func @transform_5(%arg0: i32) -> (i32, i32) {
    %c0_i32 = arith.constant 0 : i32
    %c0_i32_0 = arith.constant 0 : i32
    return %arg0, %c0_i32 : i32, i32
  }
}

module attributes {stable_mosaic.version = 14 : i64} {
  func.func @_finish_body(%arg0: i32, %arg1: memref<1000x144xf32, #tpu.memory_space<vmem>>, %arg2: memref<1000x144xf32, #tpu.memory_space<vmem>>, %arg3: memref<16x128xf32, #tpu.memory_space<vmem>>, %arg4: memref<1x128xf32, #tpu.memory_space<vmem>>, %arg5: memref<1000x128xf32, #tpu.memory_space<vmem>>) attributes {dimension_semantics = [#tpu.dimension_semantics<arbitrary>], iteration_bounds = array<i64: 10>, scalar_prefetch = 0 : i64, scratch_operands = 0 : i64, tpu.core_type = #tpu.core_type<tc>, window_params = [{transform_indices = @transform_0, window_bounds = array<i64: 1000, 144>}, {transform_indices = @transform_1, window_bounds = array<i64: 1000, 144>}, {pipeline_mode = #tpu.pipeline_mode<synchronous>, transform_indices = @transform_2, window_bounds = array<i64: 16, 128>}, {pipeline_mode = #tpu.pipeline_mode<synchronous>, transform_indices = @transform_3, window_bounds = array<i64: 1, 128>}, {transform_indices = @transform_4, window_bounds = array<i64: 1000, 128>}]} {
    %get3A = arith.constant 0 : index
    %get3A_0 = arith.constant 0 : index
    %get3A_1 = vector.load %arg1[%get3A, %get3A_0] : memref<1000x144xf32, #tpu.memory_space<vmem>>, vector<1000x144xf32>
    %get3A_2 = arith.constant 0 : index
    %get3A_3 = arith.constant 0 : index
    %get3A_4 = vector.load %arg2[%get3A_2, %get3A_3] : memref<1000x144xf32, #tpu.memory_space<vmem>>, vector<1000x144xf32>
    %add3A = arith.addf %get3A_1, %get3A_4 : vector<1000x144xf32>
    %slice3A = vector.extract_strided_slice %add3A {offsets = [0, 0], sizes = [1000, 128], strides = [1, 1]} : vector<1000x144xf32> to vector<1000x128xf32>
    %slice3A_5 = vector.extract_strided_slice %add3A {offsets = [0, 128], sizes = [1000, 16], strides = [1, 1]} : vector<1000x144xf32> to vector<1000x16xf32>
    %get3A_6 = arith.constant 0 : index
    %get3A_7 = arith.constant 0 : index
    %get3A_8 = vector.load %arg3[%get3A_6, %get3A_7] : memref<16x128xf32, #tpu.memory_space<vmem>>, vector<16x128xf32>
    %dot_general3A = arith.constant dense<0.000000e+00> : vector<1000x128xf32>
    %dot_general3A_9 = tpu.matmul %slice3A_5, %get3A_8, %dot_general3A {dimension_numbers = #tpu.dot_dimension_numbers<[1], [0], [0], [1], [0, 0, 1, 1], [], []>, transpose_lhs_hint = false} : vector<1000x16xf32>, vector<16x128xf32>, vector<1000x128xf32> -> vector<1000x128xf32>
    %add3A_10 = arith.constant 1.000000e-16 : f32
    %add3A_11 = vector.broadcast %add3A_10 : f32 to vector<1000x128xf32>
    %add3A_12 = arith.addf %dot_general3A_9, %add3A_11 : vector<1000x128xf32>
    %div3A = arith.divf %slice3A, %add3A_12 : vector<1000x128xf32>
    %get3A_13 = arith.constant 0 : index
    %get3A_14 = arith.constant 0 : index
    %get3A_15 = vector.load %arg4[%get3A_13, %get3A_14] : memref<1x128xf32, #tpu.memory_space<vmem>>, vector<1x128xf32>
    %add3A_16 = vector.broadcast %get3A_15 : vector<1x128xf32> to vector<1000x128xf32>
    %add3A_17 = arith.addf %div3A, %add3A_16 : vector<1000x128xf32>
    %swap3A = arith.constant 0 : index
    %swap3A_18 = arith.constant 0 : index
    %swap3A_19 = vector.load %arg5[%swap3A, %swap3A_18] : memref<1000x128xf32, #tpu.memory_space<vmem>>, vector<1000x128xf32>
    tpu.vector_store %arg5[%swap3A, %swap3A_18], %add3A_17 {strides = array<i32>} : memref<1000x128xf32, #tpu.memory_space<vmem>>, vector<1000x128xf32>,
    return
  }
  func.func @transform_0(%arg0: i32) -> (i32, i32) {
    %c0_i32 = arith.constant 0 : i32
    %c0_i32_0 = arith.constant 0 : i32
    return %arg0, %c0_i32 : i32, i32
  }
  func.func @transform_1(%arg0: i32) -> (i32, i32) {
    %c0_i32 = arith.constant 0 : i32
    %c0_i32_0 = arith.constant 0 : i32
    return %arg0, %c0_i32 : i32, i32
  }
  func.func @transform_2(%arg0: i32) -> (i32, i32) {
    %c0_i32 = arith.constant 0 : i32
    %c0_i32_0 = arith.constant 0 : i32
    %c0_i32_1 = arith.constant 0 : i32
    return %c0_i32, %c0_i32_0 : i32, i32
  }
  func.func @transform_3(%arg0: i32) -> (i32, i32) {
    %c0_i32 = arith.constant 0 : i32
    %c0_i32_0 = arith.constant 0 : i32
    %c0_i32_1 = arith.constant 0 : i32
    return %c0_i32, %c0_i32_0 : i32, i32
  }
  func.func @transform_4(%arg0: i32) -> (i32, i32) {
    %c0_i32 = arith.constant 0 : i32
    %c0_i32_0 = arith.constant 0 : i32
    return %arg0, %c0_i32 : i32, i32
  }
}

</mosaic_0001>

<sc_bundles>
// kernel: kernel.5.cloned.1.call-start
scs
__scs_entry_jumppad:
0x0: {  	(pc) =	sbr.rel $0x88, $3  }
0x1: {  	(tag) =	ssettag $0x0;
	lr =	simm.s32 $0x1  }
0x2: {  	[smem:$0x3F9B] =	sst lr;
	_ =	strace $0xD0000000  }
0x3: {  	_ = 	snop  }
0x4: {  	_ = 	snop  }
0x5: {  	_ = 	snop  }
0x6: {  	_ = 	snop  }
0x7: {  	_ = 	snop  }
__scs_overlays_trampoline_lowered:
0x8: {  	[smem:$0x3FAA] =	sst s0  }
0x9: {  	[smem:$0x3FAB] =	sst s1  }
0xa: {  	[smem:$0x3FAC] =	sst s2  }
0xb: {  	[smem:$0x3FAD] =	sst s3  }
0xc: {  	[smem:$0x3FAE] =	sst s4  }
0xd: {  	[smem:$0x3FAF] =	sst s5  }
0xe: {  	[smem:$0x3FB0] =	sst s6  }
0xf: {  	[smem:$0x3FB1] =	sst s7  }
0x10: {  	[smem:$0x3FB2] =	sst s8  }
0x11: {  	[smem:$0x3FB3] =	sst s9;
	s0 =	simm.s32 @!p0 $0x0  }
0x12: {  	s1 =	sld [smem:$0x3F99];
	s0 =	simm.s32 @p0 $0x1  }
0x13: {  	[smem:$0x3FB4] =	sst s0;
	s0 =	simm.s32 @!p1 $0x0  }
0x14: {  	s2 =	sld [smem:$0x3F98];
	s0 =	simm.s32 @p1 $0x1  }
0x15: {  	[smem:$0x3FB5] =	sst s0;
	s0 =	simm.s32 @!p2 $0x0  }
0x16: {  	s3 =	sld [smem:$0x3FDB];
	s0 =	simm.s32 @p2 $0x1  }
0x17: {  	s4 =	simm.s32 $0x1BF5;
	[smem:$0x3FB7] =	sst s0  }
0x18: {  	s0 =	sld [smem:$0x3F9A];
	_ =	swait.ge [sflag:s4], $0x0  }
0x19: {  	s7 =	sld [smem:$0x3F9B]  }
0x1a: {  	s8 =	sadd.s32 $0xFFFFE003, lr  }
0x1b: {  	s9 =	sadd.s32 $0xFFFFFEF7, lr;
	s5 =	simm.s32 $0xFFFFFFFF;
	p2 =	slt.u32 s8, $0xFFFFF086  }
0x1c: {  	p1 =	slt.u32 s9, $0xF7A;
	s5 =	simm.s32 @!p2 $0x0  }
0x1d: {  	s5 =	simm.s32 @p1 $0x1;
	p0 =	seq.s32 s7, s2  }
0x1e: {  	s7 =	smul.u32 @!p0 $0xF7A, s2;
	p2 =	seq.s32 @!p0 s5, $0x0  }
0x1f: {  	s9 =	smul.u32 $0xF7A, s1;
	s8 =	simm.s32 @!p0 $0x1BF5;
	p2 =	por !p2, p0  }
0x20: {  	[sflag:s8] =	ssyncset.s32 @!p0 $0xFFFFF086;
	s6 =	sadd.s32 @!p0 s3, s7;
	s7 =	simm.s32 @!p0 $0x108  }
0x21: {  	s3 =	sadd.s32 s3, s9;
	s6 =	sadd.s32 @!p0 $0x88, s6;
	s7 =	simm.s32 @p2 $0x1082  }
0x22: {  	[simem:s7], [sflag:s8] =	dma.local @!p0 [hbm:s6], $0xF7A  }
0x23: {  	s9 =	sor.u32 $0xD0000000, s2;
	s6 =	simm.s32 $0x108;
	_ =	swait.ge @!p0 [sflag:s8], $0x0  }
0x24: {  	s3 =	sadd.s32 $0x88, s3;
	s6 =	simm.s32 @!p1 $0x1082;
	[sflag:s4] =	ssyncset.s32 $0xFFFFF086  }
0x25: {  	[simem:s6], [sflag:s4] =	dma.local [hbm:s3], $0xF7A  }
0x26: {  	[smem:$0x3F9B] =	sst s1;
	(tag) =	ssettag s2;
	_ =	strace s9  }
0x27: {  	s1 =	sld [smem:$0x3FAB]  }
0x28: {  	s2 =	sld [smem:$0x3FAC]  }
0x29: {  	s4 =	sld [smem:$0x3FAE]  }
0x2a: {  	p0 =	seq.s32 s5, $0x0;
	s5 =	sld [smem:$0x3FAF]  }
0x2b: {  	s6 =	sld [smem:$0x3FB0]  }
0x2c: {  	s7 =	sld [smem:$0x3FB1]  }
0x2d: {  	s3 =	simm.s32 $0x108;
	s8 =	sld [smem:$0x3FB2]  }
0x2e: {  	s3 =	simm.s32 @!p0 $0x1082;
	s9 =	sld [smem:$0x3FB3]  }
0x2f: {  	lr =	sadd.s32 s0, s3;
	s0 =	sld [smem:$0x3FAA]  }
0x30: {  	s3 =	sld [smem:$0x3FAD]  }
0x31: {  	[smem:$0x3FB6] =	sst s10  }
0x32: {  	s10 =	sld [smem:$0x3FB4];
	_ =	sdelay $0x3  }
0x33: {  	p0 =	seq.s32 s10, $0x1;
	s10 =	sld [smem:$0x3FB6];
	_ =	sdelay $0x3  }
0x34: {  	[smem:$0x3FB6] =	sst s10  }
0x35: {  	s10 =	sld [smem:$0x3FB5];
	_ =	sdelay $0x3  }
0x36: {  	p1 =	seq.s32 s10, $0x1;
	s10 =	sld [smem:$0x3FB6];
	_ =	sdelay $0x3  }
0x37: {  	[smem:$0x3FB6] =	sst s10  }
0x38: {  	s10 =	sld [smem:$0x3FB7]  }
0x39: {  	_ = 	snop;
	(pc) =	sbr.ind lr, $3  }
0x3a: {  	_ = 	snop  }
0x3b: {  	_ = 	snop  }
0x3c: {  	p2 =	seq.s32 s10, $0x1;
	s10 =	sld [smem:$0x3FB6]  }
0x3d: {  	_ =	shalt  }
0x3e: {  	_ =	shalt  }
0x3f: {  	_ =	shalt  }
0x40: {  	_ =	shalt  }
0x41: {  	_ =	shalt  }
0x42: {  	_ =	shalt  }
0x43: {  	_ =	shalt  }
0x44: {  	_ =	shalt  }
0x45: {  	_ =	shalt  }
0x46: {  	_ =	shalt  }
0x47: {  	_ =	shalt  }
0x48: {  	_ =	shalt  }
0x49: {  	_ =	shalt  }
0x4a: {  	_ =	shalt  }
0x4b: {  	_ =	shalt  }
0x4c: {  	_ =	shalt  }
0x4d: {  	_ =	shalt  }
0x4e: {  	_ =	shalt  }
0x4f: {  	_ =	shalt  }
0x50: {  	_ =	shalt  }
0x51: {  	_ =	shalt  }
0x52: {  	_ =	shalt  }
0x53: {  	_ =	shalt  }
0x54: {  	_ =	shalt  }
0x55: {  	_ =	shalt  }
0x56: {  	_ =	shalt  }
0x57: {  	_ =	shalt  }
0x58: {  	_ =	shalt  }
0x59: {  	_ =	shalt  }
0x5a: {  	_ =	shalt  }
0x5b: {  	_ =	shalt  }
0x5c: {  	_ =	shalt  }
0x5d: {  	_ =	shalt  }
0x5e: {  	_ =	shalt  }
0x5f: {  	_ =	shalt  }
0x60: {  	_ =	shalt  }
0x61: {  	_ =	shalt  }
0x62: {  	_ =	shalt  }
0x63: {  	_ =	shalt  }
0x64: {  	_ =	shalt  }
0x65: {  	_ =	shalt  }
0x66: {  	_ =	shalt  }
0x67: {  	_ =	shalt  }
0x68: {  	_ =	shalt  }
0x69: {  	_ =	shalt  }
0x6a: {  	_ =	shalt  }
0x6b: {  	_ =	shalt  }
0x6c: {  	_ =	shalt  }
0x6d: {  	_ =	shalt  }
0x6e: {  	_ =	shalt  }
0x6f: {  	_ =	shalt  }
0x70: {  	_ =	shalt  }
0x71: {  	_ =	shalt  }
0x72: {  	_ =	shalt  }
0x73: {  	_ =	shalt  }
0x74: {  	_ =	shalt  }
0x75: {  	_ =	shalt  }
0x76: {  	_ =	shalt  }
0x77: {  	_ =	shalt  }
0x78: {  	_ =	shalt  }
0x79: {  	_ =	shalt  }
0x7a: {  	_ =	shalt  }
0x7b: {  	_ =	shalt  }
0x7c: {  	_ =	shalt  }
0x7d: {  	_ =	shalt  }
0x7e: {  	_ =	shalt  }
0x7f: {  	_ =	shalt  }
0x80: {  	_ =	shalt  }
0x81: {  	_ =	shalt  }
0x82: {  	_ =	shalt  }
0x83: {  	_ =	shalt  }
0x84: {  	_ =	shalt  }
0x85: {  	_ =	shalt  }
0x86: {  	_ =	shalt  }
0x87: {  	_ =	shalt  }
.Lfunc_end0:
.L_simem_size_0:
called_computation_lowered:
.L_overlay_start_0:
0x88: {  	s2 =	sld [smem:$0x3FD9]  }
0x89: {  	s3 =	sld [smem:$0x3FFE];
	_ =	sdelay $0x1  }
0x8a: {  	s1 =	srdreg.scid  }
0x8b: {  	s0 =	sand.u32 $0x1, s1  }
0x8c: {  	s17 =	sshll.u32 s0, $0xA;
	s2 =	sadd.s32 s3, s2  }
0x8d: {  	s2 =	sadd.s32 s2, s17  }
0x8e: {  	[smem:$0x3FC2] =	sst s2  }
0x8f: {  	_ = 	snop  }
0x90: {  	s2 =	sld [smem:$0x3FD0];
	(tm) =	ssettm $0x1  }
0x91: {  	s18 =	sld [smem:$0x3FFB];
	_ =	sdelay $0x3  }
0x92: {  	_ =	strace s18  }
0x93: {  	s3 =	sld [smem:$0x3FFC];
	_ =	sdelay $0x3  }
0x94: {  	_ =	strace s3  }
0x95: {  	s3 =	sld [smem:$0x3FFD];
	_ =	sdelay $0x3  }
0x96: {  	_ =	strace s3  }
0x97: {  	_ =	strace $0x8FFFFFFF  }
0x98: {  	s19 =	sld [smem:$0x3FDB];
	_ =	sdelay $0x1  }
0x99: {  	s4 =	simm.s32 $_scs_section_size  }
0x9a: {  	s5 =	simm.s32 $_size__tile_overlayer_lowered;
	s6 =	simm.s32 $_tile_overlayer_lowered  }
0x9b: {  	s22 =	simm.s32 $0x1BFF;
	s21 =	sshll.u32 s6, $0x1;
	s3 =	sadd.s32 s4, s19  }
0x9c: {  	s7 =	simm.s32 $0x0;
	s20 =	sshll.u32 s5, $0x1;
	s5 =	sadd.s32 s21, s3  }
0x9d: {  	[timem:s7], [sflag:s22] =	dma.local [hbm:s5], s20  }
0x9e: {  	_ =	swait.ge [sflag:s22], s20  }
0x9f: {  	s4 =	ssub.s32 $0x0, s20;
	[sflag:s22] =	ssyncset.done $0x0  }
0xa0: {  	[sflag:s22] =	ssyncadd.s32 s4;
	_ =	sdelay $0x1  }
0xa1: {  	s23 =	simm.s32 $0x1B8B  }
0xa2: {  	_ =	swait.ge [sflag:s23], $0x1  }
0xa3: {  	[sflag:s23] =	ssyncset.done $0x0  }
0xa4: {  	s25 =	simm.s32 $0x1B8E;
	s24 =	sld [smem:$0x3FFE];
	[sflag:s23] =	ssyncadd.s32 $0xFFFFFFFF  }
0xa5: {  	s26 =	simm.s32 $execute0_lowered;
	[smem:$0x3FD2] =	sst s25  }
0xa6: {  	s5 =	sshll.u32 s26, $0x1;
	_ =	strace $0x80000046;
	[dreg:$0x1] =	wrdreg $0xFFFFFFFF  }
0xa7: {  	s28 =	simm.s32 $_size_execute0_lowered;
	s3 =	sadd.s32 s3, s5;
	[dreg:$0x0] =	wrdreg $0x0  }
0xa8: {  	s5 =	sshll.u32 s28, $0x1;
	[dreg:$0x2] =	wrdreg s3  }
0xa9: {  	[dreg:$0x3] =	wrdreg s5  }
0xaa: {  	[dreg:$0x4] =	wrdreg $0xC0  }
0xab: {  	_ =	task [dreg:s7], $0x5FFFF  }
0xac: {  	[dreg:$0x1] =	wrdreg $0xFFFFFFFF  }
0xad: {  	[dreg:$0x0] =	wrdreg $0x60  }
0xae: {  	[dreg:$0x2] =	wrdreg s24  }
0xaf: {  	[dreg:$0x3] =	wrdreg s2  }
0xb0: {  	[dreg:$0x4] =	wrdreg $0x92E00  }
0xb1: {  	[dreg:$0x5] =	wrdreg $0x9  }
0xb2: {  	_ =	task.clear_ibuf [dreg:s7], $0x6FFFF;
	_ =	strace $0x90000046  }
0xb3: {  	s29 =	simm.s32 $0x9;
	_ =	strace $0x80000048  }
0xb4: {  	_ =	swait.ge [sflag:s29], $0x1  }
0xb5: {  	[sflag:s29] =	ssyncadd.s32 $0xFFFFFFFF  }
0xb6: {  	_ =	strace $0x90000048  }
0xb7: {  	_ =	sfence  }
0xb8: {  	s30 =	sld [smem:$0x0];
	_ =	sdelay $0x2  }
0xb9: {  	s31 =	sshll.u32 s1, $0xD;
	s1 =	sshrl.u32 s1, $0x2  }
0xba: {  	s3 =	sand.u32 $0x4000, s31;
	s1 =	sadd.s32 s1, s30  }
0xbb: {  	s0 =	sor.u32 s3, s0;
	s1 =	sshll.u32 s1, $0x11  }
0xbc: {  	s0 =	sor.u32 s1, s0  }
0xbd: {  	s0 =	sadd.s32 $0x8F2B, s0  }
0xbe: {  	[sflag:s0] =	ssyncadd.remote.s32 $0x1  }
0xbf: {  	_ =	sfence.sel $0xFFFF  }
0xc0: {  	[dreg:$0x0] =	wrdreg $0xFFFFFFFF;
	(pc) =	sbr.abs _section_cstart, $3  }
0xc1: {  	[dreg:$0x1] =	wrdreg $0xFFFFFFFF  }
0xc2: {  	_ =	task.clear_ibuf [dreg:s7], $0x2FFFF;
	_ =	strace $0x9FFFFFFF  }
0xc3: {  	(tm) =	ssettm $0x7FFFFFFF  }
tec
execute0_lowered:
.L_overlay_start_1:
0x0: {  	(tag) =	ssettag $0x1  }
0x1: {  	s0 =	rddreg [dreg:$0x0]  }
0x2: {  	s1 =	rddreg [dreg:$0x1]  }
0x3: {  	s2 =	rddreg [dreg:$0x2]  }
0x4: {  	s3 =	simm.s32 $0x0;
	s4 =	srdreg.scid;
	s11 =	stileid.u32  }
0x5: {  	s30 =	simm.s32 $0x32A0;
	s31 =	simm.s32 $0x2;
	[smem:$0x7FF] =	sst s3  }
0x6: {  	s4 =	sand.u32 $0x1, s4;
	s5 =	sadd.s32 $0x1200, s0;
	s8 =	smul.u32 $0x58E00, s11  }
0x7: {  	s6 =	sadd.s32 $0x2D200, s0;
	s10 =	smul.u32 $0x16380, s11;
	_ =	strace $0x80000047  }
0x8: {  	s7 =	smul.u32 $0x2C700, s4;
	s20 =	ssub.s32 $0x2, s4;
	s4 =	sshll.u32 s4, $0x4  }
0x9: {  	s9 =	sshrl.u32 s20, $0x1;
	s4 =	sor.u32 s11, s4;
	s8 =	sshrl.u32 s8, $0x2  }
0xa: {  	s11 =	sadd.s32 s10, s2;
	s29 =	sshrl.u32 s10, $0x3;
	s8 =	sadd.s32 s8, s2  }
0xb: {  	s10 =	simm.s32 $0x3;
	[dreg:$0x4] =	wrdreg s11;
	s21 =	sadd.s32 $0x2D00, s8  }
0xc: {  	v0 =	vimm.s32 $0xBA98FEDC;
	v1 =	vimm.s32 $0x32107654;
	s0 =	sadd.s32 s7, s0;
	s22 =	sadd.s32 $0x5A00, s8;
	[dreg:$0x5] =	wrdreg s21  }
0xd: {  	v2 =	vimm.s32 $0xDCFE98BA;
	v3 =	vimm.s32 $0x54761032;
	s7 =	ssub.s32 s20, s9;
	s23 =	sadd.s32 $0x8700, s8;
	[dreg:$0x6] =	wrdreg s22  }
0xe: {  	v4 =	vimm.s32 $0xEFCDAB89;
	v5 =	vimm.s32 $0x67452301;
	s4 =	smul.u32 $0x2710, s4;
	s24 =	sadd.s32 $0xB400, s8;
	[dreg:$0x7] =	wrdreg s23  }
0xf: {  	v6 =	vimm.s32 $0x2;
	v7 =	vimm.s32 $0x3;
	v8 =	vimm.s32 $0x4;
	s25 =	sadd.s32 $0xE100, s8;
	s12 =	sadd.s32 $0x10E00, s8;
	[dreg:$0x8] =	wrdreg s24  }
0x10: {  	v0 =	vunpack.c.l.s4.s8 v0;
	v1 =	vunpack.c.l.s4.s8 v1;
	v2 =	vunpack.c.l.s4.s8 v2;
	s8 =	sadd.s32 $0x13B00, s8;
	s0 =	sadd.s32 $0x32200, s0;
	[dreg:$0x9] =	wrdreg s25  }
0x11: {  	v3 =	vunpack.c.l.s4.s8 v3;
	v4 =	vunpack.c.l.s4.s8 v4;
	v5 =	vunpack.c.l.s4.s8 v5;
	s7 =	smax.u32 s7, $0x1;
	s26 =	sshrl.u32 s4, $0x3;
	[dreg:$0xa] =	wrdreg s12  }
0x12: {  	v0 =	vunpack.c.0.s8.s32 v0;
	v1 =	vunpack.c.0.s8.s32 v1;
	v2 =	vunpack.c.0.s8.s32 v2;
	[dreg:$0xb] =	wrdreg s8;
	s18 =	sadd.s32 $0xF0, s4;
	s19 =	sadd.s32 $0x140, s4  }
0x13: {  	v3 =	vunpack.c.0.s8.s32 v3;
	v4 =	vunpack.c.0.s8.s32 v4;
	v5 =	vunpack.c.0.s8.s32 v5;
	[dreg:$0xf] =	wrdreg s7;
	s21 =	simm.s32 $0x65E0;
	s0 =	sadd.s32 s29, s0  }
0x14: {  	v9 =	vimm.s32 $0x5;
	v10 =	vimm.s32 $0x6;
	v1 =	vcombine.low v1, v0;
	s7 =	simm.s32 $0x4;
	s28 =	sadd.s32 s1, s26;
	[dreg:$0x10] =	wrdreg s0  }
0x15: {  	v11 =	vimm.s32 $0x7;
	v2 =	vcombine.low v3, v2;
	v3 =	vcombine.low v5, v4;
	s23 =	simm.s32 $0x50;
	s9 =	sadd.s32 $0xA, s28;
	[dreg:$0xc] =	wrdreg s28  }
0x16: {  	v0 =	vimm.f32 $0.0e+00;
	v4 =	vimm.s32 $0x0;
	v5 =	vimm.s32 $0x1;
	s25 =	simm.s32 $0x4E200;
	s8 =	sadd.s32 $0x14, s28;
	[dreg:$0xd] =	wrdreg s9  }
0x17: {  	s4 =	simm.s32 $0x0;
	v1 =	vand.u32 $0xF, v1;
	v2 =	vand.u32 $0xF, v2;
	s26 =	simm.s32 $0x1;
	v3 =	vand.u32 $0xF, v3;
	[dreg:$0xe] =	wrdreg s8  }
.LBB2_1:
0x18: {  	[dreg:$0x11] =	wrdreg s4;
	s0 =	simm.s32 $0x0;
	s4 =	simm.s32 $0x240  }
.LBB2_2:
0x19: {  	p0 =	sne.s32 s4, $0xB1C0;
	[tilespmem:s0+$0x6660] =	vst v0  }
0x1a: {  	[tilespmem:s0+$0x65E0] =	vst v0  }
0x1b: {  	[tilespmem:s0+$0x65F0] =	vst v0  }
0x1c: {  	[tilespmem:s0+$0x6600] =	vst v0  }
.Ltmp0:
0x1d: {  	[tilespmem:s0+$0x6610] =	vst v0;
	(pc) =	sbr.rel @p0 .LBB2_2-.Ltmp0, $4  }
0x1e: {  	[tilespmem:s0+$0x6620] =	vst v0  }
0x1f: {  	[tilespmem:s0+$0x6630] =	vst v0  }
0x20: {  	[tilespmem:s0+$0x6640] =	vst v0  }
0x21: {  	[tilespmem:s0+$0x6650] =	vst v0;
	s0 =	sshra.s32 s4, $0x2;
	s4 =	sadd.s32 $0x240, s4  }
0x22: {  	[tilespmem:s0+$0x6660] =	vst v0  }
0x23: {  	[tilespmem:s0+$0x65E0] =	vst v0  }
0x24: {  	[tilespmem:s0+$0x65F0] =	vst v0  }
0x25: {  	[tilespmem:s0+$0x6600] =	vst v0  }
0x26: {  	[tilespmem:s0+$0x6610] =	vst v0  }
0x27: {  	[tilespmem:s0+$0x6620] =	vst v0  }
0x28: {  	[tilespmem:s0+$0x6630] =	vst v0  }
0x29: {  	[tilespmem:s0+$0x6640] =	vst v0  }
0x2a: {  	[tilespmem:s0+$0x6650] =	vst v0  }
0x2b: {  	[spmem:s11] =	stream.linear.scatter [tilespmem:s21], [sflag:$0x4], $0x2D00, $0x38;
	[tilespmem:$0x1F660] =	vst v63  }
0x2c: {  	_ =	swait.ge [sflag:s7], $0x2D00  }
0x2d: {  	[sflag:s7] =	ssyncset.done $0x0  }
0x2e: {  	s11 =	rddreg [dreg:$0x5];
	[sflag:s7] =	ssyncadd.s32 $0xFFFFD300  }
0x2f: {  	[spmem:s11] =	stream.linear.scatter [tilespmem:s21], [sflag:$0x4], $0x2D00, $0x38;
	[tilespmem:$0x1F660] =	vst v63  }
0x30: {  	_ =	swait.ge [sflag:s7], $0x2D00  }
0x31: {  	[sflag:s7] =	ssyncset.done $0x0  }
0x32: {  	s12 =	rddreg [dreg:$0x6];
	[sflag:s7] =	ssyncadd.s32 $0xFFFFD300  }
0x33: {  	[spmem:s12] =	stream.linear.scatter [tilespmem:s21], [sflag:$0x4], $0x2D00, $0x38;
	[tilespmem:$0x1F660] =	vst v63  }
0x34: {  	_ =	swait.ge [sflag:s7], $0x2D00  }
0x35: {  	[sflag:s7] =	ssyncset.done $0x0  }
0x36: {  	s13 =	rddreg [dreg:$0x7];
	[sflag:s7] =	ssyncadd.s32 $0xFFFFD300  }
0x37: {  	[spmem:s13] =	stream.linear.scatter [tilespmem:s21], [sflag:$0x4], $0x2D00, $0x38;
	[tilespmem:$0x1F660] =	vst v63  }
0x38: {  	_ =	swait.ge [sflag:s7], $0x2D00  }
0x39: {  	[sflag:s7] =	ssyncset.done $0x0  }
0x3a: {  	s14 =	rddreg [dreg:$0x8];
	[sflag:s7] =	ssyncadd.s32 $0xFFFFD300  }
0x3b: {  	[spmem:s14] =	stream.linear.scatter [tilespmem:s21], [sflag:$0x4], $0x2D00, $0x38;
	[tilespmem:$0x1F660] =	vst v63  }
0x3c: {  	_ =	swait.ge [sflag:s7], $0x2D00  }
0x3d: {  	[sflag:s7] =	ssyncset.done $0x0  }
0x3e: {  	s15 =	rddreg [dreg:$0x9];
	[sflag:s7] =	ssyncadd.s32 $0xFFFFD300  }
0x3f: {  	[spmem:s15] =	stream.linear.scatter [tilespmem:s21], [sflag:$0x4], $0x2D00, $0x38;
	[tilespmem:$0x1F660] =	vst v63  }
0x40: {  	_ =	swait.ge [sflag:s7], $0x2D00  }
0x41: {  	[sflag:s7] =	ssyncset.done $0x0  }
0x42: {  	s16 =	rddreg [dreg:$0xa];
	[sflag:s7] =	ssyncadd.s32 $0xFFFFD300  }
0x43: {  	[spmem:s16] =	stream.linear.scatter [tilespmem:s21], [sflag:$0x4], $0x2D00, $0x38;
	[tilespmem:$0x1F660] =	vst v63  }
0x44: {  	_ =	swait.ge [sflag:s7], $0x2D00  }
0x45: {  	[sflag:s7] =	ssyncset.done $0x0  }
0x46: {  	s17 =	rddreg [dreg:$0xb];
	[sflag:s7] =	ssyncadd.s32 $0xFFFFD300  }
0x47: {  	[spmem:s17] =	stream.linear.scatter [tilespmem:s21], [sflag:$0x4], $0x2880, $0x38;
	[tilespmem:$0x1F660] =	vst v63  }
0x48: {  	_ =	swait.ge [sflag:s7], $0x2880  }
0x49: {  	[sflag:s7] =	ssyncset.done $0x0  }
0x4a: {  	[sflag:s7] =	ssyncadd.s32 $0xFFFFD780  }
0x4b: {  	[bflag:$0x0] =	sbarrier.arrive $0xFFFF  }
0x4c: {  	s20 =	rddreg [dreg:$0xc]  }
0x4d: {  	[tilespmem:s3], [sflag:$0x1] =	stream.strided.gather [hbm4b:s20+s23], $0xA0, s25, s23, $0x38;
	[tilespmem:$0x1F660] =	vst v63  }
0x4e: {  	_ =	swait.ge [sflag:s26], $0xA0  }
0x4f: {  	[sflag:s26] =	ssyncset.done $0x0  }
0x50: {  	s22 =	simm.s32 $0xA0;
	[sflag:s26] =	ssyncadd.s32 $0xFFFFFF60  }
0x51: {  	[tilespmem:s22], [sflag:$0x1] =	stream.indirect.gather [hbm4b:s5+s23], $0x90, s3, s23, $0xb8;
	[tilespmem:$0x1F660] =	vst v63  }
0x52: {  	s24 =	simm.s32 $0x2DA0  }
0x53: {  	[tilespmem:s24], [sflag:$0x1] =	stream.indirect.gather [hbm4b:s6+s23], $0x10, s23, s23, $0xb8;
	[tilespmem:$0x1F660] =	vst v63  }
0x54: {  	s29 =	rddreg [dreg:$0xd]  }
0x55: {  	[tilespmem:s30], [sflag:$0x2] =	stream.strided.gather [hbm4b:s29+s23], $0xA0, s25, s23, $0x38;
	[tilespmem:$0x1F660] =	vst v63  }
0x56: {  	_ =	swait.ge [sflag:s26], $0x2D00  }
0x57: {  	[sflag:s26] =	ssyncset.done $0x0  }
0x58: {  	[sflag:s26] =	ssyncadd.s32 $0xFFFFD300  }
0x59: {  	_ =	swait.ge [sflag:s26], $0x500  }
0x5a: {  	[sflag:s26] =	ssyncset.done $0x0  }
0x5b: {  	[sflag:s26] =	ssyncadd.s32 $0xFFFFFB00  }
0x5c: {  	v12 =	vld [tilespmem:$0x50]  }
0x5d: {  	v13 =	vld [tilespmem:$0x60]  }
0x5e: {  	v14 =	vld [tilespmem:$0x70]  }
0x5f: {  	v15 =	vld [tilespmem:$0x80]  }
0x60: {  	v16 =	vld [tilespmem:$0x90]  }
0x61: {  	[tilespmem:$0x6540] =	vst v12  }
0x62: {  	[tilespmem:$0x6550] =	vst v13  }
0x63: {  	[tilespmem:$0x6560] =	vst v14  }
0x64: {  	[tilespmem:$0x6570] =	vst v15  }
0x65: {  	s4 =	rddreg [dreg:$0xe];
	[tilespmem:$0x6580] =	vst v16  }
0x66: {  	[tilespmem:s3], [sflag:$0x1] =	stream.strided.gather [hbm4b:s4+s23], $0xA0, s25, s23, $0x38;
	[tilespmem:$0x1F660] =	vst v63  }
0x67: {  	_ =	swait.ge [sflag:s31], $0xA0  }
0x68: {  	[sflag:s31] =	ssyncset.done $0x0  }
0x69: {  	s7 =	simm.s32 $0x3340;
	[sflag:s31] =	ssyncadd.s32 $0xFFFFFF60  }
0x6a: {  	[tilespmem:s7], [sflag:$0x2] =	stream.indirect.gather [hbm4b:s5+s23], $0x90, s30, s23, $0xb8;
	[tilespmem:$0x1F660] =	vst v63  }
0x6b: {  	s8 =	simm.s32 $0x32F0;
	s9 =	simm.s32 $0x130;
	s4 =	simm.s32 $0x6040  }
0x6c: {  	[tilespmem:s4], [sflag:$0x2] =	stream.indirect.gather [hbm4b:s6+s23], $0x10, s8, s23, $0xb8;
	[tilespmem:$0x1F660] =	vst v63  }
0x6d: {  	s16 =	simm.s32 $0x2DB0;
	v12 =	vld [tilespmem:s9+$0x80]  }
0x6e: {  	v13 =	vld [tilespmem:s16+$0x0];
	_ =	sdelay $0x4  }
0x6f: {  	v12 =	vadd.f32 v13, v12;
	_ =	sdelay $0x1  }
0x70: {  	v13 =	vmul.f32 $2.000000030e-01, v12;
	_ =	sdelay $0x1  }
0x71: {  	v12 =	vmax.f32 v12, v13  }
0x72: {  	v12 =	vmul.f32 $1.442695020e+00, v12;
	_ =	sdelay $0x1  }
0x73: {  	(erf) = vpow2.f32 v12;
	_ =	sdelay $0x3  }
0x74: {  	v13 =	vld [tilespmem:s9+$0xFFFFFFF0]  }
0x75: {  	v12 =	vld [tilespmem:s16+$0xFFFFFFF0];
	_ =	sdelay $0x2  }
0x76: {  	s13 =	simm.s32 $0x250  }
0x77: {  	s17 =	simm.s32 $0x2DD0;
	v15 =	vld [tilespmem:s13+$0x80];
	v14 =	vpop (erf)  }
0x78: {  	v16 =	vld [tilespmem:s17+$0x0];
	v12 =	vadd.f32 v12, v13;
	v13 =	vperm.xlane v14, v1;
	_ =	sdelay $0x1  }
0x79: {  	v17 =	vmul.f32 $2.000000030e-01, v12;
	v13 =	vadd.f32 v14, v13;
	_ =	sdelay $0x1  }
0x7a: {  	v12 =	vmax.f32 v12, v17;
	v17 =	vperm.xlane v13, v2  }
0x7b: {  	v15 =	vadd.f32 v16, v15  }
0x7c: {  	v12 =	vmul.f32 $1.442695020e+00, v12;
	v13 =	vadd.f32 v13, v17  }
0x7d: {  	v16 =	vmul.f32 $2.000000030e-01, v15  }
0x7e: {  	(erf) = vpow2.f32 v12;
	v12 =	vperm.xlane v13, v3;
	_ =	sdelay $0x1  }
0x7f: {  	v12 =	vadd.f32 v13, v12;
	v13 =	vmax.f32 v15, v16  }
0x80: {  	v13 =	vmul.f32 $1.442695020e+00, v13  }
0x81: {  	(erf) = vrcp.f32 v12  }
0x82: {  	(erf) = vpow2.f32 v13;
	_ =	sdelay $0x1  }
0x83: {  	v12 =	vld [tilespmem:s17+$0xFFFFFFF0]  }
0x84: {  	v13 =	vld [tilespmem:s13+$0xFFFFFFF0]  }
0x85: {  	v15 =	vpop (erf)  }
0x86: {  	v16 =	vperm.xlane v15, v1;
	_ =	sdelay $0x1  }
0x87: {  	v16 =	vadd.f32 v15, v16  }
0x88: {  	v12 =	vadd.f32 v12, v13;
	v13 =	vpop (erf)  }
0x89: {  	v17 =	vperm.xlane v16, v2;
	v19 =	vpop (erf)  }
0x8a: {  	s14 =	simm.s32 $0x370;
	v18 =	vmul.f32 $2.000000030e-01, v12;
	v20 =	vperm.xlane v19, v1  }
0x8b: {  	s20 =	simm.s32 $0x2DF0;
	v16 =	vadd.f32 v16, v17;
	v17 =	vld [tilespmem:s14+$0x80]  }
0x8c: {  	v12 =	vmax.f32 v12, v18;
	v18 =	vadd.f32 v19, v20;
	v20 =	vld [tilespmem:s20+$0x0]  }
0x8d: {  	v14 =	vmul.f32 v13, v14;
	v12 =	vmul.f32 $1.442695020e+00, v12  }
0x8e: {  	s7 =	simm.s32 $0x6670;
	v21 =	vperm.xlane v16, v3  }
0x8f: {  	[tilespmem:s7+$0x80] =	vst v14;
	(erf) = vpow2.f32 v12;
	v12 =	vperm.xlane v18, v2  }
0x90: {  	v13 =	vadd.f32 v16, v21;
	v16 =	vld [tilespmem:s9+$0x0]  }
0x91: {  	v12 =	vadd.f32 v18, v12;
	v17 =	vadd.f32 v20, v17  }
0x92: {  	(erf) = vrcp.f32 v13;
	v18 =	vperm.xlane v14, v4  }
0x93: {  	v13 =	vperm.xlane v12, v3;
	v20 =	vmul.f32 $2.000000030e-01, v17;
	_ =	sdelay $0x1  }
0x94: {  	v12 =	vadd.f32 v12, v13;
	v13 =	vmul.f32 v16, v18;
	v16 =	vmax.f32 v17, v20  }
0x95: {  	v18 =	vld [tilespmem:s14+$0xFFFFFFF0]  }
0x96: {  	v17 =	vld [tilespmem:s20+$0xFFFFFFF0];
	[tilespmem:s7+$0x0] =	vst v13  }
0x97: {  	(erf) = vrcp.f32 v12;
	v12 =	vmul.f32 $1.442695020e+00, v16;
	v20 =	vld [tilespmem:s9+$0x10];
	v16 =	vpop (erf)  }
0x98: {  	v13 =	vperm.xlane v16, v1  }
0x99: {  	(erf) = vpow2.f32 v12  }
0x9a: {  	v21 =	vperm.xlane v14, v5  }
0x9b: {  	v12 =	vadd.f32 v16, v13  }
0x9c: {  	v17 =	vadd.f32 v17, v18;
	v18 =	vmul.f32 v20, v21;
	v13 =	vpop (erf)  }
0x9d: {  	v13 =	vmul.f32 v13, v15;
	v15 =	vperm.xlane v12, v2;
	_ =	sdelay $0x1  }
0x9e: {  	[tilespmem:s7+$0xFFFFFFF0] =	vst v13;
	v12 =	vadd.f32 v12, v15;
	v15 =	vmul.f32 $2.000000030e-01, v17  }
0x9f: {  	[tilespmem:s7+$0x10] =	vst v18;
	v18 =	vpop (erf);
	v20 =	vld [tilespmem:s9+$0xFFFFFF70]  }
0xa0: {  	v22 =	vld [tilespmem:s9+$0x20];
	v21 =	vperm.xlane v12, v3;
	v15 =	vmax.f32 v17, v15;
	v17 =	vmul.f32 v18, v19  }
0xa1: {  	s17 =	simm.s32 $0x6790;
	v19 =	vpop (erf);
	v15 =	vmul.f32 $1.442695020e+00, v15  }
0xa2: {  	v18 =	vperm.xlane v13, v4;
	v12 =	vadd.f32 v12, v21;
	[tilespmem:s17+$0x80] =	vst v17;
	v21 =	vperm.xlane v19, v1  }
0xa3: {  	s16 =	simm.s32 $0x490;
	(erf) = vpow2.f32 v15;
	v15 =	vperm.xlane v14, v6;
	v23 =	vld [tilespmem:s13+$0x0]  }
0xa4: {  	s22 =	simm.s32 $0x2E10;
	v18 =	vmul.f32 v20, v18;
	(erf) = vrcp.f32 v12;
	v12 =	vld [tilespmem:s16+$0x80];
	v20 =	vadd.f32 v19, v21  }
0xa5: {  	v21 =	vld [tilespmem:s22+$0x0];
	v15 =	vmul.f32 v22, v15  }
0xa6: {  	[tilespmem:s7+$0xFFFFFF70] =	vst v18;
	v18 =	vperm.xlane v20, v2  }
0xa7: {  	v22 =	vld [tilespmem:s9+$0xFFFFFF80];
	[tilespmem:s7+$0x20] =	vst v15  }
0xa8: {  	v15 =	vperm.xlane v17, v4;
	v24 =	vld [tilespmem:s9+$0x30];
	v18 =	vadd.f32 v20, v18  }
0xa9: {  	v20 =	vperm.xlane v13, v5  }
0xaa: {  	v15 =	vmul.f32 v23, v15;
	v12 =	vadd.f32 v21, v12;
	v21 =	vperm.xlane v18, v3  }
0xab: {  	v23 =	vperm.xlane v14, v7  }
0xac: {  	v27 =	vld [tilespmem:s16+$0xFFFFFFF0];
	[tilespmem:s17+$0x0] =	vst v15;
	v15 =	vmul.f32 v22, v20;
	v18 =	vadd.f32 v18, v21  }
0xad: {  	v25 =	vmul.f32 $2.000000030e-01, v12;
	v22 =	vpop (erf);
	v21 =	vld [tilespmem:s22+$0xFFFFFFF0];
	v23 =	vmul.f32 v24, v23  }
0xae: {  	v20 =	vld [tilespmem:s13+$0x10];
	v24 =	vperm.xlane v22, v1;
	[tilespmem:s7+$0xFFFFFF80] =	vst v15;
	(erf) = vrcp.f32 v18  }
0xaf: {  	v26 =	vpop (erf);
	v12 =	vmax.f32 v12, v25;
	v25 =	vld [tilespmem:s9+$0xFFFFFF90];
	[tilespmem:s7+$0x30] =	vst v23  }
0xb0: {  	v16 =	vmul.f32 v26, v16;
	v12 =	vmul.f32 $1.442695020e+00, v12;
	v24 =	vadd.f32 v22, v24;
	v28 =	vld [tilespmem:s9+$0x40]  }
0xb1: {  	v15 =	vperm.xlane v17, v5;
	v23 =	vperm.xlane v13, v6  }
0xb2: {  	(erf) = vpow2.f32 v12;
	v12 =	vperm.xlane v24, v2;
	v21 =	vadd.f32 v21, v27  }
0xb3: {  	[tilespmem:s17+$0xFFFFFFF0] =	vst v16;
	v20 =	vmul.f32 v20, v15;
	v27 =	vperm.xlane v14, v8  }
0xb4: {  	v44 =	vperm.xlane v14, v10;
	v29 =	vld [tilespmem:s13+$0xFFFFFF70];
	v12 =	vadd.f32 v24, v12;
	v24 =	vmul.f32 $2.000000030e-01, v21  }
0xb5: {  	[tilespmem:s17+$0x10] =	vst v20;
	v23 =	vmul.f32 v25, v23;
	v25 =	vmul.f32 v28, v27  }
0xb6: {  	v30 =	vperm.xlane v13, v8;
	v36 =	vperm.xlane v17, v7;
	v31 =	vld [tilespmem:s13+$0x20];
	v21 =	vmax.f32 v21, v24  }
0xb7: {  	v20 =	vperm.xlane v16, v4;
	v27 =	vpop (erf);
	[tilespmem:s7+$0x40] =	vst v25;
	v25 =	vmul.f32 $1.442695020e+00, v21  }
0xb8: {  	[tilespmem:s7+$0xFFFFFF90] =	vst v23;
	v23 =	vperm.xlane v12, v3;
	v21 =	vmul.f32 v27, v19  }
0xb9: {  	s15 =	simm.s32 $0x68B0;
	v24 =	vperm.xlane v17, v6;
	v20 =	vmul.f32 v29, v20;
	v28 =	vld [tilespmem:s9+$0xFFFFFFA0]  }
0xba: {  	v48 =	vperm.xlane v17, v8;
	v26 =	vperm.xlane v13, v7;
	v19 =	vld [tilespmem:s9+$0x50];
	v12 =	vadd.f32 v12, v23;
	[tilespmem:s15+$0x80] =	vst v21  }
0xbb: {  	s24 =	simm.s32 $0x2E30;
	[tilespmem:s17+$0xFFFFFF70] =	vst v20;
	v20 =	vmul.f32 v31, v24;
	(erf) = vpow2.f32 v25;
	v25 =	vpop (erf);
	v27 =	vld [tilespmem:s14+$0x0]  }
0xbc: {  	v33 =	vld [tilespmem:s24+$0x0];
	(erf) = vrcp.f32 v12;
	v12 =	vperm.xlane v25, v1  }
0xbd: {  	s20 =	simm.s32 $0x5B0;
	v32 =	vperm.xlane v16, v7;
	v24 =	vld [tilespmem:s13+$0xFFFFFF80];
	[tilespmem:s17+$0x20] =	vst v20;
	v20 =	vperm.xlane v14, v9  }
0xbe: {  	v34 =	vperm.xlane v21, v4;
	v26 =	vmul.f32 v28, v26;
	v28 =	vld [tilespmem:s20+$0x80];
	v12 =	vadd.f32 v25, v12  }
0xbf: {  	v23 =	vperm.xlane v16, v5;
	v31 =	vld [tilespmem:s13+$0x30];
	v19 =	vmul.f32 v19, v20  }
0xc0: {  	[tilespmem:s7+$0xFFFFFFA0] =	vst v26;
	v26 =	vperm.xlane v12, v2;
	v27 =	vmul.f32 v27, v34  }
0xc1: {  	v37 =	vld [tilespmem:s24+$0xFFFFFFF0];
	v29 =	vperm.xlane v16, v6;
	v20 =	vperm.xlane v16, v8  }
0xc2: {  	v39 =	vld [tilespmem:s20+$0xFFFFFFF0];
	v23 =	vmul.f32 v24, v23;
	[tilespmem:s7+$0x50] =	vst v19;
	v19 =	vperm.xlane v16, v9;
	v62 =	vadd.f32 v12, v26  }
0xc3: {  	v24 =	vld [tilespmem:s9+$0x60];
	v26 =	vperm.xlane v16, v10;
	[tilespmem:s15+$0x0] =	vst v27;
	v12 =	vperm.xlane v16, v11;
	v16 =	vadd.f32 v33, v28  }
0xc4: {  	v18 =	vperm.xlane v13, v10;
	[tilespmem:s17+$0xFFFFFF80] =	vst v23;
	v31 =	vmul.f32 v31, v36;
	v63 =	vld [tilespmem:s14+$0x10];
	v27 =	vpop (erf)  }
0xc5: {  	v47 =	vld [tilespmem:s13+$0xFFFFFF90];
	v28 =	vperm.xlane v62, v3;
	v45 =	vmul.f32 $2.000000030e-01, v16;
	v38 =	vpop (erf)  }
0xc6: {  	[tilespmem:s17+$0x30] =	vst v31;
	v40 =	vperm.xlane v27, v1;
	v31 =	vmul.f32 v38, v22  }
0xc7: {  	v46 =	vperm.xlane v21, v5;
	v22 =	vld [tilespmem:s13+$0x40];
	v28 =	vadd.f32 v62, v28;
	v16 =	vmax.f32 v16, v45  }
0xc8: {  	v23 =	vmul.f32 v24, v44;
	v24 =	vadd.f32 v27, v40;
	v16 =	vmul.f32 $1.442695020e+00, v16;
	[tilespmem:s15+$0xFFFFFFF0] =	vst v31  }
0xc9: {  	(erf) = vrcp.f32 v28;
	v33 =	vmul.f32 v63, v46;
	v28 =	vld [tilespmem:s14+$0xFFFFFF70]  }
0xca: {  	v49 =	vadd.f32 v37, v39;
	v35 =	vld [tilespmem:s9+$0xFFFFFFB0];
	v29 =	vmul.f32 v47, v29;
	[tilespmem:s7+$0x60] =	vst v23;
	v23 =	vperm.xlane v24, v2  }
0xcb: {  	v50 =	vld [tilespmem:s9+$0x70];
	(erf) = vpow2.f32 v16;
	v16 =	vperm.xlane v31, v4;
	[tilespmem:s15+$0x10] =	vst v33  }
0xcc: {  	v22 =	vmul.f32 v22, v48;
	v23 =	vadd.f32 v24, v23;
	v24 =	vmul.f32 $2.000000030e-01, v49;
	v33 =	vld [tilespmem:s14+$0x20]  }
0xcd: {  	v15 =	vperm.xlane v13, v9;
	v14 =	vperm.xlane v14, v11;
	[tilespmem:s17+$0xFFFFFF90] =	vst v29  }
0xce: {  	[tilespmem:s17+$0x40] =	vst v22;
	v22 =	vmax.f32 v49, v24;
	v16 =	vmul.f32 v28, v16;
	v28 =	vperm.xlane v23, v3  }
0xcf: {  	v29 =	vperm.xlane v21, v6;
	v52 =	vld [tilespmem:s13+$0xFFFFFFA0];
	v24 =	vmul.f32 $1.442695020e+00, v22  }
0xd0: {  	s29 =	simm.s32 $0x2E50;
	v30 =	vmul.f32 v35, v30;
	v51 =	vld [tilespmem:s13+$0x50];
	v22 =	vmul.f32 v50, v14;
	v14 =	vadd.f32 v23, v28  }
0xd1: {  	v42 =	vld [tilespmem:s29+$0xFFFFFFF0];
	[tilespmem:s15+$0xFFFFFF70] =	vst v16;
	(erf) = vpow2.f32 v24;
	v24 =	vmul.f32 v33, v29  }
0xd2: {  	v57 =	vperm.xlane v21, v7;
	[tilespmem:s7+$0xFFFFFFB0] =	vst v30;
	v28 =	vld [tilespmem:s14+$0xFFFFFF80];
	v16 =	vpop (erf);
	(erf) = vrcp.f32 v14  }
0xd3: {  	v23 =	vperm.xlane v17, v9;
	v14 =	vld [tilespmem:s9+$0xFFFFFFC0];
	[tilespmem:s15+$0x20] =	vst v24;
	v16 =	vmul.f32 v16, v25  }
0xd4: {  	s12 =	simm.s32 $0x69D0;
	s22 =	simm.s32 $0x6D0;
	v30 =	vperm.xlane v31, v7;
	v32 =	vmul.f32 v52, v32;
	v53 =	vld [tilespmem:s14+$0x30]  }
0xd5: {  	v56 =	vld [tilespmem:s22+$0x80];
	v25 =	vperm.xlane v31, v5;
	v23 =	vmul.f32 v51, v23;
	v33 =	vpop (erf);
	[tilespmem:s12+$0x80] =	vst v16  }
0xd6: {  	v29 =	vperm.xlane v31, v9;
	v54 =	vperm.xlane v33, v1;
	v55 =	vld [tilespmem:s16+$0x0]  }
0xd7: {  	v44 =	vld [tilespmem:s22+$0xFFFFFFF0];
	v24 =	vperm.xlane v31, v6;
	[tilespmem:s17+$0x50] =	vst v23;
	v25 =	vmul.f32 v28, v25  }
0xd8: {  	v23 =	vperm.xlane v31, v8;
	v28 =	vld [tilespmem:s13+$0x60];
	v34 =	vadd.f32 v33, v54;
	v58 =	vmul.f32 v14, v15  }
0xd9: {  	v14 =	vperm.xlane v16, v4;
	[tilespmem:s15+$0xFFFFFF80] =	vst v25;
	v25 =	vld [tilespmem:s29+$0x0];
	v35 =	vmul.f32 v53, v57  }
0xda: {  	v15 =	vperm.xlane v31, v10;
	v41 =	vperm.xlane v34, v2;
	v38 =	vpop (erf)  }
0xdb: {  	v59 =	vld [tilespmem:s14+$0xFFFFFF90];
	[tilespmem:s15+$0x30] =	vst v35;
	v36 =	vmul.f32 v55, v14;
	v14 =	vperm.xlane v31, v11;
	v43 =	vpop (erf)  }
0xdc: {  	v34 =	vadd.f32 v34, v41;
	v31 =	vperm.xlane v17, v10;
	v41 =	vmul.f32 v43, v27;
	v27 =	vld [tilespmem:s14+$0x40]  }
0xdd: {  	v13 =	vperm.xlane v13, v11;
	v42 =	vadd.f32 v42, v44;
	v60 =	vperm.xlane v38, v1;
	[tilespmem:s12+$0x0] =	vst v36  }
0xde: {  	[tilespmem:s17+$0xFFFFFFA0] =	vst v32;
	v28 =	vmul.f32 v28, v31;
	v25 =	vadd.f32 v25, v56;
	v31 =	vperm.xlane v34, v3;
	v61 =	vld [tilespmem:s16+$0x10]  }
0xdf: {  	v49 =	vperm.xlane v21, v8;
	v62 =	vld [tilespmem:s13+$0xFFFFFFB0];
	v51 =	vperm.xlane v16, v5;
	v35 =	vadd.f32 v38, v60  }
0xe0: {  	v24 =	vmul.f32 v59, v24;
	[tilespmem:s17+$0x60] =	vst v28;
	v48 =	vmul.f32 $2.000000030e-01, v25;
	v31 =	vadd.f32 v34, v31  }
0xe1: {  	[tilespmem:s12+$0xFFFFFFF0] =	vst v41;
	v45 =	vperm.xlane v35, v2;
	v50 =	vld [tilespmem:s13+$0x70];
	v27 =	vmul.f32 v27, v49  }
0xe2: {  	v52 =	vmul.f32 $2.000000030e-01, v42;
	[tilespmem:s15+$0xFFFFFF90] =	vst v24;
	v25 =	vmax.f32 v25, v48;
	(erf) = vrcp.f32 v31  }
0xe3: {  	v28 =	vld [tilespmem:s16+$0xFFFFFF70];
	v24 =	vmul.f32 $1.442695020e+00, v25;
	v25 =	vmul.f32 v61, v51;
	[tilespmem:s15+$0x40] =	vst v27;
	v27 =	vadd.f32 v35, v45  }
0xe4: {  	v20 =	vmul.f32 v62, v20;
	v17 =	vperm.xlane v17, v11;
	v31 =	vld [tilespmem:s14+$0xFFFFFFA0]  }
0xe5: {  	(erf) = vpow2.f32 v24;
	v24 =	vld [tilespmem:s14+$0x50];
	[tilespmem:s12+$0x10] =	vst v25;
	v53 =	vperm.xlane v27, v3  }
0xe6: {  	v32 =	vmax.f32 v42, v52;
	[tilespmem:s17+$0xFFFFFFB0] =	vst v20;
	v63 =	vperm.xlane v41, v4;
	v25 =	vmul.f32 v50, v17;
	v17 =	vld [tilespmem:s16+$0x20]  }
0xe7: {  	v32 =	vmul.f32 $1.442695020e+00, v32;
	[tilespmem:s7+$0xFFFFFFC0] =	vst v58;
	v55 =	vperm.xlane v21, v9;
	v20 =	vadd.f32 v27, v53  }
0xe8: {  	s8 =	simm.s32 $0x7F0;
	v56 =	vld [tilespmem:s9+$0xFFFFFFD0];
	v49 =	vperm.xlane v16, v8;
	v28 =	vmul.f32 v28, v63  }
0xe9: {  	v62 =	vld [tilespmem:s8+$0x80];
	v27 =	vmul.f32 v31, v30;
	v30 =	vperm.xlane v16, v6  }
0xea: {  	v48 =	vld [tilespmem:s8+$0xFFFFFFF0];
	(erf) = vpow2.f32 v32;
	[tilespmem:s12+$0xFFFFFF70] =	vst v28;
	v24 =	vmul.f32 v24, v55  }
0xeb: {  	v54 =	vld [tilespmem:s16+$0xFFFFFF80];
	(erf) = vrcp.f32 v20;
	[tilespmem:s15+$0xFFFFFFA0] =	vst v27;
	v20 =	vpop (erf);
	v27 =	vmul.f32 v17, v30  }
0xec: {  	v61 =	vperm.xlane v21, v10;
	v31 =	vld [tilespmem:s13+$0xFFFFFFC0];
	[tilespmem:s15+$0x50] =	vst v24;
	v17 =	vmul.f32 v20, v33  }
0xed: {  	s0 =	simm.s32 $0x6AF0;
	v21 =	vperm.xlane v21, v11;
	v32 =	vmul.f32 v56, v18;
	[tilespmem:s12+$0x20] =	vst v27;
	v27 =	vld [tilespmem:s14+$0x60]  }
0xee: {  	v18 =	vperm.xlane v16, v7;
	v28 =	vperm.xlane v41, v5;
	v35 =	vpop (erf);
	[tilespmem:s0+$0x80] =	vst v17;
	v58 =	vld [tilespmem:s16+$0x30]  }
0xef: {  	v30 =	vperm.xlane v41, v6;
	v59 =	vperm.xlane v35, v1;
	v60 =	vld [tilespmem:s20+$0x0]  }
0xf0: {  	s11 =	simm.s32 $0x2E70;
	v57 =	vld [tilespmem:s14+$0xFFFFFFB0];
	v24 =	vperm.xlane v41, v7;
	v28 =	vmul.f32 v54, v28  }
0xf1: {  	v63 =	vld [tilespmem:s11+$0x0];
	v33 =	vperm.xlane v41, v8;
	v20 =	vperm.xlane v41, v9;
	v37 =	vadd.f32 v35, v59  }
0xf2: {  	v53 =	vld [tilespmem:s11+$0xFFFFFFF0];
	[tilespmem:s12+$0xFFFFFF80] =	vst v28;
	v52 =	vperm.xlane v17, v4;
	v40 =	vmul.f32 v27, v61  }
0xf3: {  	v28 =	vld [tilespmem:s16+$0xFFFFFF90];
	v46 =	vperm.xlane v37, v2;
	v36 =	vmul.f32 v58, v18  }
0xf4: {  	v31 =	vmul.f32 v31, v19;
	v27 =	vpop (erf);
	v39 =	vmul.f32 v60, v52;
	[tilespmem:s15+$0x60] =	vst v40  }
0xf5: {  	v19 =	vperm.xlane v41, v10;
	v23 =	vmul.f32 v57, v23;
	v47 =	vpop (erf);
	v37 =	vadd.f32 v37, v46;
	[tilespmem:s12+$0x30] =	vst v36  }
0xf6: {  	v57 =	vadd.f32 v63, v62;
	v54 =	vperm.xlane v27, v1;
	v40 =	vmul.f32 v47, v38;
	[tilespmem:s0+$0x0] =	vst v39;
	v56 =	vld [tilespmem:s16+$0x40]  }
0xf7: {  	[tilespmem:s7+$0x70] =	vst v22;
	v22 =	vadd.f32 v53, v48;
	v50 =	vperm.xlane v17, v5;
	v58 =	vperm.xlane v37, v3;
	v60 =	vld [tilespmem:s20+$0x10]  }
0xf8: {  	v63 =	vmul.f32 $2.000000030e-01, v57;
	v28 =	vmul.f32 v28, v30;
	v55 =	vld [tilespmem:s14+$0x70];
	v30 =	vadd.f32 v27, v54;
	[tilespmem:s0+$0xFFFFFFF0] =	vst v40  }
0xf9: {  	v18 =	vperm.xlane v41, v11;
	v52 =	vmul.f32 $2.000000030e-01, v22;
	v62 =	vld [tilespmem:s20+$0xFFFFFF70];
	v37 =	vadd.f32 v37, v58  }
0xfa: {  	v59 =	vperm.xlane v40, v4;
	v61 =	vperm.xlane v30, v2  }
0xfb: {  	[tilespmem:s12+$0xFFFFFF90] =	vst v28;
	v28 =	vmax.f32 v57, v63;
	(erf) = vrcp.f32 v37;
	v34 =	vmul.f32 v56, v49  }
0xfc: {  	[tilespmem:s17+$0x70] =	vst v25;
	v22 =	vmax.f32 v22, v52;
	v51 =	vld [tilespmem:s16+$0xFFFFFFA0];
	v25 =	vmul.f32 $1.442695020e+00, v28;
	v28 =	vmul.f32 v60, v50  }
0xfd: {  	v22 =	vmul.f32 $1.442695020e+00, v22;
	v30 =	vadd.f32 v30, v61;
	v21 =	vmul.f32 v55, v21;
	[tilespmem:s12+$0x40] =	vst v34  }
0xfe: {  	(erf) = vpow2.f32 v25;
	v53 =	vmul.f32 v62, v59;
	[tilespmem:s0+$0x10] =	vst v28;
	v55 =	vld [tilespmem:s16+$0x50]  }
0xff: {  	[tilespmem:s15+$0xFFFFFFB0] =	vst v23;
	v37 =	vperm.xlane v16, v10;
	v54 =	vperm.xlane v30, v3;
	v57 =	vld [tilespmem:s20+$0x20]  }
0x100: {  	v56 =	vperm.xlane v40, v5;
	v25 =	vperm.xlane v40, v7;
	v59 =	vld [tilespmem:s14+$0xFFFFFFC0];
	[tilespmem:s0+$0xFFFFFF70] =	vst v53  }
0x101: {  	[tilespmem:s7+$0xFFFFFFD0] =	vst v32;
	v24 =	vmul.f32 v51, v24;
	v23 =	vadd.f32 v30, v54;
	v30 =	vperm.xlane v16, v9;
	v58 =	vld [tilespmem:s20+$0xFFFFFF80]  }
0x102: {  	[tilespmem:s17+$0xFFFFFFC0] =	vst v31;
	(erf) = vpow2.f32 v22;
	v22 =	vperm.xlane v17, v6  }
0x103: {  	v60 =	vld [tilespmem:s13+$0xFFFFFFD0];
	[tilespmem:s12+$0xFFFFFFA0] =	vst v24;
	(erf) = vrcp.f32 v23;
	v30 =	vmul.f32 v55, v30  }
0x104: {  	[tilespmem:s15+$0x70] =	vst v21;
	v28 =	vperm.xlane v40, v6;
	v62 =	vld [tilespmem:s16+$0xFFFFFFB0];
	v21 =	vpop (erf);
	v61 =	vmul.f32 v57, v22  }
0x105: {  	v31 =	vld [tilespmem:s9+$0xFFFFFFE0];
	v24 =	vperm.xlane v40, v8;
	v23 =	vmul.f32 v21, v35;
	[tilespmem:s12+$0x50] =	vst v30  }
0x106: {  	s4 =	simm.s32 $0x6C10;
	v63 =	vmul.f32 v59, v29;
	v36 =	vmul.f32 v58, v56;
	[tilespmem:s0+$0x20] =	vst v61;
	v32 =	vld [tilespmem:s16+$0x60]  }
0x107: {  	v22 =	vperm.xlane v40, v9;
	v29 =	vpop (erf);
	v21 =	vperm.xlane v40, v10;
	[tilespmem:s4+$0x80] =	vst v23;
	v34 =	vld [tilespmem:s20+$0x30]  }
0x108: {  	v35 =	vmul.f32 v60, v26;
	v30 =	vperm.xlane v29, v1;
	[tilespmem:s0+$0xFFFFFF80] =	vst v36;
	v38 =	vld [tilespmem:s22+$0x0]  }
0x109: {  	s28 =	simm.s32 $0x910;
	s24 =	simm.s32 $0xC;
	[tilespmem:s15+$0xFFFFFFC0] =	vst v63;
	v26 =	vperm.xlane v40, v11;
	v33 =	vmul.f32 v62, v33;
	v36 =	vld [tilespmem:s20+$0xFFFFFF90]  }
.LBB2_4:
0x10a: {  	v39 =	vld [tilespmem:s28+$0x80];
	v30 =	vadd.f32 v29, v30;
	s11 =	sadd.s32 $0x20, s11;
	v40 =	vperm.xlane v17, v7;
	[tilespmem:s17+$0xFFFFFFD0] =	vst v35;
	v31 =	vmul.f32 v31, v13  }
0x10b: {  	s24 =	sadd.s32 $0x2, s24;
	v42 =	vperm.xlane v23, v4;
	v13 =	vmov v12;
	v35 =	vld [tilespmem:s11+$0x0];
	v41 =	vpop (erf);
	[tilespmem:s12+$0xFFFFFFB0] =	vst v33;
	v32 =	vmul.f32 v32, v37  }
0x10c: {  	v12 =	vmov v14;
	p0 =	slt.u32 s24, $0x4E;
	v33 =	vld [tilespmem:s11+$0xFFFFFFF0];
	v37 =	vperm.xlane v30, v2;
	v43 =	vpop (erf);
	v34 =	vmul.f32 v34, v40;
	[tilespmem:s7+$0xFFFFFFE0] =	vst v31;
	s7 =	smov.u32 s17;
	s17 =	smov.u32 s15  }
0x10d: {  	v14 =	vmovc v18;
	v18 =	vmov v26;
	v40 =	vperm.xlane v41, v1;
	s15 =	smov.u32 s12;
	v31 =	vld [tilespmem:s28+$0xFFFFFFF0];
	v38 =	vmul.f32 v38, v42;
	[tilespmem:s12+$0x60] =	vst v32;
	s12 =	smov.u32 s0;
	s0 =	smov.u32 s4  }
0x10e: {  	v26 =	vadd.f32 v30, v37;
	v37 =	vmul.f32 v43, v27;
	v28 =	vmul.f32 v36, v28;
	[tilespmem:s12+$0x30] =	vst v34;
	v30 =	vld [tilespmem:s16+$0x70]  }
0x10f: {  	v32 =	vadd.f32 v41, v40;
	v27 =	vmov v41;
	[tilespmem:s4+$0x0] =	vst v38;
	v34 =	vld [tilespmem:s20+$0x40]  }
0x110: {  	v35 =	vadd.f32 v35, v39;
	v36 =	vperm.xlane v26, v3;
	[tilespmem:s4+$0xFFFFFFF0] =	vst v37;
	v38 =	vperm.xlane v37, v4;
	v39 =	vld [tilespmem:s22+$0x10]  }
0x111: {  	v40 =	vperm.xlane v32, v2;
	v41 =	vld [tilespmem:s22+$0xFFFFFF70];
	[tilespmem:s12+$0xFFFFFF90] =	vst v28;
	v28 =	vperm.xlane v16, v11;
	v16 =	vmovc v17;
	v17 =	vmov v23  }
0x112: {  	v23 =	vmul.f32 $2.000000030e-01, v35;
	v26 =	vadd.f32 v26, v36;
	v36 =	vld [tilespmem:s20+$0xFFFFFFA0];
	v42 =	vperm.xlane v16, v8  }
0x113: {  	v33 =	vadd.f32 v33, v31;
	v31 =	vperm.xlane v17, v5;
	v43 =	vld [tilespmem:s16+$0xFFFFFFC0];
	v28 =	vmul.f32 v30, v28  }
0x114: {  	v23 =	vmax.f32 v35, v23;
	(erf) = vrcp.f32 v26;
	v26 =	vmul.f32 v34, v42;
	v30 =	vld [tilespmem:s14+$0xFFFFFFD0]  }
0x115: {  	v32 =	vadd.f32 v32, v40;
	v23 =	vmul.f32 $1.442695020e+00, v23;
	v34 =	vmul.f32 v39, v31;
	[tilespmem:s15+$0x70] =	vst v28;
	v31 =	vld [tilespmem:s13+$0xFFFFFFE0];
	s13 =	smov.u32 s14;
	s14 =	smov.u32 s16;
	s16 =	smov.u32 s20  }
0x116: {  	v28 =	vmul.f32 $2.000000030e-01, v33;
	s20 =	smov.u32 s22;
	s22 =	smov.u32 s8;
	s8 =	smov.u32 s28;
	v35 =	vmul.f32 v41, v38;
	[tilespmem:s12+$0x40] =	vst v26  }
0x117: {  	(erf) = vpow2.f32 v23;
	v23 =	vperm.xlane v32, v3;
	[tilespmem:s4+$0x10] =	vst v34;
	v26 =	vld [tilespmem:s16+$0x50]  }
0x118: {  	v33 =	vmax.f32 v33, v28;
	v34 =	vperm.xlane v37, v5;
	v28 =	vperm.xlane v37, v6;
	[tilespmem:s4+$0xFFFFFF70] =	vst v35;
	v35 =	vld [tilespmem:s20+$0x20]  }
0x119: {  	v38 =	vperm.xlane v37, v7;
	v33 =	vmul.f32 $1.442695020e+00, v33;
	v23 =	vadd.f32 v32, v23;
	v32 =	vld [tilespmem:s20+$0xFFFFFF80]  }
0x11a: {  	v39 =	vperm.xlane v16, v9;
	v36 =	vmul.f32 v36, v25  }
0x11b: {  	v25 =	vmov v38;
	(erf) = vpow2.f32 v33;
	v33 =	vperm.xlane v17, v6  }
0x11c: {  	(erf) = vrcp.f32 v23;
	[tilespmem:s12+$0xFFFFFFA0] =	vst v36;
	v26 =	vmul.f32 v26, v39  }
0x11d: {  	v39 =	vperm.xlane v37, v8;
	v23 =	vpop (erf);
	v33 =	vmul.f32 v35, v33;
	v40 =	vld [tilespmem:s16+$0xFFFFFFB0]  }
.Ltmp1:
0x11e: {  	v23 =	vmul.f32 v23, v29;
	v36 =	vmul.f32 v32, v34;
	[tilespmem:s12+$0x50] =	vst v26;
	(pc) =	sbr.rel @p0 .LBB2_4-.Ltmp1, $4  }
0x11f: {  	s4 =	sadd.s32 $0x120, s4;
	v41 =	vmul.f32 v43, v20;
	v20 =	vmov v22;
	v22 =	vperm.xlane v37, v9;
	[tilespmem:s0+$0x20] =	vst v33;
	v32 =	vld [tilespmem:s16+$0x60]  }
0x120: {  	v42 =	vperm.xlane v37, v10;
	v35 =	vmul.f32 v30, v15;
	v15 =	vmov v19;
	v29 =	vpop (erf);
	[tilespmem:s4+$0x80] =	vst v23;
	v34 =	vld [tilespmem:s20+$0x30]  }
0x121: {  	v19 =	vmov v21;
	v26 =	vperm.xlane v37, v11;
	v30 =	vperm.xlane v29, v1;
	v38 =	vld [tilespmem:s22+$0x0];
	[tilespmem:s0+$0xFFFFFF80] =	vst v36  }
0x122: {  	s28 =	sadd.s32 $0x120, s28;
	v21 =	vmovc v42;
	v37 =	vperm.xlane v16, v10;
	v36 =	vld [tilespmem:s20+$0xFFFFFF90];
	v33 =	vmul.f32 v40, v24;
	[tilespmem:s15+$0xFFFFFFC0] =	vst v41;
	v24 =	vmov v39  }
0x123: {  	_ = 	snop  }
0x124: {  	v39 =	vpop (erf)  }
0x125: {  	v40 =	vperm.xlane v39, v1  }
0x126: {  	v30 =	vadd.f32 v29, v30  }
0x127: {  	v40 =	vadd.f32 v39, v40  }
0x128: {  	v41 =	vperm.xlane v30, v2  }
0x129: {  	v61 =	vperm.xlane v40, v2  }
0x12a: {  	v30 =	vadd.f32 v30, v41  }
0x12b: {  	v40 =	vadd.f32 v40, v61  }
0x12c: {  	v42 =	vperm.xlane v30, v3  }
0x12d: {  	v41 =	vperm.xlane v40, v3  }
0x12e: {  	v30 =	vadd.f32 v30, v42  }
0x12f: {  	v62 =	vadd.f32 v40, v41  }
0x130: {  	(erf) = vrcp.f32 v30  }
0x131: {  	(erf) = vrcp.f32 v62;
	_ =	sdelay $0x6  }
0x132: {  	v63 =	vpop (erf)  }
0x133: {  	v27 =	vmul.f32 v63, v27;
	v43 =	vpop (erf)  }
0x134: {  	v30 =	vmul.f32 v43, v29;
	v44 =	vpop (erf)  }
0x135: {  	s11 =	sadd.s32 $0x120, s4;
	[tilespmem:s4+$0xFFFFFFF0] =	vst v27;
	v29 =	vmul.f32 v44, v39  }
0x136: {  	v47 =	vld [tilespmem:s22+$0xFFFFFF70];
	[tilespmem:s11+$0x80] =	vst v30  }
0x137: {  	v46 =	vperm.xlane v23, v4;
	v45 =	vld [tilespmem:s8+$0x0];
	[tilespmem:s11+$0xFFFFFFF0] =	vst v29  }
0x138: {  	v49 =	vld [tilespmem:s8+$0xFFFFFF70]  }
0x139: {  	v38 =	vmul.f32 v38, v46;
	v50 =	vperm.xlane v27, v4  }
0x13a: {  	v48 =	vperm.xlane v30, v4  }
0x13b: {  	[tilespmem:s4+$0x0] =	vst v38;
	v38 =	vmul.f32 v47, v50;
	v43 =	vperm.xlane v29, v4  }
0x13c: {  	v39 =	vmul.f32 v45, v48  }
0x13d: {  	v51 =	vld [tilespmem:s22+$0x10];
	[tilespmem:s4+$0xFFFFFF70] =	vst v38;
	v52 =	vmul.f32 v49, v43  }
0x13e: {  	v38 =	vld [tilespmem:s22+$0xFFFFFF80];
	[tilespmem:s11+$0x0] =	vst v39  }
0x13f: {  	v39 =	vld [tilespmem:s8+$0x10];
	[tilespmem:s11+$0xFFFFFF70] =	vst v52  }
0x140: {  	v53 =	vperm.xlane v23, v5;
	v55 =	vld [tilespmem:s8+$0xFFFFFF80]  }
0x141: {  	v56 =	vperm.xlane v27, v5  }
0x142: {  	v40 =	vmul.f32 v51, v53;
	v54 =	vperm.xlane v30, v5  }
0x143: {  	v38 =	vmul.f32 v38, v56;
	v58 =	vperm.xlane v29, v5  }
0x144: {  	[tilespmem:s4+$0x10] =	vst v40;
	v39 =	vmul.f32 v39, v54  }
0x145: {  	v57 =	vld [tilespmem:s22+$0x20];
	[tilespmem:s4+$0xFFFFFF80] =	vst v38;
	v59 =	vmul.f32 v55, v58  }
0x146: {  	v38 =	vld [tilespmem:s22+$0xFFFFFF90];
	[tilespmem:s11+$0x10] =	vst v39  }
0x147: {  	v39 =	vld [tilespmem:s8+$0x20];
	[tilespmem:s11+$0xFFFFFF80] =	vst v59  }
0x148: {  	v60 =	vperm.xlane v23, v6;
	v63 =	vld [tilespmem:s8+$0xFFFFFF90]  }
0x149: {  	v46 =	vmul.f32 v36, v28;
	v45 =	vperm.xlane v27, v6  }
0x14a: {  	[tilespmem:s17+$0xFFFFFFD0] =	vst v35;
	v61 =	vmul.f32 v57, v60;
	v62 =	vperm.xlane v30, v6  }
0x14b: {  	[tilespmem:s0+$0xFFFFFF90] =	vst v46;
	v48 =	vperm.xlane v29, v6;
	v38 =	vmul.f32 v38, v45  }
0x14c: {  	[tilespmem:s4+$0x20] =	vst v61;
	v52 =	vld [tilespmem:s20+$0xFFFFFFA0];
	v44 =	vmul.f32 v39, v62  }
0x14d: {  	v47 =	vld [tilespmem:s22+$0x30];
	[tilespmem:s4+$0xFFFFFF90] =	vst v38;
	v51 =	vmul.f32 v63, v48  }
0x14e: {  	v49 =	vperm.xlane v17, v7;
	v38 =	vld [tilespmem:s22+$0xFFFFFFA0];
	[tilespmem:s11+$0x20] =	vst v44  }
0x14f: {  	v13 =	vmul.f32 v31, v13;
	v32 =	vmul.f32 v32, v37;
	v50 =	vld [tilespmem:s8+$0x30];
	[tilespmem:s11+$0xFFFFFF90] =	vst v51  }
0x150: {  	[tilespmem:s12+$0xFFFFFFB0] =	vst v33;
	v53 =	vperm.xlane v23, v7;
	v34 =	vmul.f32 v34, v49;
	v55 =	vld [tilespmem:s8+$0xFFFFFFA0]  }
0x151: {  	[tilespmem:s7+$0xFFFFFFE0] =	vst v13;
	v57 =	vperm.xlane v27, v7;
	v25 =	vmul.f32 v52, v25  }
0x152: {  	v33 =	vld [tilespmem:s16+$0xFFFFFFC0];
	v28 =	vmul.f32 v47, v53;
	[tilespmem:s0+$0x30] =	vst v34;
	v54 =	vperm.xlane v30, v7  }
0x153: {  	v56 =	vld [tilespmem:s20+$0x40];
	v37 =	vmul.f32 v38, v57;
	v58 =	vperm.xlane v29, v7;
	[tilespmem:s0+$0xFFFFFFA0] =	vst v25  }
0x154: {  	[tilespmem:s4+$0x30] =	vst v28;
	v62 =	vld [tilespmem:s20+$0xFFFFFFB0];
	v13 =	vmul.f32 v50, v54  }
0x155: {  	v28 =	vld [tilespmem:s22+$0x40];
	[tilespmem:s4+$0xFFFFFFA0] =	vst v37;
	v60 =	vmul.f32 v55, v58  }
0x156: {  	v40 =	vld [tilespmem:s22+$0xFFFFFFB0];
	v59 =	vperm.xlane v17, v8;
	[tilespmem:s11+$0x30] =	vst v13  }
0x157: {  	v20 =	vmul.f32 v33, v20;
	v13 =	vld [tilespmem:s8+$0x40];
	[tilespmem:s11+$0xFFFFFFA0] =	vst v60  }
0x158: {  	[tilespmem:s12+$0x60] =	vst v32;
	v61 =	vmul.f32 v56, v59;
	v63 =	vperm.xlane v23, v8;
	v43 =	vld [tilespmem:s8+$0xFFFFFFB0]  }
0x159: {  	v32 =	vld [tilespmem:s16+$0x70];
	[tilespmem:s12+$0xFFFFFFC0] =	vst v20;
	v45 =	vperm.xlane v27, v8;
	v46 =	vmul.f32 v62, v24  }
0x15a: {  	v42 =	vperm.xlane v30, v8;
	v49 =	vld [tilespmem:s14+$0xFFFFFFD0];
	[tilespmem:s0+$0x40] =	vst v61;
	v41 =	vmul.f32 v28, v63  }
0x15b: {  	v35 =	vmul.f32 v40, v45;
	v44 =	vld [tilespmem:s20+$0x50];
	v48 =	vperm.xlane v29, v8;
	[tilespmem:s0+$0xFFFFFFB0] =	vst v46  }
0x15c: {  	v16 =	vperm.xlane v16, v11;
	[tilespmem:s4+$0x40] =	vst v41;
	v53 =	vld [tilespmem:s20+$0xFFFFFFC0];
	v13 =	vmul.f32 v13, v42  }
0x15d: {  	[tilespmem:s4+$0xFFFFFFB0] =	vst v35;
	v47 =	vld [tilespmem:s22+$0x50];
	v51 =	vmul.f32 v43, v48  }
0x15e: {  	v16 =	vmul.f32 v32, v16;
	v50 =	vperm.xlane v17, v9;
	v55 =	vld [tilespmem:s22+$0xFFFFFFC0];
	[tilespmem:s11+$0x40] =	vst v13  }
0x15f: {  	v15 =	vmul.f32 v49, v15;
	v13 =	vld [tilespmem:s8+$0x50];
	[tilespmem:s11+$0xFFFFFFB0] =	vst v51  }
0x160: {  	[tilespmem:s12+$0x70] =	vst v16;
	v54 =	vperm.xlane v23, v9;
	v52 =	vmul.f32 v44, v50;
	v58 =	vld [tilespmem:s8+$0xFFFFFFC0]  }
0x161: {  	v34 =	vld [tilespmem:s16+$0xFFFFFFD0];
	[tilespmem:s15+$0xFFFFFFD0] =	vst v15;
	v61 =	vperm.xlane v27, v9;
	v22 =	vmul.f32 v53, v22  }
0x162: {  	v57 =	vperm.xlane v30, v9;
	v44 =	vld [tilespmem:s14+$0xFFFFFFE0];
	[tilespmem:s0+$0x50] =	vst v52;
	v56 =	vmul.f32 v47, v54  }
0x163: {  	v62 =	vperm.xlane v29, v9;
	v59 =	vld [tilespmem:s20+$0x60];
	[tilespmem:s0+$0xFFFFFFC0] =	vst v22;
	v35 =	vmul.f32 v55, v61  }
0x164: {  	[tilespmem:s4+$0x50] =	vst v56;
	v38 =	vld [tilespmem:s20+$0xFFFFFFD0];
	v13 =	vmul.f32 v13, v57  }
0x165: {  	v16 =	vld [tilespmem:s22+$0x60];
	[tilespmem:s4+$0xFFFFFFC0] =	vst v35;
	v15 =	vmul.f32 v58, v62  }
0x166: {  	v19 =	vmul.f32 v34, v19;
	v63 =	vperm.xlane v17, v10;
	[tilespmem:s11+$0x50] =	vst v13;
	v13 =	vld [tilespmem:s22+$0xFFFFFFD0]  }
0x167: {  	v52 =	vmul.f32 v44, v14;
	v36 =	vld [tilespmem:s8+$0x60];
	[tilespmem:s11+$0xFFFFFFC0] =	vst v15  }
0x168: {  	v37 =	vperm.xlane v23, v10;
	[tilespmem:s12+$0xFFFFFFD0] =	vst v19;
	v24 =	vmul.f32 v59, v63;
	v41 =	vld [tilespmem:s8+$0xFFFFFFD0]  }
0x169: {  	v60 =	vld [tilespmem:s13+$0xFFFFFFE0];
	[tilespmem:s15+$0xFFFFFFE0] =	vst v52;
	v43 =	vperm.xlane v27, v10;
	v21 =	vmul.f32 v38, v21  }
0x16a: {  	v49 =	vld [tilespmem:s16+$0xFFFFFFE0];
	v40 =	vperm.xlane v30, v10;
	[tilespmem:s0+$0x60] =	vst v24;
	v39 =	vmul.f32 v16, v37  }
0x16b: {  	v46 =	vperm.xlane v29, v10;
	v42 =	vld [tilespmem:s20+$0x70];
	[tilespmem:s0+$0xFFFFFFD0] =	vst v21;
	v13 =	vmul.f32 v13, v43  }
0x16c: {  	[tilespmem:s4+$0x60] =	vst v39;
	v51 =	vld [tilespmem:s20+$0xFFFFFFE0];
	v45 =	vmul.f32 v36, v40  }
0x16d: {  	v47 =	vld [tilespmem:s22+$0x70];
	[tilespmem:s4+$0xFFFFFFD0] =	vst v13;
	v16 =	vmul.f32 v41, v46  }
0x16e: {  	v12 =	vmul.f32 v60, v12;
	v48 =	vperm.xlane v17, v11;
	[tilespmem:s11+$0x60] =	vst v45;
	v53 =	vld [tilespmem:s22+$0xFFFFFFE0]  }
0x16f: {  	v57 =	vmul.f32 v49, v18;
	v15 =	vld [tilespmem:s8+$0x70];
	[tilespmem:s11+$0xFFFFFFD0] =	vst v16  }
0x170: {  	v50 =	vperm.xlane v23, v11;
	[tilespmem:s17+$0xFFFFFFE0] =	vst v12;
	v12 =	vmul.f32 v42, v48;
	v56 =	vld [tilespmem:s8+$0xFFFFFFE0]  }
0x171: {  	[tilespmem:s12+$0xFFFFFFE0] =	vst v57;
	v58 =	vperm.xlane v27, v11;
	v61 =	vmul.f32 v51, v26  }
0x172: {  	v55 =	vperm.xlane v30, v11;
	[tilespmem:s0+$0x70] =	vst v12;
	v54 =	vmul.f32 v47, v50  }
0x173: {  	v60 =	vperm.xlane v29, v11;
	[tilespmem:s0+$0xFFFFFFE0] =	vst v61;
	v62 =	vmul.f32 v53, v58  }
0x174: {  	[tilespmem:s4+$0x70] =	vst v54;
	v59 =	vmul.f32 v15, v55  }
0x175: {  	[tilespmem:s4+$0xFFFFFFE0] =	vst v62;
	v63 =	vmul.f32 v56, v60  }
0x176: {  	[tilespmem:s11+$0x70] =	vst v59  }
0x177: {  	s29 =	simm.s32 $0x6540;
	s13 =	simm.s32 $0x0;
	[tilespmem:s11+$0xFFFFFFE0] =	vst v63  }
0x178: {  	[spmem:s2] =	stream.indirect.scatter.add.f32 [tilespmem:s21], [sflag:$0x3], $0x90, s29, s23, $0xb8;
	[tilespmem:$0x1F660] =	vst v63  }
.LBB2_6:
0x179: {  	_ =	swait.ge [sflag:s26], $0xA0  }
0x17a: {  	[sflag:s26] =	ssyncset.done $0x0  }
0x17b: {  	s0 =	simm.s32 $0xA0;
	[sflag:s26] =	ssyncadd.s32 $0xFFFFFF60  }
0x17c: {  	[tilespmem:s0], [sflag:$0x1] =	stream.indirect.gather [hbm4b:s5+s23], $0x90, s3, s23, $0xb8;
	[tilespmem:$0x1F660] =	vst v63  }
0x17d: {  	s24 =	simm.s32 $0x2DA0  }
0x17e: {  	[tilespmem:s24], [sflag:$0x1] =	stream.indirect.gather [hbm4b:s6+s23], $0x10, s23, s23, $0xb8;
	[tilespmem:$0x1F660] =	vst v63  }
0x17f: {  	_ =	swait.ge [sflag:s31], $0x2D00  }
0x180: {  	[sflag:s31] =	ssyncset.done $0x0  }
0x181: {  	[sflag:s31] =	ssyncadd.s32 $0xFFFFD300  }
0x182: {  	_ =	swait.ge [sflag:s31], $0x500  }
0x183: {  	[sflag:s31] =	ssyncset.done $0x0  }
0x184: {  	[sflag:s31] =	ssyncadd.s32 $0xFFFFFB00  }
0x185: {  	v12 =	vld [tilespmem:$0x32F0]  }
0x186: {  	v13 =	vld [tilespmem:$0x3300]  }
0x187: {  	v14 =	vld [tilespmem:$0x3310]  }
0x188: {  	v15 =	vld [tilespmem:$0x3320]  }
0x189: {  	v16 =	vld [tilespmem:$0x3330]  }
0x18a: {  	s14 =	smul.u32 $0xA0, s13;
	[tilespmem:$0x6590] =	vst v12  }
0x18b: {  	[tilespmem:$0x65A0] =	vst v13  }
0x18c: {  	s4 =	sadd.s32 s14, s18;
	[tilespmem:$0x65B0] =	vst v14  }
0x18d: {  	s0 =	sshrl.u32 s4, $0x3;
	[tilespmem:$0x65C0] =	vst v15  }
0x18e: {  	s0 =	sadd.s32 s1, s0;
	[tilespmem:$0x65D0] =	vst v16  }
0x18f: {  	[tilespmem:s30], [sflag:$0x2] =	stream.strided.gather [hbm4b:s0+s23], $0xA0, s25, s23, $0x38;
	[tilespmem:$0x1F660] =	vst v63  }
0x190: {  	_ =	swait.ge [sflag:s10], $0x2D00  }
0x191: {  	[sflag:s10] =	ssyncset.done $0x0  }
0x192: {  	s8 =	simm.s32 $0x33D0;
	[sflag:s10] =	ssyncadd.s32 $0xFFFFD300  }
0x193: {  	s7 =	simm.s32 $0x6050;
	v12 =	vld [tilespmem:s8+$0x80]  }
0x194: {  	v13 =	vld [tilespmem:s7+$0x0];
	_ =	sdelay $0x4  }
0x195: {  	v12 =	vadd.f32 v13, v12;
	_ =	sdelay $0x1  }
0x196: {  	v13 =	vmul.f32 $2.000000030e-01, v12;
	_ =	sdelay $0x1  }
0x197: {  	v12 =	vmax.f32 v12, v13  }
0x198: {  	v12 =	vmul.f32 $1.442695020e+00, v12;
	_ =	sdelay $0x1  }
0x199: {  	(erf) = vpow2.f32 v12;
	_ =	sdelay $0x3  }
0x19a: {  	v13 =	vld [tilespmem:s8+$0xFFFFFFF0]  }
0x19b: {  	v12 =	vld [tilespmem:s7+$0xFFFFFFF0];
	_ =	sdelay $0x2  }
0x19c: {  	s16 =	simm.s32 $0x34F0  }
0x19d: {  	s9 =	simm.s32 $0x6070;
	v15 =	vld [tilespmem:s16+$0x80];
	v14 =	vpop (erf)  }
0x19e: {  	v16 =	vld [tilespmem:s9+$0x0];
	v12 =	vadd.f32 v12, v13;
	v13 =	vperm.xlane v14, v1;
	_ =	sdelay $0x1  }
0x19f: {  	v17 =	vmul.f32 $2.000000030e-01, v12;
	v13 =	vadd.f32 v14, v13;
	_ =	sdelay $0x1  }
0x1a0: {  	v12 =	vmax.f32 v12, v17;
	v17 =	vperm.xlane v13, v2  }
0x1a1: {  	v15 =	vadd.f32 v16, v15  }
0x1a2: {  	v12 =	vmul.f32 $1.442695020e+00, v12;
	v13 =	vadd.f32 v13, v17  }
0x1a3: {  	v16 =	vmul.f32 $2.000000030e-01, v15  }
0x1a4: {  	(erf) = vpow2.f32 v12;
	v12 =	vperm.xlane v13, v3;
	_ =	sdelay $0x1  }
0x1a5: {  	v12 =	vadd.f32 v13, v12;
	v13 =	vmax.f32 v15, v16  }
0x1a6: {  	v13 =	vmul.f32 $1.442695020e+00, v13  }
0x1a7: {  	(erf) = vrcp.f32 v12  }
0x1a8: {  	(erf) = vpow2.f32 v13;
	_ =	sdelay $0x1  }
0x1a9: {  	v12 =	vld [tilespmem:s9+$0xFFFFFFF0]  }
0x1aa: {  	v13 =	vld [tilespmem:s16+$0xFFFFFFF0]  }
0x1ab: {  	v15 =	vpop (erf)  }
0x1ac: {  	v16 =	vperm.xlane v15, v1;
	_ =	sdelay $0x1  }
0x1ad: {  	v16 =	vadd.f32 v15, v16  }
0x1ae: {  	v12 =	vadd.f32 v12, v13;
	v13 =	vpop (erf)  }
0x1af: {  	v17 =	vperm.xlane v16, v2;
	v19 =	vpop (erf)  }
0x1b0: {  	s17 =	simm.s32 $0x3610;
	v18 =	vmul.f32 $2.000000030e-01, v12;
	v20 =	vperm.xlane v19, v1  }
0x1b1: {  	s11 =	simm.s32 $0x6090;
	v16 =	vadd.f32 v16, v17;
	v17 =	vld [tilespmem:s17+$0x80]  }
0x1b2: {  	v12 =	vmax.f32 v12, v18;
	v18 =	vadd.f32 v19, v20;
	v20 =	vld [tilespmem:s11+$0x0]  }
0x1b3: {  	v14 =	vmul.f32 v13, v14;
	v12 =	vmul.f32 $1.442695020e+00, v12  }
0x1b4: {  	s15 =	simm.s32 $0x6670;
	v21 =	vperm.xlane v16, v3  }
0x1b5: {  	[tilespmem:s15+$0x80] =	vst v14;
	(erf) = vpow2.f32 v12;
	v12 =	vperm.xlane v18, v2  }
0x1b6: {  	v13 =	vadd.f32 v16, v21;
	v16 =	vld [tilespmem:s8+$0x0]  }
0x1b7: {  	v12 =	vadd.f32 v18, v12;
	v17 =	vadd.f32 v20, v17  }
0x1b8: {  	(erf) = vrcp.f32 v13;
	v18 =	vperm.xlane v14, v4  }
0x1b9: {  	v13 =	vperm.xlane v12, v3;
	v20 =	vmul.f32 $2.000000030e-01, v17;
	_ =	sdelay $0x1  }
0x1ba: {  	v12 =	vadd.f32 v12, v13;
	v13 =	vmul.f32 v16, v18;
	v16 =	vmax.f32 v17, v20  }
0x1bb: {  	v18 =	vld [tilespmem:s17+$0xFFFFFFF0]  }
0x1bc: {  	v17 =	vld [tilespmem:s11+$0xFFFFFFF0];
	[tilespmem:s15+$0x0] =	vst v13  }
0x1bd: {  	(erf) = vrcp.f32 v12;
	v12 =	vmul.f32 $1.442695020e+00, v16;
	v20 =	vld [tilespmem:s8+$0x10];
	v16 =	vpop (erf)  }
0x1be: {  	v13 =	vperm.xlane v16, v1  }
0x1bf: {  	(erf) = vpow2.f32 v12  }
0x1c0: {  	v21 =	vperm.xlane v14, v5  }
0x1c1: {  	v12 =	vadd.f32 v16, v13  }
0x1c2: {  	v17 =	vadd.f32 v17, v18;
	v18 =	vmul.f32 v20, v21;
	v13 =	vpop (erf)  }
0x1c3: {  	v13 =	vmul.f32 v13, v15;
	v15 =	vperm.xlane v12, v2;
	_ =	sdelay $0x1  }
0x1c4: {  	[tilespmem:s15+$0xFFFFFFF0] =	vst v13;
	v12 =	vadd.f32 v12, v15;
	v15 =	vmul.f32 $2.000000030e-01, v17  }
0x1c5: {  	[tilespmem:s15+$0x10] =	vst v18;
	v18 =	vpop (erf);
	v20 =	vld [tilespmem:s8+$0xFFFFFF70]  }
0x1c6: {  	v22 =	vld [tilespmem:s8+$0x20];
	v21 =	vperm.xlane v12, v3;
	v15 =	vmax.f32 v17, v15;
	v17 =	vmul.f32 v18, v19  }
0x1c7: {  	s24 =	simm.s32 $0x6790;
	v19 =	vpop (erf);
	v15 =	vmul.f32 $1.442695020e+00, v15  }
0x1c8: {  	v18 =	vperm.xlane v13, v4;
	v12 =	vadd.f32 v12, v21;
	[tilespmem:s24+$0x80] =	vst v17;
	v21 =	vperm.xlane v19, v1  }
0x1c9: {  	s20 =	simm.s32 $0x3730;
	(erf) = vpow2.f32 v15;
	v15 =	vperm.xlane v14, v6;
	v23 =	vld [tilespmem:s16+$0x0]  }
0x1ca: {  	s12 =	simm.s32 $0x60B0;
	v18 =	vmul.f32 v20, v18;
	(erf) = vrcp.f32 v12;
	v12 =	vld [tilespmem:s20+$0x80];
	v20 =	vadd.f32 v19, v21  }
0x1cb: {  	v21 =	vld [tilespmem:s12+$0x0];
	v15 =	vmul.f32 v22, v15  }
0x1cc: {  	[tilespmem:s15+$0xFFFFFF70] =	vst v18;
	v18 =	vperm.xlane v20, v2  }
0x1cd: {  	v22 =	vld [tilespmem:s8+$0xFFFFFF80];
	[tilespmem:s15+$0x20] =	vst v15  }
0x1ce: {  	v15 =	vperm.xlane v17, v4;
	v24 =	vld [tilespmem:s8+$0x30];
	v18 =	vadd.f32 v20, v18  }
0x1cf: {  	v20 =	vperm.xlane v13, v5  }
0x1d0: {  	v15 =	vmul.f32 v23, v15;
	v12 =	vadd.f32 v21, v12;
	v21 =	vperm.xlane v18, v3  }
0x1d1: {  	v23 =	vperm.xlane v14, v7  }
0x1d2: {  	v27 =	vld [tilespmem:s20+$0xFFFFFFF0];
	[tilespmem:s24+$0x0] =	vst v15;
	v15 =	vmul.f32 v22, v20;
	v18 =	vadd.f32 v18, v21  }
0x1d3: {  	v25 =	vmul.f32 $2.000000030e-01, v12;
	v22 =	vpop (erf);
	v21 =	vld [tilespmem:s12+$0xFFFFFFF0];
	v23 =	vmul.f32 v24, v23  }
0x1d4: {  	v20 =	vld [tilespmem:s16+$0x10];
	v24 =	vperm.xlane v22, v1;
	[tilespmem:s15+$0xFFFFFF80] =	vst v15;
	(erf) = vrcp.f32 v18  }
0x1d5: {  	v26 =	vpop (erf);
	v12 =	vmax.f32 v12, v25;
	v25 =	vld [tilespmem:s8+$0xFFFFFF90];
	[tilespmem:s15+$0x30] =	vst v23  }
0x1d6: {  	v16 =	vmul.f32 v26, v16;
	v12 =	vmul.f32 $1.442695020e+00, v12;
	v24 =	vadd.f32 v22, v24;
	v28 =	vld [tilespmem:s8+$0x40]  }
0x1d7: {  	v15 =	vperm.xlane v17, v5;
	v23 =	vperm.xlane v13, v6  }
0x1d8: {  	(erf) = vpow2.f32 v12;
	v12 =	vperm.xlane v24, v2;
	v21 =	vadd.f32 v21, v27  }
0x1d9: {  	[tilespmem:s24+$0xFFFFFFF0] =	vst v16;
	v20 =	vmul.f32 v20, v15;
	v27 =	vperm.xlane v14, v8  }
0x1da: {  	v44 =	vperm.xlane v14, v10;
	v29 =	vld [tilespmem:s16+$0xFFFFFF70];
	v12 =	vadd.f32 v24, v12;
	v24 =	vmul.f32 $2.000000030e-01, v21  }
0x1db: {  	[tilespmem:s24+$0x10] =	vst v20;
	v23 =	vmul.f32 v25, v23;
	v25 =	vmul.f32 v28, v27  }
0x1dc: {  	v30 =	vperm.xlane v13, v8;
	v36 =	vperm.xlane v17, v7;
	v31 =	vld [tilespmem:s16+$0x20];
	v21 =	vmax.f32 v21, v24  }
0x1dd: {  	v20 =	vperm.xlane v16, v4;
	v27 =	vpop (erf);
	[tilespmem:s15+$0x40] =	vst v25;
	v25 =	vmul.f32 $1.442695020e+00, v21  }
0x1de: {  	[tilespmem:s15+$0xFFFFFF90] =	vst v23;
	v23 =	vperm.xlane v12, v3;
	v21 =	vmul.f32 v27, v19  }
0x1df: {  	s7 =	simm.s32 $0x68B0;
	v24 =	vperm.xlane v17, v6;
	v20 =	vmul.f32 v29, v20;
	v28 =	vld [tilespmem:s8+$0xFFFFFFA0]  }
0x1e0: {  	v48 =	vperm.xlane v17, v8;
	v26 =	vperm.xlane v13, v7;
	v19 =	vld [tilespmem:s8+$0x50];
	v12 =	vadd.f32 v12, v23;
	[tilespmem:s7+$0x80] =	vst v21  }
0x1e1: {  	s22 =	simm.s32 $0x60D0;
	[tilespmem:s24+$0xFFFFFF70] =	vst v20;
	v20 =	vmul.f32 v31, v24;
	(erf) = vpow2.f32 v25;
	v25 =	vpop (erf);
	v27 =	vld [tilespmem:s17+$0x0]  }
0x1e2: {  	v33 =	vld [tilespmem:s22+$0x0];
	(erf) = vrcp.f32 v12;
	v12 =	vperm.xlane v25, v1  }
0x1e3: {  	s12 =	simm.s32 $0x3850;
	v32 =	vperm.xlane v16, v7;
	v24 =	vld [tilespmem:s16+$0xFFFFFF80];
	[tilespmem:s24+$0x20] =	vst v20;
	v20 =	vperm.xlane v14, v9  }
0x1e4: {  	v34 =	vperm.xlane v21, v4;
	v26 =	vmul.f32 v28, v26;
	v28 =	vld [tilespmem:s12+$0x80];
	v12 =	vadd.f32 v25, v12  }
0x1e5: {  	v23 =	vperm.xlane v16, v5;
	v31 =	vld [tilespmem:s16+$0x30];
	v19 =	vmul.f32 v19, v20  }
0x1e6: {  	[tilespmem:s15+$0xFFFFFFA0] =	vst v26;
	v26 =	vperm.xlane v12, v2;
	v27 =	vmul.f32 v27, v34  }
0x1e7: {  	v37 =	vld [tilespmem:s22+$0xFFFFFFF0];
	v29 =	vperm.xlane v16, v6;
	v20 =	vperm.xlane v16, v8  }
0x1e8: {  	v39 =	vld [tilespmem:s12+$0xFFFFFFF0];
	v23 =	vmul.f32 v24, v23;
	[tilespmem:s15+$0x50] =	vst v19;
	v19 =	vperm.xlane v16, v9;
	v62 =	vadd.f32 v12, v26  }
0x1e9: {  	v24 =	vld [tilespmem:s8+$0x60];
	v26 =	vperm.xlane v16, v10;
	[tilespmem:s7+$0x0] =	vst v27;
	v12 =	vperm.xlane v16, v11;
	v16 =	vadd.f32 v33, v28  }
0x1ea: {  	v18 =	vperm.xlane v13, v10;
	[tilespmem:s24+$0xFFFFFF80] =	vst v23;
	v31 =	vmul.f32 v31, v36;
	v63 =	vld [tilespmem:s17+$0x10];
	v27 =	vpop (erf)  }
0x1eb: {  	v47 =	vld [tilespmem:s16+$0xFFFFFF90];
	v28 =	vperm.xlane v62, v3;
	v45 =	vmul.f32 $2.000000030e-01, v16;
	v38 =	vpop (erf)  }
0x1ec: {  	[tilespmem:s24+$0x30] =	vst v31;
	v40 =	vperm.xlane v27, v1;
	v31 =	vmul.f32 v38, v22  }
0x1ed: {  	v46 =	vperm.xlane v21, v5;
	v22 =	vld [tilespmem:s16+$0x40];
	v28 =	vadd.f32 v62, v28;
	v16 =	vmax.f32 v16, v45  }
0x1ee: {  	v23 =	vmul.f32 v24, v44;
	v24 =	vadd.f32 v27, v40;
	v16 =	vmul.f32 $1.442695020e+00, v16;
	[tilespmem:s7+$0xFFFFFFF0] =	vst v31  }
0x1ef: {  	(erf) = vrcp.f32 v28;
	v33 =	vmul.f32 v63, v46;
	v28 =	vld [tilespmem:s17+$0xFFFFFF70]  }
0x1f0: {  	v49 =	vadd.f32 v37, v39;
	v35 =	vld [tilespmem:s8+$0xFFFFFFB0];
	v29 =	vmul.f32 v47, v29;
	[tilespmem:s15+$0x60] =	vst v23;
	v23 =	vperm.xlane v24, v2  }
0x1f1: {  	v50 =	vld [tilespmem:s8+$0x70];
	(erf) = vpow2.f32 v16;
	v16 =	vperm.xlane v31, v4;
	[tilespmem:s7+$0x10] =	vst v33  }
0x1f2: {  	v22 =	vmul.f32 v22, v48;
	v23 =	vadd.f32 v24, v23;
	v24 =	vmul.f32 $2.000000030e-01, v49;
	v33 =	vld [tilespmem:s17+$0x20]  }
0x1f3: {  	v15 =	vperm.xlane v13, v9;
	v14 =	vperm.xlane v14, v11;
	[tilespmem:s24+$0xFFFFFF90] =	vst v29  }
0x1f4: {  	[tilespmem:s24+$0x40] =	vst v22;
	v22 =	vmax.f32 v49, v24;
	v16 =	vmul.f32 v28, v16;
	v28 =	vperm.xlane v23, v3  }
0x1f5: {  	v29 =	vperm.xlane v21, v6;
	v52 =	vld [tilespmem:s16+$0xFFFFFFA0];
	v24 =	vmul.f32 $1.442695020e+00, v22  }
0x1f6: {  	s0 =	simm.s32 $0x3970;
	v30 =	vmul.f32 v35, v30;
	v51 =	vld [tilespmem:s16+$0x50];
	v22 =	vmul.f32 v50, v14;
	v14 =	vadd.f32 v23, v28  }
0x1f7: {  	v56 =	vld [tilespmem:s0+$0x80];
	[tilespmem:s7+$0xFFFFFF70] =	vst v16;
	(erf) = vpow2.f32 v24;
	v24 =	vmul.f32 v33, v29  }
0x1f8: {  	v57 =	vperm.xlane v21, v7;
	[tilespmem:s15+$0xFFFFFFB0] =	vst v30;
	v28 =	vld [tilespmem:s17+$0xFFFFFF80];
	v16 =	vpop (erf);
	(erf) = vrcp.f32 v14  }
0x1f9: {  	v23 =	vperm.xlane v17, v9;
	v14 =	vld [tilespmem:s8+$0xFFFFFFC0];
	[tilespmem:s7+$0x20] =	vst v24;
	v16 =	vmul.f32 v16, v25  }
0x1fa: {  	s4 =	simm.s32 $0x60F0;
	s22 =	simm.s32 $0x69D0;
	v30 =	vperm.xlane v31, v9;
	v32 =	vmul.f32 v52, v32;
	v53 =	vld [tilespmem:s17+$0x30]  }
0x1fb: {  	v42 =	vld [tilespmem:s4+$0xFFFFFFF0];
	v25 =	vperm.xlane v31, v5;
	v23 =	vmul.f32 v51, v23;
	v33 =	vpop (erf);
	[tilespmem:s22+$0x80] =	vst v16  }
0x1fc: {  	v29 =	vperm.xlane v31, v7;
	v54 =	vperm.xlane v33, v1;
	v55 =	vld [tilespmem:s20+$0x0]  }
0x1fd: {  	v44 =	vld [tilespmem:s0+$0xFFFFFFF0];
	v24 =	vperm.xlane v31, v6;
	[tilespmem:s24+$0x50] =	vst v23;
	v25 =	vmul.f32 v28, v25  }
0x1fe: {  	v23 =	vperm.xlane v31, v8;
	v28 =	vld [tilespmem:s16+$0x60];
	v34 =	vadd.f32 v33, v54;
	v58 =	vmul.f32 v14, v15  }
0x1ff: {  	v14 =	vperm.xlane v16, v4;
	[tilespmem:s7+$0xFFFFFF80] =	vst v25;
	v25 =	vld [tilespmem:s4+$0x0];
	v35 =	vmul.f32 v53, v57  }
0x200: {  	v15 =	vperm.xlane v31, v10;
	v41 =	vperm.xlane v34, v2;
	v38 =	vpop (erf)  }
0x201: {  	v59 =	vld [tilespmem:s17+$0xFFFFFF90];
	[tilespmem:s7+$0x30] =	vst v35;
	v36 =	vmul.f32 v55, v14;
	v14 =	vperm.xlane v31, v11;
	v43 =	vpop (erf)  }
0x202: {  	v34 =	vadd.f32 v34, v41;
	v31 =	vperm.xlane v17, v10;
	v41 =	vmul.f32 v43, v27;
	v27 =	vld [tilespmem:s17+$0x40]  }
0x203: {  	v13 =	vperm.xlane v13, v11;
	v42 =	vadd.f32 v42, v44;
	v60 =	vperm.xlane v38, v1;
	[tilespmem:s22+$0x0] =	vst v36  }
0x204: {  	[tilespmem:s24+$0xFFFFFFA0] =	vst v32;
	v28 =	vmul.f32 v28, v31;
	v25 =	vadd.f32 v25, v56;
	v31 =	vperm.xlane v34, v3;
	v61 =	vld [tilespmem:s20+$0x10]  }
0x205: {  	v49 =	vperm.xlane v21, v8;
	v62 =	vld [tilespmem:s16+$0xFFFFFFB0];
	v51 =	vperm.xlane v16, v5;
	v35 =	vadd.f32 v38, v60  }
0x206: {  	v24 =	vmul.f32 v59, v24;
	[tilespmem:s24+$0x60] =	vst v28;
	v48 =	vmul.f32 $2.000000030e-01, v25;
	v31 =	vadd.f32 v34, v31  }
0x207: {  	[tilespmem:s22+$0xFFFFFFF0] =	vst v41;
	v45 =	vperm.xlane v35, v2;
	v50 =	vld [tilespmem:s16+$0x70];
	v27 =	vmul.f32 v27, v49  }
0x208: {  	v52 =	vmul.f32 $2.000000030e-01, v42;
	[tilespmem:s7+$0xFFFFFF90] =	vst v24;
	v25 =	vmax.f32 v25, v48;
	(erf) = vrcp.f32 v31  }
0x209: {  	v28 =	vld [tilespmem:s20+$0xFFFFFF70];
	v24 =	vmul.f32 $1.442695020e+00, v25;
	v25 =	vmul.f32 v61, v51;
	[tilespmem:s7+$0x40] =	vst v27;
	v27 =	vadd.f32 v35, v45  }
0x20a: {  	v20 =	vmul.f32 v62, v20;
	v17 =	vperm.xlane v17, v11;
	v31 =	vld [tilespmem:s17+$0xFFFFFFA0]  }
0x20b: {  	(erf) = vpow2.f32 v24;
	v24 =	vld [tilespmem:s17+$0x50];
	[tilespmem:s22+$0x10] =	vst v25;
	v53 =	vperm.xlane v27, v3  }
0x20c: {  	v32 =	vmax.f32 v42, v52;
	v63 =	vperm.xlane v41, v4;
	v25 =	vmul.f32 v50, v17;
	v17 =	vld [tilespmem:s20+$0x20]  }
0x20d: {  	s11 =	simm.s32 $0x3A90;
	v32 =	vmul.f32 $1.442695020e+00, v32;
	[tilespmem:s24+$0xFFFFFFB0] =	vst v20;
	v55 =	vperm.xlane v21, v9;
	v20 =	vadd.f32 v27, v53  }
0x20e: {  	v62 =	vld [tilespmem:s11+$0x80];
	[tilespmem:s15+$0xFFFFFFC0] =	vst v58;
	v49 =	vperm.xlane v16, v8;
	v28 =	vmul.f32 v28, v63  }
0x20f: {  	v56 =	vld [tilespmem:s8+$0xFFFFFFD0];
	v27 =	vmul.f32 v31, v29;
	v29 =	vperm.xlane v16, v6  }
0x210: {  	v48 =	vld [tilespmem:s11+$0xFFFFFFF0];
	(erf) = vpow2.f32 v32;
	[tilespmem:s22+$0xFFFFFF70] =	vst v28;
	v24 =	vmul.f32 v24, v55  }
0x211: {  	v54 =	vld [tilespmem:s20+$0xFFFFFF80];
	(erf) = vrcp.f32 v20;
	[tilespmem:s7+$0xFFFFFFA0] =	vst v27;
	v20 =	vpop (erf);
	v27 =	vmul.f32 v17, v29  }
0x212: {  	v35 =	vperm.xlane v41, v8;
	v31 =	vld [tilespmem:s16+$0xFFFFFFC0];
	[tilespmem:s7+$0x50] =	vst v24;
	v17 =	vmul.f32 v20, v33  }
0x213: {  	s4 =	simm.s32 $0x6AF0;
	v61 =	vperm.xlane v21, v10;
	v21 =	vperm.xlane v21, v11;
	[tilespmem:s22+$0x20] =	vst v27;
	v27 =	vld [tilespmem:s17+$0x60]  }
0x214: {  	v32 =	vmul.f32 v56, v18;
	v28 =	vperm.xlane v41, v5;
	v33 =	vpop (erf);
	[tilespmem:s4+$0x80] =	vst v17;
	v58 =	vld [tilespmem:s20+$0x30]  }
0x215: {  	v18 =	vperm.xlane v16, v7;
	v59 =	vperm.xlane v33, v1;
	v60 =	vld [tilespmem:s12+$0x0]  }
0x216: {  	s28 =	simm.s32 $0x6110;
	v57 =	vld [tilespmem:s17+$0xFFFFFFB0];
	v29 =	vperm.xlane v41, v6;
	v28 =	vmul.f32 v54, v28  }
0x217: {  	v63 =	vld [tilespmem:s28+$0x0];
	v24 =	vperm.xlane v41, v7;
	v20 =	vperm.xlane v41, v9;
	v37 =	vadd.f32 v33, v59  }
0x218: {  	v53 =	vld [tilespmem:s28+$0xFFFFFFF0];
	[tilespmem:s22+$0xFFFFFF80] =	vst v28;
	v52 =	vperm.xlane v17, v4;
	v40 =	vmul.f32 v27, v61  }
0x219: {  	[tilespmem:s15+$0x70] =	vst v22;
	v28 =	vld [tilespmem:s20+$0xFFFFFF90];
	v46 =	vperm.xlane v37, v2;
	v36 =	vmul.f32 v58, v18  }
0x21a: {  	v31 =	vmul.f32 v31, v19;
	v27 =	vpop (erf);
	v39 =	vmul.f32 v60, v52;
	[tilespmem:s7+$0x60] =	vst v40  }
0x21b: {  	v19 =	vperm.xlane v41, v10;
	v23 =	vmul.f32 v57, v23;
	v47 =	vpop (erf);
	v37 =	vadd.f32 v37, v46;
	[tilespmem:s22+$0x30] =	vst v36  }
0x21c: {  	v57 =	vadd.f32 v63, v62;
	v54 =	vperm.xlane v27, v1;
	v40 =	vmul.f32 v47, v38;
	[tilespmem:s4+$0x0] =	vst v39;
	v56 =	vld [tilespmem:s20+$0x40]  }
0x21d: {  	v22 =	vadd.f32 v53, v48;
	v50 =	vperm.xlane v17, v5;
	[tilespmem:s24+$0xFFFFFFC0] =	vst v31;
	v58 =	vperm.xlane v37, v3;
	v60 =	vld [tilespmem:s12+$0x10]  }
0x21e: {  	v63 =	vmul.f32 $2.000000030e-01, v57;
	v28 =	vmul.f32 v28, v29;
	v55 =	vld [tilespmem:s17+$0x70];
	v29 =	vadd.f32 v27, v54;
	[tilespmem:s4+$0xFFFFFFF0] =	vst v40  }
0x21f: {  	[tilespmem:s7+$0xFFFFFFB0] =	vst v23;
	v18 =	vperm.xlane v41, v11;
	v52 =	vmul.f32 $2.000000030e-01, v22;
	v62 =	vld [tilespmem:s12+$0xFFFFFF70];
	v37 =	vadd.f32 v37, v58  }
0x220: {  	v31 =	vld [tilespmem:s17+$0xFFFFFFC0];
	v59 =	vperm.xlane v40, v4;
	[tilespmem:s22+$0xFFFFFF90] =	vst v28;
	v28 =	vmax.f32 v57, v63;
	v61 =	vperm.xlane v29, v2  }
0x221: {  	v22 =	vmax.f32 v22, v52;
	(erf) = vrcp.f32 v37;
	v34 =	vmul.f32 v56, v49  }
0x222: {  	[tilespmem:s24+$0x70] =	vst v25;
	v51 =	vld [tilespmem:s20+$0xFFFFFFA0];
	v25 =	vmul.f32 $1.442695020e+00, v28;
	v28 =	vadd.f32 v29, v61;
	v29 =	vmul.f32 v60, v50  }
0x223: {  	v22 =	vmul.f32 $1.442695020e+00, v22;
	v21 =	vmul.f32 v55, v21;
	[tilespmem:s22+$0x40] =	vst v34  }
0x224: {  	(erf) = vpow2.f32 v25;
	v53 =	vmul.f32 v62, v59;
	[tilespmem:s4+$0x10] =	vst v29;
	v55 =	vld [tilespmem:s20+$0x50]  }
0x225: {  	v63 =	vmul.f32 v31, v30;
	v54 =	vperm.xlane v28, v3;
	v57 =	vld [tilespmem:s12+$0x20]  }
0x226: {  	v56 =	vperm.xlane v40, v5;
	v25 =	vperm.xlane v40, v7;
	v59 =	vld [tilespmem:s16+$0xFFFFFFD0];
	[tilespmem:s4+$0xFFFFFF70] =	vst v53  }
0x227: {  	v24 =	vmul.f32 v51, v24;
	v23 =	vadd.f32 v28, v54;
	v28 =	vperm.xlane v16, v9;
	v58 =	vld [tilespmem:s12+$0xFFFFFF80]  }
0x228: {  	[tilespmem:s15+$0xFFFFFFD0] =	vst v32;
	(erf) = vpow2.f32 v22;
	v22 =	vperm.xlane v17, v6  }
0x229: {  	[tilespmem:s22+$0xFFFFFFA0] =	vst v24;
	(erf) = vrcp.f32 v23;
	v60 =	vmul.f32 v55, v28  }
0x22a: {  	[tilespmem:s7+$0x70] =	vst v21;
	v29 =	vperm.xlane v40, v6;
	v62 =	vld [tilespmem:s20+$0xFFFFFFB0];
	v21 =	vpop (erf);
	v61 =	vmul.f32 v57, v22  }
0x22b: {  	v24 =	vperm.xlane v40, v8;
	v28 =	vld [tilespmem:s8+$0xFFFFFFE0];
	v23 =	vmul.f32 v21, v33;
	[tilespmem:s22+$0x50] =	vst v60  }
0x22c: {  	v37 =	vmul.f32 v59, v26;
	s8 =	simm.s32 $0x6C10;
	v36 =	vmul.f32 v58, v56;
	[tilespmem:s4+$0x20] =	vst v61;
	v32 =	vld [tilespmem:s20+$0x60]  }
0x22d: {  	v26 =	vperm.xlane v40, v11;
	v22 =	vperm.xlane v40, v9;
	v30 =	vpop (erf);
	[tilespmem:s8+$0x80] =	vst v23;
	v33 =	vld [tilespmem:s12+$0x30]  }
0x22e: {  	v21 =	vperm.xlane v40, v10;
	v31 =	vperm.xlane v30, v1;
	[tilespmem:s4+$0xFFFFFF80] =	vst v36;
	v38 =	vld [tilespmem:s0+$0x0]  }
0x22f: {  	s29 =	simm.s32 $0xC;
	s9 =	simm.s32 $0x3BB0;
	[tilespmem:s7+$0xFFFFFFC0] =	vst v63;
	v35 =	vmul.f32 v62, v35;
	v36 =	vperm.xlane v16, v10;
	v34 =	vld [tilespmem:s12+$0xFFFFFF90]  }
.LBB2_7:
0x230: {  	v39 =	vld [tilespmem:s9+$0x80];
	v31 =	vadd.f32 v30, v31;
	s28 =	sadd.s32 $0x20, s28;
	v40 =	vperm.xlane v17, v7;
	[tilespmem:s24+$0xFFFFFFD0] =	vst v37;
	v28 =	vmul.f32 v28, v13  }
0x231: {  	s29 =	sadd.s32 $0x2, s29;
	v42 =	vperm.xlane v23, v4;
	v13 =	vmov v12;
	v37 =	vld [tilespmem:s28+$0x0];
	v41 =	vpop (erf);
	[tilespmem:s22+$0xFFFFFFB0] =	vst v35;
	v32 =	vmul.f32 v32, v36  }
0x232: {  	v12 =	vmov v14;
	p0 =	slt.u32 s29, $0x4E;
	v35 =	vld [tilespmem:s28+$0xFFFFFFF0];
	v36 =	vperm.xlane v31, v2;
	v43 =	vpop (erf);
	v33 =	vmul.f32 v33, v40;
	[tilespmem:s15+$0xFFFFFFE0] =	vst v28;
	s15 =	smov.u32 s24;
	s24 =	smov.u32 s7  }
0x233: {  	v14 =	vmovc v18;
	v18 =	vmov v26;
	v40 =	vperm.xlane v41, v1;
	s7 =	smov.u32 s22;
	v28 =	vld [tilespmem:s9+$0xFFFFFFF0];
	v38 =	vmul.f32 v38, v42;
	[tilespmem:s22+$0x60] =	vst v32;
	s22 =	smov.u32 s4;
	s4 =	smov.u32 s8  }
0x234: {  	v26 =	vadd.f32 v31, v36;
	v36 =	vmul.f32 v43, v27;
	v29 =	vmul.f32 v34, v29;
	[tilespmem:s22+$0x30] =	vst v33;
	v31 =	vld [tilespmem:s20+$0x70]  }
0x235: {  	v32 =	vadd.f32 v41, v40;
	v27 =	vmov v41;
	[tilespmem:s8+$0x0] =	vst v38;
	v33 =	vld [tilespmem:s12+$0x40]  }
0x236: {  	v34 =	vadd.f32 v37, v39;
	v37 =	vperm.xlane v26, v3;
	[tilespmem:s8+$0xFFFFFFF0] =	vst v36;
	v38 =	vperm.xlane v36, v4;
	v39 =	vld [tilespmem:s0+$0x10]  }
0x237: {  	v40 =	vperm.xlane v32, v2;
	v41 =	vld [tilespmem:s0+$0xFFFFFF70];
	[tilespmem:s22+$0xFFFFFF90] =	vst v29;
	v29 =	vperm.xlane v16, v11;
	v16 =	vmovc v17;
	v17 =	vmov v23  }
0x238: {  	v23 =	vmul.f32 $2.000000030e-01, v34;
	v26 =	vadd.f32 v26, v37;
	v37 =	vld [tilespmem:s12+$0xFFFFFFA0];
	v42 =	vperm.xlane v16, v8  }
0x239: {  	v35 =	vadd.f32 v35, v28;
	v28 =	vperm.xlane v17, v5;
	v43 =	vld [tilespmem:s20+$0xFFFFFFC0];
	v29 =	vmul.f32 v31, v29  }
0x23a: {  	v23 =	vmax.f32 v34, v23;
	(erf) = vrcp.f32 v26;
	v26 =	vmul.f32 v33, v42;
	v31 =	vld [tilespmem:s17+$0xFFFFFFD0]  }
0x23b: {  	v32 =	vadd.f32 v32, v40;
	v23 =	vmul.f32 $1.442695020e+00, v23;
	v33 =	vmul.f32 v39, v28;
	[tilespmem:s7+$0x70] =	vst v29;
	v28 =	vld [tilespmem:s16+$0xFFFFFFE0];
	s16 =	smov.u32 s17;
	s17 =	smov.u32 s20;
	s20 =	smov.u32 s12  }
0x23c: {  	v29 =	vmul.f32 $2.000000030e-01, v35;
	s12 =	smov.u32 s0;
	s0 =	smov.u32 s11;
	s11 =	smov.u32 s9;
	v34 =	vmul.f32 v41, v38;
	[tilespmem:s22+$0x40] =	vst v26  }
0x23d: {  	(erf) = vpow2.f32 v23;
	v23 =	vperm.xlane v32, v3;
	[tilespmem:s8+$0x10] =	vst v33;
	v26 =	vld [tilespmem:s20+$0x50]  }
0x23e: {  	v33 =	vmax.f32 v35, v29;
	v29 =	vperm.xlane v36, v6;
	[tilespmem:s8+$0xFFFFFF70] =	vst v34;
	v34 =	vperm.xlane v36, v5;
	v35 =	vld [tilespmem:s12+$0x20]  }
0x23f: {  	v38 =	vperm.xlane v36, v7;
	v33 =	vmul.f32 $1.442695020e+00, v33;
	v23 =	vadd.f32 v32, v23;
	v32 =	vld [tilespmem:s12+$0xFFFFFF80]  }
0x240: {  	v39 =	vperm.xlane v16, v9;
	v37 =	vmul.f32 v37, v25  }
0x241: {  	v25 =	vmov v38;
	(erf) = vpow2.f32 v33;
	v33 =	vperm.xlane v17, v6  }
0x242: {  	(erf) = vrcp.f32 v23;
	[tilespmem:s22+$0xFFFFFFA0] =	vst v37;
	v26 =	vmul.f32 v26, v39  }
0x243: {  	v39 =	vperm.xlane v36, v8;
	v23 =	vpop (erf);
	v33 =	vmul.f32 v35, v33;
	v35 =	vld [tilespmem:s20+$0xFFFFFFB0]  }
.Ltmp2:
0x244: {  	v23 =	vmul.f32 v23, v30;
	v34 =	vmul.f32 v32, v34;
	[tilespmem:s22+$0x50] =	vst v26;
	(pc) =	sbr.rel @p0 .LBB2_7-.Ltmp2, $4  }
0x245: {  	s8 =	sadd.s32 $0x120, s8;
	v40 =	vmul.f32 v43, v20;
	v20 =	vmov v22;
	v22 =	vperm.xlane v36, v9;
	[tilespmem:s4+$0x20] =	vst v33;
	v32 =	vld [tilespmem:s20+$0x60]  }
0x246: {  	v41 =	vperm.xlane v36, v10;
	v37 =	vmul.f32 v31, v15;
	v15 =	vmov v19;
	v30 =	vpop (erf);
	[tilespmem:s8+$0x80] =	vst v23;
	v33 =	vld [tilespmem:s12+$0x30]  }
0x247: {  	v19 =	vmov v21;
	v26 =	vperm.xlane v36, v11;
	v31 =	vperm.xlane v30, v1;
	v38 =	vld [tilespmem:s0+$0x0];
	[tilespmem:s4+$0xFFFFFF80] =	vst v34  }
0x248: {  	s9 =	sadd.s32 $0x120, s9;
	v21 =	vmovc v41;
	v36 =	vperm.xlane v16, v10;
	v34 =	vld [tilespmem:s12+$0xFFFFFF90];
	v35 =	vmul.f32 v35, v24;
	[tilespmem:s7+$0xFFFFFFC0] =	vst v40;
	v24 =	vmov v39  }
0x249: {  	_ = 	snop  }
0x24a: {  	v31 =	vadd.f32 v30, v31;
	v39 =	vpop (erf)  }
0x24b: {  	v40 =	vperm.xlane v39, v1  }
0x24c: {  	v41 =	vperm.xlane v31, v2  }
0x24d: {  	v40 =	vadd.f32 v39, v40  }
0x24e: {  	v31 =	vadd.f32 v31, v41  }
0x24f: {  	v48 =	vperm.xlane v40, v2  }
0x250: {  	v42 =	vperm.xlane v31, v3  }
0x251: {  	v40 =	vadd.f32 v40, v48  }
0x252: {  	v31 =	vadd.f32 v31, v42  }
0x253: {  	v41 =	vperm.xlane v40, v3  }
0x254: {  	(erf) = vrcp.f32 v31  }
0x255: {  	v31 =	vadd.f32 v40, v41;
	_ =	sdelay $0x1  }
0x256: {  	(erf) = vrcp.f32 v31;
	_ =	sdelay $0x4  }
0x257: {  	v49 =	vpop (erf)  }
0x258: {  	v31 =	vpop (erf)  }
0x259: {  	v31 =	vmul.f32 v31, v30  }
0x25a: {  	s28 =	sadd.s32 $0x120, s8  }
0x25b: {  	v27 =	vmul.f32 v49, v27;
	[tilespmem:s28+$0x80] =	vst v31;
	v30 =	vpop (erf)  }
0x25c: {  	v50 =	vld [tilespmem:s11+$0x0];
	v30 =	vmul.f32 v30, v39  }
0x25d: {  	v51 =	vperm.xlane v23, v4;
	[tilespmem:s8+$0xFFFFFFF0] =	vst v27  }
0x25e: {  	v52 =	vld [tilespmem:s0+$0xFFFFFF70];
	[tilespmem:s28+$0xFFFFFFF0] =	vst v30  }
0x25f: {  	v38 =	vmul.f32 v38, v51;
	v53 =	vperm.xlane v31, v4;
	v54 =	vld [tilespmem:s11+$0xFFFFFF70];
	_ =	sdelay $0x1  }
0x260: {  	[tilespmem:s8+$0x0] =	vst v38;
	v55 =	vperm.xlane v27, v4;
	v39 =	vmul.f32 v50, v53  }
0x261: {  	v56 =	vld [tilespmem:s0+$0x10];
	v43 =	vperm.xlane v30, v4  }
0x262: {  	v38 =	vmul.f32 v52, v55;
	[tilespmem:s28+$0x0] =	vst v39  }
0x263: {  	v39 =	vld [tilespmem:s11+$0x10];
	v57 =	vmul.f32 v54, v43  }
0x264: {  	v58 =	vperm.xlane v23, v5;
	[tilespmem:s8+$0xFFFFFF70] =	vst v38  }
0x265: {  	v38 =	vld [tilespmem:s0+$0xFFFFFF80];
	[tilespmem:s28+$0xFFFFFF70] =	vst v57  }
0x266: {  	v40 =	vmul.f32 v56, v58;
	v59 =	vperm.xlane v31, v5;
	v60 =	vld [tilespmem:s11+$0xFFFFFF80];
	_ =	sdelay $0x1  }
0x267: {  	v61 =	vperm.xlane v27, v5;
	[tilespmem:s8+$0x10] =	vst v40;
	v39 =	vmul.f32 v39, v59  }
0x268: {  	v62 =	vld [tilespmem:s0+$0x20];
	v63 =	vperm.xlane v30, v5  }
0x269: {  	v38 =	vmul.f32 v38, v61;
	[tilespmem:s28+$0x10] =	vst v39  }
0x26a: {  	v39 =	vld [tilespmem:s11+$0x20];
	v45 =	vmul.f32 v60, v63  }
0x26b: {  	v46 =	vperm.xlane v23, v6;
	[tilespmem:s8+$0xFFFFFF80] =	vst v38  }
0x26c: {  	v38 =	vld [tilespmem:s0+$0xFFFFFF90];
	[tilespmem:s28+$0xFFFFFF80] =	vst v45  }
0x26d: {  	v47 =	vmul.f32 v62, v46;
	v48 =	vperm.xlane v31, v6;
	v49 =	vld [tilespmem:s11+$0xFFFFFF90];
	_ =	sdelay $0x1  }
0x26e: {  	[tilespmem:s8+$0x20] =	vst v47;
	v50 =	vperm.xlane v27, v6;
	v39 =	vmul.f32 v39, v48  }
0x26f: {  	[tilespmem:s24+$0xFFFFFFD0] =	vst v37;
	v29 =	vmul.f32 v34, v29;
	v51 =	vld [tilespmem:s0+$0x30];
	v52 =	vperm.xlane v30, v6  }
0x270: {  	v53 =	vperm.xlane v17, v7;
	v38 =	vmul.f32 v38, v50;
	[tilespmem:s28+$0x20] =	vst v39  }
0x271: {  	[tilespmem:s4+$0xFFFFFF90] =	vst v29;
	v29 =	vld [tilespmem:s11+$0x30];
	v37 =	vmul.f32 v49, v52  }
0x272: {  	v55 =	vperm.xlane v23, v7;
	v33 =	vmul.f32 v33, v53;
	v54 =	vld [tilespmem:s12+$0xFFFFFFA0];
	[tilespmem:s8+$0xFFFFFF90] =	vst v38  }
0x273: {  	v38 =	vld [tilespmem:s0+$0xFFFFFFA0];
	[tilespmem:s28+$0xFFFFFF90] =	vst v37  }
0x274: {  	v56 =	vmul.f32 v51, v55;
	[tilespmem:s4+$0x30] =	vst v33;
	v57 =	vperm.xlane v31, v7;
	v37 =	vld [tilespmem:s11+$0xFFFFFFA0]  }
0x275: {  	[tilespmem:s22+$0xFFFFFFB0] =	vst v35;
	v32 =	vmul.f32 v32, v36;
	v58 =	vld [tilespmem:s12+$0x40]  }
0x276: {  	[tilespmem:s8+$0x30] =	vst v56;
	v59 =	vperm.xlane v27, v7;
	v29 =	vmul.f32 v29, v57  }
0x277: {  	[tilespmem:s22+$0x60] =	vst v32;
	v61 =	vperm.xlane v30, v7;
	v25 =	vmul.f32 v54, v25;
	v60 =	vld [tilespmem:s0+$0x40]  }
0x278: {  	v62 =	vld [tilespmem:s20+$0x70];
	v36 =	vmul.f32 v38, v59;
	v63 =	vperm.xlane v17, v8;
	[tilespmem:s28+$0x30] =	vst v29  }
0x279: {  	[tilespmem:s4+$0xFFFFFFA0] =	vst v25;
	v25 =	vld [tilespmem:s11+$0x40];
	v29 =	vmul.f32 v37, v61  }
0x27a: {  	v42 =	vperm.xlane v23, v8;
	v41 =	vld [tilespmem:s12+$0xFFFFFFB0];
	[tilespmem:s8+$0xFFFFFFA0] =	vst v36;
	v40 =	vmul.f32 v58, v63  }
0x27b: {  	v13 =	vmul.f32 v28, v13;
	v16 =	vperm.xlane v16, v11;
	v28 =	vld [tilespmem:s0+$0xFFFFFFB0];
	[tilespmem:s28+$0xFFFFFFA0] =	vst v29  }
0x27c: {  	v43 =	vperm.xlane v31, v8;
	[tilespmem:s4+$0x40] =	vst v40;
	v29 =	vmul.f32 v60, v42;
	v44 =	vld [tilespmem:s11+$0xFFFFFFB0]  }
0x27d: {  	[tilespmem:s15+$0xFFFFFFE0] =	vst v13;
	v13 =	vmul.f32 v62, v16;
	v16 =	vld [tilespmem:s12+$0x50]  }
0x27e: {  	v46 =	vperm.xlane v27, v8;
	v45 =	vld [tilespmem:s20+$0xFFFFFFC0];
	[tilespmem:s8+$0x40] =	vst v29;
	v25 =	vmul.f32 v25, v43  }
0x27f: {  	[tilespmem:s22+$0x70] =	vst v13;
	v13 =	vmul.f32 v41, v24;
	v29 =	vperm.xlane v30, v8;
	v24 =	vld [tilespmem:s0+$0x50]  }
0x280: {  	v47 =	vld [tilespmem:s17+$0xFFFFFFD0];
	v48 =	vperm.xlane v17, v9;
	v28 =	vmul.f32 v28, v46;
	[tilespmem:s28+$0x40] =	vst v25  }
0x281: {  	[tilespmem:s4+$0xFFFFFFB0] =	vst v13;
	v13 =	vld [tilespmem:s11+$0x50];
	v25 =	vmul.f32 v44, v29  }
0x282: {  	v49 =	vperm.xlane v23, v9;
	[tilespmem:s8+$0xFFFFFFB0] =	vst v28;
	v16 =	vmul.f32 v16, v48;
	v29 =	vld [tilespmem:s12+$0xFFFFFFC0]  }
0x283: {  	v20 =	vmul.f32 v45, v20;
	v28 =	vld [tilespmem:s0+$0xFFFFFFC0];
	[tilespmem:s28+$0xFFFFFFB0] =	vst v25  }
0x284: {  	[tilespmem:s4+$0x50] =	vst v16;
	v16 =	vmul.f32 v24, v49;
	v24 =	vperm.xlane v31, v9;
	v25 =	vld [tilespmem:s11+$0xFFFFFFC0]  }
0x285: {  	v15 =	vmul.f32 v47, v15;
	[tilespmem:s22+$0xFFFFFFC0] =	vst v20;
	v50 =	vld [tilespmem:s12+$0x60]  }
0x286: {  	v51 =	vperm.xlane v27, v9;
	v20 =	vld [tilespmem:s16+$0xFFFFFFE0];
	[tilespmem:s8+$0x50] =	vst v16;
	v13 =	vmul.f32 v13, v24  }
0x287: {  	[tilespmem:s7+$0xFFFFFFD0] =	vst v15;
	v15 =	vperm.xlane v30, v9;
	v16 =	vld [tilespmem:s0+$0x60];
	v22 =	vmul.f32 v29, v22  }
0x288: {  	v24 =	vperm.xlane v17, v10;
	v29 =	vld [tilespmem:s20+$0xFFFFFFD0];
	[tilespmem:s28+$0x50] =	vst v13;
	v13 =	vmul.f32 v28, v51  }
0x289: {  	[tilespmem:s4+$0xFFFFFFC0] =	vst v22;
	v22 =	vld [tilespmem:s11+$0x60];
	v15 =	vmul.f32 v25, v15  }
0x28a: {  	v24 =	vmul.f32 v50, v24;
	v25 =	vperm.xlane v23, v10;
	v28 =	vld [tilespmem:s12+$0xFFFFFFD0];
	[tilespmem:s8+$0xFFFFFFC0] =	vst v13  }
0x28b: {  	v12 =	vmul.f32 v20, v12;
	v13 =	vld [tilespmem:s0+$0xFFFFFFD0];
	[tilespmem:s28+$0xFFFFFFC0] =	vst v15  }
0x28c: {  	[tilespmem:s4+$0x60] =	vst v24;
	v15 =	vmul.f32 v16, v25;
	v16 =	vperm.xlane v31, v10;
	v20 =	vld [tilespmem:s11+$0xFFFFFFD0]  }
0x28d: {  	[tilespmem:s24+$0xFFFFFFE0] =	vst v12;
	v12 =	vld [tilespmem:s12+$0x70];
	v19 =	vmul.f32 v29, v19  }
0x28e: {  	v24 =	vperm.xlane v27, v10;
	v25 =	vld [tilespmem:s17+$0xFFFFFFE0];
	[tilespmem:s8+$0x60] =	vst v15;
	v15 =	vmul.f32 v22, v16  }
0x28f: {  	v16 =	vperm.xlane v30, v10;
	[tilespmem:s22+$0xFFFFFFD0] =	vst v19;
	v19 =	vld [tilespmem:s0+$0x70];
	v21 =	vmul.f32 v28, v21  }
0x290: {  	v17 =	vperm.xlane v17, v11;
	v22 =	vld [tilespmem:s20+$0xFFFFFFE0];
	[tilespmem:s28+$0x60] =	vst v15;
	v13 =	vmul.f32 v13, v24  }
0x291: {  	[tilespmem:s4+$0xFFFFFFD0] =	vst v21;
	v15 =	vld [tilespmem:s11+$0x70];
	v16 =	vmul.f32 v20, v16  }
0x292: {  	v12 =	vmul.f32 v12, v17;
	v17 =	vperm.xlane v23, v11;
	v20 =	vld [tilespmem:s12+$0xFFFFFFE0];
	[tilespmem:s8+$0xFFFFFFD0] =	vst v13  }
0x293: {  	v13 =	vmul.f32 v25, v14;
	v14 =	vld [tilespmem:s0+$0xFFFFFFE0];
	[tilespmem:s28+$0xFFFFFFD0] =	vst v16  }
0x294: {  	[tilespmem:s4+$0x70] =	vst v12;
	v12 =	vmul.f32 v19, v17;
	v16 =	vperm.xlane v31, v11;
	v17 =	vld [tilespmem:s11+$0xFFFFFFE0]  }
0x295: {  	[tilespmem:s7+$0xFFFFFFE0] =	vst v13;
	v13 =	vmul.f32 v22, v18  }
0x296: {  	v18 =	vperm.xlane v27, v11;
	[tilespmem:s8+$0x70] =	vst v12;
	v12 =	vmul.f32 v15, v16  }
0x297: {  	v15 =	vperm.xlane v30, v11;
	[tilespmem:s22+$0xFFFFFFE0] =	vst v13;
	v13 =	vmul.f32 v20, v26  }
0x298: {  	[tilespmem:s28+$0x70] =	vst v12;
	v12 =	vmul.f32 v14, v18  }
0x299: {  	[tilespmem:s4+$0xFFFFFFE0] =	vst v13;
	v13 =	vmul.f32 v17, v15  }
0x29a: {  	[tilespmem:s8+$0xFFFFFFE0] =	vst v12  }
0x29b: {  	s24 =	simm.s32 $0x6590;
	[tilespmem:s28+$0xFFFFFFE0] =	vst v13  }
0x29c: {  	[spmem:s2] =	stream.indirect.scatter.add.f32 [tilespmem:s21], [sflag:$0x3], $0x90, s24, s23, $0xb8;
	[tilespmem:$0x1F660] =	vst v63  }
0x29d: {  	_ =	swait.ge [sflag:s31], $0xA0  }
0x29e: {  	[sflag:s31] =	ssyncset.done $0x0  }
0x29f: {  	s29 =	simm.s32 $0x3340;
	[sflag:s31] =	ssyncadd.s32 $0xFFFFFF60  }
0x2a0: {  	[tilespmem:s29], [sflag:$0x2] =	stream.indirect.gather [hbm4b:s5+s23], $0x90, s30, s23, $0xb8;
	[tilespmem:$0x1F660] =	vst v63  }
0x2a1: {  	s7 =	simm.s32 $0x6040;
	s4 =	simm.s32 $0x32F0  }
0x2a2: {  	[tilespmem:s7], [sflag:$0x2] =	stream.indirect.gather [hbm4b:s6+s23], $0x10, s4, s23, $0xb8;
	[tilespmem:$0x1F660] =	vst v63  }
0x2a3: {  	_ =	swait.ge [sflag:s26], $0x2D00  }
0x2a4: {  	[sflag:s26] =	ssyncset.done $0x0  }
0x2a5: {  	[sflag:s26] =	ssyncadd.s32 $0xFFFFD300  }
0x2a6: {  	_ =	swait.ge [sflag:s26], $0x500  }
0x2a7: {  	[sflag:s26] =	ssyncset.done $0x0  }
0x2a8: {  	[sflag:s26] =	ssyncadd.s32 $0xFFFFFB00  }
0x2a9: {  	v12 =	vld [tilespmem:$0x50]  }
0x2aa: {  	v13 =	vld [tilespmem:$0x60]  }
0x2ab: {  	v14 =	vld [tilespmem:$0x70]  }
0x2ac: {  	v15 =	vld [tilespmem:$0x80]  }
0x2ad: {  	v16 =	vld [tilespmem:$0x90]  }
0x2ae: {  	[tilespmem:$0x6540] =	vst v12  }
0x2af: {  	[tilespmem:$0x6550] =	vst v13  }
0x2b0: {  	s8 =	sadd.s32 s14, s19;
	[tilespmem:$0x6560] =	vst v14  }
0x2b1: {  	s0 =	sshrl.u32 s8, $0x3;
	[tilespmem:$0x6570] =	vst v15  }
0x2b2: {  	s0 =	sadd.s32 s1, s0;
	[tilespmem:$0x6580] =	vst v16  }
0x2b3: {  	[tilespmem:s3], [sflag:$0x1] =	stream.strided.gather [hbm4b:s0+s23], $0xA0, s25, s23, $0x38;
	[tilespmem:$0x1F660] =	vst v63  }
0x2b4: {  	_ =	swait.ge [sflag:s10], $0x2D00  }
0x2b5: {  	[sflag:s10] =	ssyncset.done $0x0  }
0x2b6: {  	s9 =	simm.s32 $0x130;
	[sflag:s10] =	ssyncadd.s32 $0xFFFFD300  }
0x2b7: {  	s16 =	simm.s32 $0x2DB0;
	v12 =	vld [tilespmem:s9+$0x80]  }
0x2b8: {  	v13 =	vld [tilespmem:s16+$0x0];
	_ =	sdelay $0x4  }
0x2b9: {  	v12 =	vadd.f32 v13, v12;
	_ =	sdelay $0x1  }
0x2ba: {  	v13 =	vmul.f32 $2.000000030e-01, v12;
	_ =	sdelay $0x1  }
0x2bb: {  	v12 =	vmax.f32 v12, v13  }
0x2bc: {  	v12 =	vmul.f32 $1.442695020e+00, v12;
	_ =	sdelay $0x1  }
0x2bd: {  	(erf) = vpow2.f32 v12;
	_ =	sdelay $0x3  }
0x2be: {  	v13 =	vld [tilespmem:s9+$0xFFFFFFF0]  }
0x2bf: {  	v12 =	vld [tilespmem:s16+$0xFFFFFFF0];
	_ =	sdelay $0x2  }
0x2c0: {  	s14 =	simm.s32 $0x250  }
0x2c1: {  	s17 =	simm.s32 $0x2DD0;
	v15 =	vld [tilespmem:s14+$0x80];
	v14 =	vpop (erf)  }
0x2c2: {  	v16 =	vld [tilespmem:s17+$0x0];
	v12 =	vadd.f32 v12, v13;
	v13 =	vperm.xlane v14, v1;
	_ =	sdelay $0x1  }
0x2c3: {  	v17 =	vmul.f32 $2.000000030e-01, v12;
	v13 =	vadd.f32 v14, v13;
	_ =	sdelay $0x1  }
0x2c4: {  	v12 =	vmax.f32 v12, v17;
	v17 =	vperm.xlane v13, v2  }
0x2c5: {  	v15 =	vadd.f32 v16, v15  }
0x2c6: {  	v12 =	vmul.f32 $1.442695020e+00, v12;
	v13 =	vadd.f32 v13, v17  }
0x2c7: {  	v16 =	vmul.f32 $2.000000030e-01, v15  }
0x2c8: {  	(erf) = vpow2.f32 v12;
	v12 =	vperm.xlane v13, v3;
	_ =	sdelay $0x1  }
0x2c9: {  	v12 =	vadd.f32 v13, v12;
	v13 =	vmax.f32 v15, v16  }
0x2ca: {  	v13 =	vmul.f32 $1.442695020e+00, v13  }
0x2cb: {  	(erf) = vrcp.f32 v12  }
0x2cc: {  	(erf) = vpow2.f32 v13;
	_ =	sdelay $0x1  }
0x2cd: {  	v12 =	vld [tilespmem:s17+$0xFFFFFFF0]  }
0x2ce: {  	v13 =	vld [tilespmem:s14+$0xFFFFFFF0]  }
0x2cf: {  	v15 =	vpop (erf)  }
0x2d0: {  	v16 =	vperm.xlane v15, v1;
	_ =	sdelay $0x1  }
0x2d1: {  	v16 =	vadd.f32 v15, v16  }
0x2d2: {  	v12 =	vadd.f32 v12, v13;
	v13 =	vpop (erf)  }
0x2d3: {  	v17 =	vperm.xlane v16, v2;
	v19 =	vpop (erf)  }
0x2d4: {  	s16 =	simm.s32 $0x370;
	v18 =	vmul.f32 $2.000000030e-01, v12;
	v20 =	vperm.xlane v19, v1  }
0x2d5: {  	s20 =	simm.s32 $0x2DF0;
	v16 =	vadd.f32 v16, v17;
	v17 =	vld [tilespmem:s16+$0x80]  }
0x2d6: {  	v12 =	vmax.f32 v12, v18;
	v18 =	vadd.f32 v19, v20;
	v20 =	vld [tilespmem:s20+$0x0]  }
0x2d7: {  	v14 =	vmul.f32 v13, v14;
	v12 =	vmul.f32 $1.442695020e+00, v12  }
0x2d8: {  	s15 =	simm.s32 $0x6670;
	v21 =	vperm.xlane v16, v3  }
0x2d9: {  	[tilespmem:s15+$0x80] =	vst v14;
	(erf) = vpow2.f32 v12;
	v12 =	vperm.xlane v18, v2  }
0x2da: {  	v13 =	vadd.f32 v16, v21;
	v16 =	vld [tilespmem:s9+$0x0]  }
0x2db: {  	v12 =	vadd.f32 v18, v12;
	v17 =	vadd.f32 v20, v17  }
0x2dc: {  	(erf) = vrcp.f32 v13;
	v18 =	vperm.xlane v14, v4  }
0x2dd: {  	v13 =	vperm.xlane v12, v3;
	v20 =	vmul.f32 $2.000000030e-01, v17;
	_ =	sdelay $0x1  }
0x2de: {  	v12 =	vadd.f32 v12, v13;
	v13 =	vmul.f32 v16, v18;
	v16 =	vmax.f32 v17, v20  }
0x2df: {  	v18 =	vld [tilespmem:s16+$0xFFFFFFF0]  }
0x2e0: {  	v17 =	vld [tilespmem:s20+$0xFFFFFFF0];
	[tilespmem:s15+$0x0] =	vst v13  }
0x2e1: {  	(erf) = vrcp.f32 v12;
	v12 =	vmul.f32 $1.442695020e+00, v16;
	v20 =	vld [tilespmem:s9+$0x10];
	v16 =	vpop (erf)  }
0x2e2: {  	v13 =	vperm.xlane v16, v1  }
0x2e3: {  	(erf) = vpow2.f32 v12  }
0x2e4: {  	v21 =	vperm.xlane v14, v5  }
0x2e5: {  	v12 =	vadd.f32 v16, v13  }
0x2e6: {  	v17 =	vadd.f32 v17, v18;
	v18 =	vmul.f32 v20, v21;
	v13 =	vpop (erf)  }
0x2e7: {  	v13 =	vmul.f32 v13, v15;
	v15 =	vperm.xlane v12, v2;
	_ =	sdelay $0x1  }
0x2e8: {  	[tilespmem:s15+$0xFFFFFFF0] =	vst v13;
	v12 =	vadd.f32 v12, v15;
	v15 =	vmul.f32 $2.000000030e-01, v17  }
0x2e9: {  	[tilespmem:s15+$0x10] =	vst v18;
	v18 =	vpop (erf);
	v20 =	vld [tilespmem:s9+$0xFFFFFF70]  }
0x2ea: {  	v22 =	vld [tilespmem:s9+$0x20];
	v21 =	vperm.xlane v12, v3;
	v15 =	vmax.f32 v17, v15;
	v17 =	vmul.f32 v18, v19  }
0x2eb: {  	s20 =	simm.s32 $0x6790;
	v19 =	vpop (erf);
	v15 =	vmul.f32 $1.442695020e+00, v15  }
0x2ec: {  	v18 =	vperm.xlane v13, v4;
	v12 =	vadd.f32 v12, v21;
	[tilespmem:s20+$0x80] =	vst v17;
	v21 =	vperm.xlane v19, v1  }
0x2ed: {  	s17 =	simm.s32 $0x490;
	(erf) = vpow2.f32 v15;
	v15 =	vperm.xlane v14, v6;
	v23 =	vld [tilespmem:s14+$0x0]  }
0x2ee: {  	s22 =	simm.s32 $0x2E10;
	v18 =	vmul.f32 v20, v18;
	(erf) = vrcp.f32 v12;
	v12 =	vld [tilespmem:s17+$0x80];
	v20 =	vadd.f32 v19, v21  }
0x2ef: {  	v21 =	vld [tilespmem:s22+$0x0];
	v15 =	vmul.f32 v22, v15  }
0x2f0: {  	[tilespmem:s15+$0xFFFFFF70] =	vst v18;
	v18 =	vperm.xlane v20, v2  }
0x2f1: {  	v22 =	vld [tilespmem:s9+$0xFFFFFF80];
	[tilespmem:s15+$0x20] =	vst v15  }
0x2f2: {  	v15 =	vperm.xlane v17, v4;
	v24 =	vld [tilespmem:s9+$0x30];
	v18 =	vadd.f32 v20, v18  }
0x2f3: {  	v20 =	vperm.xlane v13, v5  }
0x2f4: {  	v15 =	vmul.f32 v23, v15;
	v12 =	vadd.f32 v21, v12;
	v21 =	vperm.xlane v18, v3  }
0x2f5: {  	v23 =	vperm.xlane v14, v7  }
0x2f6: {  	v27 =	vld [tilespmem:s17+$0xFFFFFFF0];
	[tilespmem:s20+$0x0] =	vst v15;
	v15 =	vmul.f32 v22, v20;
	v18 =	vadd.f32 v18, v21  }
0x2f7: {  	v25 =	vmul.f32 $2.000000030e-01, v12;
	v22 =	vpop (erf);
	v21 =	vld [tilespmem:s22+$0xFFFFFFF0];
	v23 =	vmul.f32 v24, v23  }
0x2f8: {  	v20 =	vld [tilespmem:s14+$0x10];
	v24 =	vperm.xlane v22, v1;
	[tilespmem:s15+$0xFFFFFF80] =	vst v15;
	(erf) = vrcp.f32 v18  }
0x2f9: {  	v26 =	vpop (erf);
	v12 =	vmax.f32 v12, v25;
	v25 =	vld [tilespmem:s9+$0xFFFFFF90];
	[tilespmem:s15+$0x30] =	vst v23  }
0x2fa: {  	v16 =	vmul.f32 v26, v16;
	v12 =	vmul.f32 $1.442695020e+00, v12;
	v24 =	vadd.f32 v22, v24;
	v28 =	vld [tilespmem:s9+$0x40]  }
0x2fb: {  	v15 =	vperm.xlane v17, v5;
	v23 =	vperm.xlane v13, v6  }
0x2fc: {  	(erf) = vpow2.f32 v12;
	v12 =	vperm.xlane v24, v2;
	v21 =	vadd.f32 v21, v27  }
0x2fd: {  	[tilespmem:s20+$0xFFFFFFF0] =	vst v16;
	v20 =	vmul.f32 v20, v15;
	v27 =	vperm.xlane v14, v8  }
0x2fe: {  	v59 =	vperm.xlane v14, v10;
	v29 =	vld [tilespmem:s14+$0xFFFFFF70];
	v12 =	vadd.f32 v24, v12;
	v24 =	vmul.f32 $2.000000030e-01, v21  }
0x2ff: {  	[tilespmem:s20+$0x10] =	vst v20;
	v23 =	vmul.f32 v25, v23;
	v25 =	vmul.f32 v28, v27  }
0x300: {  	v30 =	vperm.xlane v13, v8;
	v55 =	vperm.xlane v17, v7;
	v31 =	vld [tilespmem:s14+$0x20];
	v21 =	vmax.f32 v21, v24  }
0x301: {  	v20 =	vperm.xlane v16, v4;
	v27 =	vpop (erf);
	[tilespmem:s15+$0x40] =	vst v25;
	v25 =	vmul.f32 $1.442695020e+00, v21  }
0x302: {  	[tilespmem:s15+$0xFFFFFF90] =	vst v23;
	v23 =	vperm.xlane v12, v3;
	v21 =	vmul.f32 v27, v19  }
0x303: {  	s7 =	simm.s32 $0x68B0;
	v24 =	vperm.xlane v17, v6;
	v20 =	vmul.f32 v29, v20;
	v28 =	vld [tilespmem:s9+$0xFFFFFFA0]  }
0x304: {  	v46 =	vperm.xlane v17, v8;
	v26 =	vperm.xlane v13, v7;
	v19 =	vld [tilespmem:s9+$0x50];
	v12 =	vadd.f32 v12, v23;
	[tilespmem:s7+$0x80] =	vst v21  }
0x305: {  	s24 =	simm.s32 $0x2E30;
	[tilespmem:s20+$0xFFFFFF70] =	vst v20;
	v20 =	vmul.f32 v31, v24;
	(erf) = vpow2.f32 v25;
	v25 =	vpop (erf);
	v27 =	vld [tilespmem:s16+$0x0]  }
0x306: {  	v52 =	vld [tilespmem:s24+$0x0];
	(erf) = vrcp.f32 v12;
	v12 =	vperm.xlane v25, v1  }
0x307: {  	s12 =	simm.s32 $0x5B0;
	v32 =	vperm.xlane v16, v7;
	v24 =	vld [tilespmem:s14+$0xFFFFFF80];
	[tilespmem:s20+$0x20] =	vst v20;
	v20 =	vperm.xlane v14, v9  }
0x308: {  	v53 =	vperm.xlane v21, v4;
	v26 =	vmul.f32 v28, v26;
	v28 =	vld [tilespmem:s12+$0x80];
	v12 =	vadd.f32 v25, v12  }
0x309: {  	v23 =	vperm.xlane v16, v5;
	v31 =	vld [tilespmem:s14+$0x30];
	v19 =	vmul.f32 v19, v20  }
0x30a: {  	[tilespmem:s15+$0xFFFFFFA0] =	vst v26;
	v26 =	vperm.xlane v12, v2;
	v27 =	vmul.f32 v27, v53  }
0x30b: {  	v57 =	vld [tilespmem:s24+$0xFFFFFFF0];
	v29 =	vperm.xlane v16, v6;
	v20 =	vperm.xlane v16, v8  }
0x30c: {  	v61 =	vld [tilespmem:s12+$0xFFFFFFF0];
	v23 =	vmul.f32 v24, v23;
	[tilespmem:s15+$0x50] =	vst v19;
	v19 =	vperm.xlane v16, v9;
	v56 =	vadd.f32 v12, v26  }
0x30d: {  	v24 =	vld [tilespmem:s9+$0x60];
	v26 =	vperm.xlane v16, v10;
	[tilespmem:s7+$0x0] =	vst v27;
	v12 =	vperm.xlane v16, v11;
	v16 =	vadd.f32 v52, v28  }
0x30e: {  	v18 =	vperm.xlane v13, v10;
	[tilespmem:s20+$0xFFFFFF80] =	vst v23;
	v31 =	vmul.f32 v31, v55;
	v58 =	vld [tilespmem:s16+$0x10];
	v27 =	vpop (erf)  }
0x30f: {  	v45 =	vld [tilespmem:s14+$0xFFFFFF90];
	v28 =	vperm.xlane v56, v3;
	v63 =	vmul.f32 $2.000000030e-01, v16;
	v60 =	vpop (erf)  }
0x310: {  	[tilespmem:s20+$0x30] =	vst v31;
	v62 =	vperm.xlane v27, v1;
	v31 =	vmul.f32 v60, v22  }
0x311: {  	v44 =	vperm.xlane v21, v5;
	v22 =	vld [tilespmem:s14+$0x40];
	v28 =	vadd.f32 v56, v28;
	v16 =	vmax.f32 v16, v63  }
0x312: {  	v23 =	vmul.f32 v24, v59;
	v24 =	vadd.f32 v27, v62;
	v16 =	vmul.f32 $1.442695020e+00, v16;
	[tilespmem:s7+$0xFFFFFFF0] =	vst v31  }
0x313: {  	(erf) = vrcp.f32 v28;
	v33 =	vmul.f32 v58, v44;
	v28 =	vld [tilespmem:s16+$0xFFFFFF70]  }
0x314: {  	v47 =	vadd.f32 v57, v61;
	v54 =	vld [tilespmem:s9+$0xFFFFFFB0];
	v29 =	vmul.f32 v45, v29;
	[tilespmem:s15+$0x60] =	vst v23;
	v23 =	vperm.xlane v24, v2  }
0x315: {  	v48 =	vld [tilespmem:s9+$0x70];
	(erf) = vpow2.f32 v16;
	v16 =	vperm.xlane v31, v4;
	[tilespmem:s7+$0x10] =	vst v33  }
0x316: {  	v22 =	vmul.f32 v22, v46;
	v23 =	vadd.f32 v24, v23;
	v24 =	vmul.f32 $2.000000030e-01, v47;
	v33 =	vld [tilespmem:s16+$0x20]  }
0x317: {  	v15 =	vperm.xlane v13, v9;
	v14 =	vperm.xlane v14, v11;
	[tilespmem:s20+$0xFFFFFF90] =	vst v29  }
0x318: {  	[tilespmem:s20+$0x40] =	vst v22;
	v22 =	vmax.f32 v47, v24;
	v16 =	vmul.f32 v28, v16;
	v28 =	vperm.xlane v23, v3  }
0x319: {  	v29 =	vperm.xlane v21, v6;
	v50 =	vld [tilespmem:s14+$0xFFFFFFA0];
	v24 =	vmul.f32 $1.442695020e+00, v22  }
0x31a: {  	s0 =	simm.s32 $0x6D0;
	v30 =	vmul.f32 v54, v30;
	v49 =	vld [tilespmem:s14+$0x50];
	v22 =	vmul.f32 v48, v14;
	v14 =	vadd.f32 v23, v28  }
0x31b: {  	v54 =	vld [tilespmem:s0+$0x80];
	[tilespmem:s7+$0xFFFFFF70] =	vst v16;
	(erf) = vpow2.f32 v24;
	v24 =	vmul.f32 v33, v29  }
0x31c: {  	v55 =	vperm.xlane v21, v7;
	[tilespmem:s15+$0xFFFFFFB0] =	vst v30;
	v28 =	vld [tilespmem:s16+$0xFFFFFF80];
	v16 =	vpop (erf);
	(erf) = vrcp.f32 v14  }
0x31d: {  	v23 =	vperm.xlane v17, v9;
	v14 =	vld [tilespmem:s9+$0xFFFFFFC0];
	[tilespmem:s7+$0x20] =	vst v24;
	v16 =	vmul.f32 v16, v25  }
0x31e: {  	s29 =	simm.s32 $0x2E50;
	s22 =	simm.s32 $0x69D0;
	v30 =	vperm.xlane v31, v7;
	v32 =	vmul.f32 v50, v32;
	v51 =	vld [tilespmem:s16+$0x30]  }
0x31f: {  	v58 =	vld [tilespmem:s29+$0xFFFFFFF0];
	v25 =	vperm.xlane v31, v5;
	v23 =	vmul.f32 v49, v23;
	v33 =	vpop (erf);
	[tilespmem:s22+$0x80] =	vst v16  }
0x320: {  	v29 =	vperm.xlane v31, v9;
	v52 =	vperm.xlane v33, v1;
	v53 =	vld [tilespmem:s17+$0x0]  }
0x321: {  	v44 =	vld [tilespmem:s0+$0xFFFFFFF0];
	v24 =	vperm.xlane v31, v6;
	[tilespmem:s20+$0x50] =	vst v23;
	v25 =	vmul.f32 v28, v25  }
0x322: {  	v23 =	vperm.xlane v31, v8;
	v28 =	vld [tilespmem:s14+$0x60];
	v34 =	vadd.f32 v33, v52;
	v39 =	vmul.f32 v14, v15  }
0x323: {  	v14 =	vperm.xlane v16, v4;
	[tilespmem:s7+$0xFFFFFF80] =	vst v25;
	v25 =	vld [tilespmem:s29+$0x0];
	v35 =	vmul.f32 v51, v55  }
0x324: {  	v15 =	vperm.xlane v31, v10;
	v57 =	vperm.xlane v34, v2;
	v38 =	vpop (erf)  }
0x325: {  	v56 =	vld [tilespmem:s16+$0xFFFFFF90];
	[tilespmem:s7+$0x30] =	vst v35;
	v36 =	vmul.f32 v53, v14;
	v14 =	vperm.xlane v31, v11;
	v59 =	vpop (erf)  }
0x326: {  	v34 =	vadd.f32 v34, v57;
	v31 =	vperm.xlane v17, v10;
	v41 =	vmul.f32 v59, v27;
	v27 =	vld [tilespmem:s16+$0x40]  }
0x327: {  	v13 =	vperm.xlane v13, v11;
	v42 =	vadd.f32 v58, v44;
	v60 =	vperm.xlane v38, v1;
	[tilespmem:s22+$0x0] =	vst v36  }
0x328: {  	[tilespmem:s20+$0xFFFFFFA0] =	vst v32;
	v28 =	vmul.f32 v28, v31;
	v25 =	vadd.f32 v25, v54;
	v31 =	vperm.xlane v34, v3;
	v61 =	vld [tilespmem:s17+$0x10]  }
0x329: {  	v62 =	vld [tilespmem:s14+$0xFFFFFFB0];
	v49 =	vperm.xlane v21, v8;
	v51 =	vperm.xlane v16, v5;
	v35 =	vadd.f32 v38, v60  }
0x32a: {  	v24 =	vmul.f32 v56, v24;
	[tilespmem:s20+$0x60] =	vst v28;
	v48 =	vmul.f32 $2.000000030e-01, v25;
	v31 =	vadd.f32 v34, v31  }
0x32b: {  	[tilespmem:s22+$0xFFFFFFF0] =	vst v41;
	v45 =	vperm.xlane v35, v2;
	v50 =	vld [tilespmem:s14+$0x70];
	v27 =	vmul.f32 v27, v49  }
0x32c: {  	v52 =	vmul.f32 $2.000000030e-01, v42;
	[tilespmem:s7+$0xFFFFFF90] =	vst v24;
	v25 =	vmax.f32 v25, v48;
	(erf) = vrcp.f32 v31  }
0x32d: {  	v28 =	vld [tilespmem:s17+$0xFFFFFF70];
	v24 =	vmul.f32 $1.442695020e+00, v25;
	v25 =	vmul.f32 v61, v51;
	[tilespmem:s7+$0x40] =	vst v27;
	v27 =	vadd.f32 v35, v45  }
0x32e: {  	v20 =	vmul.f32 v62, v20;
	v17 =	vperm.xlane v17, v11;
	v31 =	vld [tilespmem:s16+$0xFFFFFFA0]  }
0x32f: {  	(erf) = vpow2.f32 v24;
	v24 =	vld [tilespmem:s16+$0x50];
	[tilespmem:s22+$0x10] =	vst v25;
	v53 =	vperm.xlane v27, v3  }
0x330: {  	v32 =	vmax.f32 v42, v52;
	[tilespmem:s20+$0xFFFFFFB0] =	vst v20;
	v63 =	vperm.xlane v41, v4;
	v25 =	vmul.f32 v50, v17;
	v17 =	vld [tilespmem:s17+$0x20]  }
0x331: {  	v55 =	vperm.xlane v21, v9;
	v32 =	vmul.f32 $1.442695020e+00, v32;
	[tilespmem:s15+$0xFFFFFFC0] =	vst v39;
	v20 =	vadd.f32 v27, v53  }
0x332: {  	s11 =	simm.s32 $0x7F0;
	v56 =	vld [tilespmem:s9+$0xFFFFFFD0];
	v49 =	vperm.xlane v16, v8;
	v28 =	vmul.f32 v28, v63  }
0x333: {  	v62 =	vld [tilespmem:s11+$0x80];
	v27 =	vmul.f32 v31, v30;
	v30 =	vperm.xlane v16, v6  }
0x334: {  	v48 =	vld [tilespmem:s11+$0xFFFFFFF0];
	(erf) = vpow2.f32 v32;
	[tilespmem:s22+$0xFFFFFF70] =	vst v28;
	v24 =	vmul.f32 v24, v55  }
0x335: {  	v54 =	vld [tilespmem:s17+$0xFFFFFF80];
	(erf) = vrcp.f32 v20;
	[tilespmem:s7+$0xFFFFFFA0] =	vst v27;
	v20 =	vpop (erf);
	v27 =	vmul.f32 v17, v30  }
0x336: {  	v61 =	vperm.xlane v21, v10;
	v31 =	vld [tilespmem:s14+$0xFFFFFFC0];
	[tilespmem:s7+$0x50] =	vst v24;
	v17 =	vmul.f32 v20, v33  }
0x337: {  	s4 =	simm.s32 $0x6AF0;
	v21 =	vperm.xlane v21, v11;
	v32 =	vmul.f32 v56, v18;
	[tilespmem:s22+$0x20] =	vst v27;
	v27 =	vld [tilespmem:s16+$0x60]  }
0x338: {  	v18 =	vperm.xlane v16, v7;
	v28 =	vperm.xlane v41, v5;
	v35 =	vpop (erf);
	[tilespmem:s4+$0x80] =	vst v17;
	v58 =	vld [tilespmem:s17+$0x30]  }
0x339: {  	v30 =	vperm.xlane v41, v6;
	v59 =	vperm.xlane v35, v1;
	v60 =	vld [tilespmem:s12+$0x0]  }
0x33a: {  	s24 =	simm.s32 $0x2E70;
	v57 =	vld [tilespmem:s16+$0xFFFFFFB0];
	v24 =	vperm.xlane v41, v7;
	v28 =	vmul.f32 v54, v28  }
0x33b: {  	v63 =	vld [tilespmem:s24+$0x0];
	v33 =	vperm.xlane v41, v8;
	v20 =	vperm.xlane v41, v9;
	v37 =	vadd.f32 v35, v59  }
0x33c: {  	v53 =	vld [tilespmem:s24+$0xFFFFFFF0];
	[tilespmem:s22+$0xFFFFFF80] =	vst v28;
	v52 =	vperm.xlane v17, v4;
	v40 =	vmul.f32 v27, v61  }
0x33d: {  	v28 =	vld [tilespmem:s17+$0xFFFFFF90];
	v46 =	vperm.xlane v37, v2;
	v36 =	vmul.f32 v58, v18  }
0x33e: {  	v31 =	vmul.f32 v31, v19;
	v27 =	vpop (erf);
	v39 =	vmul.f32 v60, v52;
	[tilespmem:s7+$0x60] =	vst v40  }
0x33f: {  	v19 =	vperm.xlane v41, v10;
	v23 =	vmul.f32 v57, v23;
	v47 =	vpop (erf);
	v37 =	vadd.f32 v37, v46;
	[tilespmem:s22+$0x30] =	vst v36  }
0x340: {  	v57 =	vadd.f32 v63, v62;
	v54 =	vperm.xlane v27, v1;
	v40 =	vmul.f32 v47, v38;
	[tilespmem:s4+$0x0] =	vst v39;
	v56 =	vld [tilespmem:s17+$0x40]  }
0x341: {  	[tilespmem:s15+$0x70] =	vst v22;
	v22 =	vadd.f32 v53, v48;
	v50 =	vperm.xlane v17, v5;
	v58 =	vperm.xlane v37, v3;
	v60 =	vld [tilespmem:s12+$0x10]  }
0x342: {  	v63 =	vmul.f32 $2.000000030e-01, v57;
	v28 =	vmul.f32 v28, v30;
	v55 =	vld [tilespmem:s16+$0x70];
	v30 =	vadd.f32 v27, v54;
	[tilespmem:s4+$0xFFFFFFF0] =	vst v40  }
0x343: {  	v18 =	vperm.xlane v41, v11;
	v52 =	vmul.f32 $2.000000030e-01, v22;
	v62 =	vld [tilespmem:s12+$0xFFFFFF70];
	v37 =	vadd.f32 v37, v58  }
0x344: {  	v59 =	vperm.xlane v40, v4;
	v61 =	vperm.xlane v30, v2  }
0x345: {  	[tilespmem:s22+$0xFFFFFF90] =	vst v28;
	v28 =	vmax.f32 v57, v63;
	(erf) = vrcp.f32 v37;
	v34 =	vmul.f32 v56, v49  }
0x346: {  	[tilespmem:s20+$0x70] =	vst v25;
	v22 =	vmax.f32 v22, v52;
	v51 =	vld [tilespmem:s17+$0xFFFFFFA0];
	v25 =	vmul.f32 $1.442695020e+00, v28;
	v28 =	vmul.f32 v60, v50  }
0x347: {  	v22 =	vmul.f32 $1.442695020e+00, v22;
	v30 =	vadd.f32 v30, v61;
	v21 =	vmul.f32 v55, v21;
	[tilespmem:s22+$0x40] =	vst v34  }
0x348: {  	(erf) = vpow2.f32 v25;
	v53 =	vmul.f32 v62, v59;
	[tilespmem:s4+$0x10] =	vst v28;
	v55 =	vld [tilespmem:s17+$0x50]  }
0x349: {  	[tilespmem:s7+$0xFFFFFFB0] =	vst v23;
	v37 =	vperm.xlane v16, v10;
	v54 =	vperm.xlane v30, v3;
	v57 =	vld [tilespmem:s12+$0x20]  }
0x34a: {  	v56 =	vperm.xlane v40, v5;
	v25 =	vperm.xlane v40, v7;
	v59 =	vld [tilespmem:s16+$0xFFFFFFC0];
	[tilespmem:s4+$0xFFFFFF70] =	vst v53  }
0x34b: {  	[tilespmem:s15+$0xFFFFFFD0] =	vst v32;
	v24 =	vmul.f32 v51, v24;
	v23 =	vadd.f32 v30, v54;
	v30 =	vperm.xlane v16, v9;
	v58 =	vld [tilespmem:s12+$0xFFFFFF80]  }
0x34c: {  	[tilespmem:s20+$0xFFFFFFC0] =	vst v31;
	(erf) = vpow2.f32 v22;
	v22 =	vperm.xlane v17, v6  }
0x34d: {  	v60 =	vld [tilespmem:s14+$0xFFFFFFD0];
	[tilespmem:s22+$0xFFFFFFA0] =	vst v24;
	(erf) = vrcp.f32 v23;
	v30 =	vmul.f32 v55, v30  }
0x34e: {  	[tilespmem:s7+$0x70] =	vst v21;
	v28 =	vperm.xlane v40, v6;
	v62 =	vld [tilespmem:s17+$0xFFFFFFB0];
	v21 =	vpop (erf);
	v61 =	vmul.f32 v57, v22  }
0x34f: {  	v31 =	vld [tilespmem:s9+$0xFFFFFFE0];
	v24 =	vperm.xlane v40, v8;
	v23 =	vmul.f32 v21, v35;
	[tilespmem:s22+$0x50] =	vst v30  }
0x350: {  	s8 =	simm.s32 $0x6C10;
	v63 =	vmul.f32 v59, v29;
	v36 =	vmul.f32 v58, v56;
	[tilespmem:s4+$0x20] =	vst v61;
	v32 =	vld [tilespmem:s17+$0x60]  }
0x351: {  	v22 =	vperm.xlane v40, v9;
	v29 =	vpop (erf);
	v21 =	vperm.xlane v40, v10;
	[tilespmem:s8+$0x80] =	vst v23;
	v34 =	vld [tilespmem:s12+$0x30]  }
0x352: {  	v35 =	vmul.f32 v60, v26;
	v30 =	vperm.xlane v29, v1;
	[tilespmem:s4+$0xFFFFFF80] =	vst v36;
	v38 =	vld [tilespmem:s0+$0x0]  }
0x353: {  	s28 =	simm.s32 $0xC;
	s9 =	simm.s32 $0x910;
	[tilespmem:s7+$0xFFFFFFC0] =	vst v63;
	v26 =	vperm.xlane v40, v11;
	v33 =	vmul.f32 v62, v33;
	v36 =	vld [tilespmem:s12+$0xFFFFFF90]  }
.LBB2_9:
0x354: {  	v39 =	vld [tilespmem:s9+$0x80];
	v30 =	vadd.f32 v29, v30;
	s24 =	sadd.s32 $0x20, s24;
	v40 =	vperm.xlane v17, v7;
	[tilespmem:s20+$0xFFFFFFD0] =	vst v35;
	v31 =	vmul.f32 v31, v13  }
0x355: {  	s28 =	sadd.s32 $0x2, s28;
	v42 =	vperm.xlane v23, v4;
	v13 =	vmov v12;
	v35 =	vld [tilespmem:s24+$0x0];
	v41 =	vpop (erf);
	[tilespmem:s22+$0xFFFFFFB0] =	vst v33;
	v32 =	vmul.f32 v32, v37  }
0x356: {  	v12 =	vmov v14;
	p0 =	slt.u32 s28, $0x4E;
	v33 =	vld [tilespmem:s24+$0xFFFFFFF0];
	v37 =	vperm.xlane v30, v2;
	v43 =	vpop (erf);
	v34 =	vmul.f32 v34, v40;
	[tilespmem:s15+$0xFFFFFFE0] =	vst v31;
	s15 =	smov.u32 s20;
	s20 =	smov.u32 s7  }
0x357: {  	v14 =	vmovc v18;
	v18 =	vmov v26;
	v40 =	vperm.xlane v41, v1;
	s7 =	smov.u32 s22;
	v31 =	vld [tilespmem:s9+$0xFFFFFFF0];
	v38 =	vmul.f32 v38, v42;
	[tilespmem:s22+$0x60] =	vst v32;
	s22 =	smov.u32 s4;
	s4 =	smov.u32 s8  }
0x358: {  	v26 =	vadd.f32 v30, v37;
	v37 =	vmul.f32 v43, v27;
	v28 =	vmul.f32 v36, v28;
	[tilespmem:s22+$0x30] =	vst v34;
	v30 =	vld [tilespmem:s17+$0x70]  }
0x359: {  	v32 =	vadd.f32 v41, v40;
	v27 =	vmov v41;
	[tilespmem:s8+$0x0] =	vst v38;
	v34 =	vld [tilespmem:s12+$0x40]  }
0x35a: {  	v35 =	vadd.f32 v35, v39;
	v36 =	vperm.xlane v26, v3;
	[tilespmem:s8+$0xFFFFFFF0] =	vst v37;
	v38 =	vperm.xlane v37, v4;
	v39 =	vld [tilespmem:s0+$0x10]  }
0x35b: {  	v40 =	vperm.xlane v32, v2;
	v41 =	vld [tilespmem:s0+$0xFFFFFF70];
	[tilespmem:s22+$0xFFFFFF90] =	vst v28;
	v28 =	vperm.xlane v16, v11;
	v16 =	vmovc v17;
	v17 =	vmov v23  }
0x35c: {  	v23 =	vmul.f32 $2.000000030e-01, v35;
	v26 =	vadd.f32 v26, v36;
	v36 =	vld [tilespmem:s12+$0xFFFFFFA0];
	v42 =	vperm.xlane v16, v8  }
0x35d: {  	v33 =	vadd.f32 v33, v31;
	v31 =	vperm.xlane v17, v5;
	v43 =	vld [tilespmem:s17+$0xFFFFFFC0];
	v28 =	vmul.f32 v30, v28  }
0x35e: {  	v23 =	vmax.f32 v35, v23;
	(erf) = vrcp.f32 v26;
	v26 =	vmul.f32 v34, v42;
	v30 =	vld [tilespmem:s16+$0xFFFFFFD0]  }
0x35f: {  	v32 =	vadd.f32 v32, v40;
	v23 =	vmul.f32 $1.442695020e+00, v23;
	v34 =	vmul.f32 v39, v31;
	[tilespmem:s7+$0x70] =	vst v28;
	v31 =	vld [tilespmem:s14+$0xFFFFFFE0];
	s14 =	smov.u32 s16;
	s16 =	smov.u32 s17;
	s17 =	smov.u32 s12  }
0x360: {  	v28 =	vmul.f32 $2.000000030e-01, v33;
	s12 =	smov.u32 s0;
	s0 =	smov.u32 s11;
	s11 =	smov.u32 s9;
	v35 =	vmul.f32 v41, v38;
	[tilespmem:s22+$0x40] =	vst v26  }
0x361: {  	(erf) = vpow2.f32 v23;
	v23 =	vperm.xlane v32, v3;
	[tilespmem:s8+$0x10] =	vst v34;
	v26 =	vld [tilespmem:s17+$0x50]  }
0x362: {  	v33 =	vmax.f32 v33, v28;
	v34 =	vperm.xlane v37, v5;
	v28 =	vperm.xlane v37, v6;
	[tilespmem:s8+$0xFFFFFF70] =	vst v35;
	v35 =	vld [tilespmem:s12+$0x20]  }
0x363: {  	v38 =	vperm.xlane v37, v7;
	v33 =	vmul.f32 $1.442695020e+00, v33;
	v23 =	vadd.f32 v32, v23;
	v32 =	vld [tilespmem:s12+$0xFFFFFF80]  }
0x364: {  	v39 =	vperm.xlane v16, v9;
	v36 =	vmul.f32 v36, v25  }
0x365: {  	v25 =	vmov v38;
	(erf) = vpow2.f32 v33;
	v33 =	vperm.xlane v17, v6  }
0x366: {  	(erf) = vrcp.f32 v23;
	[tilespmem:s22+$0xFFFFFFA0] =	vst v36;
	v26 =	vmul.f32 v26, v39  }
0x367: {  	v39 =	vperm.xlane v37, v8;
	v23 =	vpop (erf);
	v33 =	vmul.f32 v35, v33;
	v40 =	vld [tilespmem:s17+$0xFFFFFFB0]  }
.Ltmp3:
0x368: {  	v23 =	vmul.f32 v23, v29;
	v36 =	vmul.f32 v32, v34;
	[tilespmem:s22+$0x50] =	vst v26;
	(pc) =	sbr.rel @p0 .LBB2_9-.Ltmp3, $4  }
0x369: {  	s8 =	sadd.s32 $0x120, s8;
	v41 =	vmul.f32 v43, v20;
	v20 =	vmov v22;
	v22 =	vperm.xlane v37, v9;
	[tilespmem:s4+$0x20] =	vst v33;
	v32 =	vld [tilespmem:s17+$0x60]  }
0x36a: {  	v42 =	vperm.xlane v37, v10;
	v35 =	vmul.f32 v30, v15;
	v15 =	vmov v19;
	v29 =	vpop (erf);
	[tilespmem:s8+$0x80] =	vst v23;
	v34 =	vld [tilespmem:s12+$0x30]  }
0x36b: {  	v19 =	vmov v21;
	v26 =	vperm.xlane v37, v11;
	v30 =	vperm.xlane v29, v1;
	v38 =	vld [tilespmem:s0+$0x0];
	[tilespmem:s4+$0xFFFFFF80] =	vst v36  }
0x36c: {  	s9 =	sadd.s32 $0x120, s9;
	v21 =	vmovc v42;
	v37 =	vperm.xlane v16, v10;
	v36 =	vld [tilespmem:s12+$0xFFFFFF90];
	v33 =	vmul.f32 v40, v24;
	[tilespmem:s7+$0xFFFFFFC0] =	vst v41;
	v24 =	vmov v39  }
0x36d: {  	_ = 	snop  }
0x36e: {  	v39 =	vpop (erf)  }
0x36f: {  	v40 =	vperm.xlane v39, v1  }
0x370: {  	v30 =	vadd.f32 v29, v30  }
0x371: {  	v40 =	vadd.f32 v39, v40  }
0x372: {  	v41 =	vperm.xlane v30, v2  }
0x373: {  	v61 =	vperm.xlane v40, v2  }
0x374: {  	v30 =	vadd.f32 v30, v41  }
0x375: {  	v40 =	vadd.f32 v40, v61  }
0x376: {  	v42 =	vperm.xlane v30, v3  }
0x377: {  	v41 =	vperm.xlane v40, v3  }
0x378: {  	v30 =	vadd.f32 v30, v42  }
0x379: {  	v62 =	vadd.f32 v40, v41  }
0x37a: {  	(erf) = vrcp.f32 v30  }
0x37b: {  	(erf) = vrcp.f32 v62;
	_ =	sdelay $0x6  }
0x37c: {  	v63 =	vpop (erf)  }
0x37d: {  	v27 =	vmul.f32 v63, v27;
	v43 =	vpop (erf)  }
0x37e: {  	v30 =	vmul.f32 v43, v29;
	v44 =	vpop (erf)  }
0x37f: {  	s24 =	sadd.s32 $0x120, s8;
	[tilespmem:s8+$0xFFFFFFF0] =	vst v27;
	v29 =	vmul.f32 v44, v39  }
0x380: {  	v47 =	vld [tilespmem:s0+$0xFFFFFF70];
	[tilespmem:s24+$0x80] =	vst v30  }
0x381: {  	v46 =	vperm.xlane v23, v4;
	v45 =	vld [tilespmem:s11+$0x0];
	[tilespmem:s24+$0xFFFFFFF0] =	vst v29  }
0x382: {  	v49 =	vld [tilespmem:s11+$0xFFFFFF70]  }
0x383: {  	v38 =	vmul.f32 v38, v46;
	v50 =	vperm.xlane v27, v4  }
0x384: {  	v48 =	vperm.xlane v30, v4  }
0x385: {  	[tilespmem:s8+$0x0] =	vst v38;
	v38 =	vmul.f32 v47, v50;
	v43 =	vperm.xlane v29, v4  }
0x386: {  	v39 =	vmul.f32 v45, v48  }
0x387: {  	v51 =	vld [tilespmem:s0+$0x10];
	[tilespmem:s8+$0xFFFFFF70] =	vst v38;
	v52 =	vmul.f32 v49, v43  }
0x388: {  	v38 =	vld [tilespmem:s0+$0xFFFFFF80];
	[tilespmem:s24+$0x0] =	vst v39  }
0x389: {  	v39 =	vld [tilespmem:s11+$0x10];
	[tilespmem:s24+$0xFFFFFF70] =	vst v52  }
0x38a: {  	v53 =	vperm.xlane v23, v5;
	v55 =	vld [tilespmem:s11+$0xFFFFFF80]  }
0x38b: {  	v56 =	vperm.xlane v27, v5  }
0x38c: {  	v40 =	vmul.f32 v51, v53;
	v54 =	vperm.xlane v30, v5  }
0x38d: {  	v38 =	vmul.f32 v38, v56;
	v58 =	vperm.xlane v29, v5  }
0x38e: {  	[tilespmem:s8+$0x10] =	vst v40;
	v39 =	vmul.f32 v39, v54  }
0x38f: {  	v57 =	vld [tilespmem:s0+$0x20];
	[tilespmem:s8+$0xFFFFFF80] =	vst v38;
	v59 =	vmul.f32 v55, v58  }
0x390: {  	v38 =	vld [tilespmem:s0+$0xFFFFFF90];
	[tilespmem:s24+$0x10] =	vst v39  }
0x391: {  	v39 =	vld [tilespmem:s11+$0x20];
	[tilespmem:s24+$0xFFFFFF80] =	vst v59  }
0x392: {  	v60 =	vperm.xlane v23, v6;
	v63 =	vld [tilespmem:s11+$0xFFFFFF90]  }
0x393: {  	v46 =	vmul.f32 v36, v28;
	v45 =	vperm.xlane v27, v6  }
0x394: {  	[tilespmem:s20+$0xFFFFFFD0] =	vst v35;
	v61 =	vmul.f32 v57, v60;
	v62 =	vperm.xlane v30, v6  }
0x395: {  	[tilespmem:s4+$0xFFFFFF90] =	vst v46;
	v48 =	vperm.xlane v29, v6;
	v38 =	vmul.f32 v38, v45  }
0x396: {  	[tilespmem:s8+$0x20] =	vst v61;
	v52 =	vld [tilespmem:s12+$0xFFFFFFA0];
	v44 =	vmul.f32 v39, v62  }
0x397: {  	v47 =	vld [tilespmem:s0+$0x30];
	[tilespmem:s8+$0xFFFFFF90] =	vst v38;
	v51 =	vmul.f32 v63, v48  }
0x398: {  	v49 =	vperm.xlane v17, v7;
	v38 =	vld [tilespmem:s0+$0xFFFFFFA0];
	[tilespmem:s24+$0x20] =	vst v44  }
0x399: {  	v13 =	vmul.f32 v31, v13;
	v32 =	vmul.f32 v32, v37;
	v50 =	vld [tilespmem:s11+$0x30];
	[tilespmem:s24+$0xFFFFFF90] =	vst v51  }
0x39a: {  	[tilespmem:s22+$0xFFFFFFB0] =	vst v33;
	v53 =	vperm.xlane v23, v7;
	v34 =	vmul.f32 v34, v49;
	v55 =	vld [tilespmem:s11+$0xFFFFFFA0]  }
0x39b: {  	[tilespmem:s15+$0xFFFFFFE0] =	vst v13;
	v57 =	vperm.xlane v27, v7;
	v25 =	vmul.f32 v52, v25  }
0x39c: {  	v33 =	vld [tilespmem:s17+$0xFFFFFFC0];
	v28 =	vmul.f32 v47, v53;
	[tilespmem:s4+$0x30] =	vst v34;
	v54 =	vperm.xlane v30, v7  }
0x39d: {  	v56 =	vld [tilespmem:s12+$0x40];
	v37 =	vmul.f32 v38, v57;
	v58 =	vperm.xlane v29, v7;
	[tilespmem:s4+$0xFFFFFFA0] =	vst v25  }
0x39e: {  	[tilespmem:s8+$0x30] =	vst v28;
	v62 =	vld [tilespmem:s12+$0xFFFFFFB0];
	v13 =	vmul.f32 v50, v54  }
0x39f: {  	v28 =	vld [tilespmem:s0+$0x40];
	[tilespmem:s8+$0xFFFFFFA0] =	vst v37;
	v60 =	vmul.f32 v55, v58  }
0x3a0: {  	v40 =	vld [tilespmem:s0+$0xFFFFFFB0];
	v59 =	vperm.xlane v17, v8;
	[tilespmem:s24+$0x30] =	vst v13  }
0x3a1: {  	v20 =	vmul.f32 v33, v20;
	v13 =	vld [tilespmem:s11+$0x40];
	[tilespmem:s24+$0xFFFFFFA0] =	vst v60  }
0x3a2: {  	[tilespmem:s22+$0x60] =	vst v32;
	v61 =	vmul.f32 v56, v59;
	v63 =	vperm.xlane v23, v8;
	v43 =	vld [tilespmem:s11+$0xFFFFFFB0]  }
0x3a3: {  	v32 =	vld [tilespmem:s17+$0x70];
	[tilespmem:s22+$0xFFFFFFC0] =	vst v20;
	v45 =	vperm.xlane v27, v8;
	v46 =	vmul.f32 v62, v24  }
0x3a4: {  	v42 =	vperm.xlane v30, v8;
	v49 =	vld [tilespmem:s16+$0xFFFFFFD0];
	[tilespmem:s4+$0x40] =	vst v61;
	v41 =	vmul.f32 v28, v63  }
0x3a5: {  	v35 =	vmul.f32 v40, v45;
	v44 =	vld [tilespmem:s12+$0x50];
	v48 =	vperm.xlane v29, v8;
	[tilespmem:s4+$0xFFFFFFB0] =	vst v46  }
0x3a6: {  	v16 =	vperm.xlane v16, v11;
	[tilespmem:s8+$0x40] =	vst v41;
	v53 =	vld [tilespmem:s12+$0xFFFFFFC0];
	v13 =	vmul.f32 v13, v42  }
0x3a7: {  	[tilespmem:s8+$0xFFFFFFB0] =	vst v35;
	v47 =	vld [tilespmem:s0+$0x50];
	v51 =	vmul.f32 v43, v48  }
0x3a8: {  	v16 =	vmul.f32 v32, v16;
	v50 =	vperm.xlane v17, v9;
	v55 =	vld [tilespmem:s0+$0xFFFFFFC0];
	[tilespmem:s24+$0x40] =	vst v13  }
0x3a9: {  	v15 =	vmul.f32 v49, v15;
	v13 =	vld [tilespmem:s11+$0x50];
	[tilespmem:s24+$0xFFFFFFB0] =	vst v51  }
0x3aa: {  	[tilespmem:s22+$0x70] =	vst v16;
	v54 =	vperm.xlane v23, v9;
	v52 =	vmul.f32 v44, v50;
	v58 =	vld [tilespmem:s11+$0xFFFFFFC0]  }
0x3ab: {  	v34 =	vld [tilespmem:s17+$0xFFFFFFD0];
	[tilespmem:s7+$0xFFFFFFD0] =	vst v15;
	v61 =	vperm.xlane v27, v9;
	v22 =	vmul.f32 v53, v22  }
0x3ac: {  	v57 =	vperm.xlane v30, v9;
	v44 =	vld [tilespmem:s16+$0xFFFFFFE0];
	[tilespmem:s4+$0x50] =	vst v52;
	v56 =	vmul.f32 v47, v54  }
0x3ad: {  	v62 =	vperm.xlane v29, v9;
	v59 =	vld [tilespmem:s12+$0x60];
	[tilespmem:s4+$0xFFFFFFC0] =	vst v22;
	v35 =	vmul.f32 v55, v61  }
0x3ae: {  	[tilespmem:s8+$0x50] =	vst v56;
	v38 =	vld [tilespmem:s12+$0xFFFFFFD0];
	v13 =	vmul.f32 v13, v57  }
0x3af: {  	v16 =	vld [tilespmem:s0+$0x60];
	[tilespmem:s8+$0xFFFFFFC0] =	vst v35;
	v15 =	vmul.f32 v58, v62  }
0x3b0: {  	v19 =	vmul.f32 v34, v19;
	v63 =	vperm.xlane v17, v10;
	[tilespmem:s24+$0x50] =	vst v13;
	v13 =	vld [tilespmem:s0+$0xFFFFFFD0]  }
0x3b1: {  	v52 =	vmul.f32 v44, v14;
	v36 =	vld [tilespmem:s11+$0x60];
	[tilespmem:s24+$0xFFFFFFC0] =	vst v15  }
0x3b2: {  	v37 =	vperm.xlane v23, v10;
	[tilespmem:s22+$0xFFFFFFD0] =	vst v19;
	v24 =	vmul.f32 v59, v63;
	v41 =	vld [tilespmem:s11+$0xFFFFFFD0]  }
0x3b3: {  	v60 =	vld [tilespmem:s14+$0xFFFFFFE0];
	[tilespmem:s7+$0xFFFFFFE0] =	vst v52;
	v43 =	vperm.xlane v27, v10;
	v21 =	vmul.f32 v38, v21  }
0x3b4: {  	v49 =	vld [tilespmem:s17+$0xFFFFFFE0];
	v40 =	vperm.xlane v30, v10;
	[tilespmem:s4+$0x60] =	vst v24;
	v39 =	vmul.f32 v16, v37  }
0x3b5: {  	v46 =	vperm.xlane v29, v10;
	v42 =	vld [tilespmem:s12+$0x70];
	[tilespmem:s4+$0xFFFFFFD0] =	vst v21;
	v13 =	vmul.f32 v13, v43  }
0x3b6: {  	[tilespmem:s8+$0x60] =	vst v39;
	v51 =	vld [tilespmem:s12+$0xFFFFFFE0];
	v45 =	vmul.f32 v36, v40  }
0x3b7: {  	v47 =	vld [tilespmem:s0+$0x70];
	[tilespmem:s8+$0xFFFFFFD0] =	vst v13;
	v16 =	vmul.f32 v41, v46  }
0x3b8: {  	v12 =	vmul.f32 v60, v12;
	v48 =	vperm.xlane v17, v11;
	[tilespmem:s24+$0x60] =	vst v45;
	v53 =	vld [tilespmem:s0+$0xFFFFFFE0]  }
0x3b9: {  	v57 =	vmul.f32 v49, v18;
	v15 =	vld [tilespmem:s11+$0x70];
	[tilespmem:s24+$0xFFFFFFD0] =	vst v16  }
0x3ba: {  	v50 =	vperm.xlane v23, v11;
	[tilespmem:s20+$0xFFFFFFE0] =	vst v12;
	v12 =	vmul.f32 v42, v48;
	v56 =	vld [tilespmem:s11+$0xFFFFFFE0]  }
0x3bb: {  	[tilespmem:s22+$0xFFFFFFE0] =	vst v57;
	v58 =	vperm.xlane v27, v11;
	v61 =	vmul.f32 v51, v26  }
0x3bc: {  	s13 =	sadd.s32 $0x1, s13;
	v55 =	vperm.xlane v30, v11;
	[tilespmem:s4+$0x70] =	vst v12;
	v54 =	vmul.f32 v47, v50  }
0x3bd: {  	p0 =	sne.s32 s13, $0x3D;
	v60 =	vperm.xlane v29, v11;
	[tilespmem:s4+$0xFFFFFFE0] =	vst v61;
	v62 =	vmul.f32 v53, v58  }
.Ltmp4:
0x3be: {  	[tilespmem:s8+$0x70] =	vst v54;
	v59 =	vmul.f32 v15, v55;
	(pc) =	sbr.rel @p0 .LBB2_6-.Ltmp4, $4  }
0x3bf: {  	[tilespmem:s8+$0xFFFFFFE0] =	vst v62;
	v63 =	vmul.f32 v56, v60  }
0x3c0: {  	[tilespmem:s24+$0x70] =	vst v59  }
0x3c1: {  	s29 =	simm.s32 $0x6540;
	[tilespmem:s24+$0xFFFFFFE0] =	vst v63  }
0x3c2: {  	[spmem:s2] =	stream.indirect.scatter.add.f32 [tilespmem:s21], [sflag:$0x3], $0x90, s29, s23, $0xb8;
	[tilespmem:$0x1F660] =	vst v63  }
0x3c3: {  	_ =	swait.ge [sflag:s26], $0xA0  }
0x3c4: {  	[sflag:s26] =	ssyncset.done $0x0  }
0x3c5: {  	s0 =	simm.s32 $0xA0;
	[sflag:s26] =	ssyncadd.s32 $0xFFFFFF60  }
0x3c6: {  	[tilespmem:s0], [sflag:$0x1] =	stream.indirect.gather [hbm4b:s5+s23], $0x90, s3, s23, $0xb8;
	[tilespmem:$0x1F660] =	vst v63  }
0x3c7: {  	s17 =	simm.s32 $0x2DA0  }
0x3c8: {  	[tilespmem:s17], [sflag:$0x1] =	stream.indirect.gather [hbm4b:s6+s23], $0x10, s23, s23, $0xb8;
	[tilespmem:$0x1F660] =	vst v63  }
0x3c9: {  	_ =	swait.ge [sflag:s31], $0x2D00  }
0x3ca: {  	[sflag:s31] =	ssyncset.done $0x0  }
0x3cb: {  	[sflag:s31] =	ssyncadd.s32 $0xFFFFD300  }
0x3cc: {  	_ =	swait.ge [sflag:s31], $0x500  }
0x3cd: {  	[sflag:s31] =	ssyncset.done $0x0  }
0x3ce: {  	[sflag:s31] =	ssyncadd.s32 $0xFFFFFB00  }
0x3cf: {  	v12 =	vld [tilespmem:$0x32F0]  }
0x3d0: {  	v13 =	vld [tilespmem:$0x3300]  }
0x3d1: {  	v14 =	vld [tilespmem:$0x3310]  }
0x3d2: {  	v15 =	vld [tilespmem:$0x3320]  }
0x3d3: {  	v16 =	vld [tilespmem:$0x3330]  }
0x3d4: {  	[tilespmem:$0x6590] =	vst v12  }
0x3d5: {  	[tilespmem:$0x65A0] =	vst v13  }
0x3d6: {  	[tilespmem:$0x65B0] =	vst v14  }
0x3d7: {  	[tilespmem:$0x65C0] =	vst v15  }
0x3d8: {  	[tilespmem:$0x65D0] =	vst v16  }
0x3d9: {  	_ =	swait.ge [sflag:s10], $0x2D00  }
0x3da: {  	[sflag:s10] =	ssyncset.done $0x0  }
0x3db: {  	s8 =	simm.s32 $0x33D0;
	[sflag:s10] =	ssyncadd.s32 $0xFFFFD300  }
0x3dc: {  	s20 =	simm.s32 $0x6050;
	v12 =	vld [tilespmem:s8+$0x80]  }
0x3dd: {  	v13 =	vld [tilespmem:s20+$0x0];
	_ =	sdelay $0x4  }
0x3de: {  	v12 =	vadd.f32 v13, v12;
	_ =	sdelay $0x1  }
0x3df: {  	v13 =	vmul.f32 $2.000000030e-01, v12;
	_ =	sdelay $0x1  }
0x3e0: {  	v12 =	vmax.f32 v12, v13  }
0x3e1: {  	v12 =	vmul.f32 $1.442695020e+00, v12;
	_ =	sdelay $0x1  }
0x3e2: {  	(erf) = vpow2.f32 v12;
	_ =	sdelay $0x3  }
0x3e3: {  	v13 =	vld [tilespmem:s8+$0xFFFFFFF0]  }
0x3e4: {  	v12 =	vld [tilespmem:s20+$0xFFFFFFF0];
	_ =	sdelay $0x2  }
0x3e5: {  	s13 =	simm.s32 $0x34F0  }
0x3e6: {  	s22 =	simm.s32 $0x6070;
	v15 =	vld [tilespmem:s13+$0x80];
	v14 =	vpop (erf)  }
0x3e7: {  	v16 =	vld [tilespmem:s22+$0x0];
	v12 =	vadd.f32 v12, v13;
	v13 =	vperm.xlane v14, v1;
	_ =	sdelay $0x1  }
0x3e8: {  	v17 =	vmul.f32 $2.000000030e-01, v12;
	v13 =	vadd.f32 v14, v13;
	_ =	sdelay $0x1  }
0x3e9: {  	v12 =	vmax.f32 v12, v17;
	v17 =	vperm.xlane v13, v2  }
0x3ea: {  	v15 =	vadd.f32 v16, v15  }
0x3eb: {  	v12 =	vmul.f32 $1.442695020e+00, v12;
	v13 =	vadd.f32 v13, v17  }
0x3ec: {  	v16 =	vmul.f32 $2.000000030e-01, v15  }
0x3ed: {  	(erf) = vpow2.f32 v12;
	v12 =	vperm.xlane v13, v3;
	_ =	sdelay $0x1  }
0x3ee: {  	v12 =	vadd.f32 v13, v12;
	v13 =	vmax.f32 v15, v16  }
0x3ef: {  	v13 =	vmul.f32 $1.442695020e+00, v13  }
0x3f0: {  	(erf) = vrcp.f32 v12  }
0x3f1: {  	(erf) = vpow2.f32 v13;
	_ =	sdelay $0x1  }
0x3f2: {  	v12 =	vld [tilespmem:s22+$0xFFFFFFF0]  }
0x3f3: {  	v13 =	vld [tilespmem:s13+$0xFFFFFFF0]  }
0x3f4: {  	v15 =	vpop (erf)  }
0x3f5: {  	v16 =	vperm.xlane v15, v1;
	_ =	sdelay $0x1  }
0x3f6: {  	v16 =	vadd.f32 v15, v16  }
0x3f7: {  	v12 =	vadd.f32 v12, v13;
	v13 =	vpop (erf)  }
0x3f8: {  	v17 =	vperm.xlane v16, v2;
	v19 =	vpop (erf)  }
0x3f9: {  	s14 =	simm.s32 $0x3610;
	v18 =	vmul.f32 $2.000000030e-01, v12;
	v20 =	vperm.xlane v19, v1  }
0x3fa: {  	s24 =	simm.s32 $0x6090;
	v16 =	vadd.f32 v16, v17;
	v17 =	vld [tilespmem:s14+$0x80]  }
0x3fb: {  	v12 =	vmax.f32 v12, v18;
	v18 =	vadd.f32 v19, v20;
	v20 =	vld [tilespmem:s24+$0x0]  }
0x3fc: {  	v14 =	vmul.f32 v13, v14;
	v12 =	vmul.f32 $1.442695020e+00, v12  }
0x3fd: {  	s15 =	simm.s32 $0x6670;
	v21 =	vperm.xlane v16, v3  }
0x3fe: {  	[tilespmem:s15+$0x80] =	vst v14;
	(erf) = vpow2.f32 v12;
	v12 =	vperm.xlane v18, v2  }
0x3ff: {  	v13 =	vadd.f32 v16, v21;
	v16 =	vld [tilespmem:s8+$0x0]  }
0x400: {  	v12 =	vadd.f32 v18, v12;
	v17 =	vadd.f32 v20, v17  }
0x401: {  	(erf) = vrcp.f32 v13;
	v18 =	vperm.xlane v14, v4  }
0x402: {  	v13 =	vperm.xlane v12, v3;
	v20 =	vmul.f32 $2.000000030e-01, v17;
	_ =	sdelay $0x1  }
0x403: {  	v12 =	vadd.f32 v12, v13;
	v13 =	vmul.f32 v16, v18;
	v16 =	vmax.f32 v17, v20  }
0x404: {  	v18 =	vld [tilespmem:s14+$0xFFFFFFF0]  }
0x405: {  	v17 =	vld [tilespmem:s24+$0xFFFFFFF0];
	[tilespmem:s15+$0x0] =	vst v13  }
0x406: {  	(erf) = vrcp.f32 v12;
	v12 =	vmul.f32 $1.442695020e+00, v16;
	v20 =	vld [tilespmem:s8+$0x10];
	v16 =	vpop (erf)  }
0x407: {  	v13 =	vperm.xlane v16, v1  }
0x408: {  	(erf) = vpow2.f32 v12  }
0x409: {  	v21 =	vperm.xlane v14, v5  }
0x40a: {  	v12 =	vadd.f32 v16, v13  }
0x40b: {  	v17 =	vadd.f32 v17, v18;
	v18 =	vmul.f32 v20, v21;
	v13 =	vpop (erf)  }
0x40c: {  	v13 =	vmul.f32 v13, v15;
	v15 =	vperm.xlane v12, v2;
	_ =	sdelay $0x1  }
0x40d: {  	[tilespmem:s15+$0xFFFFFFF0] =	vst v13;
	v12 =	vadd.f32 v12, v15;
	v15 =	vmul.f32 $2.000000030e-01, v17  }
0x40e: {  	[tilespmem:s15+$0x10] =	vst v18;
	v18 =	vpop (erf);
	v20 =	vld [tilespmem:s8+$0xFFFFFF70]  }
0x40f: {  	v22 =	vld [tilespmem:s8+$0x20];
	v21 =	vperm.xlane v12, v3;
	v15 =	vmax.f32 v17, v15;
	v17 =	vmul.f32 v18, v19  }
0x410: {  	s17 =	simm.s32 $0x6790;
	v19 =	vpop (erf);
	v15 =	vmul.f32 $1.442695020e+00, v15  }
0x411: {  	v18 =	vperm.xlane v13, v4;
	v12 =	vadd.f32 v12, v21;
	[tilespmem:s17+$0x80] =	vst v17;
	v21 =	vperm.xlane v19, v1  }
0x412: {  	s16 =	simm.s32 $0x3730;
	(erf) = vpow2.f32 v15;
	v15 =	vperm.xlane v14, v6;
	v23 =	vld [tilespmem:s13+$0x0]  }
0x413: {  	s28 =	simm.s32 $0x60B0;
	v18 =	vmul.f32 v20, v18;
	(erf) = vrcp.f32 v12;
	v12 =	vld [tilespmem:s16+$0x80];
	v20 =	vadd.f32 v19, v21  }
0x414: {  	v21 =	vld [tilespmem:s28+$0x0];
	v15 =	vmul.f32 v22, v15  }
0x415: {  	[tilespmem:s15+$0xFFFFFF70] =	vst v18;
	v18 =	vperm.xlane v20, v2  }
0x416: {  	v22 =	vld [tilespmem:s8+$0xFFFFFF80];
	[tilespmem:s15+$0x20] =	vst v15  }
0x417: {  	v15 =	vperm.xlane v17, v4;
	v24 =	vld [tilespmem:s8+$0x30];
	v18 =	vadd.f32 v20, v18  }
0x418: {  	v20 =	vperm.xlane v13, v5  }
0x419: {  	v15 =	vmul.f32 v23, v15;
	v12 =	vadd.f32 v21, v12;
	v21 =	vperm.xlane v18, v3  }
0x41a: {  	v23 =	vperm.xlane v14, v7  }
0x41b: {  	v27 =	vld [tilespmem:s16+$0xFFFFFFF0];
	[tilespmem:s17+$0x0] =	vst v15;
	v15 =	vmul.f32 v22, v20;
	v18 =	vadd.f32 v18, v21  }
0x41c: {  	v25 =	vmul.f32 $2.000000030e-01, v12;
	v22 =	vpop (erf);
	v21 =	vld [tilespmem:s28+$0xFFFFFFF0];
	v23 =	vmul.f32 v24, v23  }
0x41d: {  	v20 =	vld [tilespmem:s13+$0x10];
	v24 =	vperm.xlane v22, v1;
	[tilespmem:s15+$0xFFFFFF80] =	vst v15;
	(erf) = vrcp.f32 v18  }
0x41e: {  	v26 =	vpop (erf);
	v12 =	vmax.f32 v12, v25;
	v25 =	vld [tilespmem:s8+$0xFFFFFF90];
	[tilespmem:s15+$0x30] =	vst v23  }
0x41f: {  	v16 =	vmul.f32 v26, v16;
	v12 =	vmul.f32 $1.442695020e+00, v12;
	v24 =	vadd.f32 v22, v24;
	v28 =	vld [tilespmem:s8+$0x40]  }
0x420: {  	v15 =	vperm.xlane v17, v5;
	v23 =	vperm.xlane v13, v6  }
0x421: {  	(erf) = vpow2.f32 v12;
	v12 =	vperm.xlane v24, v2;
	v21 =	vadd.f32 v21, v27  }
0x422: {  	[tilespmem:s17+$0xFFFFFFF0] =	vst v16;
	v20 =	vmul.f32 v20, v15;
	v27 =	vperm.xlane v14, v8  }
0x423: {  	v44 =	vperm.xlane v14, v10;
	v29 =	vld [tilespmem:s13+$0xFFFFFF70];
	v12 =	vadd.f32 v24, v12;
	v24 =	vmul.f32 $2.000000030e-01, v21  }
0x424: {  	[tilespmem:s17+$0x10] =	vst v20;
	v23 =	vmul.f32 v25, v23;
	v25 =	vmul.f32 v28, v27  }
0x425: {  	v30 =	vperm.xlane v13, v8;
	v36 =	vperm.xlane v17, v7;
	v31 =	vld [tilespmem:s13+$0x20];
	v21 =	vmax.f32 v21, v24  }
0x426: {  	v20 =	vperm.xlane v16, v4;
	v27 =	vpop (erf);
	[tilespmem:s15+$0x40] =	vst v25;
	v25 =	vmul.f32 $1.442695020e+00, v21  }
0x427: {  	[tilespmem:s15+$0xFFFFFF90] =	vst v23;
	v23 =	vperm.xlane v12, v3;
	v21 =	vmul.f32 v27, v19  }
0x428: {  	s7 =	simm.s32 $0x68B0;
	v24 =	vperm.xlane v17, v6;
	v20 =	vmul.f32 v29, v20;
	v28 =	vld [tilespmem:s8+$0xFFFFFFA0]  }
0x429: {  	v48 =	vperm.xlane v17, v8;
	v26 =	vperm.xlane v13, v7;
	v19 =	vld [tilespmem:s8+$0x50];
	v12 =	vadd.f32 v12, v23;
	[tilespmem:s7+$0x80] =	vst v21  }
0x42a: {  	s29 =	simm.s32 $0x60D0;
	[tilespmem:s17+$0xFFFFFF70] =	vst v20;
	v20 =	vmul.f32 v31, v24;
	(erf) = vpow2.f32 v25;
	v25 =	vpop (erf);
	v27 =	vld [tilespmem:s14+$0x0]  }
0x42b: {  	v33 =	vld [tilespmem:s29+$0x0];
	(erf) = vrcp.f32 v12;
	v12 =	vperm.xlane v25, v1  }
0x42c: {  	s12 =	simm.s32 $0x3850;
	v32 =	vperm.xlane v16, v7;
	v24 =	vld [tilespmem:s13+$0xFFFFFF80];
	[tilespmem:s17+$0x20] =	vst v20;
	v20 =	vperm.xlane v14, v9  }
0x42d: {  	v34 =	vperm.xlane v21, v4;
	v26 =	vmul.f32 v28, v26;
	v28 =	vld [tilespmem:s12+$0x80];
	v12 =	vadd.f32 v25, v12  }
0x42e: {  	v23 =	vperm.xlane v16, v5;
	v31 =	vld [tilespmem:s13+$0x30];
	v19 =	vmul.f32 v19, v20  }
0x42f: {  	[tilespmem:s15+$0xFFFFFFA0] =	vst v26;
	v26 =	vperm.xlane v12, v2;
	v27 =	vmul.f32 v27, v34  }
0x430: {  	v37 =	vld [tilespmem:s29+$0xFFFFFFF0];
	v29 =	vperm.xlane v16, v6;
	v20 =	vperm.xlane v16, v8  }
0x431: {  	v39 =	vld [tilespmem:s12+$0xFFFFFFF0];
	v23 =	vmul.f32 v24, v23;
	[tilespmem:s15+$0x50] =	vst v19;
	v19 =	vperm.xlane v16, v9;
	v62 =	vadd.f32 v12, v26  }
0x432: {  	v24 =	vld [tilespmem:s8+$0x60];
	v26 =	vperm.xlane v16, v10;
	[tilespmem:s7+$0x0] =	vst v27;
	v12 =	vperm.xlane v16, v11;
	v16 =	vadd.f32 v33, v28  }
0x433: {  	v18 =	vperm.xlane v13, v10;
	[tilespmem:s17+$0xFFFFFF80] =	vst v23;
	v31 =	vmul.f32 v31, v36;
	v63 =	vld [tilespmem:s14+$0x10];
	v27 =	vpop (erf)  }
0x434: {  	v47 =	vld [tilespmem:s13+$0xFFFFFF90];
	v28 =	vperm.xlane v62, v3;
	v45 =	vmul.f32 $2.000000030e-01, v16;
	v38 =	vpop (erf)  }
0x435: {  	[tilespmem:s17+$0x30] =	vst v31;
	v40 =	vperm.xlane v27, v1;
	v31 =	vmul.f32 v38, v22  }
0x436: {  	v46 =	vperm.xlane v21, v5;
	v22 =	vld [tilespmem:s13+$0x40];
	v28 =	vadd.f32 v62, v28;
	v16 =	vmax.f32 v16, v45  }
0x437: {  	v23 =	vmul.f32 v24, v44;
	v24 =	vadd.f32 v27, v40;
	v16 =	vmul.f32 $1.442695020e+00, v16;
	[tilespmem:s7+$0xFFFFFFF0] =	vst v31  }
0x438: {  	(erf) = vrcp.f32 v28;
	v33 =	vmul.f32 v63, v46;
	v28 =	vld [tilespmem:s14+$0xFFFFFF70]  }
0x439: {  	v49 =	vadd.f32 v37, v39;
	v35 =	vld [tilespmem:s8+$0xFFFFFFB0];
	v29 =	vmul.f32 v47, v29;
	[tilespmem:s15+$0x60] =	vst v23;
	v23 =	vperm.xlane v24, v2  }
0x43a: {  	v50 =	vld [tilespmem:s8+$0x70];
	(erf) = vpow2.f32 v16;
	v16 =	vperm.xlane v31, v4;
	[tilespmem:s7+$0x10] =	vst v33  }
0x43b: {  	v22 =	vmul.f32 v22, v48;
	v23 =	vadd.f32 v24, v23;
	v24 =	vmul.f32 $2.000000030e-01, v49;
	v33 =	vld [tilespmem:s14+$0x20]  }
0x43c: {  	v15 =	vperm.xlane v13, v9;
	v14 =	vperm.xlane v14, v11;
	[tilespmem:s17+$0xFFFFFF90] =	vst v29  }
0x43d: {  	[tilespmem:s17+$0x40] =	vst v22;
	v22 =	vmax.f32 v49, v24;
	v16 =	vmul.f32 v28, v16;
	v28 =	vperm.xlane v23, v3  }
0x43e: {  	v29 =	vperm.xlane v21, v6;
	v52 =	vld [tilespmem:s13+$0xFFFFFFA0];
	v24 =	vmul.f32 $1.442695020e+00, v22  }
0x43f: {  	s0 =	simm.s32 $0x3970;
	v30 =	vmul.f32 v35, v30;
	v51 =	vld [tilespmem:s13+$0x50];
	v22 =	vmul.f32 v50, v14;
	v14 =	vadd.f32 v23, v28  }
0x440: {  	v56 =	vld [tilespmem:s0+$0x80];
	[tilespmem:s7+$0xFFFFFF70] =	vst v16;
	(erf) = vpow2.f32 v24;
	v24 =	vmul.f32 v33, v29  }
0x441: {  	v57 =	vperm.xlane v21, v7;
	[tilespmem:s15+$0xFFFFFFB0] =	vst v30;
	v28 =	vld [tilespmem:s14+$0xFFFFFF80];
	v16 =	vpop (erf);
	(erf) = vrcp.f32 v14  }
0x442: {  	v23 =	vperm.xlane v17, v9;
	v14 =	vld [tilespmem:s8+$0xFFFFFFC0];
	[tilespmem:s7+$0x20] =	vst v24;
	v16 =	vmul.f32 v16, v25  }
0x443: {  	s4 =	simm.s32 $0x60F0;
	s20 =	simm.s32 $0x69D0;
	v30 =	vperm.xlane v31, v9;
	v32 =	vmul.f32 v52, v32;
	v53 =	vld [tilespmem:s14+$0x30]  }
0x444: {  	v42 =	vld [tilespmem:s4+$0xFFFFFFF0];
	v25 =	vperm.xlane v31, v5;
	v23 =	vmul.f32 v51, v23;
	v33 =	vpop (erf);
	[tilespmem:s20+$0x80] =	vst v16  }
0x445: {  	v29 =	vperm.xlane v31, v7;
	v54 =	vperm.xlane v33, v1;
	v55 =	vld [tilespmem:s16+$0x0]  }
0x446: {  	v44 =	vld [tilespmem:s0+$0xFFFFFFF0];
	v24 =	vperm.xlane v31, v6;
	[tilespmem:s17+$0x50] =	vst v23;
	v25 =	vmul.f32 v28, v25  }
0x447: {  	v23 =	vperm.xlane v31, v8;
	v28 =	vld [tilespmem:s13+$0x60];
	v34 =	vadd.f32 v33, v54;
	v58 =	vmul.f32 v14, v15  }
0x448: {  	v14 =	vperm.xlane v16, v4;
	[tilespmem:s7+$0xFFFFFF80] =	vst v25;
	v25 =	vld [tilespmem:s4+$0x0];
	v35 =	vmul.f32 v53, v57  }
0x449: {  	v15 =	vperm.xlane v31, v10;
	v41 =	vperm.xlane v34, v2;
	v38 =	vpop (erf)  }
0x44a: {  	v59 =	vld [tilespmem:s14+$0xFFFFFF90];
	[tilespmem:s7+$0x30] =	vst v35;
	v36 =	vmul.f32 v55, v14;
	v14 =	vperm.xlane v31, v11;
	v43 =	vpop (erf)  }
0x44b: {  	v34 =	vadd.f32 v34, v41;
	v31 =	vperm.xlane v17, v10;
	v41 =	vmul.f32 v43, v27;
	v27 =	vld [tilespmem:s14+$0x40]  }
0x44c: {  	v13 =	vperm.xlane v13, v11;
	v42 =	vadd.f32 v42, v44;
	v60 =	vperm.xlane v38, v1;
	[tilespmem:s20+$0x0] =	vst v36  }
0x44d: {  	[tilespmem:s17+$0xFFFFFFA0] =	vst v32;
	v28 =	vmul.f32 v28, v31;
	v25 =	vadd.f32 v25, v56;
	v31 =	vperm.xlane v34, v3;
	v61 =	vld [tilespmem:s16+$0x10]  }
0x44e: {  	v49 =	vperm.xlane v21, v8;
	v62 =	vld [tilespmem:s13+$0xFFFFFFB0];
	v51 =	vperm.xlane v16, v5;
	v35 =	vadd.f32 v38, v60  }
0x44f: {  	v24 =	vmul.f32 v59, v24;
	[tilespmem:s17+$0x60] =	vst v28;
	v48 =	vmul.f32 $2.000000030e-01, v25;
	v31 =	vadd.f32 v34, v31  }
0x450: {  	[tilespmem:s20+$0xFFFFFFF0] =	vst v41;
	v45 =	vperm.xlane v35, v2;
	v50 =	vld [tilespmem:s13+$0x70];
	v27 =	vmul.f32 v27, v49  }
0x451: {  	v52 =	vmul.f32 $2.000000030e-01, v42;
	[tilespmem:s7+$0xFFFFFF90] =	vst v24;
	v25 =	vmax.f32 v25, v48;
	(erf) = vrcp.f32 v31  }
0x452: {  	v28 =	vld [tilespmem:s16+$0xFFFFFF70];
	v24 =	vmul.f32 $1.442695020e+00, v25;
	v25 =	vmul.f32 v61, v51;
	[tilespmem:s7+$0x40] =	vst v27;
	v27 =	vadd.f32 v35, v45  }
0x453: {  	v20 =	vmul.f32 v62, v20;
	v17 =	vperm.xlane v17, v11;
	v31 =	vld [tilespmem:s14+$0xFFFFFFA0]  }
0x454: {  	(erf) = vpow2.f32 v24;
	v24 =	vld [tilespmem:s14+$0x50];
	[tilespmem:s20+$0x10] =	vst v25;
	v53 =	vperm.xlane v27, v3  }
0x455: {  	v32 =	vmax.f32 v42, v52;
	v63 =	vperm.xlane v41, v4;
	v25 =	vmul.f32 v50, v17;
	v17 =	vld [tilespmem:s16+$0x20]  }
0x456: {  	s11 =	simm.s32 $0x3A90;
	v32 =	vmul.f32 $1.442695020e+00, v32;
	[tilespmem:s17+$0xFFFFFFB0] =	vst v20;
	v55 =	vperm.xlane v21, v9;
	v20 =	vadd.f32 v27, v53  }
0x457: {  	v62 =	vld [tilespmem:s11+$0x80];
	[tilespmem:s15+$0xFFFFFFC0] =	vst v58;
	v49 =	vperm.xlane v16, v8;
	v28 =	vmul.f32 v28, v63  }
0x458: {  	v56 =	vld [tilespmem:s8+$0xFFFFFFD0];
	v27 =	vmul.f32 v31, v29;
	v29 =	vperm.xlane v16, v6  }
0x459: {  	v48 =	vld [tilespmem:s11+$0xFFFFFFF0];
	(erf) = vpow2.f32 v32;
	[tilespmem:s20+$0xFFFFFF70] =	vst v28;
	v24 =	vmul.f32 v24, v55  }
0x45a: {  	v54 =	vld [tilespmem:s16+$0xFFFFFF80];
	(erf) = vrcp.f32 v20;
	[tilespmem:s7+$0xFFFFFFA0] =	vst v27;
	v20 =	vpop (erf);
	v27 =	vmul.f32 v17, v29  }
0x45b: {  	v35 =	vperm.xlane v41, v8;
	v31 =	vld [tilespmem:s13+$0xFFFFFFC0];
	[tilespmem:s7+$0x50] =	vst v24;
	v17 =	vmul.f32 v20, v33  }
0x45c: {  	s4 =	simm.s32 $0x6AF0;
	v61 =	vperm.xlane v21, v10;
	v21 =	vperm.xlane v21, v11;
	[tilespmem:s20+$0x20] =	vst v27;
	v27 =	vld [tilespmem:s14+$0x60]  }
0x45d: {  	v32 =	vmul.f32 v56, v18;
	v28 =	vperm.xlane v41, v5;
	v33 =	vpop (erf);
	[tilespmem:s4+$0x80] =	vst v17;
	v58 =	vld [tilespmem:s16+$0x30]  }
0x45e: {  	v18 =	vperm.xlane v16, v7;
	v59 =	vperm.xlane v33, v1;
	v60 =	vld [tilespmem:s12+$0x0]  }
0x45f: {  	s22 =	simm.s32 $0x6110;
	v57 =	vld [tilespmem:s14+$0xFFFFFFB0];
	v29 =	vperm.xlane v41, v6;
	v28 =	vmul.f32 v54, v28  }
0x460: {  	v63 =	vld [tilespmem:s22+$0x0];
	v24 =	vperm.xlane v41, v7;
	v20 =	vperm.xlane v41, v9;
	v37 =	vadd.f32 v33, v59  }
0x461: {  	v53 =	vld [tilespmem:s22+$0xFFFFFFF0];
	[tilespmem:s20+$0xFFFFFF80] =	vst v28;
	v52 =	vperm.xlane v17, v4;
	v40 =	vmul.f32 v27, v61  }
0x462: {  	[tilespmem:s15+$0x70] =	vst v22;
	v28 =	vld [tilespmem:s16+$0xFFFFFF90];
	v46 =	vperm.xlane v37, v2;
	v36 =	vmul.f32 v58, v18  }
0x463: {  	v31 =	vmul.f32 v31, v19;
	v27 =	vpop (erf);
	v39 =	vmul.f32 v60, v52;
	[tilespmem:s7+$0x60] =	vst v40  }
0x464: {  	v19 =	vperm.xlane v41, v10;
	v23 =	vmul.f32 v57, v23;
	v47 =	vpop (erf);
	v37 =	vadd.f32 v37, v46;
	[tilespmem:s20+$0x30] =	vst v36  }
0x465: {  	v57 =	vadd.f32 v63, v62;
	v54 =	vperm.xlane v27, v1;
	v40 =	vmul.f32 v47, v38;
	[tilespmem:s4+$0x0] =	vst v39;
	v56 =	vld [tilespmem:s16+$0x40]  }
0x466: {  	v22 =	vadd.f32 v53, v48;
	v50 =	vperm.xlane v17, v5;
	[tilespmem:s17+$0xFFFFFFC0] =	vst v31;
	v58 =	vperm.xlane v37, v3;
	v60 =	vld [tilespmem:s12+$0x10]  }
0x467: {  	v63 =	vmul.f32 $2.000000030e-01, v57;
	v28 =	vmul.f32 v28, v29;
	v55 =	vld [tilespmem:s14+$0x70];
	v29 =	vadd.f32 v27, v54;
	[tilespmem:s4+$0xFFFFFFF0] =	vst v40  }
0x468: {  	[tilespmem:s7+$0xFFFFFFB0] =	vst v23;
	v18 =	vperm.xlane v41, v11;
	v52 =	vmul.f32 $2.000000030e-01, v22;
	v62 =	vld [tilespmem:s12+$0xFFFFFF70];
	v37 =	vadd.f32 v37, v58  }
0x469: {  	v31 =	vld [tilespmem:s14+$0xFFFFFFC0];
	v59 =	vperm.xlane v40, v4;
	[tilespmem:s20+$0xFFFFFF90] =	vst v28;
	v28 =	vmax.f32 v57, v63;
	v61 =	vperm.xlane v29, v2  }
0x46a: {  	v22 =	vmax.f32 v22, v52;
	(erf) = vrcp.f32 v37;
	v34 =	vmul.f32 v56, v49  }
0x46b: {  	[tilespmem:s17+$0x70] =	vst v25;
	v51 =	vld [tilespmem:s16+$0xFFFFFFA0];
	v25 =	vmul.f32 $1.442695020e+00, v28;
	v28 =	vadd.f32 v29, v61;
	v29 =	vmul.f32 v60, v50  }
0x46c: {  	v22 =	vmul.f32 $1.442695020e+00, v22;
	v21 =	vmul.f32 v55, v21;
	[tilespmem:s20+$0x40] =	vst v34  }
0x46d: {  	(erf) = vpow2.f32 v25;
	v53 =	vmul.f32 v62, v59;
	[tilespmem:s4+$0x10] =	vst v29;
	v55 =	vld [tilespmem:s16+$0x50]  }
0x46e: {  	v63 =	vmul.f32 v31, v30;
	v54 =	vperm.xlane v28, v3;
	v57 =	vld [tilespmem:s12+$0x20]  }
0x46f: {  	v56 =	vperm.xlane v40, v5;
	v25 =	vperm.xlane v40, v7;
	v59 =	vld [tilespmem:s13+$0xFFFFFFD0];
	[tilespmem:s4+$0xFFFFFF70] =	vst v53  }
0x470: {  	v24 =	vmul.f32 v51, v24;
	v23 =	vadd.f32 v28, v54;
	v28 =	vperm.xlane v16, v9;
	v58 =	vld [tilespmem:s12+$0xFFFFFF80]  }
0x471: {  	[tilespmem:s15+$0xFFFFFFD0] =	vst v32;
	(erf) = vpow2.f32 v22;
	v22 =	vperm.xlane v17, v6  }
0x472: {  	[tilespmem:s20+$0xFFFFFFA0] =	vst v24;
	(erf) = vrcp.f32 v23;
	v60 =	vmul.f32 v55, v28  }
0x473: {  	[tilespmem:s7+$0x70] =	vst v21;
	v29 =	vperm.xlane v40, v6;
	v62 =	vld [tilespmem:s16+$0xFFFFFFB0];
	v21 =	vpop (erf);
	v61 =	vmul.f32 v57, v22  }
0x474: {  	v24 =	vperm.xlane v40, v8;
	v28 =	vld [tilespmem:s8+$0xFFFFFFE0];
	v23 =	vmul.f32 v21, v33;
	[tilespmem:s20+$0x50] =	vst v60  }
0x475: {  	v37 =	vmul.f32 v59, v26;
	s8 =	simm.s32 $0x6C10;
	v36 =	vmul.f32 v58, v56;
	[tilespmem:s4+$0x20] =	vst v61;
	v32 =	vld [tilespmem:s16+$0x60]  }
0x476: {  	v26 =	vperm.xlane v40, v11;
	v22 =	vperm.xlane v40, v9;
	v30 =	vpop (erf);
	[tilespmem:s8+$0x80] =	vst v23;
	v33 =	vld [tilespmem:s12+$0x30]  }
0x477: {  	v21 =	vperm.xlane v40, v10;
	v31 =	vperm.xlane v30, v1;
	[tilespmem:s4+$0xFFFFFF80] =	vst v36;
	v38 =	vld [tilespmem:s0+$0x0]  }
0x478: {  	s9 =	simm.s32 $0x3BB0;
	s24 =	simm.s32 $0xC;
	[tilespmem:s7+$0xFFFFFFC0] =	vst v63;
	v35 =	vmul.f32 v62, v35;
	v36 =	vperm.xlane v16, v10;
	v34 =	vld [tilespmem:s12+$0xFFFFFF90]  }
.LBB2_12:
0x479: {  	v39 =	vld [tilespmem:s9+$0x80];
	v31 =	vadd.f32 v30, v31;
	s22 =	sadd.s32 $0x20, s22;
	v40 =	vperm.xlane v17, v7;
	[tilespmem:s17+$0xFFFFFFD0] =	vst v37;
	v28 =	vmul.f32 v28, v13  }
0x47a: {  	s24 =	sadd.s32 $0x2, s24;
	v42 =	vperm.xlane v23, v4;
	v13 =	vmov v12;
	v37 =	vld [tilespmem:s22+$0x0];
	v41 =	vpop (erf);
	[tilespmem:s20+$0xFFFFFFB0] =	vst v35;
	v32 =	vmul.f32 v32, v36  }
0x47b: {  	v12 =	vmov v14;
	p0 =	slt.u32 s24, $0x4E;
	v35 =	vld [tilespmem:s22+$0xFFFFFFF0];
	v36 =	vperm.xlane v31, v2;
	v43 =	vpop (erf);
	v33 =	vmul.f32 v33, v40;
	[tilespmem:s15+$0xFFFFFFE0] =	vst v28;
	s15 =	smov.u32 s17;
	s17 =	smov.u32 s7  }
0x47c: {  	v14 =	vmovc v18;
	v18 =	vmov v26;
	v40 =	vperm.xlane v41, v1;
	s7 =	smov.u32 s20;
	v28 =	vld [tilespmem:s9+$0xFFFFFFF0];
	v38 =	vmul.f32 v38, v42;
	[tilespmem:s20+$0x60] =	vst v32;
	s20 =	smov.u32 s4;
	s4 =	smov.u32 s8  }
0x47d: {  	v26 =	vadd.f32 v31, v36;
	v36 =	vmul.f32 v43, v27;
	v29 =	vmul.f32 v34, v29;
	[tilespmem:s20+$0x30] =	vst v33;
	v31 =	vld [tilespmem:s16+$0x70]  }
0x47e: {  	v32 =	vadd.f32 v41, v40;
	v27 =	vmov v41;
	[tilespmem:s8+$0x0] =	vst v38;
	v33 =	vld [tilespmem:s12+$0x40]  }
0x47f: {  	v34 =	vadd.f32 v37, v39;
	v37 =	vperm.xlane v26, v3;
	[tilespmem:s8+$0xFFFFFFF0] =	vst v36;
	v38 =	vperm.xlane v36, v4;
	v39 =	vld [tilespmem:s0+$0x10]  }
0x480: {  	v40 =	vperm.xlane v32, v2;
	v41 =	vld [tilespmem:s0+$0xFFFFFF70];
	[tilespmem:s20+$0xFFFFFF90] =	vst v29;
	v29 =	vperm.xlane v16, v11;
	v16 =	vmovc v17;
	v17 =	vmov v23  }
0x481: {  	v23 =	vmul.f32 $2.000000030e-01, v34;
	v26 =	vadd.f32 v26, v37;
	v37 =	vld [tilespmem:s12+$0xFFFFFFA0];
	v42 =	vperm.xlane v16, v8  }
0x482: {  	v35 =	vadd.f32 v35, v28;
	v28 =	vperm.xlane v17, v5;
	v43 =	vld [tilespmem:s16+$0xFFFFFFC0];
	v29 =	vmul.f32 v31, v29  }
0x483: {  	v23 =	vmax.f32 v34, v23;
	(erf) = vrcp.f32 v26;
	v26 =	vmul.f32 v33, v42;
	v31 =	vld [tilespmem:s14+$0xFFFFFFD0]  }
0x484: {  	v32 =	vadd.f32 v32, v40;
	v23 =	vmul.f32 $1.442695020e+00, v23;
	v33 =	vmul.f32 v39, v28;
	[tilespmem:s7+$0x70] =	vst v29;
	v28 =	vld [tilespmem:s13+$0xFFFFFFE0];
	s13 =	smov.u32 s14;
	s14 =	smov.u32 s16;
	s16 =	smov.u32 s12  }
0x485: {  	v29 =	vmul.f32 $2.000000030e-01, v35;
	s12 =	smov.u32 s0;
	s0 =	smov.u32 s11;
	s11 =	smov.u32 s9;
	v34 =	vmul.f32 v41, v38;
	[tilespmem:s20+$0x40] =	vst v26  }
0x486: {  	(erf) = vpow2.f32 v23;
	v23 =	vperm.xlane v32, v3;
	[tilespmem:s8+$0x10] =	vst v33;
	v26 =	vld [tilespmem:s16+$0x50]  }
0x487: {  	v33 =	vmax.f32 v35, v29;
	v29 =	vperm.xlane v36, v6;
	[tilespmem:s8+$0xFFFFFF70] =	vst v34;
	v34 =	vperm.xlane v36, v5;
	v35 =	vld [tilespmem:s12+$0x20]  }
0x488: {  	v38 =	vperm.xlane v36, v7;
	v33 =	vmul.f32 $1.442695020e+00, v33;
	v23 =	vadd.f32 v32, v23;
	v32 =	vld [tilespmem:s12+$0xFFFFFF80]  }
0x489: {  	v39 =	vperm.xlane v16, v9;
	v37 =	vmul.f32 v37, v25  }
0x48a: {  	v25 =	vmov v38;
	(erf) = vpow2.f32 v33;
	v33 =	vperm.xlane v17, v6  }
0x48b: {  	(erf) = vrcp.f32 v23;
	[tilespmem:s20+$0xFFFFFFA0] =	vst v37;
	v26 =	vmul.f32 v26, v39  }
0x48c: {  	v39 =	vperm.xlane v36, v8;
	v23 =	vpop (erf);
	v33 =	vmul.f32 v35, v33;
	v35 =	vld [tilespmem:s16+$0xFFFFFFB0]  }
.Ltmp5:
0x48d: {  	v23 =	vmul.f32 v23, v30;
	v34 =	vmul.f32 v32, v34;
	[tilespmem:s20+$0x50] =	vst v26;
	(pc) =	sbr.rel @p0 .LBB2_12-.Ltmp5, $4  }
0x48e: {  	s8 =	sadd.s32 $0x120, s8;
	v40 =	vmul.f32 v43, v20;
	v20 =	vmov v22;
	v22 =	vperm.xlane v36, v9;
	[tilespmem:s4+$0x20] =	vst v33;
	v32 =	vld [tilespmem:s16+$0x60]  }
0x48f: {  	v41 =	vperm.xlane v36, v10;
	v37 =	vmul.f32 v31, v15;
	v15 =	vmov v19;
	v30 =	vpop (erf);
	[tilespmem:s8+$0x80] =	vst v23;
	v33 =	vld [tilespmem:s12+$0x30]  }
0x490: {  	v19 =	vmov v21;
	v26 =	vperm.xlane v36, v11;
	v31 =	vperm.xlane v30, v1;
	v38 =	vld [tilespmem:s0+$0x0];
	[tilespmem:s4+$0xFFFFFF80] =	vst v34  }
0x491: {  	s9 =	sadd.s32 $0x120, s9;
	v21 =	vmovc v41;
	v36 =	vperm.xlane v16, v10;
	v34 =	vld [tilespmem:s12+$0xFFFFFF90];
	v35 =	vmul.f32 v35, v24;
	[tilespmem:s7+$0xFFFFFFC0] =	vst v40;
	v24 =	vmov v39  }
0x492: {  	_ = 	snop  }
0x493: {  	v31 =	vadd.f32 v30, v31;
	v39 =	vpop (erf)  }
0x494: {  	v40 =	vperm.xlane v39, v1  }
0x495: {  	v41 =	vperm.xlane v31, v2  }
0x496: {  	v40 =	vadd.f32 v39, v40  }
0x497: {  	v31 =	vadd.f32 v31, v41  }
0x498: {  	v48 =	vperm.xlane v40, v2  }
0x499: {  	v42 =	vperm.xlane v31, v3  }
0x49a: {  	v40 =	vadd.f32 v40, v48  }
0x49b: {  	v31 =	vadd.f32 v31, v42  }
0x49c: {  	v41 =	vperm.xlane v40, v3  }
0x49d: {  	(erf) = vrcp.f32 v31  }
0x49e: {  	v31 =	vadd.f32 v40, v41;
	_ =	sdelay $0x1  }
0x49f: {  	(erf) = vrcp.f32 v31;
	_ =	sdelay $0x4  }
0x4a0: {  	v49 =	vpop (erf)  }
0x4a1: {  	v31 =	vpop (erf)  }
0x4a2: {  	v31 =	vmul.f32 v31, v30  }
0x4a3: {  	s22 =	sadd.s32 $0x120, s8  }
0x4a4: {  	v27 =	vmul.f32 v49, v27;
	[tilespmem:s22+$0x80] =	vst v31;
	v30 =	vpop (erf)  }
0x4a5: {  	v50 =	vld [tilespmem:s11+$0x0];
	v30 =	vmul.f32 v30, v39  }
0x4a6: {  	v51 =	vperm.xlane v23, v4;
	[tilespmem:s8+$0xFFFFFFF0] =	vst v27  }
0x4a7: {  	v52 =	vld [tilespmem:s0+$0xFFFFFF70];
	[tilespmem:s22+$0xFFFFFFF0] =	vst v30  }
0x4a8: {  	v38 =	vmul.f32 v38, v51;
	v53 =	vperm.xlane v31, v4;
	v54 =	vld [tilespmem:s11+$0xFFFFFF70];
	_ =	sdelay $0x1  }
0x4a9: {  	[tilespmem:s8+$0x0] =	vst v38;
	v55 =	vperm.xlane v27, v4;
	v39 =	vmul.f32 v50, v53  }
0x4aa: {  	v56 =	vld [tilespmem:s0+$0x10];
	v43 =	vperm.xlane v30, v4  }
0x4ab: {  	v38 =	vmul.f32 v52, v55;
	[tilespmem:s22+$0x0] =	vst v39  }
0x4ac: {  	v39 =	vld [tilespmem:s11+$0x10];
	v57 =	vmul.f32 v54, v43  }
0x4ad: {  	v58 =	vperm.xlane v23, v5;
	[tilespmem:s8+$0xFFFFFF70] =	vst v38  }
0x4ae: {  	v38 =	vld [tilespmem:s0+$0xFFFFFF80];
	[tilespmem:s22+$0xFFFFFF70] =	vst v57  }
0x4af: {  	v40 =	vmul.f32 v56, v58;
	v59 =	vperm.xlane v31, v5;
	v60 =	vld [tilespmem:s11+$0xFFFFFF80];
	_ =	sdelay $0x1  }
0x4b0: {  	v61 =	vperm.xlane v27, v5;
	[tilespmem:s8+$0x10] =	vst v40;
	v39 =	vmul.f32 v39, v59  }
0x4b1: {  	v62 =	vld [tilespmem:s0+$0x20];
	v63 =	vperm.xlane v30, v5  }
0x4b2: {  	v38 =	vmul.f32 v38, v61;
	[tilespmem:s22+$0x10] =	vst v39  }
0x4b3: {  	v39 =	vld [tilespmem:s11+$0x20];
	v45 =	vmul.f32 v60, v63  }
0x4b4: {  	v46 =	vperm.xlane v23, v6;
	[tilespmem:s8+$0xFFFFFF80] =	vst v38  }
0x4b5: {  	v38 =	vld [tilespmem:s0+$0xFFFFFF90];
	[tilespmem:s22+$0xFFFFFF80] =	vst v45  }
0x4b6: {  	v47 =	vmul.f32 v62, v46;
	v48 =	vperm.xlane v31, v6;
	v49 =	vld [tilespmem:s11+$0xFFFFFF90];
	_ =	sdelay $0x1  }
0x4b7: {  	[tilespmem:s8+$0x20] =	vst v47;
	v50 =	vperm.xlane v27, v6;
	v39 =	vmul.f32 v39, v48  }
0x4b8: {  	[tilespmem:s17+$0xFFFFFFD0] =	vst v37;
	v29 =	vmul.f32 v34, v29;
	v51 =	vld [tilespmem:s0+$0x30];
	v52 =	vperm.xlane v30, v6  }
0x4b9: {  	v53 =	vperm.xlane v17, v7;
	v38 =	vmul.f32 v38, v50;
	[tilespmem:s22+$0x20] =	vst v39  }
0x4ba: {  	[tilespmem:s4+$0xFFFFFF90] =	vst v29;
	v29 =	vld [tilespmem:s11+$0x30];
	v37 =	vmul.f32 v49, v52  }
0x4bb: {  	v55 =	vperm.xlane v23, v7;
	v33 =	vmul.f32 v33, v53;
	v54 =	vld [tilespmem:s12+$0xFFFFFFA0];
	[tilespmem:s8+$0xFFFFFF90] =	vst v38  }
0x4bc: {  	v38 =	vld [tilespmem:s0+$0xFFFFFFA0];
	[tilespmem:s22+$0xFFFFFF90] =	vst v37  }
0x4bd: {  	v56 =	vmul.f32 v51, v55;
	[tilespmem:s4+$0x30] =	vst v33;
	v57 =	vperm.xlane v31, v7;
	v37 =	vld [tilespmem:s11+$0xFFFFFFA0]  }
0x4be: {  	[tilespmem:s20+$0xFFFFFFB0] =	vst v35;
	v32 =	vmul.f32 v32, v36;
	v58 =	vld [tilespmem:s12+$0x40]  }
0x4bf: {  	[tilespmem:s8+$0x30] =	vst v56;
	v59 =	vperm.xlane v27, v7;
	v29 =	vmul.f32 v29, v57  }
0x4c0: {  	[tilespmem:s20+$0x60] =	vst v32;
	v61 =	vperm.xlane v30, v7;
	v25 =	vmul.f32 v54, v25;
	v60 =	vld [tilespmem:s0+$0x40]  }
0x4c1: {  	v62 =	vld [tilespmem:s16+$0x70];
	v36 =	vmul.f32 v38, v59;
	v63 =	vperm.xlane v17, v8;
	[tilespmem:s22+$0x30] =	vst v29  }
0x4c2: {  	[tilespmem:s4+$0xFFFFFFA0] =	vst v25;
	v25 =	vld [tilespmem:s11+$0x40];
	v29 =	vmul.f32 v37, v61  }
0x4c3: {  	v42 =	vperm.xlane v23, v8;
	v41 =	vld [tilespmem:s12+$0xFFFFFFB0];
	[tilespmem:s8+$0xFFFFFFA0] =	vst v36;
	v40 =	vmul.f32 v58, v63  }
0x4c4: {  	v13 =	vmul.f32 v28, v13;
	v16 =	vperm.xlane v16, v11;
	v28 =	vld [tilespmem:s0+$0xFFFFFFB0];
	[tilespmem:s22+$0xFFFFFFA0] =	vst v29  }
0x4c5: {  	v43 =	vperm.xlane v31, v8;
	[tilespmem:s4+$0x40] =	vst v40;
	v29 =	vmul.f32 v60, v42;
	v44 =	vld [tilespmem:s11+$0xFFFFFFB0]  }
0x4c6: {  	[tilespmem:s15+$0xFFFFFFE0] =	vst v13;
	v13 =	vmul.f32 v62, v16;
	v16 =	vld [tilespmem:s12+$0x50]  }
0x4c7: {  	v46 =	vperm.xlane v27, v8;
	v45 =	vld [tilespmem:s16+$0xFFFFFFC0];
	[tilespmem:s8+$0x40] =	vst v29;
	v25 =	vmul.f32 v25, v43  }
0x4c8: {  	[tilespmem:s20+$0x70] =	vst v13;
	v13 =	vmul.f32 v41, v24;
	v29 =	vperm.xlane v30, v8;
	v24 =	vld [tilespmem:s0+$0x50]  }
0x4c9: {  	v47 =	vld [tilespmem:s14+$0xFFFFFFD0];
	v48 =	vperm.xlane v17, v9;
	v28 =	vmul.f32 v28, v46;
	[tilespmem:s22+$0x40] =	vst v25  }
0x4ca: {  	[tilespmem:s4+$0xFFFFFFB0] =	vst v13;
	v13 =	vld [tilespmem:s11+$0x50];
	v25 =	vmul.f32 v44, v29  }
0x4cb: {  	v49 =	vperm.xlane v23, v9;
	[tilespmem:s8+$0xFFFFFFB0] =	vst v28;
	v16 =	vmul.f32 v16, v48;
	v29 =	vld [tilespmem:s12+$0xFFFFFFC0]  }
0x4cc: {  	v20 =	vmul.f32 v45, v20;
	v28 =	vld [tilespmem:s0+$0xFFFFFFC0];
	[tilespmem:s22+$0xFFFFFFB0] =	vst v25  }
0x4cd: {  	[tilespmem:s4+$0x50] =	vst v16;
	v16 =	vmul.f32 v24, v49;
	v24 =	vperm.xlane v31, v9;
	v25 =	vld [tilespmem:s11+$0xFFFFFFC0]  }
0x4ce: {  	v15 =	vmul.f32 v47, v15;
	[tilespmem:s20+$0xFFFFFFC0] =	vst v20;
	v50 =	vld [tilespmem:s12+$0x60]  }
0x4cf: {  	v51 =	vperm.xlane v27, v9;
	v20 =	vld [tilespmem:s13+$0xFFFFFFE0];
	[tilespmem:s8+$0x50] =	vst v16;
	v13 =	vmul.f32 v13, v24  }
0x4d0: {  	[tilespmem:s7+$0xFFFFFFD0] =	vst v15;
	v15 =	vperm.xlane v30, v9;
	v16 =	vld [tilespmem:s0+$0x60];
	v22 =	vmul.f32 v29, v22  }
0x4d1: {  	v24 =	vperm.xlane v17, v10;
	v29 =	vld [tilespmem:s16+$0xFFFFFFD0];
	[tilespmem:s22+$0x50] =	vst v13;
	v13 =	vmul.f32 v28, v51  }
0x4d2: {  	[tilespmem:s4+$0xFFFFFFC0] =	vst v22;
	v22 =	vld [tilespmem:s11+$0x60];
	v15 =	vmul.f32 v25, v15  }
0x4d3: {  	v24 =	vmul.f32 v50, v24;
	v25 =	vperm.xlane v23, v10;
	v28 =	vld [tilespmem:s12+$0xFFFFFFD0];
	[tilespmem:s8+$0xFFFFFFC0] =	vst v13  }
0x4d4: {  	v12 =	vmul.f32 v20, v12;
	v13 =	vld [tilespmem:s0+$0xFFFFFFD0];
	[tilespmem:s22+$0xFFFFFFC0] =	vst v15  }
0x4d5: {  	[tilespmem:s4+$0x60] =	vst v24;
	v15 =	vmul.f32 v16, v25;
	v16 =	vperm.xlane v31, v10;
	v20 =	vld [tilespmem:s11+$0xFFFFFFD0]  }
0x4d6: {  	[tilespmem:s17+$0xFFFFFFE0] =	vst v12;
	v12 =	vld [tilespmem:s12+$0x70];
	v19 =	vmul.f32 v29, v19  }
0x4d7: {  	v24 =	vperm.xlane v27, v10;
	v25 =	vld [tilespmem:s14+$0xFFFFFFE0];
	[tilespmem:s8+$0x60] =	vst v15;
	v15 =	vmul.f32 v22, v16  }
0x4d8: {  	v16 =	vperm.xlane v30, v10;
	[tilespmem:s20+$0xFFFFFFD0] =	vst v19;
	v19 =	vld [tilespmem:s0+$0x70];
	v21 =	vmul.f32 v28, v21  }
0x4d9: {  	v17 =	vperm.xlane v17, v11;
	v22 =	vld [tilespmem:s16+$0xFFFFFFE0];
	[tilespmem:s22+$0x60] =	vst v15;
	v13 =	vmul.f32 v13, v24  }
0x4da: {  	[tilespmem:s4+$0xFFFFFFD0] =	vst v21;
	v15 =	vld [tilespmem:s11+$0x70];
	v16 =	vmul.f32 v20, v16  }
0x4db: {  	v12 =	vmul.f32 v12, v17;
	v17 =	vperm.xlane v23, v11;
	v20 =	vld [tilespmem:s12+$0xFFFFFFE0];
	[tilespmem:s8+$0xFFFFFFD0] =	vst v13  }
0x4dc: {  	v13 =	vmul.f32 v25, v14;
	v14 =	vld [tilespmem:s0+$0xFFFFFFE0];
	[tilespmem:s22+$0xFFFFFFD0] =	vst v16  }
0x4dd: {  	[tilespmem:s4+$0x70] =	vst v12;
	v12 =	vmul.f32 v19, v17;
	v16 =	vperm.xlane v31, v11;
	v17 =	vld [tilespmem:s11+$0xFFFFFFE0]  }
0x4de: {  	[tilespmem:s7+$0xFFFFFFE0] =	vst v13;
	v13 =	vmul.f32 v22, v18  }
0x4df: {  	v18 =	vperm.xlane v27, v11;
	[tilespmem:s8+$0x70] =	vst v12;
	v12 =	vmul.f32 v15, v16  }
0x4e0: {  	v15 =	vperm.xlane v30, v11;
	[tilespmem:s20+$0xFFFFFFE0] =	vst v13;
	v13 =	vmul.f32 v20, v26  }
0x4e1: {  	[tilespmem:s22+$0x70] =	vst v12;
	v12 =	vmul.f32 v14, v18  }
0x4e2: {  	[tilespmem:s4+$0xFFFFFFE0] =	vst v13;
	v13 =	vmul.f32 v17, v15  }
0x4e3: {  	[tilespmem:s8+$0xFFFFFFE0] =	vst v12  }
0x4e4: {  	s8 =	simm.s32 $0x6590;
	[tilespmem:s22+$0xFFFFFFE0] =	vst v13  }
0x4e5: {  	[spmem:s2] =	stream.indirect.scatter.add.f32 [tilespmem:s21], [sflag:$0x3], $0x90, s8, s23, $0xb8;
	[tilespmem:$0x1F660] =	vst v63  }
0x4e6: {  	_ =	swait.ge [sflag:s26], $0x2D00  }
0x4e7: {  	[sflag:s26] =	ssyncset.done $0x0  }
0x4e8: {  	[sflag:s26] =	ssyncadd.s32 $0xFFFFD300  }
0x4e9: {  	_ =	swait.ge [sflag:s26], $0x500  }
0x4ea: {  	[sflag:s26] =	ssyncset.done $0x0  }
0x4eb: {  	[sflag:s26] =	ssyncadd.s32 $0xFFFFFB00  }
0x4ec: {  	v12 =	vld [tilespmem:$0x50]  }
0x4ed: {  	v13 =	vld [tilespmem:$0x60]  }
0x4ee: {  	v14 =	vld [tilespmem:$0x70]  }
0x4ef: {  	v15 =	vld [tilespmem:$0x80]  }
0x4f0: {  	v16 =	vld [tilespmem:$0x90]  }
0x4f1: {  	[tilespmem:$0x6540] =	vst v12  }
0x4f2: {  	[tilespmem:$0x6550] =	vst v13  }
0x4f3: {  	[tilespmem:$0x6560] =	vst v14  }
0x4f4: {  	[tilespmem:$0x6570] =	vst v15  }
0x4f5: {  	[tilespmem:$0x6580] =	vst v16  }
0x4f6: {  	_ =	swait.ge [sflag:s10], $0x2D00  }
0x4f7: {  	[sflag:s10] =	ssyncset.done $0x0  }
0x4f8: {  	s9 =	simm.s32 $0x130;
	[sflag:s10] =	ssyncadd.s32 $0xFFFFD300  }
0x4f9: {  	s17 =	simm.s32 $0x2DB0;
	v12 =	vld [tilespmem:s9+$0x80]  }
0x4fa: {  	v13 =	vld [tilespmem:s17+$0x0];
	_ =	sdelay $0x4  }
0x4fb: {  	v12 =	vadd.f32 v13, v12;
	_ =	sdelay $0x1  }
0x4fc: {  	v13 =	vmul.f32 $2.000000030e-01, v12;
	_ =	sdelay $0x1  }
0x4fd: {  	v12 =	vmax.f32 v12, v13  }
0x4fe: {  	v12 =	vmul.f32 $1.442695020e+00, v12;
	_ =	sdelay $0x1  }
0x4ff: {  	(erf) = vpow2.f32 v12;
	_ =	sdelay $0x3  }
0x500: {  	v13 =	vld [tilespmem:s9+$0xFFFFFFF0]  }
0x501: {  	v12 =	vld [tilespmem:s17+$0xFFFFFFF0];
	_ =	sdelay $0x2  }
0x502: {  	s13 =	simm.s32 $0x250  }
0x503: {  	s20 =	simm.s32 $0x2DD0;
	v15 =	vld [tilespmem:s13+$0x80];
	v14 =	vpop (erf)  }
0x504: {  	v16 =	vld [tilespmem:s20+$0x0];
	v12 =	vadd.f32 v12, v13;
	v13 =	vperm.xlane v14, v1;
	_ =	sdelay $0x1  }
0x505: {  	v17 =	vmul.f32 $2.000000030e-01, v12;
	v13 =	vadd.f32 v14, v13;
	_ =	sdelay $0x1  }
0x506: {  	v12 =	vmax.f32 v12, v17;
	v17 =	vperm.xlane v13, v2  }
0x507: {  	v15 =	vadd.f32 v16, v15  }
0x508: {  	v12 =	vmul.f32 $1.442695020e+00, v12;
	v13 =	vadd.f32 v13, v17  }
0x509: {  	v16 =	vmul.f32 $2.000000030e-01, v15  }
0x50a: {  	(erf) = vpow2.f32 v12;
	v12 =	vperm.xlane v13, v3;
	_ =	sdelay $0x1  }
0x50b: {  	v12 =	vadd.f32 v13, v12;
	v13 =	vmax.f32 v15, v16  }
0x50c: {  	v13 =	vmul.f32 $1.442695020e+00, v13  }
0x50d: {  	(erf) = vrcp.f32 v12  }
0x50e: {  	(erf) = vpow2.f32 v13;
	_ =	sdelay $0x1  }
0x50f: {  	v12 =	vld [tilespmem:s20+$0xFFFFFFF0]  }
0x510: {  	v13 =	vld [tilespmem:s13+$0xFFFFFFF0]  }
0x511: {  	v15 =	vpop (erf)  }
0x512: {  	v16 =	vperm.xlane v15, v1;
	_ =	sdelay $0x1  }
0x513: {  	v16 =	vadd.f32 v15, v16  }
0x514: {  	v12 =	vadd.f32 v12, v13;
	v13 =	vpop (erf)  }
0x515: {  	v17 =	vperm.xlane v16, v2;
	v19 =	vpop (erf)  }
0x516: {  	s14 =	simm.s32 $0x370;
	v18 =	vmul.f32 $2.000000030e-01, v12;
	v20 =	vperm.xlane v19, v1  }
0x517: {  	s22 =	simm.s32 $0x2DF0;
	v16 =	vadd.f32 v16, v17;
	v17 =	vld [tilespmem:s14+$0x80]  }
0x518: {  	v12 =	vmax.f32 v12, v18;
	v18 =	vadd.f32 v19, v20;
	v20 =	vld [tilespmem:s22+$0x0]  }
0x519: {  	v14 =	vmul.f32 v13, v14;
	v12 =	vmul.f32 $1.442695020e+00, v12  }
0x51a: {  	s15 =	simm.s32 $0x6670;
	v21 =	vperm.xlane v16, v3  }
0x51b: {  	[tilespmem:s15+$0x80] =	vst v14;
	(erf) = vpow2.f32 v12;
	v12 =	vperm.xlane v18, v2  }
0x51c: {  	v13 =	vadd.f32 v16, v21;
	v16 =	vld [tilespmem:s9+$0x0]  }
0x51d: {  	v12 =	vadd.f32 v18, v12;
	v17 =	vadd.f32 v20, v17  }
0x51e: {  	(erf) = vrcp.f32 v13;
	v18 =	vperm.xlane v14, v4  }
0x51f: {  	v13 =	vperm.xlane v12, v3;
	v20 =	vmul.f32 $2.000000030e-01, v17;
	_ =	sdelay $0x1  }
0x520: {  	v12 =	vadd.f32 v12, v13;
	v13 =	vmul.f32 v16, v18;
	v16 =	vmax.f32 v17, v20  }
0x521: {  	v18 =	vld [tilespmem:s14+$0xFFFFFFF0]  }
0x522: {  	v17 =	vld [tilespmem:s22+$0xFFFFFFF0];
	[tilespmem:s15+$0x0] =	vst v13  }
0x523: {  	(erf) = vrcp.f32 v12;
	v12 =	vmul.f32 $1.442695020e+00, v16;
	v20 =	vld [tilespmem:s9+$0x10];
	v16 =	vpop (erf)  }
0x524: {  	v13 =	vperm.xlane v16, v1  }
0x525: {  	(erf) = vpow2.f32 v12  }
0x526: {  	v21 =	vperm.xlane v14, v5  }
0x527: {  	v12 =	vadd.f32 v16, v13  }
0x528: {  	v17 =	vadd.f32 v17, v18;
	v18 =	vmul.f32 v20, v21;
	v13 =	vpop (erf)  }
0x529: {  	v13 =	vmul.f32 v13, v15;
	v15 =	vperm.xlane v12, v2;
	_ =	sdelay $0x1  }
0x52a: {  	[tilespmem:s15+$0xFFFFFFF0] =	vst v13;
	v12 =	vadd.f32 v12, v15;
	v15 =	vmul.f32 $2.000000030e-01, v17  }
0x52b: {  	[tilespmem:s15+$0x10] =	vst v18;
	v18 =	vpop (erf);
	v20 =	vld [tilespmem:s9+$0xFFFFFF70]  }
0x52c: {  	v22 =	vld [tilespmem:s9+$0x20];
	v21 =	vperm.xlane v12, v3;
	v15 =	vmax.f32 v17, v15;
	v17 =	vmul.f32 v18, v19  }
0x52d: {  	s17 =	simm.s32 $0x6790;
	v19 =	vpop (erf);
	v15 =	vmul.f32 $1.442695020e+00, v15  }
0x52e: {  	v18 =	vperm.xlane v13, v4;
	v12 =	vadd.f32 v12, v21;
	[tilespmem:s17+$0x80] =	vst v17;
	v21 =	vperm.xlane v19, v1  }
0x52f: {  	s16 =	simm.s32 $0x490;
	(erf) = vpow2.f32 v15;
	v15 =	vperm.xlane v14, v6;
	v23 =	vld [tilespmem:s13+$0x0]  }
0x530: {  	s24 =	simm.s32 $0x2E10;
	v18 =	vmul.f32 v20, v18;
	(erf) = vrcp.f32 v12;
	v12 =	vld [tilespmem:s16+$0x80];
	v20 =	vadd.f32 v19, v21  }
0x531: {  	v21 =	vld [tilespmem:s24+$0x0];
	v15 =	vmul.f32 v22, v15  }
0x532: {  	[tilespmem:s15+$0xFFFFFF70] =	vst v18;
	v18 =	vperm.xlane v20, v2  }
0x533: {  	v22 =	vld [tilespmem:s9+$0xFFFFFF80];
	[tilespmem:s15+$0x20] =	vst v15  }
0x534: {  	v15 =	vperm.xlane v17, v4;
	v24 =	vld [tilespmem:s9+$0x30];
	v18 =	vadd.f32 v20, v18  }
0x535: {  	v20 =	vperm.xlane v13, v5  }
0x536: {  	v15 =	vmul.f32 v23, v15;
	v12 =	vadd.f32 v21, v12;
	v21 =	vperm.xlane v18, v3  }
0x537: {  	v23 =	vperm.xlane v14, v7  }
0x538: {  	v27 =	vld [tilespmem:s16+$0xFFFFFFF0];
	[tilespmem:s17+$0x0] =	vst v15;
	v15 =	vmul.f32 v22, v20;
	v18 =	vadd.f32 v18, v21  }
0x539: {  	v25 =	vmul.f32 $2.000000030e-01, v12;
	v22 =	vpop (erf);
	v21 =	vld [tilespmem:s24+$0xFFFFFFF0];
	v23 =	vmul.f32 v24, v23  }
0x53a: {  	v20 =	vld [tilespmem:s13+$0x10];
	v24 =	vperm.xlane v22, v1;
	[tilespmem:s15+$0xFFFFFF80] =	vst v15;
	(erf) = vrcp.f32 v18  }
0x53b: {  	v26 =	vpop (erf);
	v12 =	vmax.f32 v12, v25;
	v25 =	vld [tilespmem:s9+$0xFFFFFF90];
	[tilespmem:s15+$0x30] =	vst v23  }
0x53c: {  	v16 =	vmul.f32 v26, v16;
	v12 =	vmul.f32 $1.442695020e+00, v12;
	v24 =	vadd.f32 v22, v24;
	v28 =	vld [tilespmem:s9+$0x40]  }
0x53d: {  	v15 =	vperm.xlane v17, v5;
	v23 =	vperm.xlane v13, v6  }
0x53e: {  	(erf) = vpow2.f32 v12;
	v12 =	vperm.xlane v24, v2;
	v21 =	vadd.f32 v21, v27  }
0x53f: {  	[tilespmem:s17+$0xFFFFFFF0] =	vst v16;
	v20 =	vmul.f32 v20, v15;
	v27 =	vperm.xlane v14, v8  }
0x540: {  	v59 =	vperm.xlane v14, v10;
	v29 =	vld [tilespmem:s13+$0xFFFFFF70];
	v12 =	vadd.f32 v24, v12;
	v24 =	vmul.f32 $2.000000030e-01, v21  }
0x541: {  	[tilespmem:s17+$0x10] =	vst v20;
	v23 =	vmul.f32 v25, v23;
	v25 =	vmul.f32 v28, v27  }
0x542: {  	v30 =	vperm.xlane v13, v8;
	v55 =	vperm.xlane v17, v7;
	v31 =	vld [tilespmem:s13+$0x20];
	v21 =	vmax.f32 v21, v24  }
0x543: {  	v20 =	vperm.xlane v16, v4;
	v27 =	vpop (erf);
	[tilespmem:s15+$0x40] =	vst v25;
	v25 =	vmul.f32 $1.442695020e+00, v21  }
0x544: {  	[tilespmem:s15+$0xFFFFFF90] =	vst v23;
	v23 =	vperm.xlane v12, v3;
	v21 =	vmul.f32 v27, v19  }
0x545: {  	s7 =	simm.s32 $0x68B0;
	v24 =	vperm.xlane v17, v6;
	v20 =	vmul.f32 v29, v20;
	v28 =	vld [tilespmem:s9+$0xFFFFFFA0]  }
0x546: {  	v46 =	vperm.xlane v17, v8;
	v26 =	vperm.xlane v13, v7;
	v19 =	vld [tilespmem:s9+$0x50];
	v12 =	vadd.f32 v12, v23;
	[tilespmem:s7+$0x80] =	vst v21  }
0x547: {  	s28 =	simm.s32 $0x2E30;
	[tilespmem:s17+$0xFFFFFF70] =	vst v20;
	v20 =	vmul.f32 v31, v24;
	(erf) = vpow2.f32 v25;
	v25 =	vpop (erf);
	v27 =	vld [tilespmem:s14+$0x0]  }
0x548: {  	v52 =	vld [tilespmem:s28+$0x0];
	(erf) = vrcp.f32 v12;
	v12 =	vperm.xlane v25, v1  }
0x549: {  	s12 =	simm.s32 $0x5B0;
	v32 =	vperm.xlane v16, v7;
	v24 =	vld [tilespmem:s13+$0xFFFFFF80];
	[tilespmem:s17+$0x20] =	vst v20;
	v20 =	vperm.xlane v14, v9  }
0x54a: {  	v53 =	vperm.xlane v21, v4;
	v26 =	vmul.f32 v28, v26;
	v28 =	vld [tilespmem:s12+$0x80];
	v12 =	vadd.f32 v25, v12  }
0x54b: {  	v23 =	vperm.xlane v16, v5;
	v31 =	vld [tilespmem:s13+$0x30];
	v19 =	vmul.f32 v19, v20  }
0x54c: {  	[tilespmem:s15+$0xFFFFFFA0] =	vst v26;
	v26 =	vperm.xlane v12, v2;
	v27 =	vmul.f32 v27, v53  }
0x54d: {  	v57 =	vld [tilespmem:s28+$0xFFFFFFF0];
	v29 =	vperm.xlane v16, v6;
	v20 =	vperm.xlane v16, v8  }
0x54e: {  	v61 =	vld [tilespmem:s12+$0xFFFFFFF0];
	v23 =	vmul.f32 v24, v23;
	[tilespmem:s15+$0x50] =	vst v19;
	v19 =	vperm.xlane v16, v9;
	v56 =	vadd.f32 v12, v26  }
0x54f: {  	v24 =	vld [tilespmem:s9+$0x60];
	v26 =	vperm.xlane v16, v10;
	[tilespmem:s7+$0x0] =	vst v27;
	v12 =	vperm.xlane v16, v11;
	v16 =	vadd.f32 v52, v28  }
0x550: {  	v18 =	vperm.xlane v13, v10;
	[tilespmem:s17+$0xFFFFFF80] =	vst v23;
	v31 =	vmul.f32 v31, v55;
	v58 =	vld [tilespmem:s14+$0x10];
	v27 =	vpop (erf)  }
0x551: {  	v45 =	vld [tilespmem:s13+$0xFFFFFF90];
	v28 =	vperm.xlane v56, v3;
	v63 =	vmul.f32 $2.000000030e-01, v16;
	v60 =	vpop (erf)  }
0x552: {  	[tilespmem:s17+$0x30] =	vst v31;
	v62 =	vperm.xlane v27, v1;
	v31 =	vmul.f32 v60, v22  }
0x553: {  	v44 =	vperm.xlane v21, v5;
	v22 =	vld [tilespmem:s13+$0x40];
	v28 =	vadd.f32 v56, v28;
	v16 =	vmax.f32 v16, v63  }
0x554: {  	v23 =	vmul.f32 v24, v59;
	v24 =	vadd.f32 v27, v62;
	v16 =	vmul.f32 $1.442695020e+00, v16;
	[tilespmem:s7+$0xFFFFFFF0] =	vst v31  }
0x555: {  	(erf) = vrcp.f32 v28;
	v33 =	vmul.f32 v58, v44;
	v28 =	vld [tilespmem:s14+$0xFFFFFF70]  }
0x556: {  	v47 =	vadd.f32 v57, v61;
	v54 =	vld [tilespmem:s9+$0xFFFFFFB0];
	v29 =	vmul.f32 v45, v29;
	[tilespmem:s15+$0x60] =	vst v23;
	v23 =	vperm.xlane v24, v2  }
0x557: {  	v48 =	vld [tilespmem:s9+$0x70];
	(erf) = vpow2.f32 v16;
	v16 =	vperm.xlane v31, v4;
	[tilespmem:s7+$0x10] =	vst v33  }
0x558: {  	v22 =	vmul.f32 v22, v46;
	v23 =	vadd.f32 v24, v23;
	v24 =	vmul.f32 $2.000000030e-01, v47;
	v33 =	vld [tilespmem:s14+$0x20]  }
0x559: {  	v15 =	vperm.xlane v13, v9;
	v14 =	vperm.xlane v14, v11;
	[tilespmem:s17+$0xFFFFFF90] =	vst v29  }
0x55a: {  	[tilespmem:s17+$0x40] =	vst v22;
	v22 =	vmax.f32 v47, v24;
	v16 =	vmul.f32 v28, v16;
	v28 =	vperm.xlane v23, v3  }
0x55b: {  	v29 =	vperm.xlane v21, v6;
	v50 =	vld [tilespmem:s13+$0xFFFFFFA0];
	v24 =	vmul.f32 $1.442695020e+00, v22  }
0x55c: {  	s0 =	simm.s32 $0x6D0;
	v30 =	vmul.f32 v54, v30;
	v49 =	vld [tilespmem:s13+$0x50];
	v22 =	vmul.f32 v48, v14;
	v14 =	vadd.f32 v23, v28  }
0x55d: {  	v54 =	vld [tilespmem:s0+$0x80];
	[tilespmem:s7+$0xFFFFFF70] =	vst v16;
	(erf) = vpow2.f32 v24;
	v24 =	vmul.f32 v33, v29  }
0x55e: {  	v55 =	vperm.xlane v21, v7;
	[tilespmem:s15+$0xFFFFFFB0] =	vst v30;
	v28 =	vld [tilespmem:s14+$0xFFFFFF80];
	v16 =	vpop (erf);
	(erf) = vrcp.f32 v14  }
0x55f: {  	v23 =	vperm.xlane v17, v9;
	v14 =	vld [tilespmem:s9+$0xFFFFFFC0];
	[tilespmem:s7+$0x20] =	vst v24;
	v16 =	vmul.f32 v16, v25  }
0x560: {  	s29 =	simm.s32 $0x2E50;
	s20 =	simm.s32 $0x69D0;
	v30 =	vperm.xlane v31, v7;
	v32 =	vmul.f32 v50, v32;
	v51 =	vld [tilespmem:s14+$0x30]  }
0x561: {  	v58 =	vld [tilespmem:s29+$0xFFFFFFF0];
	v25 =	vperm.xlane v31, v5;
	v23 =	vmul.f32 v49, v23;
	v33 =	vpop (erf);
	[tilespmem:s20+$0x80] =	vst v16  }
0x562: {  	v29 =	vperm.xlane v31, v9;
	v52 =	vperm.xlane v33, v1;
	v53 =	vld [tilespmem:s16+$0x0]  }
0x563: {  	v44 =	vld [tilespmem:s0+$0xFFFFFFF0];
	v24 =	vperm.xlane v31, v6;
	[tilespmem:s17+$0x50] =	vst v23;
	v25 =	vmul.f32 v28, v25  }
0x564: {  	v23 =	vperm.xlane v31, v8;
	v28 =	vld [tilespmem:s13+$0x60];
	v34 =	vadd.f32 v33, v52;
	v39 =	vmul.f32 v14, v15  }
0x565: {  	v14 =	vperm.xlane v16, v4;
	[tilespmem:s7+$0xFFFFFF80] =	vst v25;
	v25 =	vld [tilespmem:s29+$0x0];
	v35 =	vmul.f32 v51, v55  }
0x566: {  	v15 =	vperm.xlane v31, v10;
	v57 =	vperm.xlane v34, v2;
	v38 =	vpop (erf)  }
0x567: {  	v56 =	vld [tilespmem:s14+$0xFFFFFF90];
	[tilespmem:s7+$0x30] =	vst v35;
	v36 =	vmul.f32 v53, v14;
	v14 =	vperm.xlane v31, v11;
	v59 =	vpop (erf)  }
0x568: {  	v34 =	vadd.f32 v34, v57;
	v31 =	vperm.xlane v17, v10;
	v41 =	vmul.f32 v59, v27;
	v27 =	vld [tilespmem:s14+$0x40]  }
0x569: {  	v13 =	vperm.xlane v13, v11;
	v42 =	vadd.f32 v58, v44;
	v60 =	vperm.xlane v38, v1;
	[tilespmem:s20+$0x0] =	vst v36  }
0x56a: {  	[tilespmem:s17+$0xFFFFFFA0] =	vst v32;
	v28 =	vmul.f32 v28, v31;
	v25 =	vadd.f32 v25, v54;
	v31 =	vperm.xlane v34, v3;
	v61 =	vld [tilespmem:s16+$0x10]  }
0x56b: {  	v62 =	vld [tilespmem:s13+$0xFFFFFFB0];
	v49 =	vperm.xlane v21, v8;
	v51 =	vperm.xlane v16, v5;
	v35 =	vadd.f32 v38, v60  }
0x56c: {  	v24 =	vmul.f32 v56, v24;
	[tilespmem:s17+$0x60] =	vst v28;
	v48 =	vmul.f32 $2.000000030e-01, v25;
	v31 =	vadd.f32 v34, v31  }
0x56d: {  	[tilespmem:s20+$0xFFFFFFF0] =	vst v41;
	v45 =	vperm.xlane v35, v2;
	v50 =	vld [tilespmem:s13+$0x70];
	v27 =	vmul.f32 v27, v49  }
0x56e: {  	v52 =	vmul.f32 $2.000000030e-01, v42;
	[tilespmem:s7+$0xFFFFFF90] =	vst v24;
	v25 =	vmax.f32 v25, v48;
	(erf) = vrcp.f32 v31  }
0x56f: {  	v28 =	vld [tilespmem:s16+$0xFFFFFF70];
	v24 =	vmul.f32 $1.442695020e+00, v25;
	v25 =	vmul.f32 v61, v51;
	[tilespmem:s7+$0x40] =	vst v27;
	v27 =	vadd.f32 v35, v45  }
0x570: {  	v20 =	vmul.f32 v62, v20;
	v17 =	vperm.xlane v17, v11;
	v31 =	vld [tilespmem:s14+$0xFFFFFFA0]  }
0x571: {  	(erf) = vpow2.f32 v24;
	v24 =	vld [tilespmem:s14+$0x50];
	[tilespmem:s20+$0x10] =	vst v25;
	v53 =	vperm.xlane v27, v3  }
0x572: {  	v32 =	vmax.f32 v42, v52;
	[tilespmem:s17+$0xFFFFFFB0] =	vst v20;
	v63 =	vperm.xlane v41, v4;
	v25 =	vmul.f32 v50, v17;
	v17 =	vld [tilespmem:s16+$0x20]  }
0x573: {  	v55 =	vperm.xlane v21, v9;
	v32 =	vmul.f32 $1.442695020e+00, v32;
	[tilespmem:s15+$0xFFFFFFC0] =	vst v39;
	v20 =	vadd.f32 v27, v53  }
0x574: {  	s11 =	simm.s32 $0x7F0;
	v56 =	vld [tilespmem:s9+$0xFFFFFFD0];
	v49 =	vperm.xlane v16, v8;
	v28 =	vmul.f32 v28, v63  }
0x575: {  	v62 =	vld [tilespmem:s11+$0x80];
	v27 =	vmul.f32 v31, v30;
	v30 =	vperm.xlane v16, v6  }
0x576: {  	v48 =	vld [tilespmem:s11+$0xFFFFFFF0];
	(erf) = vpow2.f32 v32;
	[tilespmem:s20+$0xFFFFFF70] =	vst v28;
	v24 =	vmul.f32 v24, v55  }
0x577: {  	v54 =	vld [tilespmem:s16+$0xFFFFFF80];
	(erf) = vrcp.f32 v20;
	[tilespmem:s7+$0xFFFFFFA0] =	vst v27;
	v20 =	vpop (erf);
	v27 =	vmul.f32 v17, v30  }
0x578: {  	v61 =	vperm.xlane v21, v10;
	v31 =	vld [tilespmem:s13+$0xFFFFFFC0];
	[tilespmem:s7+$0x50] =	vst v24;
	v17 =	vmul.f32 v20, v33  }
0x579: {  	s4 =	simm.s32 $0x6AF0;
	v21 =	vperm.xlane v21, v11;
	v32 =	vmul.f32 v56, v18;
	[tilespmem:s20+$0x20] =	vst v27;
	v27 =	vld [tilespmem:s14+$0x60]  }
0x57a: {  	v18 =	vperm.xlane v16, v7;
	v28 =	vperm.xlane v41, v5;
	v35 =	vpop (erf);
	[tilespmem:s4+$0x80] =	vst v17;
	v58 =	vld [tilespmem:s16+$0x30]  }
0x57b: {  	v30 =	vperm.xlane v41, v6;
	v59 =	vperm.xlane v35, v1;
	v60 =	vld [tilespmem:s12+$0x0]  }
0x57c: {  	s22 =	simm.s32 $0x2E70;
	v57 =	vld [tilespmem:s14+$0xFFFFFFB0];
	v24 =	vperm.xlane v41, v7;
	v28 =	vmul.f32 v54, v28  }
0x57d: {  	v63 =	vld [tilespmem:s22+$0x0];
	v33 =	vperm.xlane v41, v8;
	v20 =	vperm.xlane v41, v9;
	v37 =	vadd.f32 v35, v59  }
0x57e: {  	v53 =	vld [tilespmem:s22+$0xFFFFFFF0];
	[tilespmem:s20+$0xFFFFFF80] =	vst v28;
	v52 =	vperm.xlane v17, v4;
	v40 =	vmul.f32 v27, v61  }
0x57f: {  	v28 =	vld [tilespmem:s16+$0xFFFFFF90];
	v46 =	vperm.xlane v37, v2;
	v36 =	vmul.f32 v58, v18  }
0x580: {  	v31 =	vmul.f32 v31, v19;
	v27 =	vpop (erf);
	v39 =	vmul.f32 v60, v52;
	[tilespmem:s7+$0x60] =	vst v40  }
0x581: {  	v19 =	vperm.xlane v41, v10;
	v23 =	vmul.f32 v57, v23;
	v47 =	vpop (erf);
	v37 =	vadd.f32 v37, v46;
	[tilespmem:s20+$0x30] =	vst v36  }
0x582: {  	v57 =	vadd.f32 v63, v62;
	v54 =	vperm.xlane v27, v1;
	v40 =	vmul.f32 v47, v38;
	[tilespmem:s4+$0x0] =	vst v39;
	v56 =	vld [tilespmem:s16+$0x40]  }
0x583: {  	[tilespmem:s15+$0x70] =	vst v22;
	v22 =	vadd.f32 v53, v48;
	v50 =	vperm.xlane v17, v5;
	v58 =	vperm.xlane v37, v3;
	v60 =	vld [tilespmem:s12+$0x10]  }
0x584: {  	v63 =	vmul.f32 $2.000000030e-01, v57;
	v28 =	vmul.f32 v28, v30;
	v55 =	vld [tilespmem:s14+$0x70];
	v30 =	vadd.f32 v27, v54;
	[tilespmem:s4+$0xFFFFFFF0] =	vst v40  }
0x585: {  	v18 =	vperm.xlane v41, v11;
	v52 =	vmul.f32 $2.000000030e-01, v22;
	v62 =	vld [tilespmem:s12+$0xFFFFFF70];
	v37 =	vadd.f32 v37, v58  }
0x586: {  	v59 =	vperm.xlane v40, v4;
	v61 =	vperm.xlane v30, v2  }
0x587: {  	[tilespmem:s20+$0xFFFFFF90] =	vst v28;
	v28 =	vmax.f32 v57, v63;
	(erf) = vrcp.f32 v37;
	v34 =	vmul.f32 v56, v49  }
0x588: {  	[tilespmem:s17+$0x70] =	vst v25;
	v22 =	vmax.f32 v22, v52;
	v51 =	vld [tilespmem:s16+$0xFFFFFFA0];
	v25 =	vmul.f32 $1.442695020e+00, v28;
	v28 =	vmul.f32 v60, v50  }
0x589: {  	v22 =	vmul.f32 $1.442695020e+00, v22;
	v30 =	vadd.f32 v30, v61;
	v21 =	vmul.f32 v55, v21;
	[tilespmem:s20+$0x40] =	vst v34  }
0x58a: {  	(erf) = vpow2.f32 v25;
	v53 =	vmul.f32 v62, v59;
	[tilespmem:s4+$0x10] =	vst v28;
	v55 =	vld [tilespmem:s16+$0x50]  }
0x58b: {  	[tilespmem:s7+$0xFFFFFFB0] =	vst v23;
	v37 =	vperm.xlane v16, v10;
	v54 =	vperm.xlane v30, v3;
	v57 =	vld [tilespmem:s12+$0x20]  }
0x58c: {  	v56 =	vperm.xlane v40, v5;
	v25 =	vperm.xlane v40, v7;
	v59 =	vld [tilespmem:s14+$0xFFFFFFC0];
	[tilespmem:s4+$0xFFFFFF70] =	vst v53  }
0x58d: {  	[tilespmem:s15+$0xFFFFFFD0] =	vst v32;
	v24 =	vmul.f32 v51, v24;
	v23 =	vadd.f32 v30, v54;
	v30 =	vperm.xlane v16, v9;
	v58 =	vld [tilespmem:s12+$0xFFFFFF80]  }
0x58e: {  	[tilespmem:s17+$0xFFFFFFC0] =	vst v31;
	(erf) = vpow2.f32 v22;
	v22 =	vperm.xlane v17, v6  }
0x58f: {  	v60 =	vld [tilespmem:s13+$0xFFFFFFD0];
	[tilespmem:s20+$0xFFFFFFA0] =	vst v24;
	(erf) = vrcp.f32 v23;
	v30 =	vmul.f32 v55, v30  }
0x590: {  	[tilespmem:s7+$0x70] =	vst v21;
	v28 =	vperm.xlane v40, v6;
	v62 =	vld [tilespmem:s16+$0xFFFFFFB0];
	v21 =	vpop (erf);
	v61 =	vmul.f32 v57, v22  }
0x591: {  	v31 =	vld [tilespmem:s9+$0xFFFFFFE0];
	v24 =	vperm.xlane v40, v8;
	v23 =	vmul.f32 v21, v35;
	[tilespmem:s20+$0x50] =	vst v30  }
0x592: {  	s8 =	simm.s32 $0x6C10;
	v63 =	vmul.f32 v59, v29;
	v36 =	vmul.f32 v58, v56;
	[tilespmem:s4+$0x20] =	vst v61;
	v32 =	vld [tilespmem:s16+$0x60]  }
0x593: {  	v22 =	vperm.xlane v40, v9;
	v29 =	vpop (erf);
	v21 =	vperm.xlane v40, v10;
	[tilespmem:s8+$0x80] =	vst v23;
	v34 =	vld [tilespmem:s12+$0x30]  }
0x594: {  	v35 =	vmul.f32 v60, v26;
	v30 =	vperm.xlane v29, v1;
	[tilespmem:s4+$0xFFFFFF80] =	vst v36;
	v38 =	vld [tilespmem:s0+$0x0]  }
0x595: {  	s24 =	simm.s32 $0xC;
	s9 =	simm.s32 $0x910;
	[tilespmem:s7+$0xFFFFFFC0] =	vst v63;
	v26 =	vperm.xlane v40, v11;
	v33 =	vmul.f32 v62, v33;
	v36 =	vld [tilespmem:s12+$0xFFFFFF90]  }
.LBB2_14:
0x596: {  	v39 =	vld [tilespmem:s9+$0x80];
	v30 =	vadd.f32 v29, v30;
	s22 =	sadd.s32 $0x20, s22;
	v40 =	vperm.xlane v17, v7;
	[tilespmem:s17+$0xFFFFFFD0] =	vst v35;
	v31 =	vmul.f32 v31, v13  }
0x597: {  	s24 =	sadd.s32 $0x2, s24;
	v42 =	vperm.xlane v23, v4;
	v13 =	vmov v12;
	v35 =	vld [tilespmem:s22+$0x0];
	v41 =	vpop (erf);
	[tilespmem:s20+$0xFFFFFFB0] =	vst v33;
	v32 =	vmul.f32 v32, v37  }
0x598: {  	v12 =	vmov v14;
	p0 =	slt.u32 s24, $0x4E;
	v33 =	vld [tilespmem:s22+$0xFFFFFFF0];
	v37 =	vperm.xlane v30, v2;
	v43 =	vpop (erf);
	v34 =	vmul.f32 v34, v40;
	[tilespmem:s15+$0xFFFFFFE0] =	vst v31;
	s15 =	smov.u32 s17;
	s17 =	smov.u32 s7  }
0x599: {  	v14 =	vmovc v18;
	v18 =	vmov v26;
	v40 =	vperm.xlane v41, v1;
	s7 =	smov.u32 s20;
	v31 =	vld [tilespmem:s9+$0xFFFFFFF0];
	v38 =	vmul.f32 v38, v42;
	[tilespmem:s20+$0x60] =	vst v32;
	s20 =	smov.u32 s4;
	s4 =	smov.u32 s8  }
0x59a: {  	v26 =	vadd.f32 v30, v37;
	v37 =	vmul.f32 v43, v27;
	v28 =	vmul.f32 v36, v28;
	[tilespmem:s20+$0x30] =	vst v34;
	v30 =	vld [tilespmem:s16+$0x70]  }
0x59b: {  	v32 =	vadd.f32 v41, v40;
	v27 =	vmov v41;
	[tilespmem:s8+$0x0] =	vst v38;
	v34 =	vld [tilespmem:s12+$0x40]  }
0x59c: {  	v35 =	vadd.f32 v35, v39;
	v36 =	vperm.xlane v26, v3;
	[tilespmem:s8+$0xFFFFFFF0] =	vst v37;
	v38 =	vperm.xlane v37, v4;
	v39 =	vld [tilespmem:s0+$0x10]  }
0x59d: {  	v40 =	vperm.xlane v32, v2;
	v41 =	vld [tilespmem:s0+$0xFFFFFF70];
	[tilespmem:s20+$0xFFFFFF90] =	vst v28;
	v28 =	vperm.xlane v16, v11;
	v16 =	vmovc v17;
	v17 =	vmov v23  }
0x59e: {  	v23 =	vmul.f32 $2.000000030e-01, v35;
	v26 =	vadd.f32 v26, v36;
	v36 =	vld [tilespmem:s12+$0xFFFFFFA0];
	v42 =	vperm.xlane v16, v8  }
0x59f: {  	v33 =	vadd.f32 v33, v31;
	v31 =	vperm.xlane v17, v5;
	v43 =	vld [tilespmem:s16+$0xFFFFFFC0];
	v28 =	vmul.f32 v30, v28  }
0x5a0: {  	v23 =	vmax.f32 v35, v23;
	(erf) = vrcp.f32 v26;
	v26 =	vmul.f32 v34, v42;
	v30 =	vld [tilespmem:s14+$0xFFFFFFD0]  }
0x5a1: {  	v32 =	vadd.f32 v32, v40;
	v23 =	vmul.f32 $1.442695020e+00, v23;
	v34 =	vmul.f32 v39, v31;
	[tilespmem:s7+$0x70] =	vst v28;
	v31 =	vld [tilespmem:s13+$0xFFFFFFE0];
	s13 =	smov.u32 s14;
	s14 =	smov.u32 s16;
	s16 =	smov.u32 s12  }
0x5a2: {  	v28 =	vmul.f32 $2.000000030e-01, v33;
	s12 =	smov.u32 s0;
	s0 =	smov.u32 s11;
	s11 =	smov.u32 s9;
	v35 =	vmul.f32 v41, v38;
	[tilespmem:s20+$0x40] =	vst v26  }
0x5a3: {  	(erf) = vpow2.f32 v23;
	v23 =	vperm.xlane v32, v3;
	[tilespmem:s8+$0x10] =	vst v34;
	v26 =	vld [tilespmem:s16+$0x50]  }
0x5a4: {  	v33 =	vmax.f32 v33, v28;
	v34 =	vperm.xlane v37, v5;
	v28 =	vperm.xlane v37, v6;
	[tilespmem:s8+$0xFFFFFF70] =	vst v35;
	v35 =	vld [tilespmem:s12+$0x20]  }
0x5a5: {  	v38 =	vperm.xlane v37, v7;
	v33 =	vmul.f32 $1.442695020e+00, v33;
	v23 =	vadd.f32 v32, v23;
	v32 =	vld [tilespmem:s12+$0xFFFFFF80]  }
0x5a6: {  	v39 =	vperm.xlane v16, v9;
	v36 =	vmul.f32 v36, v25  }
0x5a7: {  	v25 =	vmov v38;
	(erf) = vpow2.f32 v33;
	v33 =	vperm.xlane v17, v6  }
0x5a8: {  	(erf) = vrcp.f32 v23;
	[tilespmem:s20+$0xFFFFFFA0] =	vst v36;
	v26 =	vmul.f32 v26, v39  }
0x5a9: {  	v39 =	vperm.xlane v37, v8;
	v23 =	vpop (erf);
	v33 =	vmul.f32 v35, v33;
	v40 =	vld [tilespmem:s16+$0xFFFFFFB0]  }
.Ltmp6:
0x5aa: {  	v23 =	vmul.f32 v23, v29;
	v36 =	vmul.f32 v32, v34;
	[tilespmem:s20+$0x50] =	vst v26;
	(pc) =	sbr.rel @p0 .LBB2_14-.Ltmp6, $4  }
0x5ab: {  	s8 =	sadd.s32 $0x120, s8;
	v41 =	vmul.f32 v43, v20;
	v20 =	vmov v22;
	v22 =	vperm.xlane v37, v9;
	[tilespmem:s4+$0x20] =	vst v33;
	v32 =	vld [tilespmem:s16+$0x60]  }
0x5ac: {  	v42 =	vperm.xlane v37, v10;
	v35 =	vmul.f32 v30, v15;
	v15 =	vmov v19;
	v29 =	vpop (erf);
	[tilespmem:s8+$0x80] =	vst v23;
	v34 =	vld [tilespmem:s12+$0x30]  }
0x5ad: {  	v19 =	vmov v21;
	v26 =	vperm.xlane v37, v11;
	v30 =	vperm.xlane v29, v1;
	v38 =	vld [tilespmem:s0+$0x0];
	[tilespmem:s4+$0xFFFFFF80] =	vst v36  }
0x5ae: {  	s9 =	sadd.s32 $0x120, s9;
	v21 =	vmovc v42;
	v37 =	vperm.xlane v16, v10;
	v36 =	vld [tilespmem:s12+$0xFFFFFF90];
	v33 =	vmul.f32 v40, v24;
	[tilespmem:s7+$0xFFFFFFC0] =	vst v41;
	v24 =	vmov v39  }
0x5af: {  	_ = 	snop  }
0x5b0: {  	v39 =	vpop (erf)  }
0x5b1: {  	v40 =	vperm.xlane v39, v1  }
0x5b2: {  	v30 =	vadd.f32 v29, v30  }
0x5b3: {  	v40 =	vadd.f32 v39, v40  }
0x5b4: {  	v41 =	vperm.xlane v30, v2  }
0x5b5: {  	v61 =	vperm.xlane v40, v2  }
0x5b6: {  	v30 =	vadd.f32 v30, v41  }
0x5b7: {  	v40 =	vadd.f32 v40, v61  }
0x5b8: {  	v42 =	vperm.xlane v30, v3  }
0x5b9: {  	v41 =	vperm.xlane v40, v3  }
0x5ba: {  	v30 =	vadd.f32 v30, v42  }
0x5bb: {  	v62 =	vadd.f32 v40, v41  }
0x5bc: {  	(erf) = vrcp.f32 v30  }
0x5bd: {  	(erf) = vrcp.f32 v62;
	_ =	sdelay $0x6  }
0x5be: {  	v63 =	vpop (erf)  }
0x5bf: {  	v27 =	vmul.f32 v63, v27;
	v43 =	vpop (erf)  }
0x5c0: {  	v30 =	vmul.f32 v43, v29;
	v44 =	vpop (erf)  }
0x5c1: {  	s22 =	sadd.s32 $0x120, s8;
	[tilespmem:s8+$0xFFFFFFF0] =	vst v27;
	v29 =	vmul.f32 v44, v39  }
0x5c2: {  	v47 =	vld [tilespmem:s0+$0xFFFFFF70];
	[tilespmem:s22+$0x80] =	vst v30  }
0x5c3: {  	v46 =	vperm.xlane v23, v4;
	v45 =	vld [tilespmem:s11+$0x0];
	[tilespmem:s22+$0xFFFFFFF0] =	vst v29  }
0x5c4: {  	v49 =	vld [tilespmem:s11+$0xFFFFFF70]  }
0x5c5: {  	v38 =	vmul.f32 v38, v46;
	v50 =	vperm.xlane v27, v4  }
0x5c6: {  	v48 =	vperm.xlane v30, v4  }
0x5c7: {  	[tilespmem:s8+$0x0] =	vst v38;
	v38 =	vmul.f32 v47, v50;
	v43 =	vperm.xlane v29, v4  }
0x5c8: {  	v39 =	vmul.f32 v45, v48  }
0x5c9: {  	v51 =	vld [tilespmem:s0+$0x10];
	[tilespmem:s8+$0xFFFFFF70] =	vst v38;
	v52 =	vmul.f32 v49, v43  }
0x5ca: {  	v38 =	vld [tilespmem:s0+$0xFFFFFF80];
	[tilespmem:s22+$0x0] =	vst v39  }
0x5cb: {  	v39 =	vld [tilespmem:s11+$0x10];
	[tilespmem:s22+$0xFFFFFF70] =	vst v52  }
0x5cc: {  	v53 =	vperm.xlane v23, v5;
	v55 =	vld [tilespmem:s11+$0xFFFFFF80]  }
0x5cd: {  	v56 =	vperm.xlane v27, v5  }
0x5ce: {  	v40 =	vmul.f32 v51, v53;
	v54 =	vperm.xlane v30, v5  }
0x5cf: {  	v38 =	vmul.f32 v38, v56;
	v58 =	vperm.xlane v29, v5  }
0x5d0: {  	[tilespmem:s8+$0x10] =	vst v40;
	v39 =	vmul.f32 v39, v54  }
0x5d1: {  	v57 =	vld [tilespmem:s0+$0x20];
	[tilespmem:s8+$0xFFFFFF80] =	vst v38;
	v59 =	vmul.f32 v55, v58  }
0x5d2: {  	v38 =	vld [tilespmem:s0+$0xFFFFFF90];
	[tilespmem:s22+$0x10] =	vst v39  }
0x5d3: {  	v39 =	vld [tilespmem:s11+$0x20];
	[tilespmem:s22+$0xFFFFFF80] =	vst v59  }
0x5d4: {  	v60 =	vperm.xlane v23, v6;
	v63 =	vld [tilespmem:s11+$0xFFFFFF90]  }
0x5d5: {  	v46 =	vmul.f32 v36, v28;
	v45 =	vperm.xlane v27, v6  }
0x5d6: {  	[tilespmem:s17+$0xFFFFFFD0] =	vst v35;
	v61 =	vmul.f32 v57, v60;
	v62 =	vperm.xlane v30, v6  }
0x5d7: {  	[tilespmem:s4+$0xFFFFFF90] =	vst v46;
	v48 =	vperm.xlane v29, v6;
	v38 =	vmul.f32 v38, v45  }
0x5d8: {  	[tilespmem:s8+$0x20] =	vst v61;
	v52 =	vld [tilespmem:s12+$0xFFFFFFA0];
	v44 =	vmul.f32 v39, v62  }
0x5d9: {  	v47 =	vld [tilespmem:s0+$0x30];
	[tilespmem:s8+$0xFFFFFF90] =	vst v38;
	v51 =	vmul.f32 v63, v48  }
0x5da: {  	v49 =	vperm.xlane v17, v7;
	v38 =	vld [tilespmem:s0+$0xFFFFFFA0];
	[tilespmem:s22+$0x20] =	vst v44  }
0x5db: {  	v13 =	vmul.f32 v31, v13;
	v32 =	vmul.f32 v32, v37;
	v50 =	vld [tilespmem:s11+$0x30];
	[tilespmem:s22+$0xFFFFFF90] =	vst v51  }
0x5dc: {  	[tilespmem:s20+$0xFFFFFFB0] =	vst v33;
	v53 =	vperm.xlane v23, v7;
	v34 =	vmul.f32 v34, v49;
	v55 =	vld [tilespmem:s11+$0xFFFFFFA0]  }
0x5dd: {  	[tilespmem:s15+$0xFFFFFFE0] =	vst v13;
	v57 =	vperm.xlane v27, v7;
	v25 =	vmul.f32 v52, v25  }
0x5de: {  	v33 =	vld [tilespmem:s16+$0xFFFFFFC0];
	v28 =	vmul.f32 v47, v53;
	[tilespmem:s4+$0x30] =	vst v34;
	v54 =	vperm.xlane v30, v7  }
0x5df: {  	v56 =	vld [tilespmem:s12+$0x40];
	v37 =	vmul.f32 v38, v57;
	v58 =	vperm.xlane v29, v7;
	[tilespmem:s4+$0xFFFFFFA0] =	vst v25  }
0x5e0: {  	[tilespmem:s8+$0x30] =	vst v28;
	v62 =	vld [tilespmem:s12+$0xFFFFFFB0];
	v13 =	vmul.f32 v50, v54  }
0x5e1: {  	v28 =	vld [tilespmem:s0+$0x40];
	[tilespmem:s8+$0xFFFFFFA0] =	vst v37;
	v60 =	vmul.f32 v55, v58  }
0x5e2: {  	v40 =	vld [tilespmem:s0+$0xFFFFFFB0];
	v59 =	vperm.xlane v17, v8;
	[tilespmem:s22+$0x30] =	vst v13  }
0x5e3: {  	v20 =	vmul.f32 v33, v20;
	v13 =	vld [tilespmem:s11+$0x40];
	[tilespmem:s22+$0xFFFFFFA0] =	vst v60  }
0x5e4: {  	[tilespmem:s20+$0x60] =	vst v32;
	v61 =	vmul.f32 v56, v59;
	v63 =	vperm.xlane v23, v8;
	v43 =	vld [tilespmem:s11+$0xFFFFFFB0]  }
0x5e5: {  	v32 =	vld [tilespmem:s16+$0x70];
	[tilespmem:s20+$0xFFFFFFC0] =	vst v20;
	v45 =	vperm.xlane v27, v8;
	v46 =	vmul.f32 v62, v24  }
0x5e6: {  	v42 =	vperm.xlane v30, v8;
	v49 =	vld [tilespmem:s14+$0xFFFFFFD0];
	[tilespmem:s4+$0x40] =	vst v61;
	v41 =	vmul.f32 v28, v63  }
0x5e7: {  	v35 =	vmul.f32 v40, v45;
	v44 =	vld [tilespmem:s12+$0x50];
	v48 =	vperm.xlane v29, v8;
	[tilespmem:s4+$0xFFFFFFB0] =	vst v46  }
0x5e8: {  	v16 =	vperm.xlane v16, v11;
	[tilespmem:s8+$0x40] =	vst v41;
	v53 =	vld [tilespmem:s12+$0xFFFFFFC0];
	v13 =	vmul.f32 v13, v42  }
0x5e9: {  	[tilespmem:s8+$0xFFFFFFB0] =	vst v35;
	v47 =	vld [tilespmem:s0+$0x50];
	v51 =	vmul.f32 v43, v48  }
0x5ea: {  	v16 =	vmul.f32 v32, v16;
	v50 =	vperm.xlane v17, v9;
	v55 =	vld [tilespmem:s0+$0xFFFFFFC0];
	[tilespmem:s22+$0x40] =	vst v13  }
0x5eb: {  	v15 =	vmul.f32 v49, v15;
	v13 =	vld [tilespmem:s11+$0x50];
	[tilespmem:s22+$0xFFFFFFB0] =	vst v51  }
0x5ec: {  	[tilespmem:s20+$0x70] =	vst v16;
	v54 =	vperm.xlane v23, v9;
	v52 =	vmul.f32 v44, v50;
	v58 =	vld [tilespmem:s11+$0xFFFFFFC0]  }
0x5ed: {  	v34 =	vld [tilespmem:s16+$0xFFFFFFD0];
	[tilespmem:s7+$0xFFFFFFD0] =	vst v15;
	v61 =	vperm.xlane v27, v9;
	v22 =	vmul.f32 v53, v22  }
0x5ee: {  	v57 =	vperm.xlane v30, v9;
	v44 =	vld [tilespmem:s14+$0xFFFFFFE0];
	[tilespmem:s4+$0x50] =	vst v52;
	v56 =	vmul.f32 v47, v54  }
0x5ef: {  	v62 =	vperm.xlane v29, v9;
	v59 =	vld [tilespmem:s12+$0x60];
	[tilespmem:s4+$0xFFFFFFC0] =	vst v22;
	v35 =	vmul.f32 v55, v61  }
0x5f0: {  	[tilespmem:s8+$0x50] =	vst v56;
	v38 =	vld [tilespmem:s12+$0xFFFFFFD0];
	v13 =	vmul.f32 v13, v57  }
0x5f1: {  	v16 =	vld [tilespmem:s0+$0x60];
	[tilespmem:s8+$0xFFFFFFC0] =	vst v35;
	v15 =	vmul.f32 v58, v62  }
0x5f2: {  	v19 =	vmul.f32 v34, v19;
	v63 =	vperm.xlane v17, v10;
	[tilespmem:s22+$0x50] =	vst v13;
	v13 =	vld [tilespmem:s0+$0xFFFFFFD0]  }
0x5f3: {  	v52 =	vmul.f32 v44, v14;
	v36 =	vld [tilespmem:s11+$0x60];
	[tilespmem:s22+$0xFFFFFFC0] =	vst v15  }
0x5f4: {  	v37 =	vperm.xlane v23, v10;
	[tilespmem:s20+$0xFFFFFFD0] =	vst v19;
	v24 =	vmul.f32 v59, v63;
	v41 =	vld [tilespmem:s11+$0xFFFFFFD0]  }
0x5f5: {  	v60 =	vld [tilespmem:s13+$0xFFFFFFE0];
	[tilespmem:s7+$0xFFFFFFE0] =	vst v52;
	v43 =	vperm.xlane v27, v10;
	v21 =	vmul.f32 v38, v21  }
0x5f6: {  	v49 =	vld [tilespmem:s16+$0xFFFFFFE0];
	v40 =	vperm.xlane v30, v10;
	[tilespmem:s4+$0x60] =	vst v24;
	v39 =	vmul.f32 v16, v37  }
0x5f7: {  	v46 =	vperm.xlane v29, v10;
	v42 =	vld [tilespmem:s12+$0x70];
	[tilespmem:s4+$0xFFFFFFD0] =	vst v21;
	v13 =	vmul.f32 v13, v43  }
0x5f8: {  	[tilespmem:s8+$0x60] =	vst v39;
	v51 =	vld [tilespmem:s12+$0xFFFFFFE0];
	v45 =	vmul.f32 v36, v40  }
0x5f9: {  	v47 =	vld [tilespmem:s0+$0x70];
	[tilespmem:s8+$0xFFFFFFD0] =	vst v13;
	v16 =	vmul.f32 v41, v46  }
0x5fa: {  	v12 =	vmul.f32 v60, v12;
	v48 =	vperm.xlane v17, v11;
	[tilespmem:s22+$0x60] =	vst v45;
	v53 =	vld [tilespmem:s0+$0xFFFFFFE0]  }
0x5fb: {  	v57 =	vmul.f32 v49, v18;
	v15 =	vld [tilespmem:s11+$0x70];
	[tilespmem:s22+$0xFFFFFFD0] =	vst v16  }
0x5fc: {  	v50 =	vperm.xlane v23, v11;
	[tilespmem:s17+$0xFFFFFFE0] =	vst v12;
	v12 =	vmul.f32 v42, v48;
	v56 =	vld [tilespmem:s11+$0xFFFFFFE0]  }
0x5fd: {  	[tilespmem:s20+$0xFFFFFFE0] =	vst v57;
	v58 =	vperm.xlane v27, v11;
	v61 =	vmul.f32 v51, v26  }
0x5fe: {  	v55 =	vperm.xlane v30, v11;
	[tilespmem:s4+$0x70] =	vst v12;
	v54 =	vmul.f32 v47, v50  }
0x5ff: {  	v60 =	vperm.xlane v29, v11;
	[tilespmem:s4+$0xFFFFFFE0] =	vst v61;
	v62 =	vmul.f32 v53, v58  }
0x600: {  	[tilespmem:s8+$0x70] =	vst v54;
	v59 =	vmul.f32 v15, v55  }
0x601: {  	[tilespmem:s8+$0xFFFFFFE0] =	vst v62;
	v63 =	vmul.f32 v56, v60  }
0x602: {  	[tilespmem:s22+$0x70] =	vst v59  }
0x603: {  	s7 =	simm.s32 $0x4;
	s17 =	simm.s32 $0x6540;
	[tilespmem:s22+$0xFFFFFFE0] =	vst v63  }
0x604: {  	[spmem:s2] =	stream.indirect.scatter.add.f32 [tilespmem:s21], [sflag:$0x4], $0x90, s17, s23, $0xb8;
	[tilespmem:$0x1F660] =	vst v63  }
0x605: {  	_ =	swait.ge [sflag:s7], $0x2D00  }
0x606: {  	[sflag:s7] =	ssyncset.done $0x0  }
0x607: {  	[sflag:s7] =	ssyncadd.s32 $0xFFFFD300  }
0x608: {  	s20 =	stileid.u32;
	[bflag:$0x0] =	sbarrier.arrive $0xFFFF  }
0x609: {  	s0 =	sshll.u32 s20, $0x6;
	s11 =	rddreg [dreg:$0x4]  }
0x60a: {  	s0 =	sor.u32 $0x1C04, s0;
	s24 =	rddreg [dreg:$0x10];
	s22 =	sshrl.u32 s11, $0x3  }
0x60b: {  	[hbm:s24], [sflag:s0] =	dma.local [spmem:s22], $0x2C70  }
0x60c: {  	_ =	swait.ge [sflag:s7], $0x2C70  }
0x60d: {  	s28 =	rddreg [dreg:$0x11]  }
0x60e: {  	s29 =	rddreg [dreg:$0xf];
	s4 =	sadd.s32 $0x1, s28  }
0x60f: {  	p0 =	sne.s32 s4, s29  }
.Ltmp7:
0x610: {  	_ = 	snop;
	(pc) =	sbr.rel @p0 .LBB2_1-.Ltmp7, $3  }
0x611: {  	_ =	sdelay $0x1  }
0x612: {  	[sflag:s7] =	ssyncset.done $0x0  }
0x613: {  	[sflag:s7] =	ssyncadd.s32 $0xFFFFD390  }
0x614: {  	_ =	sfence.sel $0x180000  }
0x615: {  	[bflag:$0x0] =	sbarrier.arrive $0xFFFF  }
0x616: {  	_ =	strace $0x90000047  }
0x617: {  	s0 =	stileid.u32;
	[bflag:$0x2] =	sbarrier.arrive $0xFFFF  }
0x618: {  	p0 =	sne.s32 s0, $0x0;
	s0 =	rddreg [dreg:$0x3]  }
0x619: {  	s0 =	sadd.s32 @!p0 $0x100000, s0  }
0x61a: {  	[sflag:s0] =	ssyncadd.tile.s32 @!p0 $0x1;
	_ =	shalt  }
.Lfunc_end2:
_tile_overlayer_lowered:
.L_overlay_start_2:
0x61b: {  	(tag) =	ssettag $0x2  }
0x61c: {  	s0 =	rddreg [dreg:$0x0];
	s2 =	stileid.u32  }
0x61d: {  	s1 =	rddreg [dreg:$0x1];
	p0 =	sne.s32 s2, $0x0  }
0x61e: {  	s3 =	rddreg [dreg:$0x2];
	[bflag:$0x3] =	sbarrier.arrive $0xFFFF;
	s2 =	simm.s32 @!p0 $0x1C04  }
0x61f: {  	[timem:s3], [sflag:s2] =	dma.local @!p0 [hbm:s0], s1  }
0x620: {  	s0 =	simm.s32 @!p0 $0x4  }
0x621: {  	_ =	swait.ge @!p0 [sflag:s0], s1  }
0x622: {  	s1 =	ssub.s32 @!p0 $0x0, s1;
	[sflag:s0] =	ssyncset.done @!p0 $0x0  }
0x623: {  	[sflag:s0] =	ssyncadd.s32 @!p0 s1  }
0x624: {  	[bflag:$0x3] =	sbarrier.arrive $0xFFFF  }
0x625: {  	_ =	shalt  }

</sc_bundles>
